<compile_context>
chip_gen: v7x
topology: tpu7x:2x2x1
jax: 0.10.2.dev20260603
libtpu: 0.0.44.dev20260713+nightly
codegen_flags: <defaults>
</compile_context>

<pallas_src>
import functools

import jax
import jax.numpy as jnp
from jax import lax
from jax.experimental import pallas as pl
from jax.experimental.pallas import tpu as pltpu
from jax.experimental.pallas import tpu_sc as plsc


@functools.lru_cache(maxsize=None)
def _make_gather(V, D, T, Bt):
    info = plsc.get_sparse_core_info()
    NC, NS = info.num_cores, info.num_subcores
    NW = NC * NS
    C = 1024
    while Bt % C != 0:
        C //= 2
    QP = Bt // C
    n_units = T * QP
    assert n_units % NW == 0
    per_w = n_units // NW
    mesh = plsc.VectorSubcoreMesh(core_axis_name="c", subcore_axis_name="s")

    @functools.partial(
        pl.kernel,
        mesh=mesh,
        out_type=jax.ShapeDtypeStruct((T, Bt, D), jnp.float32),
        scratch_types=[
            pltpu.VMEM((1, C), jnp.int32),
            pltpu.VMEM((1, C), jnp.int32),
            pltpu.VMEM((1, C, D), jnp.float32),
            pltpu.VMEM((1, C, D), jnp.float32),
            pltpu.SemaphoreType.DMA,
            pltpu.SemaphoreType.DMA,
            pltpu.SemaphoreType.DMA,
            pltpu.SemaphoreType.DMA,
            pltpu.SemaphoreType.DMA,
            pltpu.SemaphoreType.DMA,
        ],
        compiler_params=pltpu.CompilerParams(use_tc_tiling_on_sc=False),
    )
    def gather(
        table_hbm, idx_hbm, out_hbm,
        idx_v0, idx_v1, rows_v0, rows_v1,
        isem0, isem1, gsem0, gsem1, wsem0, wsem1,
    ):
        idx_v = (idx_v0, idx_v1)
        rows_v = (rows_v0, rows_v1)
        isem = (isem0, isem1)
        gsem = (gsem0, gsem1)
        wsem = (wsem0, wsem1)
        wid = lax.axis_index("s") * NC + lax.axis_index("c")

        def unit(k):
            u = wid + k * NW
            return u // QP, lax.rem(u, QP) * C

        def idx_slice(k):
            t, c0 = unit(k)
            return idx_hbm.at[pl.ds(t, 1), pl.ds(c0, C)]

        def out_slice(k):
            t, c0 = unit(k)
            return out_hbm.at[pl.ds(t, 1), pl.ds(c0, C), :]

        def start_idx(k):
            pltpu.async_copy(idx_slice(k), idx_v[k % 2], isem[k % 2])

        def wait_idx(k):
            pltpu.make_async_copy(idx_slice(k), idx_v[k % 2], isem[k % 2]).wait()

        def start_gather(k):
            s = k % 2
            pltpu.async_copy(table_hbm.at[idx_v[s].at[0]], rows_v[s].at[0], gsem[s])

        def wait_gather(k):
            s = k % 2
            pltpu.make_async_copy(
                table_hbm.at[idx_v[s].at[0]], rows_v[s].at[0], gsem[s]
            ).wait()

        def start_wb(k):
            pltpu.async_copy(rows_v[k % 2], out_slice(k), wsem[k % 2])

        def wait_wb(k):
            pltpu.make_async_copy(rows_v[k % 2], out_slice(k), wsem[k % 2]).wait()

        start_idx(0)
        if per_w > 1:
            start_idx(1)
        wait_idx(0)
        start_gather(0)
        for k in range(per_w):
            if k + 1 < per_w:
                wait_idx(k + 1)
                if k + 1 >= 2:
                    wait_wb(k - 1)
                start_gather(k + 1)
            wait_gather(k)
            if k + 2 < per_w:
                start_idx(k + 2)
            start_wb(k)
        for k in (per_w - 2, per_w - 1):
            if k >= 0:
                wait_wb(k)

    return gather


def kernel(input, table):
    T, Bt = input.shape
    V, D = table.shape
    return _make_gather(V, D, T, Bt)(table, input)

# --- scband reference (transcript-rebuilt; emitter-appended) ---
"""Pipeline reference for scband-encoder-87952340287567 (READ-ONLY COPY).

The authoritative reference and input builder live on the scoring server;
editing this copy changes nothing except your own understanding.
"""

import jax, jax.numpy as jnp
import numpy as np

NUM_TOKENS = 1000000
D_OUT = 32
TIMESTEP = 200
BATCH = 4096

def setup_inputs(seed: int = 0) -> dict:
    key = jax.random.key(seed)
    k1, k2 = jax.random.split(key)
    input_ids = jax.random.randint(k1, (TIMESTEP, BATCH), 0, NUM_TOKENS, dtype=jnp.int64 if jax.config.jax_enable_x64 else jnp.int32)
    # nn.Embedding weight initialized uniform(-0.1, 0.1) per init_weights()
    table = jax.random.uniform(k2, (NUM_TOKENS, D_OUT), dtype=jnp.float32, minval=-0.1, maxval=0.1)
    return {"input": input_ids, "table": table}

def reference(input, table):
    # nn.Embedding lookup: gather rows of table by input indices
    return jnp.take(table, input, axis=0)

if __name__ == "__main__":
    import jax
    _d = setup_inputs()
    print(jax.jit(kernel)(*tuple(_d.values())))

</pallas_src>

<mosaic_0001>
#map = affine_map<(d0, d1) -> (0, 0)>
#map1 = affine_map<(d0, d1) -> (0, 0, 0)>
module attributes {stable_mosaic.version = 14 : i64} {
  func.func @gather(%arg0: i32, %arg1: i32, %arg2: memref<1000000x32xf32, #tpu.memory_space<hbm>>, %arg3: memref<200x4096xi32, #tpu.memory_space<hbm>>, %arg4: memref<200x4096x32xf32, #tpu.memory_space<hbm>>, %arg5: memref<1x1024xi32, #tpu.memory_space<vmem>>, %arg6: memref<1x1024xi32, #tpu.memory_space<vmem>>, %arg7: memref<1x1024x32xf32, #tpu.memory_space<vmem>>, %arg8: memref<1x1024x32xf32, #tpu.memory_space<vmem>>, %arg9: memref<!tpu.dma_semaphore, #tpu.memory_space<semaphore_mem>>, %arg10: memref<!tpu.dma_semaphore, #tpu.memory_space<semaphore_mem>>, %arg11: memref<!tpu.dma_semaphore, #tpu.memory_space<semaphore_mem>>, %arg12: memref<!tpu.dma_semaphore, #tpu.memory_space<semaphore_mem>>, %arg13: memref<!tpu.dma_semaphore, #tpu.memory_space<semaphore_mem>>, %arg14: memref<!tpu.dma_semaphore, #tpu.memory_space<semaphore_mem>>) attributes {dimension_semantics = [#tpu.dimension_semantics<core_parallel>, #tpu.dimension_semantics<subcore_parallel>], iteration_bounds = array<i64: 2, 16>, scalar_prefetch = 0 : i64, scratch_operands = 10 : i64, tpu.core_type = #tpu.core_type<sc_vector_subcore>, window_params = [{transform_indices = #map}, {transform_indices = #map}, {transform_indices = #map1}]} {
    %mul3A = arith.constant 2 : i32
    %mul3A_0 = arith.muli %arg1, %mul3A : i32
    %add3A = arith.addi %mul3A_0, %arg0 : i32
    %add3A_1 = arith.constant 0 : i32
    %add3A_2 = arith.addi %add3A, %add3A_1 : i32
    %jit3A = arith.constant 4 : i32
    %div3A = arith.divsi %add3A_2, %jit3A : i32
    %sign3A = arith.constant 0 : i32
    %sign3A_3 = arith.cmpi sgt, %add3A_2, %sign3A : i32
    %sign3A_4 = arith.extui %sign3A_3 : i1 to i32
    %sign3A_5 = arith.constant 0 : i32
    %sign3A_6 = arith.cmpi slt, %add3A_2, %sign3A_5 : i32
    %sign3A_7 = arith.extui %sign3A_6 : i1 to i32
    %sign3A_8 = arith.subi %sign3A_4, %sign3A_7 : i32
    %sign3A_9 = arith.constant 0 : i32
    %sign3A_10 = arith.cmpi sgt, %jit3A, %sign3A_9 : i32
    %sign3A_11 = arith.extui %sign3A_10 : i1 to i32
    %sign3A_12 = arith.constant 0 : i32
    %sign3A_13 = arith.cmpi slt, %jit3A, %sign3A_12 : i32
    %sign3A_14 = arith.extui %sign3A_13 : i1 to i32
    %sign3A_15 = arith.subi %sign3A_11, %sign3A_14 : i32
    %ne3A = arith.cmpi ne, %sign3A_8, %sign3A_15 : i32
    %rem3A = arith.remsi %add3A_2, %jit3A : i32
    %ne3A_16 = arith.constant 0 : i32
    %ne3A_17 = arith.cmpi ne, %rem3A, %ne3A_16 : i32
    %and3A = arith.andi %ne3A, %ne3A_17 : i1
    %sub3A = arith.constant 1 : i32
    %sub3A_18 = arith.subi %div3A, %sub3A : i32
    %select_n3A = arith.select %and3A, %sub3A_18, %div3A : i32
    %rem3A_19 = arith.constant 4 : i32
    %rem3A_20 = arith.remsi %add3A_2, %rem3A_19 : i32
    %mul3A_21 = arith.constant 1024 : i32
    %mul3A_22 = arith.muli %rem3A_20, %mul3A_21 : i32
    %dma_start3A = tpu.memref_slice %arg3[%select_n3A, %mul3A_22] : memref<200x4096xi32, #tpu.memory_space<hbm>> -> memref<1x1024xi32, #tpu.memory_space<hbm>>
    %dma_start3A_23 = tpu.memref_slice %arg3[%select_n3A, %mul3A_22] : memref<200x4096xi32, #tpu.memory_space<hbm>> -> memref<1x1024xi32, #tpu.memory_space<hbm>>
    tpu.enqueue_dma source(%dma_start3A_23 : memref<1x1024xi32, #tpu.memory_space<hbm>>) target(%arg5 : memref<1x1024xi32, #tpu.memory_space<vmem>>) target_semaphore(%arg9 : memref<!tpu.dma_semaphore, #tpu.memory_space<semaphore_mem>>)
    %add3A_24 = arith.constant 32 : i32
    %add3A_25 = arith.addi %add3A, %add3A_24 : i32
    %jit3A_26 = arith.constant 4 : i32
    %div3A_27 = arith.divsi %add3A_25, %jit3A_26 : i32
    %sign3A_28 = arith.constant 0 : i32
    %sign3A_29 = arith.cmpi sgt, %add3A_25, %sign3A_28 : i32
    %sign3A_30 = arith.extui %sign3A_29 : i1 to i32
    %sign3A_31 = arith.constant 0 : i32
    %sign3A_32 = arith.cmpi slt, %add3A_25, %sign3A_31 : i32
    %sign3A_33 = arith.extui %sign3A_32 : i1 to i32
    %sign3A_34 = arith.subi %sign3A_30, %sign3A_33 : i32
    %sign3A_35 = arith.constant 0 : i32
    %sign3A_36 = arith.cmpi sgt, %jit3A_26, %sign3A_35 : i32
    %sign3A_37 = arith.extui %sign3A_36 : i1 to i32
    %sign3A_38 = arith.constant 0 : i32
    %sign3A_39 = arith.cmpi slt, %jit3A_26, %sign3A_38 : i32
    %sign3A_40 = arith.extui %sign3A_39 : i1 to i32
    %sign3A_41 = arith.subi %sign3A_37, %sign3A_40 : i32
    %ne3A_42 = arith.cmpi ne, %sign3A_34, %sign3A_41 : i32
    %rem3A_43 = arith.remsi %add3A_25, %jit3A_26 : i32
    %ne3A_44 = arith.constant 0 : i32
    %ne3A_45 = arith.cmpi ne, %rem3A_43, %ne3A_44 : i32
    %and3A_46 = arith.andi %ne3A_42, %ne3A_45 : i1
    %sub3A_47 = arith.constant 1 : i32
    %sub3A_48 = arith.subi %div3A_27, %sub3A_47 : i32
    %select_n3A_49 = arith.select %and3A_46, %sub3A_48, %div3A_27 : i32
    %rem3A_50 = arith.constant 4 : i32
    %rem3A_51 = arith.remsi %add3A_25, %rem3A_50 : i32
    %mul3A_52 = arith.constant 1024 : i32
    %mul3A_53 = arith.muli %rem3A_51, %mul3A_52 : i32
    %dma_start3A_54 = tpu.memref_slice %arg3[%select_n3A_49, %mul3A_53] : memref<200x4096xi32, #tpu.memory_space<hbm>> -> memref<1x1024xi32, #tpu.memory_space<hbm>>
    %dma_start3A_55 = tpu.memref_slice %arg3[%select_n3A_49, %mul3A_53] : memref<200x4096xi32, #tpu.memory_space<hbm>> -> memref<1x1024xi32, #tpu.memory_space<hbm>>
    tpu.enqueue_dma source(%dma_start3A_55 : memref<1x1024xi32, #tpu.memory_space<hbm>>) target(%arg6 : memref<1x1024xi32, #tpu.memory_space<vmem>>) target_semaphore(%arg10 : memref<!tpu.dma_semaphore, #tpu.memory_space<semaphore_mem>>)
    %add3A_56 = arith.constant 0 : i32
    %add3A_57 = arith.addi %add3A, %add3A_56 : i32
    %jit3A_58 = arith.constant 4 : i32
    %div3A_59 = arith.divsi %add3A_57, %jit3A_58 : i32
    %sign3A_60 = arith.constant 0 : i32
    %sign3A_61 = arith.cmpi sgt, %add3A_57, %sign3A_60 : i32
    %sign3A_62 = arith.extui %sign3A_61 : i1 to i32
    %sign3A_63 = arith.constant 0 : i32
    %sign3A_64 = arith.cmpi slt, %add3A_57, %sign3A_63 : i32
    %sign3A_65 = arith.extui %sign3A_64 : i1 to i32
    %sign3A_66 = arith.subi %sign3A_62, %sign3A_65 : i32
    %sign3A_67 = arith.constant 0 : i32
    %sign3A_68 = arith.cmpi sgt, %jit3A_58, %sign3A_67 : i32
    %sign3A_69 = arith.extui %sign3A_68 : i1 to i32
    %sign3A_70 = arith.constant 0 : i32
    %sign3A_71 = arith.cmpi slt, %jit3A_58, %sign3A_70 : i32
    %sign3A_72 = arith.extui %sign3A_71 : i1 to i32
    %sign3A_73 = arith.subi %sign3A_69, %sign3A_72 : i32
    %ne3A_74 = arith.cmpi ne, %sign3A_66, %sign3A_73 : i32
    %rem3A_75 = arith.remsi %add3A_57, %jit3A_58 : i32
    %ne3A_76 = arith.constant 0 : i32
    %ne3A_77 = arith.cmpi ne, %rem3A_75, %ne3A_76 : i32
    %and3A_78 = arith.andi %ne3A_74, %ne3A_77 : i1
    %sub3A_79 = arith.constant 1 : i32
    %sub3A_80 = arith.subi %div3A_59, %sub3A_79 : i32
    %select_n3A_81 = arith.select %and3A_78, %sub3A_80, %div3A_59 : i32
    %rem3A_82 = arith.constant 4 : i32
    %rem3A_83 = arith.remsi %add3A_57, %rem3A_82 : i32
    %mul3A_84 = arith.constant 1024 : i32
    %mul3A_85 = arith.muli %rem3A_83, %mul3A_84 : i32
    %dma_wait3A = tpu.memref_slice %arg3[%select_n3A_81, %mul3A_85] : memref<200x4096xi32, #tpu.memory_space<hbm>> -> memref<1x1024xi32, #tpu.memory_space<hbm>>
    %dma_wait3A_86 = tpu.memref_slice %arg3[%select_n3A_81, %mul3A_85] : memref<200x4096xi32, #tpu.memory_space<hbm>> -> memref<1x1024xi32, #tpu.memory_space<hbm>>
    tpu.wait_dma2 semaphore(%arg9 : memref<!tpu.dma_semaphore, #tpu.memory_space<semaphore_mem>>) src(%dma_wait3A_86 : memref<1x1024xi32, #tpu.memory_space<hbm>>) dst(%arg5 : memref<1x1024xi32, #tpu.memory_space<vmem>>)
    %dma_start3A_87 = arith.constant 0 : i32
    %dma_start3A_88 = arith.constant 0 : i32
    %dma_start3A_89 = arith.constant 0 : i32
    %dma_start3A_90 = arith.constant 0 : i32
    %dma_start3A_91 = tpu.memref_slice %arg7[%dma_start3A_88, %dma_start3A_89, %dma_start3A_90] : memref<1x1024x32xf32, #tpu.memory_space<vmem>> -> memref<1x1024x32xf32, #tpu.memory_space<vmem>>
    %dma_start3A_92 = tpu.memref_squeeze %dma_start3A_91 : memref<1x1024x32xf32, #tpu.memory_space<vmem>> -> memref<1024x32xf32, #tpu.memory_space<vmem>>
    %dma_start3A_93 = arith.constant 0 : i32
    %dma_start3A_94 = tpu.memref_slice %arg5[%dma_start3A_87, %dma_start3A_93] : memref<1x1024xi32, #tpu.memory_space<vmem>> -> memref<1x1024xi32, #tpu.memory_space<vmem>>
    %dma_start3A_95 = tpu.memref_squeeze %dma_start3A_94 : memref<1x1024xi32, #tpu.memory_space<vmem>> -> memref<1024xi32, #tpu.memory_space<vmem>>
    %dma_start3A_96 = arith.constant 0 : i32
    %dma_start3A_97 = arith.constant 0 : i32
    %dma_start3A_98 = tpu.memref_slice %arg2[%dma_start3A_96, %dma_start3A_97] : memref<1000000x32xf32, #tpu.memory_space<hbm>> -> memref<1000000x32xf32, #tpu.memory_space<hbm>>
    tpu.enqueue_indirect_dma source(%dma_start3A_98 : memref<1000000x32xf32, #tpu.memory_space<hbm>>) target(%dma_start3A_92 : memref<1024x32xf32, #tpu.memory_space<vmem>>) offsets(%dma_start3A_95 : memref<1024xi32, #tpu.memory_space<vmem>>) semaphore(%arg11 : memref<!tpu.dma_semaphore, #tpu.memory_space<semaphore_mem>>)
    %add3A_99 = arith.constant 32 : i32
    %add3A_100 = arith.addi %add3A, %add3A_99 : i32
    %jit3A_101 = arith.constant 4 : i32
    %div3A_102 = arith.divsi %add3A_100, %jit3A_101 : i32
    %sign3A_103 = arith.constant 0 : i32
    %sign3A_104 = arith.cmpi sgt, %add3A_100, %sign3A_103 : i32
    %sign3A_105 = arith.extui %sign3A_104 : i1 to i32
    %sign3A_106 = arith.constant 0 : i32
    %sign3A_107 = arith.cmpi slt, %add3A_100, %sign3A_106 : i32
    %sign3A_108 = arith.extui %sign3A_107 : i1 to i32
    %sign3A_109 = arith.subi %sign3A_105, %sign3A_108 : i32
    %sign3A_110 = arith.constant 0 : i32
    %sign3A_111 = arith.cmpi sgt, %jit3A_101, %sign3A_110 : i32
    %sign3A_112 = arith.extui %sign3A_111 : i1 to i32
    %sign3A_113 = arith.constant 0 : i32
    %sign3A_114 = arith.cmpi slt, %jit3A_101, %sign3A_113 : i32
    %sign3A_115 = arith.extui %sign3A_114 : i1 to i32
    %sign3A_116 = arith.subi %sign3A_112, %sign3A_115 : i32
    %ne3A_117 = arith.cmpi ne, %sign3A_109, %sign3A_116 : i32
    %rem3A_118 = arith.remsi %add3A_100, %jit3A_101 : i32
    %ne3A_119 = arith.constant 0 : i32
    %ne3A_120 = arith.cmpi ne, %rem3A_118, %ne3A_119 : i32
    %and3A_121 = arith.andi %ne3A_117, %ne3A_120 : i1
    %sub3A_122 = arith.constant 1 : i32
    %sub3A_123 = arith.subi %div3A_102, %sub3A_122 : i32
    %select_n3A_124 = arith.select %and3A_121, %sub3A_123, %div3A_102 : i32
    %rem3A_125 = arith.constant 4 : i32
    %rem3A_126 = arith.remsi %add3A_100, %rem3A_125 : i32
    %mul3A_127 = arith.constant 1024 : i32
    %mul3A_128 = arith.muli %rem3A_126, %mul3A_127 : i32
    %dma_wait3A_129 = tpu.memref_slice %arg3[%select_n3A_124, %mul3A_128] : memref<200x4096xi32, #tpu.memory_space<hbm>> -> memref<1x1024xi32, #tpu.memory_space<hbm>>
    %dma_wait3A_130 = tpu.memref_slice %arg3[%select_n3A_124, %mul3A_128] : memref<200x4096xi32, #tpu.memory_space<hbm>> -> memref<1x1024xi32, #tpu.memory_space<hbm>>
    tpu.wait_dma2 semaphore(%arg10 : memref<!tpu.dma_semaphore, #tpu.memory_space<semaphore_mem>>) src(%dma_wait3A_130 : memref<1x1024xi32, #tpu.memory_space<hbm>>) dst(%arg6 : memref<1x1024xi32, #tpu.memory_space<vmem>>)
    %dma_start3A_131 = arith.constant 0 : i32
    %dma_start3A_132 = arith.constant 0 : i32
    %dma_start3A_133 = arith.constant 0 : i32
    %dma_start3A_134 = arith.constant 0 : i32
    %dma_start3A_135 = tpu.memref_slice %arg8[%dma_start3A_132, %dma_start3A_133, %dma_start3A_134] : memref<1x1024x32xf32, #tpu.memory_space<vmem>> -> memref<1x1024x32xf32, #tpu.memory_space<vmem>>
    %dma_start3A_136 = tpu.memref_squeeze %dma_start3A_135 : memref<1x1024x32xf32, #tpu.memory_space<vmem>> -> memref<1024x32xf32, #tpu.memory_space<vmem>>
    %dma_start3A_137 = arith.constant 0 : i32
    %dma_start3A_138 = tpu.memref_slice %arg6[%dma_start3A_131, %dma_start3A_137] : memref<1x1024xi32, #tpu.memory_space<vmem>> -> memref<1x1024xi32, #tpu.memory_space<vmem>>
    %dma_start3A_139 = tpu.memref_squeeze %dma_start3A_138 : memref<1x1024xi32, #tpu.memory_space<vmem>> -> memref<1024xi32, #tpu.memory_space<vmem>>
    %dma_start3A_140 = arith.constant 0 : i32
    %dma_start3A_141 = arith.constant 0 : i32
    %dma_start3A_142 = tpu.memref_slice %arg2[%dma_start3A_140, %dma_start3A_141] : memref<1000000x32xf32, #tpu.memory_space<hbm>> -> memref<1000000x32xf32, #tpu.memory_space<hbm>>
    tpu.enqueue_indirect_dma source(%dma_start3A_142 : memref<1000000x32xf32, #tpu.memory_space<hbm>>) target(%dma_start3A_136 : memref<1024x32xf32, #tpu.memory_space<vmem>>) offsets(%dma_start3A_139 : memref<1024xi32, #tpu.memory_space<vmem>>) semaphore(%arg12 : memref<!tpu.dma_semaphore, #tpu.memory_space<semaphore_mem>>)
    %dma_wait3A_143 = arith.constant 0 : i32
    %dma_wait3A_144 = arith.constant 0 : i32
    %dma_wait3A_145 = arith.constant 0 : i32
    %dma_wait3A_146 = arith.constant 0 : i32
    %dma_wait3A_147 = tpu.memref_slice %arg7[%dma_wait3A_144, %dma_wait3A_145, %dma_wait3A_146] : memref<1x1024x32xf32, #tpu.memory_space<vmem>> -> memref<1x1024x32xf32, #tpu.memory_space<vmem>>
    %dma_wait3A_148 = tpu.memref_squeeze %dma_wait3A_147 : memref<1x1024x32xf32, #tpu.memory_space<vmem>> -> memref<1024x32xf32, #tpu.memory_space<vmem>>
    %dma_wait3A_149 = arith.constant 0 : i32
    %dma_wait3A_150 = tpu.memref_slice %arg5[%dma_wait3A_143, %dma_wait3A_149] : memref<1x1024xi32, #tpu.memory_space<vmem>> -> memref<1x1024xi32, #tpu.memory_space<vmem>>
    %dma_wait3A_151 = tpu.memref_squeeze %dma_wait3A_150 : memref<1x1024xi32, #tpu.memory_space<vmem>> -> memref<1024xi32, #tpu.memory_space<vmem>>
    %dma_wait3A_152 = arith.constant 0 : i32
    %dma_wait3A_153 = arith.constant 0 : i32
    %dma_wait3A_154 = tpu.memref_slice %arg2[%dma_wait3A_152, %dma_wait3A_153] : memref<1000000x32xf32, #tpu.memory_space<hbm>> -> memref<1000000x32xf32, #tpu.memory_space<hbm>>
    tpu.wait_indirect_dma semaphore(%arg11 : memref<!tpu.dma_semaphore, #tpu.memory_space<semaphore_mem>>) src(%dma_wait3A_154 : memref<1000000x32xf32, #tpu.memory_space<hbm>>) dst(%dma_wait3A_148 : memref<1024x32xf32, #tpu.memory_space<vmem>>)
    %add3A_155 = arith.constant 64 : i32
    %add3A_156 = arith.addi %add3A, %add3A_155 : i32
    %jit3A_157 = arith.constant 4 : i32
    %div3A_158 = arith.divsi %add3A_156, %jit3A_157 : i32
    %sign3A_159 = arith.constant 0 : i32
    %sign3A_160 = arith.cmpi sgt, %add3A_156, %sign3A_159 : i32
    %sign3A_161 = arith.extui %sign3A_160 : i1 to i32
    %sign3A_162 = arith.constant 0 : i32
    %sign3A_163 = arith.cmpi slt, %add3A_156, %sign3A_162 : i32
    %sign3A_164 = arith.extui %sign3A_163 : i1 to i32
    %sign3A_165 = arith.subi %sign3A_161, %sign3A_164 : i32
    %sign3A_166 = arith.constant 0 : i32
    %sign3A_167 = arith.cmpi sgt, %jit3A_157, %sign3A_166 : i32
    %sign3A_168 = arith.extui %sign3A_167 : i1 to i32
    %sign3A_169 = arith.constant 0 : i32
    %sign3A_170 = arith.cmpi slt, %jit3A_157, %sign3A_169 : i32
    %sign3A_171 = arith.extui %sign3A_170 : i1 to i32
    %sign3A_172 = arith.subi %sign3A_168, %sign3A_171 : i32
    %ne3A_173 = arith.cmpi ne, %sign3A_165, %sign3A_172 : i32
    %rem3A_174 = arith.remsi %add3A_156, %jit3A_157 : i32
    %ne3A_175 = arith.constant 0 : i32
    %ne3A_176 = arith.cmpi ne, %rem3A_174, %ne3A_175 : i32
    %and3A_177 = arith.andi %ne3A_173, %ne3A_176 : i1
    %sub3A_178 = arith.constant 1 : i32
    %sub3A_179 = arith.subi %div3A_158, %sub3A_178 : i32
    %select_n3A_180 = arith.select %and3A_177, %sub3A_179, %div3A_158 : i32
    %rem3A_181 = arith.constant 4 : i32
    %rem3A_182 = arith.remsi %add3A_156, %rem3A_181 : i32
    %mul3A_183 = arith.constant 1024 : i32
    %mul3A_184 = arith.muli %rem3A_182, %mul3A_183 : i32
    %dma_start3A_185 = tpu.memref_slice %arg3[%select_n3A_180, %mul3A_184] : memref<200x4096xi32, #tpu.memory_space<hbm>> -> memref<1x1024xi32, #tpu.memory_space<hbm>>
    %dma_start3A_186 = tpu.memref_slice %arg3[%select_n3A_180, %mul3A_184] : memref<200x4096xi32, #tpu.memory_space<hbm>> -> memref<1x1024xi32, #tpu.memory_space<hbm>>
    tpu.enqueue_dma source(%dma_start3A_186 : memref<1x1024xi32, #tpu.memory_space<hbm>>) target(%arg5 : memref<1x1024xi32, #tpu.memory_space<vmem>>) target_semaphore(%arg9 : memref<!tpu.dma_semaphore, #tpu.memory_space<semaphore_mem>>)
    %add3A_187 = arith.constant 0 : i32
    %add3A_188 = arith.addi %add3A, %add3A_187 : i32
    %jit3A_189 = arith.constant 4 : i32
    %div3A_190 = arith.divsi %add3A_188, %jit3A_189 : i32
    %sign3A_191 = arith.constant 0 : i32
    %sign3A_192 = arith.cmpi sgt, %add3A_188, %sign3A_191 : i32
    %sign3A_193 = arith.extui %sign3A_192 : i1 to i32
    %sign3A_194 = arith.constant 0 : i32
    %sign3A_195 = arith.cmpi slt, %add3A_188, %sign3A_194 : i32
    %sign3A_196 = arith.extui %sign3A_195 : i1 to i32
    %sign3A_197 = arith.subi %sign3A_193, %sign3A_196 : i32
    %sign3A_198 = arith.constant 0 : i32
    %sign3A_199 = arith.cmpi sgt, %jit3A_189, %sign3A_198 : i32
    %sign3A_200 = arith.extui %sign3A_199 : i1 to i32
    %sign3A_201 = arith.constant 0 : i32
    %sign3A_202 = arith.cmpi slt, %jit3A_189, %sign3A_201 : i32
    %sign3A_203 = arith.extui %sign3A_202 : i1 to i32
    %sign3A_204 = arith.subi %sign3A_200, %sign3A_203 : i32
    %ne3A_205 = arith.cmpi ne, %sign3A_197, %sign3A_204 : i32
    %rem3A_206 = arith.remsi %add3A_188, %jit3A_189 : i32
    %ne3A_207 = arith.constant 0 : i32
    %ne3A_208 = arith.cmpi ne, %rem3A_206, %ne3A_207 : i32
    %and3A_209 = arith.andi %ne3A_205, %ne3A_208 : i1
    %sub3A_210 = arith.constant 1 : i32
    %sub3A_211 = arith.subi %div3A_190, %sub3A_210 : i32
    %select_n3A_212 = arith.select %and3A_209, %sub3A_211, %div3A_190 : i32
    %rem3A_213 = arith.constant 4 : i32
    %rem3A_214 = arith.remsi %add3A_188, %rem3A_213 : i32
    %mul3A_215 = arith.constant 1024 : i32
    %mul3A_216 = arith.muli %rem3A_214, %mul3A_215 : i32
    %dma_start3A_217 = arith.constant 0 : i32
    %dma_start3A_218 = tpu.memref_slice %arg4[%select_n3A_212, %mul3A_216, %dma_start3A_217] : memref<200x4096x32xf32, #tpu.memory_space<hbm>> -> memref<1x1024x32xf32, #tpu.memory_space<hbm>>
    %dma_start3A_219 = arith.constant 0 : i32
    %dma_start3A_220 = tpu.memref_slice %arg4[%select_n3A_212, %mul3A_216, %dma_start3A_219] : memref<200x4096x32xf32, #tpu.memory_space<hbm>> -> memref<1x1024x32xf32, #tpu.memory_space<hbm>>
    tpu.enqueue_dma source(%arg7 : memref<1x1024x32xf32, #tpu.memory_space<vmem>>) target(%dma_start3A_220 : memref<1x1024x32xf32, #tpu.memory_space<hbm>>) target_semaphore(%arg13 : memref<!tpu.dma_semaphore, #tpu.memory_space<semaphore_mem>>)
    %add3A_221 = arith.constant 64 : i32
    %add3A_222 = arith.addi %add3A, %add3A_221 : i32
    %jit3A_223 = arith.constant 4 : i32
    %div3A_224 = arith.divsi %add3A_222, %jit3A_223 : i32
    %sign3A_225 = arith.constant 0 : i32
    %sign3A_226 = arith.cmpi sgt, %add3A_222, %sign3A_225 : i32
    %sign3A_227 = arith.extui %sign3A_226 : i1 to i32
    %sign3A_228 = arith.constant 0 : i32
    %sign3A_229 = arith.cmpi slt, %add3A_222, %sign3A_228 : i32
    %sign3A_230 = arith.extui %sign3A_229 : i1 to i32
    %sign3A_231 = arith.subi %sign3A_227, %sign3A_230 : i32
    %sign3A_232 = arith.constant 0 : i32
    %sign3A_233 = arith.cmpi sgt, %jit3A_223, %sign3A_232 : i32
    %sign3A_234 = arith.extui %sign3A_233 : i1 to i32
    %sign3A_235 = arith.constant 0 : i32
    %sign3A_236 = arith.cmpi slt, %jit3A_223, %sign3A_235 : i32
    %sign3A_237 = arith.extui %sign3A_236 : i1 to i32
    %sign3A_238 = arith.subi %sign3A_234, %sign3A_237 : i32
    %ne3A_239 = arith.cmpi ne, %sign3A_231, %sign3A_238 : i32
    %rem3A_240 = arith.remsi %add3A_222, %jit3A_223 : i32
    %ne3A_241 = arith.constant 0 : i32
    %ne3A_242 = arith.cmpi ne, %rem3A_240, %ne3A_241 : i32
    %and3A_243 = arith.andi %ne3A_239, %ne3A_242 : i1
    %sub3A_244 = arith.constant 1 : i32
    %sub3A_245 = arith.subi %div3A_224, %sub3A_244 : i32
    %select_n3A_246 = arith.select %and3A_243, %sub3A_245, %div3A_224 : i32
    %rem3A_247 = arith.constant 4 : i32
    %rem3A_248 = arith.remsi %add3A_222, %rem3A_247 : i32
    %mul3A_249 = arith.constant 1024 : i32
    %mul3A_250 = arith.muli %rem3A_248, %mul3A_249 : i32
    %dma_wait3A_251 = tpu.memref_slice %arg3[%select_n3A_246, %mul3A_250] : memref<200x4096xi32, #tpu.memory_space<hbm>> -> memref<1x1024xi32, #tpu.memory_space<hbm>>
    %dma_wait3A_252 = tpu.memref_slice %arg3[%select_n3A_246, %mul3A_250] : memref<200x4096xi32, #tpu.memory_space<hbm>> -> memref<1x1024xi32, #tpu.memory_space<hbm>>
    tpu.wait_dma2 semaphore(%arg9 : memref<!tpu.dma_semaphore, #tpu.memory_space<semaphore_mem>>) src(%dma_wait3A_252 : memref<1x1024xi32, #tpu.memory_space<hbm>>) dst(%arg5 : memref<1x1024xi32, #tpu.memory_space<vmem>>)
    %add3A_253 = arith.constant 0 : i32
    %add3A_254 = arith.addi %add3A, %add3A_253 : i32
    %jit3A_255 = arith.constant 4 : i32
    %div3A_256 = arith.divsi %add3A_254, %jit3A_255 : i32
    %sign3A_257 = arith.constant 0 : i32
    %sign3A_258 = arith.cmpi sgt, %add3A_254, %sign3A_257 : i32
    %sign3A_259 = arith.extui %sign3A_258 : i1 to i32
    %sign3A_260 = arith.constant 0 : i32
    %sign3A_261 = arith.cmpi slt, %add3A_254, %sign3A_260 : i32
    %sign3A_262 = arith.extui %sign3A_261 : i1 to i32
    %sign3A_263 = arith.subi %sign3A_259, %sign3A_262 : i32
    %sign3A_264 = arith.constant 0 : i32
    %sign3A_265 = arith.cmpi sgt, %jit3A_255, %sign3A_264 : i32
    %sign3A_266 = arith.extui %sign3A_265 : i1 to i32
    %sign3A_267 = arith.constant 0 : i32
    %sign3A_268 = arith.cmpi slt, %jit3A_255, %sign3A_267 : i32
    %sign3A_269 = arith.extui %sign3A_268 : i1 to i32
    %sign3A_270 = arith.subi %sign3A_266, %sign3A_269 : i32
    %ne3A_271 = arith.cmpi ne, %sign3A_263, %sign3A_270 : i32
    %rem3A_272 = arith.remsi %add3A_254, %jit3A_255 : i32
    %ne3A_273 = arith.constant 0 : i32
    %ne3A_274 = arith.cmpi ne, %rem3A_272, %ne3A_273 : i32
    %and3A_275 = arith.andi %ne3A_271, %ne3A_274 : i1
    %sub3A_276 = arith.constant 1 : i32
    %sub3A_277 = arith.subi %div3A_256, %sub3A_276 : i32
    %select_n3A_278 = arith.select %and3A_275, %sub3A_277, %div3A_256 : i32
    %rem3A_279 = arith.constant 4 : i32
    %rem3A_280 = arith.remsi %add3A_254, %rem3A_279 : i32
    %mul3A_281 = arith.constant 1024 : i32
    %mul3A_282 = arith.muli %rem3A_280, %mul3A_281 : i32
    %dma_wait3A_283 = arith.constant 0 : i32
    %dma_wait3A_284 = tpu.memref_slice %arg4[%select_n3A_278, %mul3A_282, %dma_wait3A_283] : memref<200x4096x32xf32, #tpu.memory_space<hbm>> -> memref<1x1024x32xf32, #tpu.memory_space<hbm>>
    %dma_wait3A_285 = arith.constant 0 : i32
    %dma_wait3A_286 = tpu.memref_slice %arg4[%select_n3A_278, %mul3A_282, %dma_wait3A_285] : memref<200x4096x32xf32, #tpu.memory_space<hbm>> -> memref<1x1024x32xf32, #tpu.memory_space<hbm>>
    tpu.wait_dma2 semaphore(%arg13 : memref<!tpu.dma_semaphore, #tpu.memory_space<semaphore_mem>>) src(%arg7 : memref<1x1024x32xf32, #tpu.memory_space<vmem>>) dst(%dma_wait3A_286 : memref<1x1024x32xf32, #tpu.memory_space<hbm>>)
    %dma_start3A_287 = arith.constant 0 : i32
    %dma_start3A_288 = arith.constant 0 : i32
    %dma_start3A_289 = arith.constant 0 : i32
    %dma_start3A_290 = arith.constant 0 : i32
    %dma_start3A_291 = tpu.memref_slice %arg7[%dma_start3A_288, %dma_start3A_289, %dma_start3A_290] : memref<1x1024x32xf32, #tpu.memory_space<vmem>> -> memref<1x1024x32xf32, #tpu.memory_space<vmem>>
    %dma_start3A_292 = tpu.memref_squeeze %dma_start3A_291 : memref<1x1024x32xf32, #tpu.memory_space<vmem>> -> memref<1024x32xf32, #tpu.memory_space<vmem>>
    %dma_start3A_293 = arith.constant 0 : i32
    %dma_start3A_294 = tpu.memref_slice %arg5[%dma_start3A_287, %dma_start3A_293] : memref<1x1024xi32, #tpu.memory_space<vmem>> -> memref<1x1024xi32, #tpu.memory_space<vmem>>
    %dma_start3A_295 = tpu.memref_squeeze %dma_start3A_294 : memref<1x1024xi32, #tpu.memory_space<vmem>> -> memref<1024xi32, #tpu.memory_space<vmem>>
    %dma_start3A_296 = arith.constant 0 : i32
    %dma_start3A_297 = arith.constant 0 : i32
    %dma_start3A_298 = tpu.memref_slice %arg2[%dma_start3A_296, %dma_start3A_297] : memref<1000000x32xf32, #tpu.memory_space<hbm>> -> memref<1000000x32xf32, #tpu.memory_space<hbm>>
    tpu.enqueue_indirect_dma source(%dma_start3A_298 : memref<1000000x32xf32, #tpu.memory_space<hbm>>) target(%dma_start3A_292 : memref<1024x32xf32, #tpu.memory_space<vmem>>) offsets(%dma_start3A_295 : memref<1024xi32, #tpu.memory_space<vmem>>) semaphore(%arg11 : memref<!tpu.dma_semaphore, #tpu.memory_space<semaphore_mem>>)
    %dma_wait3A_299 = arith.constant 0 : i32
    %dma_wait3A_300 = arith.constant 0 : i32
    %dma_wait3A_301 = arith.constant 0 : i32
    %dma_wait3A_302 = arith.constant 0 : i32
    %dma_wait3A_303 = tpu.memref_slice %arg8[%dma_wait3A_300, %dma_wait3A_301, %dma_wait3A_302] : memref<1x1024x32xf32, #tpu.memory_space<vmem>> -> memref<1x1024x32xf32, #tpu.memory_space<vmem>>
    %dma_wait3A_304 = tpu.memref_squeeze %dma_wait3A_303 : memref<1x1024x32xf32, #tpu.memory_space<vmem>> -> memref<1024x32xf32, #tpu.memory_space<vmem>>
    %dma_wait3A_305 = arith.constant 0 : i32
    %dma_wait3A_306 = tpu.memref_slice %arg6[%dma_wait3A_299, %dma_wait3A_305] : memref<1x1024xi32, #tpu.memory_space<vmem>> -> memref<1x1024xi32, #tpu.memory_space<vmem>>
    %dma_wait3A_307 = tpu.memref_squeeze %dma_wait3A_306 : memref<1x1024xi32, #tpu.memory_space<vmem>> -> memref<1024xi32, #tpu.memory_space<vmem>>
    %dma_wait3A_308 = arith.constant 0 : i32
    %dma_wait3A_309 = arith.constant 0 : i32
    %dma_wait3A_310 = tpu.memref_slice %arg2[%dma_wait3A_308, %dma_wait3A_309] : memref<1000000x32xf32, #tpu.memory_space<hbm>> -> memref<1000000x32xf32, #tpu.memory_space<hbm>>
    tpu.wait_indirect_dma semaphore(%arg12 : memref<!tpu.dma_semaphore, #tpu.memory_space<semaphore_mem>>) src(%dma_wait3A_310 : memref<1000000x32xf32, #tpu.memory_space<hbm>>) dst(%dma_wait3A_304 : memref<1024x32xf32, #tpu.memory_space<vmem>>)
    %add3A_311 = arith.constant 96 : i32
    %add3A_312 = arith.addi %add3A, %add3A_311 : i32
    %jit3A_313 = arith.constant 4 : i32
    %div3A_314 = arith.divsi %add3A_312, %jit3A_313 : i32
    %sign3A_315 = arith.constant 0 : i32
    %sign3A_316 = arith.cmpi sgt, %add3A_312, %sign3A_315 : i32
    %sign3A_317 = arith.extui %sign3A_316 : i1 to i32
    %sign3A_318 = arith.constant 0 : i32
    %sign3A_319 = arith.cmpi slt, %add3A_312, %sign3A_318 : i32
    %sign3A_320 = arith.extui %sign3A_319 : i1 to i32
    %sign3A_321 = arith.subi %sign3A_317, %sign3A_320 : i32
    %sign3A_322 = arith.constant 0 : i32
    %sign3A_323 = arith.cmpi sgt, %jit3A_313, %sign3A_322 : i32
    %sign3A_324 = arith.extui %sign3A_323 : i1 to i32
    %sign3A_325 = arith.constant 0 : i32
    %sign3A_326 = arith.cmpi slt, %jit3A_313, %sign3A_325 : i32
    %sign3A_327 = arith.extui %sign3A_326 : i1 to i32
    %sign3A_328 = arith.subi %sign3A_324, %sign3A_327 : i32
    %ne3A_329 = arith.cmpi ne, %sign3A_321, %sign3A_328 : i32
    %rem3A_330 = arith.remsi %add3A_312, %jit3A_313 : i32
    %ne3A_331 = arith.constant 0 : i32
    %ne3A_332 = arith.cmpi ne, %rem3A_330, %ne3A_331 : i32
    %and3A_333 = arith.andi %ne3A_329, %ne3A_332 : i1
    %sub3A_334 = arith.constant 1 : i32
    %sub3A_335 = arith.subi %div3A_314, %sub3A_334 : i32
    %select_n3A_336 = arith.select %and3A_333, %sub3A_335, %div3A_314 : i32
    %rem3A_337 = arith.constant 4 : i32
    %rem3A_338 = arith.remsi %add3A_312, %rem3A_337 : i32
    %mul3A_339 = arith.constant 1024 : i32
    %mul3A_340 = arith.muli %rem3A_338, %mul3A_339 : i32
    %dma_start3A_341 = tpu.memref_slice %arg3[%select_n3A_336, %mul3A_340] : memref<200x4096xi32, #tpu.memory_space<hbm>> -> memref<1x1024xi32, #tpu.memory_space<hbm>>
    %dma_start3A_342 = tpu.memref_slice %arg3[%select_n3A_336, %mul3A_340] : memref<200x4096xi32, #tpu.memory_space<hbm>> -> memref<1x1024xi32, #tpu.memory_space<hbm>>
    tpu.enqueue_dma source(%dma_start3A_342 : memref<1x1024xi32, #tpu.memory_space<hbm>>) target(%arg6 : memref<1x1024xi32, #tpu.memory_space<vmem>>) target_semaphore(%arg10 : memref<!tpu.dma_semaphore, #tpu.memory_space<semaphore_mem>>)
    %add3A_343 = arith.constant 32 : i32
    %add3A_344 = arith.addi %add3A, %add3A_343 : i32
    %jit3A_345 = arith.constant 4 : i32
    %div3A_346 = arith.divsi %add3A_344, %jit3A_345 : i32
    %sign3A_347 = arith.constant 0 : i32
    %sign3A_348 = arith.cmpi sgt, %add3A_344, %sign3A_347 : i32
    %sign3A_349 = arith.extui %sign3A_348 : i1 to i32
    %sign3A_350 = arith.constant 0 : i32
    %sign3A_351 = arith.cmpi slt, %add3A_344, %sign3A_350 : i32
    %sign3A_352 = arith.extui %sign3A_351 : i1 to i32
    %sign3A_353 = arith.subi %sign3A_349, %sign3A_352 : i32
    %sign3A_354 = arith.constant 0 : i32
    %sign3A_355 = arith.cmpi sgt, %jit3A_345, %sign3A_354 : i32
    %sign3A_356 = arith.extui %sign3A_355 : i1 to i32
    %sign3A_357 = arith.constant 0 : i32
    %sign3A_358 = arith.cmpi slt, %jit3A_345, %sign3A_357 : i32
    %sign3A_359 = arith.extui %sign3A_358 : i1 to i32
    %sign3A_360 = arith.subi %sign3A_356, %sign3A_359 : i32
    %ne3A_361 = arith.cmpi ne, %sign3A_353, %sign3A_360 : i32
    %rem3A_362 = arith.remsi %add3A_344, %jit3A_345 : i32
    %ne3A_363 = arith.constant 0 : i32
    %ne3A_364 = arith.cmpi ne, %rem3A_362, %ne3A_363 : i32
    %and3A_365 = arith.andi %ne3A_361, %ne3A_364 : i1
    %sub3A_366 = arith.constant 1 : i32
    %sub3A_367 = arith.subi %div3A_346, %sub3A_366 : i32
    %select_n3A_368 = arith.select %and3A_365, %sub3A_367, %div3A_346 : i32
    %rem3A_369 = arith.constant 4 : i32
    %rem3A_370 = arith.remsi %add3A_344, %rem3A_369 : i32
    %mul3A_371 = arith.constant 1024 : i32
    %mul3A_372 = arith.muli %rem3A_370, %mul3A_371 : i32
    %dma_start3A_373 = arith.constant 0 : i32
    %dma_start3A_374 = tpu.memref_slice %arg4[%select_n3A_368, %mul3A_372, %dma_start3A_373] : memref<200x4096x32xf32, #tpu.memory_space<hbm>> -> memref<1x1024x32xf32, #tpu.memory_space<hbm>>
    %dma_start3A_375 = arith.constant 0 : i32
    %dma_start3A_376 = tpu.memref_slice %arg4[%select_n3A_368, %mul3A_372, %dma_start3A_375] : memref<200x4096x32xf32, #tpu.memory_space<hbm>> -> memref<1x1024x32xf32, #tpu.memory_space<hbm>>
    tpu.enqueue_dma source(%arg8 : memref<1x1024x32xf32, #tpu.memory_space<vmem>>) target(%dma_start3A_376 : memref<1x1024x32xf32, #tpu.memory_space<hbm>>) target_semaphore(%arg14 : memref<!tpu.dma_semaphore, #tpu.memory_space<semaphore_mem>>)
    %add3A_377 = arith.constant 96 : i32
    %add3A_378 = arith.addi %add3A, %add3A_377 : i32
    %jit3A_379 = arith.constant 4 : i32
    %div3A_380 = arith.divsi %add3A_378, %jit3A_379 : i32
    %sign3A_381 = arith.constant 0 : i32
    %sign3A_382 = arith.cmpi sgt, %add3A_378, %sign3A_381 : i32
    %sign3A_383 = arith.extui %sign3A_382 : i1 to i32
    %sign3A_384 = arith.constant 0 : i32
    %sign3A_385 = arith.cmpi slt, %add3A_378, %sign3A_384 : i32
    %sign3A_386 = arith.extui %sign3A_385 : i1 to i32
    %sign3A_387 = arith.subi %sign3A_383, %sign3A_386 : i32
    %sign3A_388 = arith.constant 0 : i32
    %sign3A_389 = arith.cmpi sgt, %jit3A_379, %sign3A_388 : i32
    %sign3A_390 = arith.extui %sign3A_389 : i1 to i32
    %sign3A_391 = arith.constant 0 : i32
    %sign3A_392 = arith.cmpi slt, %jit3A_379, %sign3A_391 : i32
    %sign3A_393 = arith.extui %sign3A_392 : i1 to i32
    %sign3A_394 = arith.subi %sign3A_390, %sign3A_393 : i32
    %ne3A_395 = arith.cmpi ne, %sign3A_387, %sign3A_394 : i32
    %rem3A_396 = arith.remsi %add3A_378, %jit3A_379 : i32
    %ne3A_397 = arith.constant 0 : i32
    %ne3A_398 = arith.cmpi ne, %rem3A_396, %ne3A_397 : i32
    %and3A_399 = arith.andi %ne3A_395, %ne3A_398 : i1
    %sub3A_400 = arith.constant 1 : i32
    %sub3A_401 = arith.subi %div3A_380, %sub3A_400 : i32
    %select_n3A_402 = arith.select %and3A_399, %sub3A_401, %div3A_380 : i32
    %rem3A_403 = arith.constant 4 : i32
    %rem3A_404 = arith.remsi %add3A_378, %rem3A_403 : i32
    %mul3A_405 = arith.constant 1024 : i32
    %mul3A_406 = arith.muli %rem3A_404, %mul3A_405 : i32
    %dma_wait3A_407 = tpu.memref_slice %arg3[%select_n3A_402, %mul3A_406] : memref<200x4096xi32, #tpu.memory_space<hbm>> -> memref<1x1024xi32, #tpu.memory_space<hbm>>
    %dma_wait3A_408 = tpu.memref_slice %arg3[%select_n3A_402, %mul3A_406] : memref<200x4096xi32, #tpu.memory_space<hbm>> -> memref<1x1024xi32, #tpu.memory_space<hbm>>
    tpu.wait_dma2 semaphore(%arg10 : memref<!tpu.dma_semaphore, #tpu.memory_space<semaphore_mem>>) src(%dma_wait3A_408 : memref<1x1024xi32, #tpu.memory_space<hbm>>) dst(%arg6 : memref<1x1024xi32, #tpu.memory_space<vmem>>)
    %add3A_409 = arith.constant 32 : i32
    %add3A_410 = arith.addi %add3A, %add3A_409 : i32
    %jit3A_411 = arith.constant 4 : i32
    %div3A_412 = arith.divsi %add3A_410, %jit3A_411 : i32
    %sign3A_413 = arith.constant 0 : i32
    %sign3A_414 = arith.cmpi sgt, %add3A_410, %sign3A_413 : i32
    %sign3A_415 = arith.extui %sign3A_414 : i1 to i32
    %sign3A_416 = arith.constant 0 : i32
    %sign3A_417 = arith.cmpi slt, %add3A_410, %sign3A_416 : i32
    %sign3A_418 = arith.extui %sign3A_417 : i1 to i32
    %sign3A_419 = arith.subi %sign3A_415, %sign3A_418 : i32
    %sign3A_420 = arith.constant 0 : i32
    %sign3A_421 = arith.cmpi sgt, %jit3A_411, %sign3A_420 : i32
    %sign3A_422 = arith.extui %sign3A_421 : i1 to i32
    %sign3A_423 = arith.constant 0 : i32
    %sign3A_424 = arith.cmpi slt, %jit3A_411, %sign3A_423 : i32
    %sign3A_425 = arith.extui %sign3A_424 : i1 to i32
    %sign3A_426 = arith.subi %sign3A_422, %sign3A_425 : i32
    %ne3A_427 = arith.cmpi ne, %sign3A_419, %sign3A_426 : i32
    %rem3A_428 = arith.remsi %add3A_410, %jit3A_411 : i32
    %ne3A_429 = arith.constant 0 : i32
    %ne3A_430 = arith.cmpi ne, %rem3A_428, %ne3A_429 : i32
    %and3A_431 = arith.andi %ne3A_427, %ne3A_430 : i1
    %sub3A_432 = arith.constant 1 : i32
    %sub3A_433 = arith.subi %div3A_412, %sub3A_432 : i32
    %select_n3A_434 = arith.select %and3A_431, %sub3A_433, %div3A_412 : i32
    %rem3A_435 = arith.constant 4 : i32
    %rem3A_436 = arith.remsi %add3A_410, %rem3A_435 : i32
    %mul3A_437 = arith.constant 1024 : i32
    %mul3A_438 = arith.muli %rem3A_436, %mul3A_437 : i32
    %dma_wait3A_439 = arith.constant 0 : i32
    %dma_wait3A_440 = tpu.memref_slice %arg4[%select_n3A_434, %mul3A_438, %dma_wait3A_439] : memref<200x4096x32xf32, #tpu.memory_space<hbm>> -> memref<1x1024x32xf32, #tpu.memory_space<hbm>>
    %dma_wait3A_441 = arith.constant 0 : i32
    %dma_wait3A_442 = tpu.memref_slice %arg4[%select_n3A_434, %mul3A_438, %dma_wait3A_441] : memref<200x4096x32xf32, #tpu.memory_space<hbm>> -> memref<1x1024x32xf32, #tpu.memory_space<hbm>>
    tpu.wait_dma2 semaphore(%arg14 : memref<!tpu.dma_semaphore, #tpu.memory_space<semaphore_mem>>) src(%arg8 : memref<1x1024x32xf32, #tpu.memory_space<vmem>>) dst(%dma_wait3A_442 : memref<1x1024x32xf32, #tpu.memory_space<hbm>>)
    %dma_start3A_443 = arith.constant 0 : i32
    %dma_start3A_444 = arith.constant 0 : i32
    %dma_start3A_445 = arith.constant 0 : i32
    %dma_start3A_446 = arith.constant 0 : i32
    %dma_start3A_447 = tpu.memref_slice %arg8[%dma_start3A_444, %dma_start3A_445, %dma_start3A_446] : memref<1x1024x32xf32, #tpu.memory_space<vmem>> -> memref<1x1024x32xf32, #tpu.memory_space<vmem>>
    %dma_start3A_448 = tpu.memref_squeeze %dma_start3A_447 : memref<1x1024x32xf32, #tpu.memory_space<vmem>> -> memref<1024x32xf32, #tpu.memory_space<vmem>>
    %dma_start3A_449 = arith.constant 0 : i32
    %dma_start3A_450 = tpu.memref_slice %arg6[%dma_start3A_443, %dma_start3A_449] : memref<1x1024xi32, #tpu.memory_space<vmem>> -> memref<1x1024xi32, #tpu.memory_space<vmem>>
    %dma_start3A_451 = tpu.memref_squeeze %dma_start3A_450 : memref<1x1024xi32, #tpu.memory_space<vmem>> -> memref<1024xi32, #tpu.memory_space<vmem>>
    %dma_start3A_452 = arith.constant 0 : i32
    %dma_start3A_453 = arith.constant 0 : i32
    %dma_start3A_454 = tpu.memref_slice %arg2[%dma_start3A_452, %dma_start3A_453] : memref<1000000x32xf32, #tpu.memory_space<hbm>> -> memref<1000000x32xf32, #tpu.memory_space<hbm>>
    tpu.enqueue_indirect_dma source(%dma_start3A_454 : memref<1000000x32xf32, #tpu.memory_space<hbm>>) target(%dma_start3A_448 : memref<1024x32xf32, #tpu.memory_space<vmem>>) offsets(%dma_start3A_451 : memref<1024xi32, #tpu.memory_space<vmem>>) semaphore(%arg12 : memref<!tpu.dma_semaphore, #tpu.memory_space<semaphore_mem>>)
    %dma_wait3A_455 = arith.constant 0 : i32
    %dma_wait3A_456 = arith.constant 0 : i32
    %dma_wait3A_457 = arith.constant 0 : i32
    %dma_wait3A_458 = arith.constant 0 : i32
    %dma_wait3A_459 = tpu.memref_slice %arg7[%dma_wait3A_456, %dma_wait3A_457, %dma_wait3A_458] : memref<1x1024x32xf32, #tpu.memory_space<vmem>> -> memref<1x1024x32xf32, #tpu.memory_space<vmem>>
    %dma_wait3A_460 = tpu.memref_squeeze %dma_wait3A_459 : memref<1x1024x32xf32, #tpu.memory_space<vmem>> -> memref<1024x32xf32, #tpu.memory_space<vmem>>
    %dma_wait3A_461 = arith.constant 0 : i32
    %dma_wait3A_462 = tpu.memref_slice %arg5[%dma_wait3A_455, %dma_wait3A_461] : memref<1x1024xi32, #tpu.memory_space<vmem>> -> memref<1x1024xi32, #tpu.memory_space<vmem>>
    %dma_wait3A_463 = tpu.memref_squeeze %dma_wait3A_462 : memref<1x1024xi32, #tpu.memory_space<vmem>> -> memref<1024xi32, #tpu.memory_space<vmem>>
    %dma_wait3A_464 = arith.constant 0 : i32
    %dma_wait3A_465 = arith.constant 0 : i32
    %dma_wait3A_466 = tpu.memref_slice %arg2[%dma_wait3A_464, %dma_wait3A_465] : memref<1000000x32xf32, #tpu.memory_space<hbm>> -> memref<1000000x32xf32, #tpu.memory_space<hbm>>
    tpu.wait_indirect_dma semaphore(%arg11 : memref<!tpu.dma_semaphore, #tpu.memory_space<semaphore_mem>>) src(%dma_wait3A_466 : memref<1000000x32xf32, #tpu.memory_space<hbm>>) dst(%dma_wait3A_460 : memref<1024x32xf32, #tpu.memory_space<vmem>>)
    %add3A_467 = arith.constant 128 : i32
    %add3A_468 = arith.addi %add3A, %add3A_467 : i32
    %jit3A_469 = arith.constant 4 : i32
    %div3A_470 = arith.divsi %add3A_468, %jit3A_469 : i32
    %sign3A_471 = arith.constant 0 : i32
    %sign3A_472 = arith.cmpi sgt, %add3A_468, %sign3A_471 : i32
    %sign3A_473 = arith.extui %sign3A_472 : i1 to i32
    %sign3A_474 = arith.constant 0 : i32
    %sign3A_475 = arith.cmpi slt, %add3A_468, %sign3A_474 : i32
    %sign3A_476 = arith.extui %sign3A_475 : i1 to i32
    %sign3A_477 = arith.subi %sign3A_473, %sign3A_476 : i32
    %sign3A_478 = arith.constant 0 : i32
    %sign3A_479 = arith.cmpi sgt, %jit3A_469, %sign3A_478 : i32
    %sign3A_480 = arith.extui %sign3A_479 : i1 to i32
    %sign3A_481 = arith.constant 0 : i32
    %sign3A_482 = arith.cmpi slt, %jit3A_469, %sign3A_481 : i32
    %sign3A_483 = arith.extui %sign3A_482 : i1 to i32
    %sign3A_484 = arith.subi %sign3A_480, %sign3A_483 : i32
    %ne3A_485 = arith.cmpi ne, %sign3A_477, %sign3A_484 : i32
    %rem3A_486 = arith.remsi %add3A_468, %jit3A_469 : i32
    %ne3A_487 = arith.constant 0 : i32
    %ne3A_488 = arith.cmpi ne, %rem3A_486, %ne3A_487 : i32
    %and3A_489 = arith.andi %ne3A_485, %ne3A_488 : i1
    %sub3A_490 = arith.constant 1 : i32
    %sub3A_491 = arith.subi %div3A_470, %sub3A_490 : i32
    %select_n3A_492 = arith.select %and3A_489, %sub3A_491, %div3A_470 : i32
    %rem3A_493 = arith.constant 4 : i32
    %rem3A_494 = arith.remsi %add3A_468, %rem3A_493 : i32
    %mul3A_495 = arith.constant 1024 : i32
    %mul3A_496 = arith.muli %rem3A_494, %mul3A_495 : i32
    %dma_start3A_497 = tpu.memref_slice %arg3[%select_n3A_492, %mul3A_496] : memref<200x4096xi32, #tpu.memory_space<hbm>> -> memref<1x1024xi32, #tpu.memory_space<hbm>>
    %dma_start3A_498 = tpu.memref_slice %arg3[%select_n3A_492, %mul3A_496] : memref<200x4096xi32, #tpu.memory_space<hbm>> -> memref<1x1024xi32, #tpu.memory_space<hbm>>
    tpu.enqueue_dma source(%dma_start3A_498 : memref<1x1024xi32, #tpu.memory_space<hbm>>) target(%arg5 : memref<1x1024xi32, #tpu.memory_space<vmem>>) target_semaphore(%arg9 : memref<!tpu.dma_semaphore, #tpu.memory_space<semaphore_mem>>)
    %add3A_499 = arith.constant 64 : i32
    %add3A_500 = arith.addi %add3A, %add3A_499 : i32
    %jit3A_501 = arith.constant 4 : i32
    %div3A_502 = arith.divsi %add3A_500, %jit3A_501 : i32
    %sign3A_503 = arith.constant 0 : i32
    %sign3A_504 = arith.cmpi sgt, %add3A_500, %sign3A_503 : i32
    %sign3A_505 = arith.extui %sign3A_504 : i1 to i32
    %sign3A_506 = arith.constant 0 : i32
    %sign3A_507 = arith.cmpi slt, %add3A_500, %sign3A_506 : i32
    %sign3A_508 = arith.extui %sign3A_507 : i1 to i32
    %sign3A_509 = arith.subi %sign3A_505, %sign3A_508 : i32
    %sign3A_510 = arith.constant 0 : i32
    %sign3A_511 = arith.cmpi sgt, %jit3A_501, %sign3A_510 : i32
    %sign3A_512 = arith.extui %sign3A_511 : i1 to i32
    %sign3A_513 = arith.constant 0 : i32
    %sign3A_514 = arith.cmpi slt, %jit3A_501, %sign3A_513 : i32
    %sign3A_515 = arith.extui %sign3A_514 : i1 to i32
    %sign3A_516 = arith.subi %sign3A_512, %sign3A_515 : i32
    %ne3A_517 = arith.cmpi ne, %sign3A_509, %sign3A_516 : i32
    %rem3A_518 = arith.remsi %add3A_500, %jit3A_501 : i32
    %ne3A_519 = arith.constant 0 : i32
    %ne3A_520 = arith.cmpi ne, %rem3A_518, %ne3A_519 : i32
    %and3A_521 = arith.andi %ne3A_517, %ne3A_520 : i1
    %sub3A_522 = arith.constant 1 : i32
    %sub3A_523 = arith.subi %div3A_502, %sub3A_522 : i32
    %select_n3A_524 = arith.select %and3A_521, %sub3A_523, %div3A_502 : i32
    %rem3A_525 = arith.constant 4 : i32
    %rem3A_526 = arith.remsi %add3A_500, %rem3A_525 : i32
    %mul3A_527 = arith.constant 1024 : i32
    %mul3A_528 = arith.muli %rem3A_526, %mul3A_527 : i32
    %dma_start3A_529 = arith.constant 0 : i32
    %dma_start3A_530 = tpu.memref_slice %arg4[%select_n3A_524, %mul3A_528, %dma_start3A_529] : memref<200x4096x32xf32, #tpu.memory_space<hbm>> -> memref<1x1024x32xf32, #tpu.memory_space<hbm>>
    %dma_start3A_531 = arith.constant 0 : i32
    %dma_start3A_532 = tpu.memref_slice %arg4[%select_n3A_524, %mul3A_528, %dma_start3A_531] : memref<200x4096x32xf32, #tpu.memory_space<hbm>> -> memref<1x1024x32xf32, #tpu.memory_space<hbm>>
    tpu.enqueue_dma source(%arg7 : memref<1x1024x32xf32, #tpu.memory_space<vmem>>) target(%dma_start3A_532 : memref<1x1024x32xf32, #tpu.memory_space<hbm>>) target_semaphore(%arg13 : memref<!tpu.dma_semaphore, #tpu.memory_space<semaphore_mem>>)
    %add3A_533 = arith.constant 128 : i32
    %add3A_534 = arith.addi %add3A, %add3A_533 : i32
    %jit3A_535 = arith.constant 4 : i32
    %div3A_536 = arith.divsi %add3A_534, %jit3A_535 : i32
    %sign3A_537 = arith.constant 0 : i32
    %sign3A_538 = arith.cmpi sgt, %add3A_534, %sign3A_537 : i32
    %sign3A_539 = arith.extui %sign3A_538 : i1 to i32
    %sign3A_540 = arith.constant 0 : i32
    %sign3A_541 = arith.cmpi slt, %add3A_534, %sign3A_540 : i32
    %sign3A_542 = arith.extui %sign3A_541 : i1 to i32
    %sign3A_543 = arith.subi %sign3A_539, %sign3A_542 : i32
    %sign3A_544 = arith.constant 0 : i32
    %sign3A_545 = arith.cmpi sgt, %jit3A_535, %sign3A_544 : i32
    %sign3A_546 = arith.extui %sign3A_545 : i1 to i32
    %sign3A_547 = arith.constant 0 : i32
    %sign3A_548 = arith.cmpi slt, %jit3A_535, %sign3A_547 : i32
    %sign3A_549 = arith.extui %sign3A_548 : i1 to i32
    %sign3A_550 = arith.subi %sign3A_546, %sign3A_549 : i32
    %ne3A_551 = arith.cmpi ne, %sign3A_543, %sign3A_550 : i32
    %rem3A_552 = arith.remsi %add3A_534, %jit3A_535 : i32
    %ne3A_553 = arith.constant 0 : i32
    %ne3A_554 = arith.cmpi ne, %rem3A_552, %ne3A_553 : i32
    %and3A_555 = arith.andi %ne3A_551, %ne3A_554 : i1
    %sub3A_556 = arith.constant 1 : i32
    %sub3A_557 = arith.subi %div3A_536, %sub3A_556 : i32
    %select_n3A_558 = arith.select %and3A_555, %sub3A_557, %div3A_536 : i32
    %rem3A_559 = arith.constant 4 : i32
    %rem3A_560 = arith.remsi %add3A_534, %rem3A_559 : i32
    %mul3A_561 = arith.constant 1024 : i32
    %mul3A_562 = arith.muli %rem3A_560, %mul3A_561 : i32
    %dma_wait3A_563 = tpu.memref_slice %arg3[%select_n3A_558, %mul3A_562] : memref<200x4096xi32, #tpu.memory_space<hbm>> -> memref<1x1024xi32, #tpu.memory_space<hbm>>
    %dma_wait3A_564 = tpu.memref_slice %arg3[%select_n3A_558, %mul3A_562] : memref<200x4096xi32, #tpu.memory_space<hbm>> -> memref<1x1024xi32, #tpu.memory_space<hbm>>
    tpu.wait_dma2 semaphore(%arg9 : memref<!tpu.dma_semaphore, #tpu.memory_space<semaphore_mem>>) src(%dma_wait3A_564 : memref<1x1024xi32, #tpu.memory_space<hbm>>) dst(%arg5 : memref<1x1024xi32, #tpu.memory_space<vmem>>)
    %add3A_565 = arith.constant 64 : i32
    %add3A_566 = arith.addi %add3A, %add3A_565 : i32
    %jit3A_567 = arith.constant 4 : i32
    %div3A_568 = arith.divsi %add3A_566, %jit3A_567 : i32
    %sign3A_569 = arith.constant 0 : i32
    %sign3A_570 = arith.cmpi sgt, %add3A_566, %sign3A_569 : i32
    %sign3A_571 = arith.extui %sign3A_570 : i1 to i32
    %sign3A_572 = arith.constant 0 : i32
    %sign3A_573 = arith.cmpi slt, %add3A_566, %sign3A_572 : i32
    %sign3A_574 = arith.extui %sign3A_573 : i1 to i32
    %sign3A_575 = arith.subi %sign3A_571, %sign3A_574 : i32
    %sign3A_576 = arith.constant 0 : i32
    %sign3A_577 = arith.cmpi sgt, %jit3A_567, %sign3A_576 : i32
    %sign3A_578 = arith.extui %sign3A_577 : i1 to i32
    %sign3A_579 = arith.constant 0 : i32
    %sign3A_580 = arith.cmpi slt, %jit3A_567, %sign3A_579 : i32
    %sign3A_581 = arith.extui %sign3A_580 : i1 to i32
    %sign3A_582 = arith.subi %sign3A_578, %sign3A_581 : i32
    %ne3A_583 = arith.cmpi ne, %sign3A_575, %sign3A_582 : i32
    %rem3A_584 = arith.remsi %add3A_566, %jit3A_567 : i32
    %ne3A_585 = arith.constant 0 : i32
    %ne3A_586 = arith.cmpi ne, %rem3A_584, %ne3A_585 : i32
    %and3A_587 = arith.andi %ne3A_583, %ne3A_586 : i1
    %sub3A_588 = arith.constant 1 : i32
    %sub3A_589 = arith.subi %div3A_568, %sub3A_588 : i32
    %select_n3A_590 = arith.select %and3A_587, %sub3A_589, %div3A_568 : i32
    %rem3A_591 = arith.constant 4 : i32
    %rem3A_592 = arith.remsi %add3A_566, %rem3A_591 : i32
    %mul3A_593 = arith.constant 1024 : i32
    %mul3A_594 = arith.muli %rem3A_592, %mul3A_593 : i32
    %dma_wait3A_595 = arith.constant 0 : i32
    %dma_wait3A_596 = tpu.memref_slice %arg4[%select_n3A_590, %mul3A_594, %dma_wait3A_595] : memref<200x4096x32xf32, #tpu.memory_space<hbm>> -> memref<1x1024x32xf32, #tpu.memory_space<hbm>>
    %dma_wait3A_597 = arith.constant 0 : i32
    %dma_wait3A_598 = tpu.memref_slice %arg4[%select_n3A_590, %mul3A_594, %dma_wait3A_597] : memref<200x4096x32xf32, #tpu.memory_space<hbm>> -> memref<1x1024x32xf32, #tpu.memory_space<hbm>>
    tpu.wait_dma2 semaphore(%arg13 : memref<!tpu.dma_semaphore, #tpu.memory_space<semaphore_mem>>) src(%arg7 : memref<1x1024x32xf32, #tpu.memory_space<vmem>>) dst(%dma_wait3A_598 : memref<1x1024x32xf32, #tpu.memory_space<hbm>>)
    %dma_start3A_599 = arith.constant 0 : i32
    %dma_start3A_600 = arith.constant 0 : i32
    %dma_start3A_601 = arith.constant 0 : i32
    %dma_start3A_602 = arith.constant 0 : i32
    %dma_start3A_603 = tpu.memref_slice %arg7[%dma_start3A_600, %dma_start3A_601, %dma_start3A_602] : memref<1x1024x32xf32, #tpu.memory_space<vmem>> -> memref<1x1024x32xf32, #tpu.memory_space<vmem>>
    %dma_start3A_604 = tpu.memref_squeeze %dma_start3A_603 : memref<1x1024x32xf32, #tpu.memory_space<vmem>> -> memref<1024x32xf32, #tpu.memory_space<vmem>>
    %dma_start3A_605 = arith.constant 0 : i32
    %dma_start3A_606 = tpu.memref_slice %arg5[%dma_start3A_599, %dma_start3A_605] : memref<1x1024xi32, #tpu.memory_space<vmem>> -> memref<1x1024xi32, #tpu.memory_space<vmem>>
    %dma_start3A_607 = tpu.memref_squeeze %dma_start3A_606 : memref<1x1024xi32, #tpu.memory_space<vmem>> -> memref<1024xi32, #tpu.memory_space<vmem>>
    %dma_start3A_608 = arith.constant 0 : i32
    %dma_start3A_609 = arith.constant 0 : i32
    %dma_start3A_610 = tpu.memref_slice %arg2[%dma_start3A_608, %dma_start3A_609] : memref<1000000x32xf32, #tpu.memory_space<hbm>> -> memref<1000000x32xf32, #tpu.memory_space<hbm>>
    tpu.enqueue_indirect_dma source(%dma_start3A_610 : memref<1000000x32xf32, #tpu.memory_space<hbm>>) target(%dma_start3A_604 : memref<1024x32xf32, #tpu.memory_space<vmem>>) offsets(%dma_start3A_607 : memref<1024xi32, #tpu.memory_space<vmem>>) semaphore(%arg11 : memref<!tpu.dma_semaphore, #tpu.memory_space<semaphore_mem>>)
    %dma_wait3A_611 = arith.constant 0 : i32
    %dma_wait3A_612 = arith.constant 0 : i32
    %dma_wait3A_613 = arith.constant 0 : i32
    %dma_wait3A_614 = arith.constant 0 : i32
    %dma_wait3A_615 = tpu.memref_slice %arg8[%dma_wait3A_612, %dma_wait3A_613, %dma_wait3A_614] : memref<1x1024x32xf32, #tpu.memory_space<vmem>> -> memref<1x1024x32xf32, #tpu.memory_space<vmem>>
    %dma_wait3A_616 = tpu.memref_squeeze %dma_wait3A_615 : memref<1x1024x32xf32, #tpu.memory_space<vmem>> -> memref<1024x32xf32, #tpu.memory_space<vmem>>
    %dma_wait3A_617 = arith.constant 0 : i32
    %dma_wait3A_618 = tpu.memref_slice %arg6[%dma_wait3A_611, %dma_wait3A_617] : memref<1x1024xi32, #tpu.memory_space<vmem>> -> memref<1x1024xi32, #tpu.memory_space<vmem>>
    %dma_wait3A_619 = tpu.memref_squeeze %dma_wait3A_618 : memref<1x1024xi32, #tpu.memory_space<vmem>> -> memref<1024xi32, #tpu.memory_space<vmem>>
    %dma_wait3A_620 = arith.constant 0 : i32
    %dma_wait3A_621 = arith.constant 0 : i32
    %dma_wait3A_622 = tpu.memref_slice %arg2[%dma_wait3A_620, %dma_wait3A_621] : memref<1000000x32xf32, #tpu.memory_space<hbm>> -> memref<1000000x32xf32, #tpu.memory_space<hbm>>
    tpu.wait_indirect_dma semaphore(%arg12 : memref<!tpu.dma_semaphore, #tpu.memory_space<semaphore_mem>>) src(%dma_wait3A_622 : memref<1000000x32xf32, #tpu.memory_space<hbm>>) dst(%dma_wait3A_616 : memref<1024x32xf32, #tpu.memory_space<vmem>>)
    %add3A_623 = arith.constant 160 : i32
    %add3A_624 = arith.addi %add3A, %add3A_623 : i32
    %jit3A_625 = arith.constant 4 : i32
    %div3A_626 = arith.divsi %add3A_624, %jit3A_625 : i32
    %sign3A_627 = arith.constant 0 : i32
    %sign3A_628 = arith.cmpi sgt, %add3A_624, %sign3A_627 : i32
    %sign3A_629 = arith.extui %sign3A_628 : i1 to i32
    %sign3A_630 = arith.constant 0 : i32
    %sign3A_631 = arith.cmpi slt, %add3A_624, %sign3A_630 : i32
    %sign3A_632 = arith.extui %sign3A_631 : i1 to i32
    %sign3A_633 = arith.subi %sign3A_629, %sign3A_632 : i32
    %sign3A_634 = arith.constant 0 : i32
    %sign3A_635 = arith.cmpi sgt, %jit3A_625, %sign3A_634 : i32
    %sign3A_636 = arith.extui %sign3A_635 : i1 to i32
    %sign3A_637 = arith.constant 0 : i32
    %sign3A_638 = arith.cmpi slt, %jit3A_625, %sign3A_637 : i32
    %sign3A_639 = arith.extui %sign3A_638 : i1 to i32
    %sign3A_640 = arith.subi %sign3A_636, %sign3A_639 : i32
    %ne3A_641 = arith.cmpi ne, %sign3A_633, %sign3A_640 : i32
    %rem3A_642 = arith.remsi %add3A_624, %jit3A_625 : i32
    %ne3A_643 = arith.constant 0 : i32
    %ne3A_644 = arith.cmpi ne, %rem3A_642, %ne3A_643 : i32
    %and3A_645 = arith.andi %ne3A_641, %ne3A_644 : i1
    %sub3A_646 = arith.constant 1 : i32
    %sub3A_647 = arith.subi %div3A_626, %sub3A_646 : i32
    %select_n3A_648 = arith.select %and3A_645, %sub3A_647, %div3A_626 : i32
    %rem3A_649 = arith.constant 4 : i32
    %rem3A_650 = arith.remsi %add3A_624, %rem3A_649 : i32
    %mul3A_651 = arith.constant 1024 : i32
    %mul3A_652 = arith.muli %rem3A_650, %mul3A_651 : i32
    %dma_start3A_653 = tpu.memref_slice %arg3[%select_n3A_648, %mul3A_652] : memref<200x4096xi32, #tpu.memory_space<hbm>> -> memref<1x1024xi32, #tpu.memory_space<hbm>>
    %dma_start3A_654 = tpu.memref_slice %arg3[%select_n3A_648, %mul3A_652] : memref<200x4096xi32, #tpu.memory_space<hbm>> -> memref<1x1024xi32, #tpu.memory_space<hbm>>
    tpu.enqueue_dma source(%dma_start3A_654 : memref<1x1024xi32, #tpu.memory_space<hbm>>) target(%arg6 : memref<1x1024xi32, #tpu.memory_space<vmem>>) target_semaphore(%arg10 : memref<!tpu.dma_semaphore, #tpu.memory_space<semaphore_mem>>)
    %add3A_655 = arith.constant 96 : i32
    %add3A_656 = arith.addi %add3A, %add3A_655 : i32
    %jit3A_657 = arith.constant 4 : i32
    %div3A_658 = arith.divsi %add3A_656, %jit3A_657 : i32
    %sign3A_659 = arith.constant 0 : i32
    %sign3A_660 = arith.cmpi sgt, %add3A_656, %sign3A_659 : i32
    %sign3A_661 = arith.extui %sign3A_660 : i1 to i32
    %sign3A_662 = arith.constant 0 : i32
    %sign3A_663 = arith.cmpi slt, %add3A_656, %sign3A_662 : i32
    %sign3A_664 = arith.extui %sign3A_663 : i1 to i32
    %sign3A_665 = arith.subi %sign3A_661, %sign3A_664 : i32
    %sign3A_666 = arith.constant 0 : i32
    %sign3A_667 = arith.cmpi sgt, %jit3A_657, %sign3A_666 : i32
    %sign3A_668 = arith.extui %sign3A_667 : i1 to i32
    %sign3A_669 = arith.constant 0 : i32
    %sign3A_670 = arith.cmpi slt, %jit3A_657, %sign3A_669 : i32
    %sign3A_671 = arith.extui %sign3A_670 : i1 to i32
    %sign3A_672 = arith.subi %sign3A_668, %sign3A_671 : i32
    %ne3A_673 = arith.cmpi ne, %sign3A_665, %sign3A_672 : i32
    %rem3A_674 = arith.remsi %add3A_656, %jit3A_657 : i32
    %ne3A_675 = arith.constant 0 : i32
    %ne3A_676 = arith.cmpi ne, %rem3A_674, %ne3A_675 : i32
    %and3A_677 = arith.andi %ne3A_673, %ne3A_676 : i1
    %sub3A_678 = arith.constant 1 : i32
    %sub3A_679 = arith.subi %div3A_658, %sub3A_678 : i32
    %select_n3A_680 = arith.select %and3A_677, %sub3A_679, %div3A_658 : i32
    %rem3A_681 = arith.constant 4 : i32
    %rem3A_682 = arith.remsi %add3A_656, %rem3A_681 : i32
    %mul3A_683 = arith.constant 1024 : i32
    %mul3A_684 = arith.muli %rem3A_682, %mul3A_683 : i32
    %dma_start3A_685 = arith.constant 0 : i32
    %dma_start3A_686 = tpu.memref_slice %arg4[%select_n3A_680, %mul3A_684, %dma_start3A_685] : memref<200x4096x32xf32, #tpu.memory_space<hbm>> -> memref<1x1024x32xf32, #tpu.memory_space<hbm>>
    %dma_start3A_687 = arith.constant 0 : i32
    %dma_start3A_688 = tpu.memref_slice %arg4[%select_n3A_680, %mul3A_684, %dma_start3A_687] : memref<200x4096x32xf32, #tpu.memory_space<hbm>> -> memref<1x1024x32xf32, #tpu.memory_space<hbm>>
    tpu.enqueue_dma source(%arg8 : memref<1x1024x32xf32, #tpu.memory_space<vmem>>) target(%dma_start3A_688 : memref<1x1024x32xf32, #tpu.memory_space<hbm>>) target_semaphore(%arg14 : memref<!tpu.dma_semaphore, #tpu.memory_space<semaphore_mem>>)
    %add3A_689 = arith.constant 160 : i32
    %add3A_690 = arith.addi %add3A, %add3A_689 : i32
    %jit3A_691 = arith.constant 4 : i32
    %div3A_692 = arith.divsi %add3A_690, %jit3A_691 : i32
    %sign3A_693 = arith.constant 0 : i32
    %sign3A_694 = arith.cmpi sgt, %add3A_690, %sign3A_693 : i32
    %sign3A_695 = arith.extui %sign3A_694 : i1 to i32
    %sign3A_696 = arith.constant 0 : i32
    %sign3A_697 = arith.cmpi slt, %add3A_690, %sign3A_696 : i32
    %sign3A_698 = arith.extui %sign3A_697 : i1 to i32
    %sign3A_699 = arith.subi %sign3A_695, %sign3A_698 : i32
    %sign3A_700 = arith.constant 0 : i32
    %sign3A_701 = arith.cmpi sgt, %jit3A_691, %sign3A_700 : i32
    %sign3A_702 = arith.extui %sign3A_701 : i1 to i32
    %sign3A_703 = arith.constant 0 : i32
    %sign3A_704 = arith.cmpi slt, %jit3A_691, %sign3A_703 : i32
    %sign3A_705 = arith.extui %sign3A_704 : i1 to i32
    %sign3A_706 = arith.subi %sign3A_702, %sign3A_705 : i32
    %ne3A_707 = arith.cmpi ne, %sign3A_699, %sign3A_706 : i32
    %rem3A_708 = arith.remsi %add3A_690, %jit3A_691 : i32
    %ne3A_709 = arith.constant 0 : i32
    %ne3A_710 = arith.cmpi ne, %rem3A_708, %ne3A_709 : i32
    %and3A_711 = arith.andi %ne3A_707, %ne3A_710 : i1
    %sub3A_712 = arith.constant 1 : i32
    %sub3A_713 = arith.subi %div3A_692, %sub3A_712 : i32
    %select_n3A_714 = arith.select %and3A_711, %sub3A_713, %div3A_692 : i32
    %rem3A_715 = arith.constant 4 : i32
    %rem3A_716 = arith.remsi %add3A_690, %rem3A_715 : i32
    %mul3A_717 = arith.constant 1024 : i32
    %mul3A_718 = arith.muli %rem3A_716, %mul3A_717 : i32
    %dma_wait3A_719 = tpu.memref_slice %arg3[%select_n3A_714, %mul3A_718] : memref<200x4096xi32, #tpu.memory_space<hbm>> -> memref<1x1024xi32, #tpu.memory_space<hbm>>
    %dma_wait3A_720 = tpu.memref_slice %arg3[%select_n3A_714, %mul3A_718] : memref<200x4096xi32, #tpu.memory_space<hbm>> -> memref<1x1024xi32, #tpu.memory_space<hbm>>
    tpu.wait_dma2 semaphore(%arg10 : memref<!tpu.dma_semaphore, #tpu.memory_space<semaphore_mem>>) src(%dma_wait3A_720 : memref<1x1024xi32, #tpu.memory_space<hbm>>) dst(%arg6 : memref<1x1024xi32, #tpu.memory_space<vmem>>)
    %add3A_721 = arith.constant 96 : i32
    %add3A_722 = arith.addi %add3A, %add3A_721 : i32
    %jit3A_723 = arith.constant 4 : i32
    %div3A_724 = arith.divsi %add3A_722, %jit3A_723 : i32
    %sign3A_725 = arith.constant 0 : i32
    %sign3A_726 = arith.cmpi sgt, %add3A_722, %sign3A_725 : i32
    %sign3A_727 = arith.extui %sign3A_726 : i1 to i32
    %sign3A_728 = arith.constant 0 : i32
    %sign3A_729 = arith.cmpi slt, %add3A_722, %sign3A_728 : i32
    %sign3A_730 = arith.extui %sign3A_729 : i1 to i32
    %sign3A_731 = arith.subi %sign3A_727, %sign3A_730 : i32
    %sign3A_732 = arith.constant 0 : i32
    %sign3A_733 = arith.cmpi sgt, %jit3A_723, %sign3A_732 : i32
    %sign3A_734 = arith.extui %sign3A_733 : i1 to i32
    %sign3A_735 = arith.constant 0 : i32
    %sign3A_736 = arith.cmpi slt, %jit3A_723, %sign3A_735 : i32
    %sign3A_737 = arith.extui %sign3A_736 : i1 to i32
    %sign3A_738 = arith.subi %sign3A_734, %sign3A_737 : i32
    %ne3A_739 = arith.cmpi ne, %sign3A_731, %sign3A_738 : i32
    %rem3A_740 = arith.remsi %add3A_722, %jit3A_723 : i32
    %ne3A_741 = arith.constant 0 : i32
    %ne3A_742 = arith.cmpi ne, %rem3A_740, %ne3A_741 : i32
    %and3A_743 = arith.andi %ne3A_739, %ne3A_742 : i1
    %sub3A_744 = arith.constant 1 : i32
    %sub3A_745 = arith.subi %div3A_724, %sub3A_744 : i32
    %select_n3A_746 = arith.select %and3A_743, %sub3A_745, %div3A_724 : i32
    %rem3A_747 = arith.constant 4 : i32
    %rem3A_748 = arith.remsi %add3A_722, %rem3A_747 : i32
    %mul3A_749 = arith.constant 1024 : i32
    %mul3A_750 = arith.muli %rem3A_748, %mul3A_749 : i32
    %dma_wait3A_751 = arith.constant 0 : i32
    %dma_wait3A_752 = tpu.memref_slice %arg4[%select_n3A_746, %mul3A_750, %dma_wait3A_751] : memref<200x4096x32xf32, #tpu.memory_space<hbm>> -> memref<1x1024x32xf32, #tpu.memory_space<hbm>>
    %dma_wait3A_753 = arith.constant 0 : i32
    %dma_wait3A_754 = tpu.memref_slice %arg4[%select_n3A_746, %mul3A_750, %dma_wait3A_753] : memref<200x4096x32xf32, #tpu.memory_space<hbm>> -> memref<1x1024x32xf32, #tpu.memory_space<hbm>>
    tpu.wait_dma2 semaphore(%arg14 : memref<!tpu.dma_semaphore, #tpu.memory_space<semaphore_mem>>) src(%arg8 : memref<1x1024x32xf32, #tpu.memory_space<vmem>>) dst(%dma_wait3A_754 : memref<1x1024x32xf32, #tpu.memory_space<hbm>>)
    %dma_start3A_755 = arith.constant 0 : i32
    %dma_start3A_756 = arith.constant 0 : i32
    %dma_start3A_757 = arith.constant 0 : i32
    %dma_start3A_758 = arith.constant 0 : i32
    %dma_start3A_759 = tpu.memref_slice %arg8[%dma_start3A_756, %dma_start3A_757, %dma_start3A_758] : memref<1x1024x32xf32, #tpu.memory_space<vmem>> -> memref<1x1024x32xf32, #tpu.memory_space<vmem>>
    %dma_start3A_760 = tpu.memref_squeeze %dma_start3A_759 : memref<1x1024x32xf32, #tpu.memory_space<vmem>> -> memref<1024x32xf32, #tpu.memory_space<vmem>>
    %dma_start3A_761 = arith.constant 0 : i32
    %dma_start3A_762 = tpu.memref_slice %arg6[%dma_start3A_755, %dma_start3A_761] : memref<1x1024xi32, #tpu.memory_space<vmem>> -> memref<1x1024xi32, #tpu.memory_space<vmem>>
    %dma_start3A_763 = tpu.memref_squeeze %dma_start3A_762 : memref<1x1024xi32, #tpu.memory_space<vmem>> -> memref<1024xi32, #tpu.memory_space<vmem>>
    %dma_start3A_764 = arith.constant 0 : i32
    %dma_start3A_765 = arith.constant 0 : i32
    %dma_start3A_766 = tpu.memref_slice %arg2[%dma_start3A_764, %dma_start3A_765] : memref<1000000x32xf32, #tpu.memory_space<hbm>> -> memref<1000000x32xf32, #tpu.memory_space<hbm>>
    tpu.enqueue_indirect_dma source(%dma_start3A_766 : memref<1000000x32xf32, #tpu.memory_space<hbm>>) target(%dma_start3A_760 : memref<1024x32xf32, #tpu.memory_space<vmem>>) offsets(%dma_start3A_763 : memref<1024xi32, #tpu.memory_space<vmem>>) semaphore(%arg12 : memref<!tpu.dma_semaphore, #tpu.memory_space<semaphore_mem>>)
    %dma_wait3A_767 = arith.constant 0 : i32
    %dma_wait3A_768 = arith.constant 0 : i32
    %dma_wait3A_769 = arith.constant 0 : i32
    %dma_wait3A_770 = arith.constant 0 : i32
    %dma_wait3A_771 = tpu.memref_slice %arg7[%dma_wait3A_768, %dma_wait3A_769, %dma_wait3A_770] : memref<1x1024x32xf32, #tpu.memory_space<vmem>> -> memref<1x1024x32xf32, #tpu.memory_space<vmem>>
    %dma_wait3A_772 = tpu.memref_squeeze %dma_wait3A_771 : memref<1x1024x32xf32, #tpu.memory_space<vmem>> -> memref<1024x32xf32, #tpu.memory_space<vmem>>
    %dma_wait3A_773 = arith.constant 0 : i32
    %dma_wait3A_774 = tpu.memref_slice %arg5[%dma_wait3A_767, %dma_wait3A_773] : memref<1x1024xi32, #tpu.memory_space<vmem>> -> memref<1x1024xi32, #tpu.memory_space<vmem>>
    %dma_wait3A_775 = tpu.memref_squeeze %dma_wait3A_774 : memref<1x1024xi32, #tpu.memory_space<vmem>> -> memref<1024xi32, #tpu.memory_space<vmem>>
    %dma_wait3A_776 = arith.constant 0 : i32
    %dma_wait3A_777 = arith.constant 0 : i32
    %dma_wait3A_778 = tpu.memref_slice %arg2[%dma_wait3A_776, %dma_wait3A_777] : memref<1000000x32xf32, #tpu.memory_space<hbm>> -> memref<1000000x32xf32, #tpu.memory_space<hbm>>
    tpu.wait_indirect_dma semaphore(%arg11 : memref<!tpu.dma_semaphore, #tpu.memory_space<semaphore_mem>>) src(%dma_wait3A_778 : memref<1000000x32xf32, #tpu.memory_space<hbm>>) dst(%dma_wait3A_772 : memref<1024x32xf32, #tpu.memory_space<vmem>>)
    %add3A_779 = arith.constant 192 : i32
    %add3A_780 = arith.addi %add3A, %add3A_779 : i32
    %jit3A_781 = arith.constant 4 : i32
    %div3A_782 = arith.divsi %add3A_780, %jit3A_781 : i32
    %sign3A_783 = arith.constant 0 : i32
    %sign3A_784 = arith.cmpi sgt, %add3A_780, %sign3A_783 : i32
    %sign3A_785 = arith.extui %sign3A_784 : i1 to i32
    %sign3A_786 = arith.constant 0 : i32
    %sign3A_787 = arith.cmpi slt, %add3A_780, %sign3A_786 : i32
    %sign3A_788 = arith.extui %sign3A_787 : i1 to i32
    %sign3A_789 = arith.subi %sign3A_785, %sign3A_788 : i32
    %sign3A_790 = arith.constant 0 : i32
    %sign3A_791 = arith.cmpi sgt, %jit3A_781, %sign3A_790 : i32
    %sign3A_792 = arith.extui %sign3A_791 : i1 to i32
    %sign3A_793 = arith.constant 0 : i32
    %sign3A_794 = arith.cmpi slt, %jit3A_781, %sign3A_793 : i32
    %sign3A_795 = arith.extui %sign3A_794 : i1 to i32
    %sign3A_796 = arith.subi %sign3A_792, %sign3A_795 : i32
    %ne3A_797 = arith.cmpi ne, %sign3A_789, %sign3A_796 : i32
    %rem3A_798 = arith.remsi %add3A_780, %jit3A_781 : i32
    %ne3A_799 = arith.constant 0 : i32
    %ne3A_800 = arith.cmpi ne, %rem3A_798, %ne3A_799 : i32
    %and3A_801 = arith.andi %ne3A_797, %ne3A_800 : i1
    %sub3A_802 = arith.constant 1 : i32
    %sub3A_803 = arith.subi %div3A_782, %sub3A_802 : i32
    %select_n3A_804 = arith.select %and3A_801, %sub3A_803, %div3A_782 : i32
    %rem3A_805 = arith.constant 4 : i32
    %rem3A_806 = arith.remsi %add3A_780, %rem3A_805 : i32
    %mul3A_807 = arith.constant 1024 : i32
    %mul3A_808 = arith.muli %rem3A_806, %mul3A_807 : i32
    %dma_start3A_809 = tpu.memref_slice %arg3[%select_n3A_804, %mul3A_808] : memref<200x4096xi32, #tpu.memory_space<hbm>> -> memref<1x1024xi32, #tpu.memory_space<hbm>>
    %dma_start3A_810 = tpu.memref_slice %arg3[%select_n3A_804, %mul3A_808] : memref<200x4096xi32, #tpu.memory_space<hbm>> -> memref<1x1024xi32, #tpu.memory_space<hbm>>
    tpu.enqueue_dma source(%dma_start3A_810 : memref<1x1024xi32, #tpu.memory_space<hbm>>) target(%arg5 : memref<1x1024xi32, #tpu.memory_space<vmem>>) target_semaphore(%arg9 : memref<!tpu.dma_semaphore, #tpu.memory_space<semaphore_mem>>)
    %add3A_811 = arith.constant 128 : i32
    %add3A_812 = arith.addi %add3A, %add3A_811 : i32
    %jit3A_813 = arith.constant 4 : i32
    %div3A_814 = arith.divsi %add3A_812, %jit3A_813 : i32
    %sign3A_815 = arith.constant 0 : i32
    %sign3A_816 = arith.cmpi sgt, %add3A_812, %sign3A_815 : i32
    %sign3A_817 = arith.extui %sign3A_816 : i1 to i32
    %sign3A_818 = arith.constant 0 : i32
    %sign3A_819 = arith.cmpi slt, %add3A_812, %sign3A_818 : i32
    %sign3A_820 = arith.extui %sign3A_819 : i1 to i32
    %sign3A_821 = arith.subi %sign3A_817, %sign3A_820 : i32
    %sign3A_822 = arith.constant 0 : i32
    %sign3A_823 = arith.cmpi sgt, %jit3A_813, %sign3A_822 : i32
    %sign3A_824 = arith.extui %sign3A_823 : i1 to i32
    %sign3A_825 = arith.constant 0 : i32
    %sign3A_826 = arith.cmpi slt, %jit3A_813, %sign3A_825 : i32
    %sign3A_827 = arith.extui %sign3A_826 : i1 to i32
    %sign3A_828 = arith.subi %sign3A_824, %sign3A_827 : i32
    %ne3A_829 = arith.cmpi ne, %sign3A_821, %sign3A_828 : i32
    %rem3A_830 = arith.remsi %add3A_812, %jit3A_813 : i32
    %ne3A_831 = arith.constant 0 : i32
    %ne3A_832 = arith.cmpi ne, %rem3A_830, %ne3A_831 : i32
    %and3A_833 = arith.andi %ne3A_829, %ne3A_832 : i1
    %sub3A_834 = arith.constant 1 : i32
    %sub3A_835 = arith.subi %div3A_814, %sub3A_834 : i32
    %select_n3A_836 = arith.select %and3A_833, %sub3A_835, %div3A_814 : i32
    %rem3A_837 = arith.constant 4 : i32
    %rem3A_838 = arith.remsi %add3A_812, %rem3A_837 : i32
    %mul3A_839 = arith.constant 1024 : i32
    %mul3A_840 = arith.muli %rem3A_838, %mul3A_839 : i32
    %dma_start3A_841 = arith.constant 0 : i32
    %dma_start3A_842 = tpu.memref_slice %arg4[%select_n3A_836, %mul3A_840, %dma_start3A_841] : memref<200x4096x32xf32, #tpu.memory_space<hbm>> -> memref<1x1024x32xf32, #tpu.memory_space<hbm>>
    %dma_start3A_843 = arith.constant 0 : i32
    %dma_start3A_844 = tpu.memref_slice %arg4[%select_n3A_836, %mul3A_840, %dma_start3A_843] : memref<200x4096x32xf32, #tpu.memory_space<hbm>> -> memref<1x1024x32xf32, #tpu.memory_space<hbm>>
    tpu.enqueue_dma source(%arg7 : memref<1x1024x32xf32, #tpu.memory_space<vmem>>) target(%dma_start3A_844 : memref<1x1024x32xf32, #tpu.memory_space<hbm>>) target_semaphore(%arg13 : memref<!tpu.dma_semaphore, #tpu.memory_space<semaphore_mem>>)
    %add3A_845 = arith.constant 192 : i32
    %add3A_846 = arith.addi %add3A, %add3A_845 : i32
    %jit3A_847 = arith.constant 4 : i32
    %div3A_848 = arith.divsi %add3A_846, %jit3A_847 : i32
    %sign3A_849 = arith.constant 0 : i32
    %sign3A_850 = arith.cmpi sgt, %add3A_846, %sign3A_849 : i32
    %sign3A_851 = arith.extui %sign3A_850 : i1 to i32
    %sign3A_852 = arith.constant 0 : i32
    %sign3A_853 = arith.cmpi slt, %add3A_846, %sign3A_852 : i32
    %sign3A_854 = arith.extui %sign3A_853 : i1 to i32
    %sign3A_855 = arith.subi %sign3A_851, %sign3A_854 : i32
    %sign3A_856 = arith.constant 0 : i32
    %sign3A_857 = arith.cmpi sgt, %jit3A_847, %sign3A_856 : i32
    %sign3A_858 = arith.extui %sign3A_857 : i1 to i32
    %sign3A_859 = arith.constant 0 : i32
    %sign3A_860 = arith.cmpi slt, %jit3A_847, %sign3A_859 : i32
    %sign3A_861 = arith.extui %sign3A_860 : i1 to i32
    %sign3A_862 = arith.subi %sign3A_858, %sign3A_861 : i32
    %ne3A_863 = arith.cmpi ne, %sign3A_855, %sign3A_862 : i32
    %rem3A_864 = arith.remsi %add3A_846, %jit3A_847 : i32
    %ne3A_865 = arith.constant 0 : i32
    %ne3A_866 = arith.cmpi ne, %rem3A_864, %ne3A_865 : i32
    %and3A_867 = arith.andi %ne3A_863, %ne3A_866 : i1
    %sub3A_868 = arith.constant 1 : i32
    %sub3A_869 = arith.subi %div3A_848, %sub3A_868 : i32
    %select_n3A_870 = arith.select %and3A_867, %sub3A_869, %div3A_848 : i32
    %rem3A_871 = arith.constant 4 : i32
    %rem3A_872 = arith.remsi %add3A_846, %rem3A_871 : i32
    %mul3A_873 = arith.constant 1024 : i32
    %mul3A_874 = arith.muli %rem3A_872, %mul3A_873 : i32
    %dma_wait3A_875 = tpu.memref_slice %arg3[%select_n3A_870, %mul3A_874] : memref<200x4096xi32, #tpu.memory_space<hbm>> -> memref<1x1024xi32, #tpu.memory_space<hbm>>
    %dma_wait3A_876 = tpu.memref_slice %arg3[%select_n3A_870, %mul3A_874] : memref<200x4096xi32, #tpu.memory_space<hbm>> -> memref<1x1024xi32, #tpu.memory_space<hbm>>
    tpu.wait_dma2 semaphore(%arg9 : memref<!tpu.dma_semaphore, #tpu.memory_space<semaphore_mem>>) src(%dma_wait3A_876 : memref<1x1024xi32, #tpu.memory_space<hbm>>) dst(%arg5 : memref<1x1024xi32, #tpu.memory_space<vmem>>)
    %add3A_877 = arith.constant 128 : i32
    %add3A_878 = arith.addi %add3A, %add3A_877 : i32
    %jit3A_879 = arith.constant 4 : i32
    %div3A_880 = arith.divsi %add3A_878, %jit3A_879 : i32
    %sign3A_881 = arith.constant 0 : i32
    %sign3A_882 = arith.cmpi sgt, %add3A_878, %sign3A_881 : i32
    %sign3A_883 = arith.extui %sign3A_882 : i1 to i32
    %sign3A_884 = arith.constant 0 : i32
    %sign3A_885 = arith.cmpi slt, %add3A_878, %sign3A_884 : i32
    %sign3A_886 = arith.extui %sign3A_885 : i1 to i32
    %sign3A_887 = arith.subi %sign3A_883, %sign3A_886 : i32
    %sign3A_888 = arith.constant 0 : i32
    %sign3A_889 = arith.cmpi sgt, %jit3A_879, %sign3A_888 : i32
    %sign3A_890 = arith.extui %sign3A_889 : i1 to i32
    %sign3A_891 = arith.constant 0 : i32
    %sign3A_892 = arith.cmpi slt, %jit3A_879, %sign3A_891 : i32
    %sign3A_893 = arith.extui %sign3A_892 : i1 to i32
    %sign3A_894 = arith.subi %sign3A_890, %sign3A_893 : i32
    %ne3A_895 = arith.cmpi ne, %sign3A_887, %sign3A_894 : i32
    %rem3A_896 = arith.remsi %add3A_878, %jit3A_879 : i32
    %ne3A_897 = arith.constant 0 : i32
    %ne3A_898 = arith.cmpi ne, %rem3A_896, %ne3A_897 : i32
    %and3A_899 = arith.andi %ne3A_895, %ne3A_898 : i1
    %sub3A_900 = arith.constant 1 : i32
    %sub3A_901 = arith.subi %div3A_880, %sub3A_900 : i32
    %select_n3A_902 = arith.select %and3A_899, %sub3A_901, %div3A_880 : i32
    %rem3A_903 = arith.constant 4 : i32
    %rem3A_904 = arith.remsi %add3A_878, %rem3A_903 : i32
    %mul3A_905 = arith.constant 1024 : i32
    %mul3A_906 = arith.muli %rem3A_904, %mul3A_905 : i32
    %dma_wait3A_907 = arith.constant 0 : i32
    %dma_wait3A_908 = tpu.memref_slice %arg4[%select_n3A_902, %mul3A_906, %dma_wait3A_907] : memref<200x4096x32xf32, #tpu.memory_space<hbm>> -> memref<1x1024x32xf32, #tpu.memory_space<hbm>>
    %dma_wait3A_909 = arith.constant 0 : i32
    %dma_wait3A_910 = tpu.memref_slice %arg4[%select_n3A_902, %mul3A_906, %dma_wait3A_909] : memref<200x4096x32xf32, #tpu.memory_space<hbm>> -> memref<1x1024x32xf32, #tpu.memory_space<hbm>>
    tpu.wait_dma2 semaphore(%arg13 : memref<!tpu.dma_semaphore, #tpu.memory_space<semaphore_mem>>) src(%arg7 : memref<1x1024x32xf32, #tpu.memory_space<vmem>>) dst(%dma_wait3A_910 : memref<1x1024x32xf32, #tpu.memory_space<hbm>>)
    %dma_start3A_911 = arith.constant 0 : i32
    %dma_start3A_912 = arith.constant 0 : i32
    %dma_start3A_913 = arith.constant 0 : i32
    %dma_start3A_914 = arith.constant 0 : i32
    %dma_start3A_915 = tpu.memref_slice %arg7[%dma_start3A_912, %dma_start3A_913, %dma_start3A_914] : memref<1x1024x32xf32, #tpu.memory_space<vmem>> -> memref<1x1024x32xf32, #tpu.memory_space<vmem>>
    %dma_start3A_916 = tpu.memref_squeeze %dma_start3A_915 : memref<1x1024x32xf32, #tpu.memory_space<vmem>> -> memref<1024x32xf32, #tpu.memory_space<vmem>>
    %dma_start3A_917 = arith.constant 0 : i32
    %dma_start3A_918 = tpu.memref_slice %arg5[%dma_start3A_911, %dma_start3A_917] : memref<1x1024xi32, #tpu.memory_space<vmem>> -> memref<1x1024xi32, #tpu.memory_space<vmem>>
    %dma_start3A_919 = tpu.memref_squeeze %dma_start3A_918 : memref<1x1024xi32, #tpu.memory_space<vmem>> -> memref<1024xi32, #tpu.memory_space<vmem>>
    %dma_start3A_920 = arith.constant 0 : i32
    %dma_start3A_921 = arith.constant 0 : i32
    %dma_start3A_922 = tpu.memref_slice %arg2[%dma_start3A_920, %dma_start3A_921] : memref<1000000x32xf32, #tpu.memory_space<hbm>> -> memref<1000000x32xf32, #tpu.memory_space<hbm>>
    tpu.enqueue_indirect_dma source(%dma_start3A_922 : memref<1000000x32xf32, #tpu.memory_space<hbm>>) target(%dma_start3A_916 : memref<1024x32xf32, #tpu.memory_space<vmem>>) offsets(%dma_start3A_919 : memref<1024xi32, #tpu.memory_space<vmem>>) semaphore(%arg11 : memref<!tpu.dma_semaphore, #tpu.memory_space<semaphore_mem>>)
    %dma_wait3A_923 = arith.constant 0 : i32
    %dma_wait3A_924 = arith.constant 0 : i32
    %dma_wait3A_925 = arith.constant 0 : i32
    %dma_wait3A_926 = arith.constant 0 : i32
    %dma_wait3A_927 = tpu.memref_slice %arg8[%dma_wait3A_924, %dma_wait3A_925, %dma_wait3A_926] : memref<1x1024x32xf32, #tpu.memory_space<vmem>> -> memref<1x1024x32xf32, #tpu.memory_space<vmem>>
    %dma_wait3A_928 = tpu.memref_squeeze %dma_wait3A_927 : memref<1x1024x32xf32, #tpu.memory_space<vmem>> -> memref<1024x32xf32, #tpu.memory_space<vmem>>
    %dma_wait3A_929 = arith.constant 0 : i32
    %dma_wait3A_930 = tpu.memref_slice %arg6[%dma_wait3A_923, %dma_wait3A_929] : memref<1x1024xi32, #tpu.memory_space<vmem>> -> memref<1x1024xi32, #tpu.memory_space<vmem>>
    %dma_wait3A_931 = tpu.memref_squeeze %dma_wait3A_930 : memref<1x1024xi32, #tpu.memory_space<vmem>> -> memref<1024xi32, #tpu.memory_space<vmem>>
    %dma_wait3A_932 = arith.constant 0 : i32
    %dma_wait3A_933 = arith.constant 0 : i32
    %dma_wait3A_934 = tpu.memref_slice %arg2[%dma_wait3A_932, %dma_wait3A_933] : memref<1000000x32xf32, #tpu.memory_space<hbm>> -> memref<1000000x32xf32, #tpu.memory_space<hbm>>
    tpu.wait_indirect_dma semaphore(%arg12 : memref<!tpu.dma_semaphore, #tpu.memory_space<semaphore_mem>>) src(%dma_wait3A_934 : memref<1000000x32xf32, #tpu.memory_space<hbm>>) dst(%dma_wait3A_928 : memref<1024x32xf32, #tpu.memory_space<vmem>>)
    %add3A_935 = arith.constant 224 : i32
    %add3A_936 = arith.addi %add3A, %add3A_935 : i32
    %jit3A_937 = arith.constant 4 : i32
    %div3A_938 = arith.divsi %add3A_936, %jit3A_937 : i32
    %sign3A_939 = arith.constant 0 : i32
    %sign3A_940 = arith.cmpi sgt, %add3A_936, %sign3A_939 : i32
    %sign3A_941 = arith.extui %sign3A_940 : i1 to i32
    %sign3A_942 = arith.constant 0 : i32
    %sign3A_943 = arith.cmpi slt, %add3A_936, %sign3A_942 : i32
    %sign3A_944 = arith.extui %sign3A_943 : i1 to i32
    %sign3A_945 = arith.subi %sign3A_941, %sign3A_944 : i32
    %sign3A_946 = arith.constant 0 : i32
    %sign3A_947 = arith.cmpi sgt, %jit3A_937, %sign3A_946 : i32
    %sign3A_948 = arith.extui %sign3A_947 : i1 to i32
    %sign3A_949 = arith.constant 0 : i32
    %sign3A_950 = arith.cmpi slt, %jit3A_937, %sign3A_949 : i32
    %sign3A_951 = arith.extui %sign3A_950 : i1 to i32
    %sign3A_952 = arith.subi %sign3A_948, %sign3A_951 : i32
    %ne3A_953 = arith.cmpi ne, %sign3A_945, %sign3A_952 : i32
    %rem3A_954 = arith.remsi %add3A_936, %jit3A_937 : i32
    %ne3A_955 = arith.constant 0 : i32
    %ne3A_956 = arith.cmpi ne, %rem3A_954, %ne3A_955 : i32
    %and3A_957 = arith.andi %ne3A_953, %ne3A_956 : i1
    %sub3A_958 = arith.constant 1 : i32
    %sub3A_959 = arith.subi %div3A_938, %sub3A_958 : i32
    %select_n3A_960 = arith.select %and3A_957, %sub3A_959, %div3A_938 : i32
    %rem3A_961 = arith.constant 4 : i32
    %rem3A_962 = arith.remsi %add3A_936, %rem3A_961 : i32
    %mul3A_963 = arith.constant 1024 : i32
    %mul3A_964 = arith.muli %rem3A_962, %mul3A_963 : i32
    %dma_start3A_965 = tpu.memref_slice %arg3[%select_n3A_960, %mul3A_964] : memref<200x4096xi32, #tpu.memory_space<hbm>> -> memref<1x1024xi32, #tpu.memory_space<hbm>>
    %dma_start3A_966 = tpu.memref_slice %arg3[%select_n3A_960, %mul3A_964] : memref<200x4096xi32, #tpu.memory_space<hbm>> -> memref<1x1024xi32, #tpu.memory_space<hbm>>
    tpu.enqueue_dma source(%dma_start3A_966 : memref<1x1024xi32, #tpu.memory_space<hbm>>) target(%arg6 : memref<1x1024xi32, #tpu.memory_space<vmem>>) target_semaphore(%arg10 : memref<!tpu.dma_semaphore, #tpu.memory_space<semaphore_mem>>)
    %add3A_967 = arith.constant 160 : i32
    %add3A_968 = arith.addi %add3A, %add3A_967 : i32
    %jit3A_969 = arith.constant 4 : i32
    %div3A_970 = arith.divsi %add3A_968, %jit3A_969 : i32
    %sign3A_971 = arith.constant 0 : i32
    %sign3A_972 = arith.cmpi sgt, %add3A_968, %sign3A_971 : i32
    %sign3A_973 = arith.extui %sign3A_972 : i1 to i32
    %sign3A_974 = arith.constant 0 : i32
    %sign3A_975 = arith.cmpi slt, %add3A_968, %sign3A_974 : i32
    %sign3A_976 = arith.extui %sign3A_975 : i1 to i32
    %sign3A_977 = arith.subi %sign3A_973, %sign3A_976 : i32
    %sign3A_978 = arith.constant 0 : i32
    %sign3A_979 = arith.cmpi sgt, %jit3A_969, %sign3A_978 : i32
    %sign3A_980 = arith.extui %sign3A_979 : i1 to i32
    %sign3A_981 = arith.constant 0 : i32
    %sign3A_982 = arith.cmpi slt, %jit3A_969, %sign3A_981 : i32
    %sign3A_983 = arith.extui %sign3A_982 : i1 to i32
    %sign3A_984 = arith.subi %sign3A_980, %sign3A_983 : i32
    %ne3A_985 = arith.cmpi ne, %sign3A_977, %sign3A_984 : i32
    %rem3A_986 = arith.remsi %add3A_968, %jit3A_969 : i32
    %ne3A_987 = arith.constant 0 : i32
    %ne3A_988 = arith.cmpi ne, %rem3A_986, %ne3A_987 : i32
    %and3A_989 = arith.andi %ne3A_985, %ne3A_988 : i1
    %sub3A_990 = arith.constant 1 : i32
    %sub3A_991 = arith.subi %div3A_970, %sub3A_990 : i32
    %select_n3A_992 = arith.select %and3A_989, %sub3A_991, %div3A_970 : i32
    %rem3A_993 = arith.constant 4 : i32
    %rem3A_994 = arith.remsi %add3A_968, %rem3A_993 : i32
    %mul3A_995 = arith.constant 1024 : i32
    %mul3A_996 = arith.muli %rem3A_994, %mul3A_995 : i32
    %dma_start3A_997 = arith.constant 0 : i32
    %dma_start3A_998 = tpu.memref_slice %arg4[%select_n3A_992, %mul3A_996, %dma_start3A_997] : memref<200x4096x32xf32, #tpu.memory_space<hbm>> -> memref<1x1024x32xf32, #tpu.memory_space<hbm>>
    %dma_start3A_999 = arith.constant 0 : i32
    %dma_start3A_1000 = tpu.memref_slice %arg4[%select_n3A_992, %mul3A_996, %dma_start3A_999] : memref<200x4096x32xf32, #tpu.memory_space<hbm>> -> memref<1x1024x32xf32, #tpu.memory_space<hbm>>
    tpu.enqueue_dma source(%arg8 : memref<1x1024x32xf32, #tpu.memory_space<vmem>>) target(%dma_start3A_1000 : memref<1x1024x32xf32, #tpu.memory_space<hbm>>) target_semaphore(%arg14 : memref<!tpu.dma_semaphore, #tpu.memory_space<semaphore_mem>>)
    %add3A_1001 = arith.constant 224 : i32
    %add3A_1002 = arith.addi %add3A, %add3A_1001 : i32
    %jit3A_1003 = arith.constant 4 : i32
    %div3A_1004 = arith.divsi %add3A_1002, %jit3A_1003 : i32
    %sign3A_1005 = arith.constant 0 : i32
    %sign3A_1006 = arith.cmpi sgt, %add3A_1002, %sign3A_1005 : i32
    %sign3A_1007 = arith.extui %sign3A_1006 : i1 to i32
    %sign3A_1008 = arith.constant 0 : i32
    %sign3A_1009 = arith.cmpi slt, %add3A_1002, %sign3A_1008 : i32
    %sign3A_1010 = arith.extui %sign3A_1009 : i1 to i32
    %sign3A_1011 = arith.subi %sign3A_1007, %sign3A_1010 : i32
    %sign3A_1012 = arith.constant 0 : i32
    %sign3A_1013 = arith.cmpi sgt, %jit3A_1003, %sign3A_1012 : i32
    %sign3A_1014 = arith.extui %sign3A_1013 : i1 to i32
    %sign3A_1015 = arith.constant 0 : i32
    %sign3A_1016 = arith.cmpi slt, %jit3A_1003, %sign3A_1015 : i32
    %sign3A_1017 = arith.extui %sign3A_1016 : i1 to i32
    %sign3A_1018 = arith.subi %sign3A_1014, %sign3A_1017 : i32
    %ne3A_1019 = arith.cmpi ne, %sign3A_1011, %sign3A_1018 : i32
    %rem3A_1020 = arith.remsi %add3A_1002, %jit3A_1003 : i32
    %ne3A_1021 = arith.constant 0 : i32
    %ne3A_1022 = arith.cmpi ne, %rem3A_1020, %ne3A_1021 : i32
    %and3A_1023 = arith.andi %ne3A_1019, %ne3A_1022 : i1
    %sub3A_1024 = arith.constant 1 : i32
    %sub3A_1025 = arith.subi %div3A_1004, %sub3A_1024 : i32
    %select_n3A_1026 = arith.select %and3A_1023, %sub3A_1025, %div3A_1004 : i32
    %rem3A_1027 = arith.constant 4 : i32
    %rem3A_1028 = arith.remsi %add3A_1002, %rem3A_1027 : i32
    %mul3A_1029 = arith.constant 1024 : i32
    %mul3A_1030 = arith.muli %rem3A_1028, %mul3A_1029 : i32
    %dma_wait3A_1031 = tpu.memref_slice %arg3[%select_n3A_1026, %mul3A_1030] : memref<200x4096xi32, #tpu.memory_space<hbm>> -> memref<1x1024xi32, #tpu.memory_space<hbm>>
    %dma_wait3A_1032 = tpu.memref_slice %arg3[%select_n3A_1026, %mul3A_1030] : memref<200x4096xi32, #tpu.memory_space<hbm>> -> memref<1x1024xi32, #tpu.memory_space<hbm>>
    tpu.wait_dma2 semaphore(%arg10 : memref<!tpu.dma_semaphore, #tpu.memory_space<semaphore_mem>>) src(%dma_wait3A_1032 : memref<1x1024xi32, #tpu.memory_space<hbm>>) dst(%arg6 : memref<1x1024xi32, #tpu.memory_space<vmem>>)
    %add3A_1033 = arith.constant 160 : i32
    %add3A_1034 = arith.addi %add3A, %add3A_1033 : i32
    %jit3A_1035 = arith.constant 4 : i32
    %div3A_1036 = arith.divsi %add3A_1034, %jit3A_1035 : i32
    %sign3A_1037 = arith.constant 0 : i32
    %sign3A_1038 = arith.cmpi sgt, %add3A_1034, %sign3A_1037 : i32
    %sign3A_1039 = arith.extui %sign3A_1038 : i1 to i32
    %sign3A_1040 = arith.constant 0 : i32
    %sign3A_1041 = arith.cmpi slt, %add3A_1034, %sign3A_1040 : i32
    %sign3A_1042 = arith.extui %sign3A_1041 : i1 to i32
    %sign3A_1043 = arith.subi %sign3A_1039, %sign3A_1042 : i32
    %sign3A_1044 = arith.constant 0 : i32
    %sign3A_1045 = arith.cmpi sgt, %jit3A_1035, %sign3A_1044 : i32
    %sign3A_1046 = arith.extui %sign3A_1045 : i1 to i32
    %sign3A_1047 = arith.constant 0 : i32
    %sign3A_1048 = arith.cmpi slt, %jit3A_1035, %sign3A_1047 : i32
    %sign3A_1049 = arith.extui %sign3A_1048 : i1 to i32
    %sign3A_1050 = arith.subi %sign3A_1046, %sign3A_1049 : i32
    %ne3A_1051 = arith.cmpi ne, %sign3A_1043, %sign3A_1050 : i32
    %rem3A_1052 = arith.remsi %add3A_1034, %jit3A_1035 : i32
    %ne3A_1053 = arith.constant 0 : i32
    %ne3A_1054 = arith.cmpi ne, %rem3A_1052, %ne3A_1053 : i32
    %and3A_1055 = arith.andi %ne3A_1051, %ne3A_1054 : i1
    %sub3A_1056 = arith.constant 1 : i32
    %sub3A_1057 = arith.subi %div3A_1036, %sub3A_1056 : i32
    %select_n3A_1058 = arith.select %and3A_1055, %sub3A_1057, %div3A_1036 : i32
    %rem3A_1059 = arith.constant 4 : i32
    %rem3A_1060 = arith.remsi %add3A_1034, %rem3A_1059 : i32
    %mul3A_1061 = arith.constant 1024 : i32
    %mul3A_1062 = arith.muli %rem3A_1060, %mul3A_1061 : i32
    %dma_wait3A_1063 = arith.constant 0 : i32
    %dma_wait3A_1064 = tpu.memref_slice %arg4[%select_n3A_1058, %mul3A_1062, %dma_wait3A_1063] : memref<200x4096x32xf32, #tpu.memory_space<hbm>> -> memref<1x1024x32xf32, #tpu.memory_space<hbm>>
    %dma_wait3A_1065 = arith.constant 0 : i32
    %dma_wait3A_1066 = tpu.memref_slice %arg4[%select_n3A_1058, %mul3A_1062, %dma_wait3A_1065] : memref<200x4096x32xf32, #tpu.memory_space<hbm>> -> memref<1x1024x32xf32, #tpu.memory_space<hbm>>
    tpu.wait_dma2 semaphore(%arg14 : memref<!tpu.dma_semaphore, #tpu.memory_space<semaphore_mem>>) src(%arg8 : memref<1x1024x32xf32, #tpu.memory_space<vmem>>) dst(%dma_wait3A_1066 : memref<1x1024x32xf32, #tpu.memory_space<hbm>>)
    %dma_start3A_1067 = arith.constant 0 : i32
    %dma_start3A_1068 = arith.constant 0 : i32
    %dma_start3A_1069 = arith.constant 0 : i32
    %dma_start3A_1070 = arith.constant 0 : i32
    %dma_start3A_1071 = tpu.memref_slice %arg8[%dma_start3A_1068, %dma_start3A_1069, %dma_start3A_1070] : memref<1x1024x32xf32, #tpu.memory_space<vmem>> -> memref<1x1024x32xf32, #tpu.memory_space<vmem>>
    %dma_start3A_1072 = tpu.memref_squeeze %dma_start3A_1071 : memref<1x1024x32xf32, #tpu.memory_space<vmem>> -> memref<1024x32xf32, #tpu.memory_space<vmem>>
    %dma_start3A_1073 = arith.constant 0 : i32
    %dma_start3A_1074 = tpu.memref_slice %arg6[%dma_start3A_1067, %dma_start3A_1073] : memref<1x1024xi32, #tpu.memory_space<vmem>> -> memref<1x1024xi32, #tpu.memory_space<vmem>>
    %dma_start3A_1075 = tpu.memref_squeeze %dma_start3A_1074 : memref<1x1024xi32, #tpu.memory_space<vmem>> -> memref<1024xi32, #tpu.memory_space<vmem>>
    %dma_start3A_1076 = arith.constant 0 : i32
    %dma_start3A_1077 = arith.constant 0 : i32
    %dma_start3A_1078 = tpu.memref_slice %arg2[%dma_start3A_1076, %dma_start3A_1077] : memref<1000000x32xf32, #tpu.memory_space<hbm>> -> memref<1000000x32xf32, #tpu.memory_space<hbm>>
    tpu.enqueue_indirect_dma source(%dma_start3A_1078 : memref<1000000x32xf32, #tpu.memory_space<hbm>>) target(%dma_start3A_1072 : memref<1024x32xf32, #tpu.memory_space<vmem>>) offsets(%dma_start3A_1075 : memref<1024xi32, #tpu.memory_space<vmem>>) semaphore(%arg12 : memref<!tpu.dma_semaphore, #tpu.memory_space<semaphore_mem>>)
    %dma_wait3A_1079 = arith.constant 0 : i32
    %dma_wait3A_1080 = arith.constant 0 : i32
    %dma_wait3A_1081 = arith.constant 0 : i32
    %dma_wait3A_1082 = arith.constant 0 : i32
    %dma_wait3A_1083 = tpu.memref_slice %arg7[%dma_wait3A_1080, %dma_wait3A_1081, %dma_wait3A_1082] : memref<1x1024x32xf32, #tpu.memory_space<vmem>> -> memref<1x1024x32xf32, #tpu.memory_space<vmem>>
    %dma_wait3A_1084 = tpu.memref_squeeze %dma_wait3A_1083 : memref<1x1024x32xf32, #tpu.memory_space<vmem>> -> memref<1024x32xf32, #tpu.memory_space<vmem>>
    %dma_wait3A_1085 = arith.constant 0 : i32
    %dma_wait3A_1086 = tpu.memref_slice %arg5[%dma_wait3A_1079, %dma_wait3A_1085] : memref<1x1024xi32, #tpu.memory_space<vmem>> -> memref<1x1024xi32, #tpu.memory_space<vmem>>
    %dma_wait3A_1087 = tpu.memref_squeeze %dma_wait3A_1086 : memref<1x1024xi32, #tpu.memory_space<vmem>> -> memref<1024xi32, #tpu.memory_space<vmem>>
    %dma_wait3A_1088 = arith.constant 0 : i32
    %dma_wait3A_1089 = arith.constant 0 : i32
    %dma_wait3A_1090 = tpu.memref_slice %arg2[%dma_wait3A_1088, %dma_wait3A_1089] : memref<1000000x32xf32, #tpu.memory_space<hbm>> -> memref<1000000x32xf32, #tpu.memory_space<hbm>>
    tpu.wait_indirect_dma semaphore(%arg11 : memref<!tpu.dma_semaphore, #tpu.memory_space<semaphore_mem>>) src(%dma_wait3A_1090 : memref<1000000x32xf32, #tpu.memory_space<hbm>>) dst(%dma_wait3A_1084 : memref<1024x32xf32, #tpu.memory_space<vmem>>)
    %add3A_1091 = arith.constant 256 : i32
    %add3A_1092 = arith.addi %add3A, %add3A_1091 : i32
    %jit3A_1093 = arith.constant 4 : i32
    %div3A_1094 = arith.divsi %add3A_1092, %jit3A_1093 : i32
    %sign3A_1095 = arith.constant 0 : i32
    %sign3A_1096 = arith.cmpi sgt, %add3A_1092, %sign3A_1095 : i32
    %sign3A_1097 = arith.extui %sign3A_1096 : i1 to i32
    %sign3A_1098 = arith.constant 0 : i32
    %sign3A_1099 = arith.cmpi slt, %add3A_1092, %sign3A_1098 : i32
    %sign3A_1100 = arith.extui %sign3A_1099 : i1 to i32
    %sign3A_1101 = arith.subi %sign3A_1097, %sign3A_1100 : i32
    %sign3A_1102 = arith.constant 0 : i32
    %sign3A_1103 = arith.cmpi sgt, %jit3A_1093, %sign3A_1102 : i32
    %sign3A_1104 = arith.extui %sign3A_1103 : i1 to i32
    %sign3A_1105 = arith.constant 0 : i32
    %sign3A_1106 = arith.cmpi slt, %jit3A_1093, %sign3A_1105 : i32
    %sign3A_1107 = arith.extui %sign3A_1106 : i1 to i32
    %sign3A_1108 = arith.subi %sign3A_1104, %sign3A_1107 : i32
    %ne3A_1109 = arith.cmpi ne, %sign3A_1101, %sign3A_1108 : i32
    %rem3A_1110 = arith.remsi %add3A_1092, %jit3A_1093 : i32
    %ne3A_1111 = arith.constant 0 : i32
    %ne3A_1112 = arith.cmpi ne, %rem3A_1110, %ne3A_1111 : i32
    %and3A_1113 = arith.andi %ne3A_1109, %ne3A_1112 : i1
    %sub3A_1114 = arith.constant 1 : i32
    %sub3A_1115 = arith.subi %div3A_1094, %sub3A_1114 : i32
    %select_n3A_1116 = arith.select %and3A_1113, %sub3A_1115, %div3A_1094 : i32
    %rem3A_1117 = arith.constant 4 : i32
    %rem3A_1118 = arith.remsi %add3A_1092, %rem3A_1117 : i32
    %mul3A_1119 = arith.constant 1024 : i32
    %mul3A_1120 = arith.muli %rem3A_1118, %mul3A_1119 : i32
    %dma_start3A_1121 = tpu.memref_slice %arg3[%select_n3A_1116, %mul3A_1120] : memref<200x4096xi32, #tpu.memory_space<hbm>> -> memref<1x1024xi32, #tpu.memory_space<hbm>>
    %dma_start3A_1122 = tpu.memref_slice %arg3[%select_n3A_1116, %mul3A_1120] : memref<200x4096xi32, #tpu.memory_space<hbm>> -> memref<1x1024xi32, #tpu.memory_space<hbm>>
    tpu.enqueue_dma source(%dma_start3A_1122 : memref<1x1024xi32, #tpu.memory_space<hbm>>) target(%arg5 : memref<1x1024xi32, #tpu.memory_space<vmem>>) target_semaphore(%arg9 : memref<!tpu.dma_semaphore, #tpu.memory_space<semaphore_mem>>)
    %add3A_1123 = arith.constant 192 : i32
    %add3A_1124 = arith.addi %add3A, %add3A_1123 : i32
    %jit3A_1125 = arith.constant 4 : i32
    %div3A_1126 = arith.divsi %add3A_1124, %jit3A_1125 : i32
    %sign3A_1127 = arith.constant 0 : i32
    %sign3A_1128 = arith.cmpi sgt, %add3A_1124, %sign3A_1127 : i32
    %sign3A_1129 = arith.extui %sign3A_1128 : i1 to i32
    %sign3A_1130 = arith.constant 0 : i32
    %sign3A_1131 = arith.cmpi slt, %add3A_1124, %sign3A_1130 : i32
    %sign3A_1132 = arith.extui %sign3A_1131 : i1 to i32
    %sign3A_1133 = arith.subi %sign3A_1129, %sign3A_1132 : i32
    %sign3A_1134 = arith.constant 0 : i32
    %sign3A_1135 = arith.cmpi sgt, %jit3A_1125, %sign3A_1134 : i32
    %sign3A_1136 = arith.extui %sign3A_1135 : i1 to i32
    %sign3A_1137 = arith.constant 0 : i32
    %sign3A_1138 = arith.cmpi slt, %jit3A_1125, %sign3A_1137 : i32
    %sign3A_1139 = arith.extui %sign3A_1138 : i1 to i32
    %sign3A_1140 = arith.subi %sign3A_1136, %sign3A_1139 : i32
    %ne3A_1141 = arith.cmpi ne, %sign3A_1133, %sign3A_1140 : i32
    %rem3A_1142 = arith.remsi %add3A_1124, %jit3A_1125 : i32
    %ne3A_1143 = arith.constant 0 : i32
    %ne3A_1144 = arith.cmpi ne, %rem3A_1142, %ne3A_1143 : i32
    %and3A_1145 = arith.andi %ne3A_1141, %ne3A_1144 : i1
    %sub3A_1146 = arith.constant 1 : i32
    %sub3A_1147 = arith.subi %div3A_1126, %sub3A_1146 : i32
    %select_n3A_1148 = arith.select %and3A_1145, %sub3A_1147, %div3A_1126 : i32
    %rem3A_1149 = arith.constant 4 : i32
    %rem3A_1150 = arith.remsi %add3A_1124, %rem3A_1149 : i32
    %mul3A_1151 = arith.constant 1024 : i32
    %mul3A_1152 = arith.muli %rem3A_1150, %mul3A_1151 : i32
    %dma_start3A_1153 = arith.constant 0 : i32
    %dma_start3A_1154 = tpu.memref_slice %arg4[%select_n3A_1148, %mul3A_1152, %dma_start3A_1153] : memref<200x4096x32xf32, #tpu.memory_space<hbm>> -> memref<1x1024x32xf32, #tpu.memory_space<hbm>>
    %dma_start3A_1155 = arith.constant 0 : i32
    %dma_start3A_1156 = tpu.memref_slice %arg4[%select_n3A_1148, %mul3A_1152, %dma_start3A_1155] : memref<200x4096x32xf32, #tpu.memory_space<hbm>> -> memref<1x1024x32xf32, #tpu.memory_space<hbm>>
    tpu.enqueue_dma source(%arg7 : memref<1x1024x32xf32, #tpu.memory_space<vmem>>) target(%dma_start3A_1156 : memref<1x1024x32xf32, #tpu.memory_space<hbm>>) target_semaphore(%arg13 : memref<!tpu.dma_semaphore, #tpu.memory_space<semaphore_mem>>)
    %add3A_1157 = arith.constant 256 : i32
    %add3A_1158 = arith.addi %add3A, %add3A_1157 : i32
    %jit3A_1159 = arith.constant 4 : i32
    %div3A_1160 = arith.divsi %add3A_1158, %jit3A_1159 : i32
    %sign3A_1161 = arith.constant 0 : i32
    %sign3A_1162 = arith.cmpi sgt, %add3A_1158, %sign3A_1161 : i32
    %sign3A_1163 = arith.extui %sign3A_1162 : i1 to i32
    %sign3A_1164 = arith.constant 0 : i32
    %sign3A_1165 = arith.cmpi slt, %add3A_1158, %sign3A_1164 : i32
    %sign3A_1166 = arith.extui %sign3A_1165 : i1 to i32
    %sign3A_1167 = arith.subi %sign3A_1163, %sign3A_1166 : i32
    %sign3A_1168 = arith.constant 0 : i32
    %sign3A_1169 = arith.cmpi sgt, %jit3A_1159, %sign3A_1168 : i32
    %sign3A_1170 = arith.extui %sign3A_1169 : i1 to i32
    %sign3A_1171 = arith.constant 0 : i32
    %sign3A_1172 = arith.cmpi slt, %jit3A_1159, %sign3A_1171 : i32
    %sign3A_1173 = arith.extui %sign3A_1172 : i1 to i32
    %sign3A_1174 = arith.subi %sign3A_1170, %sign3A_1173 : i32
    %ne3A_1175 = arith.cmpi ne, %sign3A_1167, %sign3A_1174 : i32
    %rem3A_1176 = arith.remsi %add3A_1158, %jit3A_1159 : i32
    %ne3A_1177 = arith.constant 0 : i32
    %ne3A_1178 = arith.cmpi ne, %rem3A_1176, %ne3A_1177 : i32
    %and3A_1179 = arith.andi %ne3A_1175, %ne3A_1178 : i1
    %sub3A_1180 = arith.constant 1 : i32
    %sub3A_1181 = arith.subi %div3A_1160, %sub3A_1180 : i32
    %select_n3A_1182 = arith.select %and3A_1179, %sub3A_1181, %div3A_1160 : i32
    %rem3A_1183 = arith.constant 4 : i32
    %rem3A_1184 = arith.remsi %add3A_1158, %rem3A_1183 : i32
    %mul3A_1185 = arith.constant 1024 : i32
    %mul3A_1186 = arith.muli %rem3A_1184, %mul3A_1185 : i32
    %dma_wait3A_1187 = tpu.memref_slice %arg3[%select_n3A_1182, %mul3A_1186] : memref<200x4096xi32, #tpu.memory_space<hbm>> -> memref<1x1024xi32, #tpu.memory_space<hbm>>
    %dma_wait3A_1188 = tpu.memref_slice %arg3[%select_n3A_1182, %mul3A_1186] : memref<200x4096xi32, #tpu.memory_space<hbm>> -> memref<1x1024xi32, #tpu.memory_space<hbm>>
    tpu.wait_dma2 semaphore(%arg9 : memref<!tpu.dma_semaphore, #tpu.memory_space<semaphore_mem>>) src(%dma_wait3A_1188 : memref<1x1024xi32, #tpu.memory_space<hbm>>) dst(%arg5 : memref<1x1024xi32, #tpu.memory_space<vmem>>)
    %add3A_1189 = arith.constant 192 : i32
    %add3A_1190 = arith.addi %add3A, %add3A_1189 : i32
    %jit3A_1191 = arith.constant 4 : i32
    %div3A_1192 = arith.divsi %add3A_1190, %jit3A_1191 : i32
    %sign3A_1193 = arith.constant 0 : i32
    %sign3A_1194 = arith.cmpi sgt, %add3A_1190, %sign3A_1193 : i32
    %sign3A_1195 = arith.extui %sign3A_1194 : i1 to i32
    %sign3A_1196 = arith.constant 0 : i32
    %sign3A_1197 = arith.cmpi slt, %add3A_1190, %sign3A_1196 : i32
    %sign3A_1198 = arith.extui %sign3A_1197 : i1 to i32
    %sign3A_1199 = arith.subi %sign3A_1195, %sign3A_1198 : i32
    %sign3A_1200 = arith.constant 0 : i32
    %sign3A_1201 = arith.cmpi sgt, %jit3A_1191, %sign3A_1200 : i32
    %sign3A_1202 = arith.extui %sign3A_1201 : i1 to i32
    %sign3A_1203 = arith.constant 0 : i32
    %sign3A_1204 = arith.cmpi slt, %jit3A_1191, %sign3A_1203 : i32
    %sign3A_1205 = arith.extui %sign3A_1204 : i1 to i32
    %sign3A_1206 = arith.subi %sign3A_1202, %sign3A_1205 : i32
    %ne3A_1207 = arith.cmpi ne, %sign3A_1199, %sign3A_1206 : i32
    %rem3A_1208 = arith.remsi %add3A_1190, %jit3A_1191 : i32
    %ne3A_1209 = arith.constant 0 : i32
    %ne3A_1210 = arith.cmpi ne, %rem3A_1208, %ne3A_1209 : i32
    %and3A_1211 = arith.andi %ne3A_1207, %ne3A_1210 : i1
    %sub3A_1212 = arith.constant 1 : i32
    %sub3A_1213 = arith.subi %div3A_1192, %sub3A_1212 : i32
    %select_n3A_1214 = arith.select %and3A_1211, %sub3A_1213, %div3A_1192 : i32
    %rem3A_1215 = arith.constant 4 : i32
    %rem3A_1216 = arith.remsi %add3A_1190, %rem3A_1215 : i32
    %mul3A_1217 = arith.constant 1024 : i32
    %mul3A_1218 = arith.muli %rem3A_1216, %mul3A_1217 : i32
    %dma_wait3A_1219 = arith.constant 0 : i32
    %dma_wait3A_1220 = tpu.memref_slice %arg4[%select_n3A_1214, %mul3A_1218, %dma_wait3A_1219] : memref<200x4096x32xf32, #tpu.memory_space<hbm>> -> memref<1x1024x32xf32, #tpu.memory_space<hbm>>
    %dma_wait3A_1221 = arith.constant 0 : i32
    %dma_wait3A_1222 = tpu.memref_slice %arg4[%select_n3A_1214, %mul3A_1218, %dma_wait3A_1221] : memref<200x4096x32xf32, #tpu.memory_space<hbm>> -> memref<1x1024x32xf32, #tpu.memory_space<hbm>>
    tpu.wait_dma2 semaphore(%arg13 : memref<!tpu.dma_semaphore, #tpu.memory_space<semaphore_mem>>) src(%arg7 : memref<1x1024x32xf32, #tpu.memory_space<vmem>>) dst(%dma_wait3A_1222 : memref<1x1024x32xf32, #tpu.memory_space<hbm>>)
    %dma_start3A_1223 = arith.constant 0 : i32
    %dma_start3A_1224 = arith.constant 0 : i32
    %dma_start3A_1225 = arith.constant 0 : i32
    %dma_start3A_1226 = arith.constant 0 : i32
    %dma_start3A_1227 = tpu.memref_slice %arg7[%dma_start3A_1224, %dma_start3A_1225, %dma_start3A_1226] : memref<1x1024x32xf32, #tpu.memory_space<vmem>> -> memref<1x1024x32xf32, #tpu.memory_space<vmem>>
    %dma_start3A_1228 = tpu.memref_squeeze %dma_start3A_1227 : memref<1x1024x32xf32, #tpu.memory_space<vmem>> -> memref<1024x32xf32, #tpu.memory_space<vmem>>
    %dma_start3A_1229 = arith.constant 0 : i32
    %dma_start3A_1230 = tpu.memref_slice %arg5[%dma_start3A_1223, %dma_start3A_1229] : memref<1x1024xi32, #tpu.memory_space<vmem>> -> memref<1x1024xi32, #tpu.memory_space<vmem>>
    %dma_start3A_1231 = tpu.memref_squeeze %dma_start3A_1230 : memref<1x1024xi32, #tpu.memory_space<vmem>> -> memref<1024xi32, #tpu.memory_space<vmem>>
    %dma_start3A_1232 = arith.constant 0 : i32
    %dma_start3A_1233 = arith.constant 0 : i32
    %dma_start3A_1234 = tpu.memref_slice %arg2[%dma_start3A_1232, %dma_start3A_1233] : memref<1000000x32xf32, #tpu.memory_space<hbm>> -> memref<1000000x32xf32, #tpu.memory_space<hbm>>
    tpu.enqueue_indirect_dma source(%dma_start3A_1234 : memref<1000000x32xf32, #tpu.memory_space<hbm>>) target(%dma_start3A_1228 : memref<1024x32xf32, #tpu.memory_space<vmem>>) offsets(%dma_start3A_1231 : memref<1024xi32, #tpu.memory_space<vmem>>) semaphore(%arg11 : memref<!tpu.dma_semaphore, #tpu.memory_space<semaphore_mem>>)
    %dma_wait3A_1235 = arith.constant 0 : i32
    %dma_wait3A_1236 = arith.constant 0 : i32
    %dma_wait3A_1237 = arith.constant 0 : i32
    %dma_wait3A_1238 = arith.constant 0 : i32
    %dma_wait3A_1239 = tpu.memref_slice %arg8[%dma_wait3A_1236, %dma_wait3A_1237, %dma_wait3A_1238] : memref<1x1024x32xf32, #tpu.memory_space<vmem>> -> memref<1x1024x32xf32, #tpu.memory_space<vmem>>
    %dma_wait3A_1240 = tpu.memref_squeeze %dma_wait3A_1239 : memref<1x1024x32xf32, #tpu.memory_space<vmem>> -> memref<1024x32xf32, #tpu.memory_space<vmem>>
    %dma_wait3A_1241 = arith.constant 0 : i32
    %dma_wait3A_1242 = tpu.memref_slice %arg6[%dma_wait3A_1235, %dma_wait3A_1241] : memref<1x1024xi32, #tpu.memory_space<vmem>> -> memref<1x1024xi32, #tpu.memory_space<vmem>>
    %dma_wait3A_1243 = tpu.memref_squeeze %dma_wait3A_1242 : memref<1x1024xi32, #tpu.memory_space<vmem>> -> memref<1024xi32, #tpu.memory_space<vmem>>
    %dma_wait3A_1244 = arith.constant 0 : i32
    %dma_wait3A_1245 = arith.constant 0 : i32
    %dma_wait3A_1246 = tpu.memref_slice %arg2[%dma_wait3A_1244, %dma_wait3A_1245] : memref<1000000x32xf32, #tpu.memory_space<hbm>> -> memref<1000000x32xf32, #tpu.memory_space<hbm>>
    tpu.wait_indirect_dma semaphore(%arg12 : memref<!tpu.dma_semaphore, #tpu.memory_space<semaphore_mem>>) src(%dma_wait3A_1246 : memref<1000000x32xf32, #tpu.memory_space<hbm>>) dst(%dma_wait3A_1240 : memref<1024x32xf32, #tpu.memory_space<vmem>>)
    %add3A_1247 = arith.constant 288 : i32
    %add3A_1248 = arith.addi %add3A, %add3A_1247 : i32
    %jit3A_1249 = arith.constant 4 : i32
    %div3A_1250 = arith.divsi %add3A_1248, %jit3A_1249 : i32
    %sign3A_1251 = arith.constant 0 : i32
    %sign3A_1252 = arith.cmpi sgt, %add3A_1248, %sign3A_1251 : i32
    %sign3A_1253 = arith.extui %sign3A_1252 : i1 to i32
    %sign3A_1254 = arith.constant 0 : i32
    %sign3A_1255 = arith.cmpi slt, %add3A_1248, %sign3A_1254 : i32
    %sign3A_1256 = arith.extui %sign3A_1255 : i1 to i32
    %sign3A_1257 = arith.subi %sign3A_1253, %sign3A_1256 : i32
    %sign3A_1258 = arith.constant 0 : i32
    %sign3A_1259 = arith.cmpi sgt, %jit3A_1249, %sign3A_1258 : i32
    %sign3A_1260 = arith.extui %sign3A_1259 : i1 to i32
    %sign3A_1261 = arith.constant 0 : i32
    %sign3A_1262 = arith.cmpi slt, %jit3A_1249, %sign3A_1261 : i32
    %sign3A_1263 = arith.extui %sign3A_1262 : i1 to i32
    %sign3A_1264 = arith.subi %sign3A_1260, %sign3A_1263 : i32
    %ne3A_1265 = arith.cmpi ne, %sign3A_1257, %sign3A_1264 : i32
    %rem3A_1266 = arith.remsi %add3A_1248, %jit3A_1249 : i32
    %ne3A_1267 = arith.constant 0 : i32
    %ne3A_1268 = arith.cmpi ne, %rem3A_1266, %ne3A_1267 : i32
    %and3A_1269 = arith.andi %ne3A_1265, %ne3A_1268 : i1
    %sub3A_1270 = arith.constant 1 : i32
    %sub3A_1271 = arith.subi %div3A_1250, %sub3A_1270 : i32
    %select_n3A_1272 = arith.select %and3A_1269, %sub3A_1271, %div3A_1250 : i32
    %rem3A_1273 = arith.constant 4 : i32
    %rem3A_1274 = arith.remsi %add3A_1248, %rem3A_1273 : i32
    %mul3A_1275 = arith.constant 1024 : i32
    %mul3A_1276 = arith.muli %rem3A_1274, %mul3A_1275 : i32
    %dma_start3A_1277 = tpu.memref_slice %arg3[%select_n3A_1272, %mul3A_1276] : memref<200x4096xi32, #tpu.memory_space<hbm>> -> memref<1x1024xi32, #tpu.memory_space<hbm>>
    %dma_start3A_1278 = tpu.memref_slice %arg3[%select_n3A_1272, %mul3A_1276] : memref<200x4096xi32, #tpu.memory_space<hbm>> -> memref<1x1024xi32, #tpu.memory_space<hbm>>
    tpu.enqueue_dma source(%dma_start3A_1278 : memref<1x1024xi32, #tpu.memory_space<hbm>>) target(%arg6 : memref<1x1024xi32, #tpu.memory_space<vmem>>) target_semaphore(%arg10 : memref<!tpu.dma_semaphore, #tpu.memory_space<semaphore_mem>>)
    %add3A_1279 = arith.constant 224 : i32
    %add3A_1280 = arith.addi %add3A, %add3A_1279 : i32
    %jit3A_1281 = arith.constant 4 : i32
    %div3A_1282 = arith.divsi %add3A_1280, %jit3A_1281 : i32
    %sign3A_1283 = arith.constant 0 : i32
    %sign3A_1284 = arith.cmpi sgt, %add3A_1280, %sign3A_1283 : i32
    %sign3A_1285 = arith.extui %sign3A_1284 : i1 to i32
    %sign3A_1286 = arith.constant 0 : i32
    %sign3A_1287 = arith.cmpi slt, %add3A_1280, %sign3A_1286 : i32
    %sign3A_1288 = arith.extui %sign3A_1287 : i1 to i32
    %sign3A_1289 = arith.subi %sign3A_1285, %sign3A_1288 : i32
    %sign3A_1290 = arith.constant 0 : i32
    %sign3A_1291 = arith.cmpi sgt, %jit3A_1281, %sign3A_1290 : i32
    %sign3A_1292 = arith.extui %sign3A_1291 : i1 to i32
    %sign3A_1293 = arith.constant 0 : i32
    %sign3A_1294 = arith.cmpi slt, %jit3A_1281, %sign3A_1293 : i32
    %sign3A_1295 = arith.extui %sign3A_1294 : i1 to i32
    %sign3A_1296 = arith.subi %sign3A_1292, %sign3A_1295 : i32
    %ne3A_1297 = arith.cmpi ne, %sign3A_1289, %sign3A_1296 : i32
    %rem3A_1298 = arith.remsi %add3A_1280, %jit3A_1281 : i32
    %ne3A_1299 = arith.constant 0 : i32
    %ne3A_1300 = arith.cmpi ne, %rem3A_1298, %ne3A_1299 : i32
    %and3A_1301 = arith.andi %ne3A_1297, %ne3A_1300 : i1
    %sub3A_1302 = arith.constant 1 : i32
    %sub3A_1303 = arith.subi %div3A_1282, %sub3A_1302 : i32
    %select_n3A_1304 = arith.select %and3A_1301, %sub3A_1303, %div3A_1282 : i32
    %rem3A_1305 = arith.constant 4 : i32
    %rem3A_1306 = arith.remsi %add3A_1280, %rem3A_1305 : i32
    %mul3A_1307 = arith.constant 1024 : i32
    %mul3A_1308 = arith.muli %rem3A_1306, %mul3A_1307 : i32
    %dma_start3A_1309 = arith.constant 0 : i32
    %dma_start3A_1310 = tpu.memref_slice %arg4[%select_n3A_1304, %mul3A_1308, %dma_start3A_1309] : memref<200x4096x32xf32, #tpu.memory_space<hbm>> -> memref<1x1024x32xf32, #tpu.memory_space<hbm>>
    %dma_start3A_1311 = arith.constant 0 : i32
    %dma_start3A_1312 = tpu.memref_slice %arg4[%select_n3A_1304, %mul3A_1308, %dma_start3A_1311] : memref<200x4096x32xf32, #tpu.memory_space<hbm>> -> memref<1x1024x32xf32, #tpu.memory_space<hbm>>
    tpu.enqueue_dma source(%arg8 : memref<1x1024x32xf32, #tpu.memory_space<vmem>>) target(%dma_start3A_1312 : memref<1x1024x32xf32, #tpu.memory_space<hbm>>) target_semaphore(%arg14 : memref<!tpu.dma_semaphore, #tpu.memory_space<semaphore_mem>>)
    %add3A_1313 = arith.constant 288 : i32
    %add3A_1314 = arith.addi %add3A, %add3A_1313 : i32
    %jit3A_1315 = arith.constant 4 : i32
    %div3A_1316 = arith.divsi %add3A_1314, %jit3A_1315 : i32
    %sign3A_1317 = arith.constant 0 : i32
    %sign3A_1318 = arith.cmpi sgt, %add3A_1314, %sign3A_1317 : i32
    %sign3A_1319 = arith.extui %sign3A_1318 : i1 to i32
    %sign3A_1320 = arith.constant 0 : i32
    %sign3A_1321 = arith.cmpi slt, %add3A_1314, %sign3A_1320 : i32
    %sign3A_1322 = arith.extui %sign3A_1321 : i1 to i32
    %sign3A_1323 = arith.subi %sign3A_1319, %sign3A_1322 : i32
    %sign3A_1324 = arith.constant 0 : i32
    %sign3A_1325 = arith.cmpi sgt, %jit3A_1315, %sign3A_1324 : i32
    %sign3A_1326 = arith.extui %sign3A_1325 : i1 to i32
    %sign3A_1327 = arith.constant 0 : i32
    %sign3A_1328 = arith.cmpi slt, %jit3A_1315, %sign3A_1327 : i32
    %sign3A_1329 = arith.extui %sign3A_1328 : i1 to i32
    %sign3A_1330 = arith.subi %sign3A_1326, %sign3A_1329 : i32
    %ne3A_1331 = arith.cmpi ne, %sign3A_1323, %sign3A_1330 : i32
    %rem3A_1332 = arith.remsi %add3A_1314, %jit3A_1315 : i32
    %ne3A_1333 = arith.constant 0 : i32
    %ne3A_1334 = arith.cmpi ne, %rem3A_1332, %ne3A_1333 : i32
    %and3A_1335 = arith.andi %ne3A_1331, %ne3A_1334 : i1
    %sub3A_1336 = arith.constant 1 : i32
    %sub3A_1337 = arith.subi %div3A_1316, %sub3A_1336 : i32
    %select_n3A_1338 = arith.select %and3A_1335, %sub3A_1337, %div3A_1316 : i32
    %rem3A_1339 = arith.constant 4 : i32
    %rem3A_1340 = arith.remsi %add3A_1314, %rem3A_1339 : i32
    %mul3A_1341 = arith.constant 1024 : i32
    %mul3A_1342 = arith.muli %rem3A_1340, %mul3A_1341 : i32
    %dma_wait3A_1343 = tpu.memref_slice %arg3[%select_n3A_1338, %mul3A_1342] : memref<200x4096xi32, #tpu.memory_space<hbm>> -> memref<1x1024xi32, #tpu.memory_space<hbm>>
    %dma_wait3A_1344 = tpu.memref_slice %arg3[%select_n3A_1338, %mul3A_1342] : memref<200x4096xi32, #tpu.memory_space<hbm>> -> memref<1x1024xi32, #tpu.memory_space<hbm>>
    tpu.wait_dma2 semaphore(%arg10 : memref<!tpu.dma_semaphore, #tpu.memory_space<semaphore_mem>>) src(%dma_wait3A_1344 : memref<1x1024xi32, #tpu.memory_space<hbm>>) dst(%arg6 : memref<1x1024xi32, #tpu.memory_space<vmem>>)
    %add3A_1345 = arith.constant 224 : i32
    %add3A_1346 = arith.addi %add3A, %add3A_1345 : i32
    %jit3A_1347 = arith.constant 4 : i32
    %div3A_1348 = arith.divsi %add3A_1346, %jit3A_1347 : i32
    %sign3A_1349 = arith.constant 0 : i32
    %sign3A_1350 = arith.cmpi sgt, %add3A_1346, %sign3A_1349 : i32
    %sign3A_1351 = arith.extui %sign3A_1350 : i1 to i32
    %sign3A_1352 = arith.constant 0 : i32
    %sign3A_1353 = arith.cmpi slt, %add3A_1346, %sign3A_1352 : i32
    %sign3A_1354 = arith.extui %sign3A_1353 : i1 to i32
    %sign3A_1355 = arith.subi %sign3A_1351, %sign3A_1354 : i32
    %sign3A_1356 = arith.constant 0 : i32
    %sign3A_1357 = arith.cmpi sgt, %jit3A_1347, %sign3A_1356 : i32
    %sign3A_1358 = arith.extui %sign3A_1357 : i1 to i32
    %sign3A_1359 = arith.constant 0 : i32
    %sign3A_1360 = arith.cmpi slt, %jit3A_1347, %sign3A_1359 : i32
    %sign3A_1361 = arith.extui %sign3A_1360 : i1 to i32
    %sign3A_1362 = arith.subi %sign3A_1358, %sign3A_1361 : i32
    %ne3A_1363 = arith.cmpi ne, %sign3A_1355, %sign3A_1362 : i32
    %rem3A_1364 = arith.remsi %add3A_1346, %jit3A_1347 : i32
    %ne3A_1365 = arith.constant 0 : i32
    %ne3A_1366 = arith.cmpi ne, %rem3A_1364, %ne3A_1365 : i32
    %and3A_1367 = arith.andi %ne3A_1363, %ne3A_1366 : i1
    %sub3A_1368 = arith.constant 1 : i32
    %sub3A_1369 = arith.subi %div3A_1348, %sub3A_1368 : i32
    %select_n3A_1370 = arith.select %and3A_1367, %sub3A_1369, %div3A_1348 : i32
    %rem3A_1371 = arith.constant 4 : i32
    %rem3A_1372 = arith.remsi %add3A_1346, %rem3A_1371 : i32
    %mul3A_1373 = arith.constant 1024 : i32
    %mul3A_1374 = arith.muli %rem3A_1372, %mul3A_1373 : i32
    %dma_wait3A_1375 = arith.constant 0 : i32
    %dma_wait3A_1376 = tpu.memref_slice %arg4[%select_n3A_1370, %mul3A_1374, %dma_wait3A_1375] : memref<200x4096x32xf32, #tpu.memory_space<hbm>> -> memref<1x1024x32xf32, #tpu.memory_space<hbm>>
    %dma_wait3A_1377 = arith.constant 0 : i32
    %dma_wait3A_1378 = tpu.memref_slice %arg4[%select_n3A_1370, %mul3A_1374, %dma_wait3A_1377] : memref<200x4096x32xf32, #tpu.memory_space<hbm>> -> memref<1x1024x32xf32, #tpu.memory_space<hbm>>
    tpu.wait_dma2 semaphore(%arg14 : memref<!tpu.dma_semaphore, #tpu.memory_space<semaphore_mem>>) src(%arg8 : memref<1x1024x32xf32, #tpu.memory_space<vmem>>) dst(%dma_wait3A_1378 : memref<1x1024x32xf32, #tpu.memory_space<hbm>>)
    %dma_start3A_1379 = arith.constant 0 : i32
    %dma_start3A_1380 = arith.constant 0 : i32
    %dma_start3A_1381 = arith.constant 0 : i32
    %dma_start3A_1382 = arith.constant 0 : i32
    %dma_start3A_1383 = tpu.memref_slice %arg8[%dma_start3A_1380, %dma_start3A_1381, %dma_start3A_1382] : memref<1x1024x32xf32, #tpu.memory_space<vmem>> -> memref<1x1024x32xf32, #tpu.memory_space<vmem>>
    %dma_start3A_1384 = tpu.memref_squeeze %dma_start3A_1383 : memref<1x1024x32xf32, #tpu.memory_space<vmem>> -> memref<1024x32xf32, #tpu.memory_space<vmem>>
    %dma_start3A_1385 = arith.constant 0 : i32
    %dma_start3A_1386 = tpu.memref_slice %arg6[%dma_start3A_1379, %dma_start3A_1385] : memref<1x1024xi32, #tpu.memory_space<vmem>> -> memref<1x1024xi32, #tpu.memory_space<vmem>>
    %dma_start3A_1387 = tpu.memref_squeeze %dma_start3A_1386 : memref<1x1024xi32, #tpu.memory_space<vmem>> -> memref<1024xi32, #tpu.memory_space<vmem>>
    %dma_start3A_1388 = arith.constant 0 : i32
    %dma_start3A_1389 = arith.constant 0 : i32
    %dma_start3A_1390 = tpu.memref_slice %arg2[%dma_start3A_1388, %dma_start3A_1389] : memref<1000000x32xf32, #tpu.memory_space<hbm>> -> memref<1000000x32xf32, #tpu.memory_space<hbm>>
    tpu.enqueue_indirect_dma source(%dma_start3A_1390 : memref<1000000x32xf32, #tpu.memory_space<hbm>>) target(%dma_start3A_1384 : memref<1024x32xf32, #tpu.memory_space<vmem>>) offsets(%dma_start3A_1387 : memref<1024xi32, #tpu.memory_space<vmem>>) semaphore(%arg12 : memref<!tpu.dma_semaphore, #tpu.memory_space<semaphore_mem>>)
    %dma_wait3A_1391 = arith.constant 0 : i32
    %dma_wait3A_1392 = arith.constant 0 : i32
    %dma_wait3A_1393 = arith.constant 0 : i32
    %dma_wait3A_1394 = arith.constant 0 : i32
    %dma_wait3A_1395 = tpu.memref_slice %arg7[%dma_wait3A_1392, %dma_wait3A_1393, %dma_wait3A_1394] : memref<1x1024x32xf32, #tpu.memory_space<vmem>> -> memref<1x1024x32xf32, #tpu.memory_space<vmem>>
    %dma_wait3A_1396 = tpu.memref_squeeze %dma_wait3A_1395 : memref<1x1024x32xf32, #tpu.memory_space<vmem>> -> memref<1024x32xf32, #tpu.memory_space<vmem>>
    %dma_wait3A_1397 = arith.constant 0 : i32
    %dma_wait3A_1398 = tpu.memref_slice %arg5[%dma_wait3A_1391, %dma_wait3A_1397] : memref<1x1024xi32, #tpu.memory_space<vmem>> -> memref<1x1024xi32, #tpu.memory_space<vmem>>
    %dma_wait3A_1399 = tpu.memref_squeeze %dma_wait3A_1398 : memref<1x1024xi32, #tpu.memory_space<vmem>> -> memref<1024xi32, #tpu.memory_space<vmem>>
    %dma_wait3A_1400 = arith.constant 0 : i32
    %dma_wait3A_1401 = arith.constant 0 : i32
    %dma_wait3A_1402 = tpu.memref_slice %arg2[%dma_wait3A_1400, %dma_wait3A_1401] : memref<1000000x32xf32, #tpu.memory_space<hbm>> -> memref<1000000x32xf32, #tpu.memory_space<hbm>>
    tpu.wait_indirect_dma semaphore(%arg11 : memref<!tpu.dma_semaphore, #tpu.memory_space<semaphore_mem>>) src(%dma_wait3A_1402 : memref<1000000x32xf32, #tpu.memory_space<hbm>>) dst(%dma_wait3A_1396 : memref<1024x32xf32, #tpu.memory_space<vmem>>)
    %add3A_1403 = arith.constant 320 : i32
    %add3A_1404 = arith.addi %add3A, %add3A_1403 : i32
    %jit3A_1405 = arith.constant 4 : i32
    %div3A_1406 = arith.divsi %add3A_1404, %jit3A_1405 : i32
    %sign3A_1407 = arith.constant 0 : i32
    %sign3A_1408 = arith.cmpi sgt, %add3A_1404, %sign3A_1407 : i32
    %sign3A_1409 = arith.extui %sign3A_1408 : i1 to i32
    %sign3A_1410 = arith.constant 0 : i32
    %sign3A_1411 = arith.cmpi slt, %add3A_1404, %sign3A_1410 : i32
    %sign3A_1412 = arith.extui %sign3A_1411 : i1 to i32
    %sign3A_1413 = arith.subi %sign3A_1409, %sign3A_1412 : i32
    %sign3A_1414 = arith.constant 0 : i32
    %sign3A_1415 = arith.cmpi sgt, %jit3A_1405, %sign3A_1414 : i32
    %sign3A_1416 = arith.extui %sign3A_1415 : i1 to i32
    %sign3A_1417 = arith.constant 0 : i32
    %sign3A_1418 = arith.cmpi slt, %jit3A_1405, %sign3A_1417 : i32
    %sign3A_1419 = arith.extui %sign3A_1418 : i1 to i32
    %sign3A_1420 = arith.subi %sign3A_1416, %sign3A_1419 : i32
    %ne3A_1421 = arith.cmpi ne, %sign3A_1413, %sign3A_1420 : i32
    %rem3A_1422 = arith.remsi %add3A_1404, %jit3A_1405 : i32
    %ne3A_1423 = arith.constant 0 : i32
    %ne3A_1424 = arith.cmpi ne, %rem3A_1422, %ne3A_1423 : i32
    %and3A_1425 = arith.andi %ne3A_1421, %ne3A_1424 : i1
    %sub3A_1426 = arith.constant 1 : i32
    %sub3A_1427 = arith.subi %div3A_1406, %sub3A_1426 : i32
    %select_n3A_1428 = arith.select %and3A_1425, %sub3A_1427, %div3A_1406 : i32
    %rem3A_1429 = arith.constant 4 : i32
    %rem3A_1430 = arith.remsi %add3A_1404, %rem3A_1429 : i32
    %mul3A_1431 = arith.constant 1024 : i32
    %mul3A_1432 = arith.muli %rem3A_1430, %mul3A_1431 : i32
    %dma_start3A_1433 = tpu.memref_slice %arg3[%select_n3A_1428, %mul3A_1432] : memref<200x4096xi32, #tpu.memory_space<hbm>> -> memref<1x1024xi32, #tpu.memory_space<hbm>>
    %dma_start3A_1434 = tpu.memref_slice %arg3[%select_n3A_1428, %mul3A_1432] : memref<200x4096xi32, #tpu.memory_space<hbm>> -> memref<1x1024xi32, #tpu.memory_space<hbm>>
    tpu.enqueue_dma source(%dma_start3A_1434 : memref<1x1024xi32, #tpu.memory_space<hbm>>) target(%arg5 : memref<1x1024xi32, #tpu.memory_space<vmem>>) target_semaphore(%arg9 : memref<!tpu.dma_semaphore, #tpu.memory_space<semaphore_mem>>)
    %add3A_1435 = arith.constant 256 : i32
    %add3A_1436 = arith.addi %add3A, %add3A_1435 : i32
    %jit3A_1437 = arith.constant 4 : i32
    %div3A_1438 = arith.divsi %add3A_1436, %jit3A_1437 : i32
    %sign3A_1439 = arith.constant 0 : i32
    %sign3A_1440 = arith.cmpi sgt, %add3A_1436, %sign3A_1439 : i32
    %sign3A_1441 = arith.extui %sign3A_1440 : i1 to i32
    %sign3A_1442 = arith.constant 0 : i32
    %sign3A_1443 = arith.cmpi slt, %add3A_1436, %sign3A_1442 : i32
    %sign3A_1444 = arith.extui %sign3A_1443 : i1 to i32
    %sign3A_1445 = arith.subi %sign3A_1441, %sign3A_1444 : i32
    %sign3A_1446 = arith.constant 0 : i32
    %sign3A_1447 = arith.cmpi sgt, %jit3A_1437, %sign3A_1446 : i32
    %sign3A_1448 = arith.extui %sign3A_1447 : i1 to i32
    %sign3A_1449 = arith.constant 0 : i32
    %sign3A_1450 = arith.cmpi slt, %jit3A_1437, %sign3A_1449 : i32
    %sign3A_1451 = arith.extui %sign3A_1450 : i1 to i32
    %sign3A_1452 = arith.subi %sign3A_1448, %sign3A_1451 : i32
    %ne3A_1453 = arith.cmpi ne, %sign3A_1445, %sign3A_1452 : i32
    %rem3A_1454 = arith.remsi %add3A_1436, %jit3A_1437 : i32
    %ne3A_1455 = arith.constant 0 : i32
    %ne3A_1456 = arith.cmpi ne, %rem3A_1454, %ne3A_1455 : i32
    %and3A_1457 = arith.andi %ne3A_1453, %ne3A_1456 : i1
    %sub3A_1458 = arith.constant 1 : i32
    %sub3A_1459 = arith.subi %div3A_1438, %sub3A_1458 : i32
    %select_n3A_1460 = arith.select %and3A_1457, %sub3A_1459, %div3A_1438 : i32
    %rem3A_1461 = arith.constant 4 : i32
    %rem3A_1462 = arith.remsi %add3A_1436, %rem3A_1461 : i32
    %mul3A_1463 = arith.constant 1024 : i32
    %mul3A_1464 = arith.muli %rem3A_1462, %mul3A_1463 : i32
    %dma_start3A_1465 = arith.constant 0 : i32
    %dma_start3A_1466 = tpu.memref_slice %arg4[%select_n3A_1460, %mul3A_1464, %dma_start3A_1465] : memref<200x4096x32xf32, #tpu.memory_space<hbm>> -> memref<1x1024x32xf32, #tpu.memory_space<hbm>>
    %dma_start3A_1467 = arith.constant 0 : i32
    %dma_start3A_1468 = tpu.memref_slice %arg4[%select_n3A_1460, %mul3A_1464, %dma_start3A_1467] : memref<200x4096x32xf32, #tpu.memory_space<hbm>> -> memref<1x1024x32xf32, #tpu.memory_space<hbm>>
    tpu.enqueue_dma source(%arg7 : memref<1x1024x32xf32, #tpu.memory_space<vmem>>) target(%dma_start3A_1468 : memref<1x1024x32xf32, #tpu.memory_space<hbm>>) target_semaphore(%arg13 : memref<!tpu.dma_semaphore, #tpu.memory_space<semaphore_mem>>)
    %add3A_1469 = arith.constant 320 : i32
    %add3A_1470 = arith.addi %add3A, %add3A_1469 : i32
    %jit3A_1471 = arith.constant 4 : i32
    %div3A_1472 = arith.divsi %add3A_1470, %jit3A_1471 : i32
    %sign3A_1473 = arith.constant 0 : i32
    %sign3A_1474 = arith.cmpi sgt, %add3A_1470, %sign3A_1473 : i32
    %sign3A_1475 = arith.extui %sign3A_1474 : i1 to i32
    %sign3A_1476 = arith.constant 0 : i32
    %sign3A_1477 = arith.cmpi slt, %add3A_1470, %sign3A_1476 : i32
    %sign3A_1478 = arith.extui %sign3A_1477 : i1 to i32
    %sign3A_1479 = arith.subi %sign3A_1475, %sign3A_1478 : i32
    %sign3A_1480 = arith.constant 0 : i32
    %sign3A_1481 = arith.cmpi sgt, %jit3A_1471, %sign3A_1480 : i32
    %sign3A_1482 = arith.extui %sign3A_1481 : i1 to i32
    %sign3A_1483 = arith.constant 0 : i32
    %sign3A_1484 = arith.cmpi slt, %jit3A_1471, %sign3A_1483 : i32
    %sign3A_1485 = arith.extui %sign3A_1484 : i1 to i32
    %sign3A_1486 = arith.subi %sign3A_1482, %sign3A_1485 : i32
    %ne3A_1487 = arith.cmpi ne, %sign3A_1479, %sign3A_1486 : i32
    %rem3A_1488 = arith.remsi %add3A_1470, %jit3A_1471 : i32
    %ne3A_1489 = arith.constant 0 : i32
    %ne3A_1490 = arith.cmpi ne, %rem3A_1488, %ne3A_1489 : i32
    %and3A_1491 = arith.andi %ne3A_1487, %ne3A_1490 : i1
    %sub3A_1492 = arith.constant 1 : i32
    %sub3A_1493 = arith.subi %div3A_1472, %sub3A_1492 : i32
    %select_n3A_1494 = arith.select %and3A_1491, %sub3A_1493, %div3A_1472 : i32
    %rem3A_1495 = arith.constant 4 : i32
    %rem3A_1496 = arith.remsi %add3A_1470, %rem3A_1495 : i32
    %mul3A_1497 = arith.constant 1024 : i32
    %mul3A_1498 = arith.muli %rem3A_1496, %mul3A_1497 : i32
    %dma_wait3A_1499 = tpu.memref_slice %arg3[%select_n3A_1494, %mul3A_1498] : memref<200x4096xi32, #tpu.memory_space<hbm>> -> memref<1x1024xi32, #tpu.memory_space<hbm>>
    %dma_wait3A_1500 = tpu.memref_slice %arg3[%select_n3A_1494, %mul3A_1498] : memref<200x4096xi32, #tpu.memory_space<hbm>> -> memref<1x1024xi32, #tpu.memory_space<hbm>>
    tpu.wait_dma2 semaphore(%arg9 : memref<!tpu.dma_semaphore, #tpu.memory_space<semaphore_mem>>) src(%dma_wait3A_1500 : memref<1x1024xi32, #tpu.memory_space<hbm>>) dst(%arg5 : memref<1x1024xi32, #tpu.memory_space<vmem>>)
    %add3A_1501 = arith.constant 256 : i32
    %add3A_1502 = arith.addi %add3A, %add3A_1501 : i32
    %jit3A_1503 = arith.constant 4 : i32
    %div3A_1504 = arith.divsi %add3A_1502, %jit3A_1503 : i32
    %sign3A_1505 = arith.constant 0 : i32
    %sign3A_1506 = arith.cmpi sgt, %add3A_1502, %sign3A_1505 : i32
    %sign3A_1507 = arith.extui %sign3A_1506 : i1 to i32
    %sign3A_1508 = arith.constant 0 : i32
    %sign3A_1509 = arith.cmpi slt, %add3A_1502, %sign3A_1508 : i32
    %sign3A_1510 = arith.extui %sign3A_1509 : i1 to i32
    %sign3A_1511 = arith.subi %sign3A_1507, %sign3A_1510 : i32
    %sign3A_1512 = arith.constant 0 : i32
    %sign3A_1513 = arith.cmpi sgt, %jit3A_1503, %sign3A_1512 : i32
    %sign3A_1514 = arith.extui %sign3A_1513 : i1 to i32
    %sign3A_1515 = arith.constant 0 : i32
    %sign3A_1516 = arith.cmpi slt, %jit3A_1503, %sign3A_1515 : i32
    %sign3A_1517 = arith.extui %sign3A_1516 : i1 to i32
    %sign3A_1518 = arith.subi %sign3A_1514, %sign3A_1517 : i32
    %ne3A_1519 = arith.cmpi ne, %sign3A_1511, %sign3A_1518 : i32
    %rem3A_1520 = arith.remsi %add3A_1502, %jit3A_1503 : i32
    %ne3A_1521 = arith.constant 0 : i32
    %ne3A_1522 = arith.cmpi ne, %rem3A_1520, %ne3A_1521 : i32
    %and3A_1523 = arith.andi %ne3A_1519, %ne3A_1522 : i1
    %sub3A_1524 = arith.constant 1 : i32
    %sub3A_1525 = arith.subi %div3A_1504, %sub3A_1524 : i32
    %select_n3A_1526 = arith.select %and3A_1523, %sub3A_1525, %div3A_1504 : i32
    %rem3A_1527 = arith.constant 4 : i32
    %rem3A_1528 = arith.remsi %add3A_1502, %rem3A_1527 : i32
    %mul3A_1529 = arith.constant 1024 : i32
    %mul3A_1530 = arith.muli %rem3A_1528, %mul3A_1529 : i32
    %dma_wait3A_1531 = arith.constant 0 : i32
    %dma_wait3A_1532 = tpu.memref_slice %arg4[%select_n3A_1526, %mul3A_1530, %dma_wait3A_1531] : memref<200x4096x32xf32, #tpu.memory_space<hbm>> -> memref<1x1024x32xf32, #tpu.memory_space<hbm>>
    %dma_wait3A_1533 = arith.constant 0 : i32
    %dma_wait3A_1534 = tpu.memref_slice %arg4[%select_n3A_1526, %mul3A_1530, %dma_wait3A_1533] : memref<200x4096x32xf32, #tpu.memory_space<hbm>> -> memref<1x1024x32xf32, #tpu.memory_space<hbm>>
    tpu.wait_dma2 semaphore(%arg13 : memref<!tpu.dma_semaphore, #tpu.memory_space<semaphore_mem>>) src(%arg7 : memref<1x1024x32xf32, #tpu.memory_space<vmem>>) dst(%dma_wait3A_1534 : memref<1x1024x32xf32, #tpu.memory_space<hbm>>)
    %dma_start3A_1535 = arith.constant 0 : i32
    %dma_start3A_1536 = arith.constant 0 : i32
    %dma_start3A_1537 = arith.constant 0 : i32
    %dma_start3A_1538 = arith.constant 0 : i32
    %dma_start3A_1539 = tpu.memref_slice %arg7[%dma_start3A_1536, %dma_start3A_1537, %dma_start3A_1538] : memref<1x1024x32xf32, #tpu.memory_space<vmem>> -> memref<1x1024x32xf32, #tpu.memory_space<vmem>>
    %dma_start3A_1540 = tpu.memref_squeeze %dma_start3A_1539 : memref<1x1024x32xf32, #tpu.memory_space<vmem>> -> memref<1024x32xf32, #tpu.memory_space<vmem>>
    %dma_start3A_1541 = arith.constant 0 : i32
    %dma_start3A_1542 = tpu.memref_slice %arg5[%dma_start3A_1535, %dma_start3A_1541] : memref<1x1024xi32, #tpu.memory_space<vmem>> -> memref<1x1024xi32, #tpu.memory_space<vmem>>
    %dma_start3A_1543 = tpu.memref_squeeze %dma_start3A_1542 : memref<1x1024xi32, #tpu.memory_space<vmem>> -> memref<1024xi32, #tpu.memory_space<vmem>>
    %dma_start3A_1544 = arith.constant 0 : i32
    %dma_start3A_1545 = arith.constant 0 : i32
    %dma_start3A_1546 = tpu.memref_slice %arg2[%dma_start3A_1544, %dma_start3A_1545] : memref<1000000x32xf32, #tpu.memory_space<hbm>> -> memref<1000000x32xf32, #tpu.memory_space<hbm>>
    tpu.enqueue_indirect_dma source(%dma_start3A_1546 : memref<1000000x32xf32, #tpu.memory_space<hbm>>) target(%dma_start3A_1540 : memref<1024x32xf32, #tpu.memory_space<vmem>>) offsets(%dma_start3A_1543 : memref<1024xi32, #tpu.memory_space<vmem>>) semaphore(%arg11 : memref<!tpu.dma_semaphore, #tpu.memory_space<semaphore_mem>>)
    %dma_wait3A_1547 = arith.constant 0 : i32
    %dma_wait3A_1548 = arith.constant 0 : i32
    %dma_wait3A_1549 = arith.constant 0 : i32
    %dma_wait3A_1550 = arith.constant 0 : i32
    %dma_wait3A_1551 = tpu.memref_slice %arg8[%dma_wait3A_1548, %dma_wait3A_1549, %dma_wait3A_1550] : memref<1x1024x32xf32, #tpu.memory_space<vmem>> -> memref<1x1024x32xf32, #tpu.memory_space<vmem>>
    %dma_wait3A_1552 = tpu.memref_squeeze %dma_wait3A_1551 : memref<1x1024x32xf32, #tpu.memory_space<vmem>> -> memref<1024x32xf32, #tpu.memory_space<vmem>>
    %dma_wait3A_1553 = arith.constant 0 : i32
    %dma_wait3A_1554 = tpu.memref_slice %arg6[%dma_wait3A_1547, %dma_wait3A_1553] : memref<1x1024xi32, #tpu.memory_space<vmem>> -> memref<1x1024xi32, #tpu.memory_space<vmem>>
    %dma_wait3A_1555 = tpu.memref_squeeze %dma_wait3A_1554 : memref<1x1024xi32, #tpu.memory_space<vmem>> -> memref<1024xi32, #tpu.memory_space<vmem>>
    %dma_wait3A_1556 = arith.constant 0 : i32
    %dma_wait3A_1557 = arith.constant 0 : i32
    %dma_wait3A_1558 = tpu.memref_slice %arg2[%dma_wait3A_1556, %dma_wait3A_1557] : memref<1000000x32xf32, #tpu.memory_space<hbm>> -> memref<1000000x32xf32, #tpu.memory_space<hbm>>
    tpu.wait_indirect_dma semaphore(%arg12 : memref<!tpu.dma_semaphore, #tpu.memory_space<semaphore_mem>>) src(%dma_wait3A_1558 : memref<1000000x32xf32, #tpu.memory_space<hbm>>) dst(%dma_wait3A_1552 : memref<1024x32xf32, #tpu.memory_space<vmem>>)
    %add3A_1559 = arith.constant 352 : i32
    %add3A_1560 = arith.addi %add3A, %add3A_1559 : i32
    %jit3A_1561 = arith.constant 4 : i32
    %div3A_1562 = arith.divsi %add3A_1560, %jit3A_1561 : i32
    %sign3A_1563 = arith.constant 0 : i32
    %sign3A_1564 = arith.cmpi sgt, %add3A_1560, %sign3A_1563 : i32
    %sign3A_1565 = arith.extui %sign3A_1564 : i1 to i32
    %sign3A_1566 = arith.constant 0 : i32
    %sign3A_1567 = arith.cmpi slt, %add3A_1560, %sign3A_1566 : i32
    %sign3A_1568 = arith.extui %sign3A_1567 : i1 to i32
    %sign3A_1569 = arith.subi %sign3A_1565, %sign3A_1568 : i32
    %sign3A_1570 = arith.constant 0 : i32
    %sign3A_1571 = arith.cmpi sgt, %jit3A_1561, %sign3A_1570 : i32
    %sign3A_1572 = arith.extui %sign3A_1571 : i1 to i32
    %sign3A_1573 = arith.constant 0 : i32
    %sign3A_1574 = arith.cmpi slt, %jit3A_1561, %sign3A_1573 : i32
    %sign3A_1575 = arith.extui %sign3A_1574 : i1 to i32
    %sign3A_1576 = arith.subi %sign3A_1572, %sign3A_1575 : i32
    %ne3A_1577 = arith.cmpi ne, %sign3A_1569, %sign3A_1576 : i32
    %rem3A_1578 = arith.remsi %add3A_1560, %jit3A_1561 : i32
    %ne3A_1579 = arith.constant 0 : i32
    %ne3A_1580 = arith.cmpi ne, %rem3A_1578, %ne3A_1579 : i32
    %and3A_1581 = arith.andi %ne3A_1577, %ne3A_1580 : i1
    %sub3A_1582 = arith.constant 1 : i32
    %sub3A_1583 = arith.subi %div3A_1562, %sub3A_1582 : i32
    %select_n3A_1584 = arith.select %and3A_1581, %sub3A_1583, %div3A_1562 : i32
    %rem3A_1585 = arith.constant 4 : i32
    %rem3A_1586 = arith.remsi %add3A_1560, %rem3A_1585 : i32
    %mul3A_1587 = arith.constant 1024 : i32
    %mul3A_1588 = arith.muli %rem3A_1586, %mul3A_1587 : i32
    %dma_start3A_1589 = tpu.memref_slice %arg3[%select_n3A_1584, %mul3A_1588] : memref<200x4096xi32, #tpu.memory_space<hbm>> -> memref<1x1024xi32, #tpu.memory_space<hbm>>
    %dma_start3A_1590 = tpu.memref_slice %arg3[%select_n3A_1584, %mul3A_1588] : memref<200x4096xi32, #tpu.memory_space<hbm>> -> memref<1x1024xi32, #tpu.memory_space<hbm>>
    tpu.enqueue_dma source(%dma_start3A_1590 : memref<1x1024xi32, #tpu.memory_space<hbm>>) target(%arg6 : memref<1x1024xi32, #tpu.memory_space<vmem>>) target_semaphore(%arg10 : memref<!tpu.dma_semaphore, #tpu.memory_space<semaphore_mem>>)
    %add3A_1591 = arith.constant 288 : i32
    %add3A_1592 = arith.addi %add3A, %add3A_1591 : i32
    %jit3A_1593 = arith.constant 4 : i32
    %div3A_1594 = arith.divsi %add3A_1592, %jit3A_1593 : i32
    %sign3A_1595 = arith.constant 0 : i32
    %sign3A_1596 = arith.cmpi sgt, %add3A_1592, %sign3A_1595 : i32
    %sign3A_1597 = arith.extui %sign3A_1596 : i1 to i32
    %sign3A_1598 = arith.constant 0 : i32
    %sign3A_1599 = arith.cmpi slt, %add3A_1592, %sign3A_1598 : i32
    %sign3A_1600 = arith.extui %sign3A_1599 : i1 to i32
    %sign3A_1601 = arith.subi %sign3A_1597, %sign3A_1600 : i32
    %sign3A_1602 = arith.constant 0 : i32
    %sign3A_1603 = arith.cmpi sgt, %jit3A_1593, %sign3A_1602 : i32
    %sign3A_1604 = arith.extui %sign3A_1603 : i1 to i32
    %sign3A_1605 = arith.constant 0 : i32
    %sign3A_1606 = arith.cmpi slt, %jit3A_1593, %sign3A_1605 : i32
    %sign3A_1607 = arith.extui %sign3A_1606 : i1 to i32
    %sign3A_1608 = arith.subi %sign3A_1604, %sign3A_1607 : i32
    %ne3A_1609 = arith.cmpi ne, %sign3A_1601, %sign3A_1608 : i32
    %rem3A_1610 = arith.remsi %add3A_1592, %jit3A_1593 : i32
    %ne3A_1611 = arith.constant 0 : i32
    %ne3A_1612 = arith.cmpi ne, %rem3A_1610, %ne3A_1611 : i32
    %and3A_1613 = arith.andi %ne3A_1609, %ne3A_1612 : i1
    %sub3A_1614 = arith.constant 1 : i32
    %sub3A_1615 = arith.subi %div3A_1594, %sub3A_1614 : i32
    %select_n3A_1616 = arith.select %and3A_1613, %sub3A_1615, %div3A_1594 : i32
    %rem3A_1617 = arith.constant 4 : i32
    %rem3A_1618 = arith.remsi %add3A_1592, %rem3A_1617 : i32
    %mul3A_1619 = arith.constant 1024 : i32
    %mul3A_1620 = arith.muli %rem3A_1618, %mul3A_1619 : i32
    %dma_start3A_1621 = arith.constant 0 : i32
    %dma_start3A_1622 = tpu.memref_slice %arg4[%select_n3A_1616, %mul3A_1620, %dma_start3A_1621] : memref<200x4096x32xf32, #tpu.memory_space<hbm>> -> memref<1x1024x32xf32, #tpu.memory_space<hbm>>
    %dma_start3A_1623 = arith.constant 0 : i32
    %dma_start3A_1624 = tpu.memref_slice %arg4[%select_n3A_1616, %mul3A_1620, %dma_start3A_1623] : memref<200x4096x32xf32, #tpu.memory_space<hbm>> -> memref<1x1024x32xf32, #tpu.memory_space<hbm>>
    tpu.enqueue_dma source(%arg8 : memref<1x1024x32xf32, #tpu.memory_space<vmem>>) target(%dma_start3A_1624 : memref<1x1024x32xf32, #tpu.memory_space<hbm>>) target_semaphore(%arg14 : memref<!tpu.dma_semaphore, #tpu.memory_space<semaphore_mem>>)
    %add3A_1625 = arith.constant 352 : i32
    %add3A_1626 = arith.addi %add3A, %add3A_1625 : i32
    %jit3A_1627 = arith.constant 4 : i32
    %div3A_1628 = arith.divsi %add3A_1626, %jit3A_1627 : i32
    %sign3A_1629 = arith.constant 0 : i32
    %sign3A_1630 = arith.cmpi sgt, %add3A_1626, %sign3A_1629 : i32
    %sign3A_1631 = arith.extui %sign3A_1630 : i1 to i32
    %sign3A_1632 = arith.constant 0 : i32
    %sign3A_1633 = arith.cmpi slt, %add3A_1626, %sign3A_1632 : i32
    %sign3A_1634 = arith.extui %sign3A_1633 : i1 to i32
    %sign3A_1635 = arith.subi %sign3A_1631, %sign3A_1634 : i32
    %sign3A_1636 = arith.constant 0 : i32
    %sign3A_1637 = arith.cmpi sgt, %jit3A_1627, %sign3A_1636 : i32
    %sign3A_1638 = arith.extui %sign3A_1637 : i1 to i32
    %sign3A_1639 = arith.constant 0 : i32
    %sign3A_1640 = arith.cmpi slt, %jit3A_1627, %sign3A_1639 : i32
    %sign3A_1641 = arith.extui %sign3A_1640 : i1 to i32
    %sign3A_1642 = arith.subi %sign3A_1638, %sign3A_1641 : i32
    %ne3A_1643 = arith.cmpi ne, %sign3A_1635, %sign3A_1642 : i32
    %rem3A_1644 = arith.remsi %add3A_1626, %jit3A_1627 : i32
    %ne3A_1645 = arith.constant 0 : i32
    %ne3A_1646 = arith.cmpi ne, %rem3A_1644, %ne3A_1645 : i32
    %and3A_1647 = arith.andi %ne3A_1643, %ne3A_1646 : i1
    %sub3A_1648 = arith.constant 1 : i32
    %sub3A_1649 = arith.subi %div3A_1628, %sub3A_1648 : i32
    %select_n3A_1650 = arith.select %and3A_1647, %sub3A_1649, %div3A_1628 : i32
    %rem3A_1651 = arith.constant 4 : i32
    %rem3A_1652 = arith.remsi %add3A_1626, %rem3A_1651 : i32
    %mul3A_1653 = arith.constant 1024 : i32
    %mul3A_1654 = arith.muli %rem3A_1652, %mul3A_1653 : i32
    %dma_wait3A_1655 = tpu.memref_slice %arg3[%select_n3A_1650, %mul3A_1654] : memref<200x4096xi32, #tpu.memory_space<hbm>> -> memref<1x1024xi32, #tpu.memory_space<hbm>>
    %dma_wait3A_1656 = tpu.memref_slice %arg3[%select_n3A_1650, %mul3A_1654] : memref<200x4096xi32, #tpu.memory_space<hbm>> -> memref<1x1024xi32, #tpu.memory_space<hbm>>
    tpu.wait_dma2 semaphore(%arg10 : memref<!tpu.dma_semaphore, #tpu.memory_space<semaphore_mem>>) src(%dma_wait3A_1656 : memref<1x1024xi32, #tpu.memory_space<hbm>>) dst(%arg6 : memref<1x1024xi32, #tpu.memory_space<vmem>>)
    %add3A_1657 = arith.constant 288 : i32
    %add3A_1658 = arith.addi %add3A, %add3A_1657 : i32
    %jit3A_1659 = arith.constant 4 : i32
    %div3A_1660 = arith.divsi %add3A_1658, %jit3A_1659 : i32
    %sign3A_1661 = arith.constant 0 : i32
    %sign3A_1662 = arith.cmpi sgt, %add3A_1658, %sign3A_1661 : i32
    %sign3A_1663 = arith.extui %sign3A_1662 : i1 to i32
    %sign3A_1664 = arith.constant 0 : i32
    %sign3A_1665 = arith.cmpi slt, %add3A_1658, %sign3A_1664 : i32
    %sign3A_1666 = arith.extui %sign3A_1665 : i1 to i32
    %sign3A_1667 = arith.subi %sign3A_1663, %sign3A_1666 : i32
    %sign3A_1668 = arith.constant 0 : i32
    %sign3A_1669 = arith.cmpi sgt, %jit3A_1659, %sign3A_1668 : i32
    %sign3A_1670 = arith.extui %sign3A_1669 : i1 to i32
    %sign3A_1671 = arith.constant 0 : i32
    %sign3A_1672 = arith.cmpi slt, %jit3A_1659, %sign3A_1671 : i32
    %sign3A_1673 = arith.extui %sign3A_1672 : i1 to i32
    %sign3A_1674 = arith.subi %sign3A_1670, %sign3A_1673 : i32
    %ne3A_1675 = arith.cmpi ne, %sign3A_1667, %sign3A_1674 : i32
    %rem3A_1676 = arith.remsi %add3A_1658, %jit3A_1659 : i32
    %ne3A_1677 = arith.constant 0 : i32
    %ne3A_1678 = arith.cmpi ne, %rem3A_1676, %ne3A_1677 : i32
    %and3A_1679 = arith.andi %ne3A_1675, %ne3A_1678 : i1
    %sub3A_1680 = arith.constant 1 : i32
    %sub3A_1681 = arith.subi %div3A_1660, %sub3A_1680 : i32
    %select_n3A_1682 = arith.select %and3A_1679, %sub3A_1681, %div3A_1660 : i32
    %rem3A_1683 = arith.constant 4 : i32
    %rem3A_1684 = arith.remsi %add3A_1658, %rem3A_1683 : i32
    %mul3A_1685 = arith.constant 1024 : i32
    %mul3A_1686 = arith.muli %rem3A_1684, %mul3A_1685 : i32
    %dma_wait3A_1687 = arith.constant 0 : i32
    %dma_wait3A_1688 = tpu.memref_slice %arg4[%select_n3A_1682, %mul3A_1686, %dma_wait3A_1687] : memref<200x4096x32xf32, #tpu.memory_space<hbm>> -> memref<1x1024x32xf32, #tpu.memory_space<hbm>>
    %dma_wait3A_1689 = arith.constant 0 : i32
    %dma_wait3A_1690 = tpu.memref_slice %arg4[%select_n3A_1682, %mul3A_1686, %dma_wait3A_1689] : memref<200x4096x32xf32, #tpu.memory_space<hbm>> -> memref<1x1024x32xf32, #tpu.memory_space<hbm>>
    tpu.wait_dma2 semaphore(%arg14 : memref<!tpu.dma_semaphore, #tpu.memory_space<semaphore_mem>>) src(%arg8 : memref<1x1024x32xf32, #tpu.memory_space<vmem>>) dst(%dma_wait3A_1690 : memref<1x1024x32xf32, #tpu.memory_space<hbm>>)
    %dma_start3A_1691 = arith.constant 0 : i32
    %dma_start3A_1692 = arith.constant 0 : i32
    %dma_start3A_1693 = arith.constant 0 : i32
    %dma_start3A_1694 = arith.constant 0 : i32
    %dma_start3A_1695 = tpu.memref_slice %arg8[%dma_start3A_1692, %dma_start3A_1693, %dma_start3A_1694] : memref<1x1024x32xf32, #tpu.memory_space<vmem>> -> memref<1x1024x32xf32, #tpu.memory_space<vmem>>
    %dma_start3A_1696 = tpu.memref_squeeze %dma_start3A_1695 : memref<1x1024x32xf32, #tpu.memory_space<vmem>> -> memref<1024x32xf32, #tpu.memory_space<vmem>>
    %dma_start3A_1697 = arith.constant 0 : i32
    %dma_start3A_1698 = tpu.memref_slice %arg6[%dma_start3A_1691, %dma_start3A_1697] : memref<1x1024xi32, #tpu.memory_space<vmem>> -> memref<1x1024xi32, #tpu.memory_space<vmem>>
    %dma_start3A_1699 = tpu.memref_squeeze %dma_start3A_1698 : memref<1x1024xi32, #tpu.memory_space<vmem>> -> memref<1024xi32, #tpu.memory_space<vmem>>
    %dma_start3A_1700 = arith.constant 0 : i32
    %dma_start3A_1701 = arith.constant 0 : i32
    %dma_start3A_1702 = tpu.memref_slice %arg2[%dma_start3A_1700, %dma_start3A_1701] : memref<1000000x32xf32, #tpu.memory_space<hbm>> -> memref<1000000x32xf32, #tpu.memory_space<hbm>>
    tpu.enqueue_indirect_dma source(%dma_start3A_1702 : memref<1000000x32xf32, #tpu.memory_space<hbm>>) target(%dma_start3A_1696 : memref<1024x32xf32, #tpu.memory_space<vmem>>) offsets(%dma_start3A_1699 : memref<1024xi32, #tpu.memory_space<vmem>>) semaphore(%arg12 : memref<!tpu.dma_semaphore, #tpu.memory_space<semaphore_mem>>)
    %dma_wait3A_1703 = arith.constant 0 : i32
    %dma_wait3A_1704 = arith.constant 0 : i32
    %dma_wait3A_1705 = arith.constant 0 : i32
    %dma_wait3A_1706 = arith.constant 0 : i32
    %dma_wait3A_1707 = tpu.memref_slice %arg7[%dma_wait3A_1704, %dma_wait3A_1705, %dma_wait3A_1706] : memref<1x1024x32xf32, #tpu.memory_space<vmem>> -> memref<1x1024x32xf32, #tpu.memory_space<vmem>>
    %dma_wait3A_1708 = tpu.memref_squeeze %dma_wait3A_1707 : memref<1x1024x32xf32, #tpu.memory_space<vmem>> -> memref<1024x32xf32, #tpu.memory_space<vmem>>
    %dma_wait3A_1709 = arith.constant 0 : i32
    %dma_wait3A_1710 = tpu.memref_slice %arg5[%dma_wait3A_1703, %dma_wait3A_1709] : memref<1x1024xi32, #tpu.memory_space<vmem>> -> memref<1x1024xi32, #tpu.memory_space<vmem>>
    %dma_wait3A_1711 = tpu.memref_squeeze %dma_wait3A_1710 : memref<1x1024xi32, #tpu.memory_space<vmem>> -> memref<1024xi32, #tpu.memory_space<vmem>>
    %dma_wait3A_1712 = arith.constant 0 : i32
    %dma_wait3A_1713 = arith.constant 0 : i32
    %dma_wait3A_1714 = tpu.memref_slice %arg2[%dma_wait3A_1712, %dma_wait3A_1713] : memref<1000000x32xf32, #tpu.memory_space<hbm>> -> memref<1000000x32xf32, #tpu.memory_space<hbm>>
    tpu.wait_indirect_dma semaphore(%arg11 : memref<!tpu.dma_semaphore, #tpu.memory_space<semaphore_mem>>) src(%dma_wait3A_1714 : memref<1000000x32xf32, #tpu.memory_space<hbm>>) dst(%dma_wait3A_1708 : memref<1024x32xf32, #tpu.memory_space<vmem>>)
    %add3A_1715 = arith.constant 384 : i32
    %add3A_1716 = arith.addi %add3A, %add3A_1715 : i32
    %jit3A_1717 = arith.constant 4 : i32
    %div3A_1718 = arith.divsi %add3A_1716, %jit3A_1717 : i32
    %sign3A_1719 = arith.constant 0 : i32
    %sign3A_1720 = arith.cmpi sgt, %add3A_1716, %sign3A_1719 : i32
    %sign3A_1721 = arith.extui %sign3A_1720 : i1 to i32
    %sign3A_1722 = arith.constant 0 : i32
    %sign3A_1723 = arith.cmpi slt, %add3A_1716, %sign3A_1722 : i32
    %sign3A_1724 = arith.extui %sign3A_1723 : i1 to i32
    %sign3A_1725 = arith.subi %sign3A_1721, %sign3A_1724 : i32
    %sign3A_1726 = arith.constant 0 : i32
    %sign3A_1727 = arith.cmpi sgt, %jit3A_1717, %sign3A_1726 : i32
    %sign3A_1728 = arith.extui %sign3A_1727 : i1 to i32
    %sign3A_1729 = arith.constant 0 : i32
    %sign3A_1730 = arith.cmpi slt, %jit3A_1717, %sign3A_1729 : i32
    %sign3A_1731 = arith.extui %sign3A_1730 : i1 to i32
    %sign3A_1732 = arith.subi %sign3A_1728, %sign3A_1731 : i32
    %ne3A_1733 = arith.cmpi ne, %sign3A_1725, %sign3A_1732 : i32
    %rem3A_1734 = arith.remsi %add3A_1716, %jit3A_1717 : i32
    %ne3A_1735 = arith.constant 0 : i32
    %ne3A_1736 = arith.cmpi ne, %rem3A_1734, %ne3A_1735 : i32
    %and3A_1737 = arith.andi %ne3A_1733, %ne3A_1736 : i1
    %sub3A_1738 = arith.constant 1 : i32
    %sub3A_1739 = arith.subi %div3A_1718, %sub3A_1738 : i32
    %select_n3A_1740 = arith.select %and3A_1737, %sub3A_1739, %div3A_1718 : i32
    %rem3A_1741 = arith.constant 4 : i32
    %rem3A_1742 = arith.remsi %add3A_1716, %rem3A_1741 : i32
    %mul3A_1743 = arith.constant 1024 : i32
    %mul3A_1744 = arith.muli %rem3A_1742, %mul3A_1743 : i32
    %dma_start3A_1745 = tpu.memref_slice %arg3[%select_n3A_1740, %mul3A_1744] : memref<200x4096xi32, #tpu.memory_space<hbm>> -> memref<1x1024xi32, #tpu.memory_space<hbm>>
    %dma_start3A_1746 = tpu.memref_slice %arg3[%select_n3A_1740, %mul3A_1744] : memref<200x4096xi32, #tpu.memory_space<hbm>> -> memref<1x1024xi32, #tpu.memory_space<hbm>>
    tpu.enqueue_dma source(%dma_start3A_1746 : memref<1x1024xi32, #tpu.memory_space<hbm>>) target(%arg5 : memref<1x1024xi32, #tpu.memory_space<vmem>>) target_semaphore(%arg9 : memref<!tpu.dma_semaphore, #tpu.memory_space<semaphore_mem>>)
    %add3A_1747 = arith.constant 320 : i32
    %add3A_1748 = arith.addi %add3A, %add3A_1747 : i32
    %jit3A_1749 = arith.constant 4 : i32
    %div3A_1750 = arith.divsi %add3A_1748, %jit3A_1749 : i32
    %sign3A_1751 = arith.constant 0 : i32
    %sign3A_1752 = arith.cmpi sgt, %add3A_1748, %sign3A_1751 : i32
    %sign3A_1753 = arith.extui %sign3A_1752 : i1 to i32
    %sign3A_1754 = arith.constant 0 : i32
    %sign3A_1755 = arith.cmpi slt, %add3A_1748, %sign3A_1754 : i32
    %sign3A_1756 = arith.extui %sign3A_1755 : i1 to i32
    %sign3A_1757 = arith.subi %sign3A_1753, %sign3A_1756 : i32
    %sign3A_1758 = arith.constant 0 : i32
    %sign3A_1759 = arith.cmpi sgt, %jit3A_1749, %sign3A_1758 : i32
    %sign3A_1760 = arith.extui %sign3A_1759 : i1 to i32
    %sign3A_1761 = arith.constant 0 : i32
    %sign3A_1762 = arith.cmpi slt, %jit3A_1749, %sign3A_1761 : i32
    %sign3A_1763 = arith.extui %sign3A_1762 : i1 to i32
    %sign3A_1764 = arith.subi %sign3A_1760, %sign3A_1763 : i32
    %ne3A_1765 = arith.cmpi ne, %sign3A_1757, %sign3A_1764 : i32
    %rem3A_1766 = arith.remsi %add3A_1748, %jit3A_1749 : i32
    %ne3A_1767 = arith.constant 0 : i32
    %ne3A_1768 = arith.cmpi ne, %rem3A_1766, %ne3A_1767 : i32
    %and3A_1769 = arith.andi %ne3A_1765, %ne3A_1768 : i1
    %sub3A_1770 = arith.constant 1 : i32
    %sub3A_1771 = arith.subi %div3A_1750, %sub3A_1770 : i32
    %select_n3A_1772 = arith.select %and3A_1769, %sub3A_1771, %div3A_1750 : i32
    %rem3A_1773 = arith.constant 4 : i32
    %rem3A_1774 = arith.remsi %add3A_1748, %rem3A_1773 : i32
    %mul3A_1775 = arith.constant 1024 : i32
    %mul3A_1776 = arith.muli %rem3A_1774, %mul3A_1775 : i32
    %dma_start3A_1777 = arith.constant 0 : i32
    %dma_start3A_1778 = tpu.memref_slice %arg4[%select_n3A_1772, %mul3A_1776, %dma_start3A_1777] : memref<200x4096x32xf32, #tpu.memory_space<hbm>> -> memref<1x1024x32xf32, #tpu.memory_space<hbm>>
    %dma_start3A_1779 = arith.constant 0 : i32
    %dma_start3A_1780 = tpu.memref_slice %arg4[%select_n3A_1772, %mul3A_1776, %dma_start3A_1779] : memref<200x4096x32xf32, #tpu.memory_space<hbm>> -> memref<1x1024x32xf32, #tpu.memory_space<hbm>>
    tpu.enqueue_dma source(%arg7 : memref<1x1024x32xf32, #tpu.memory_space<vmem>>) target(%dma_start3A_1780 : memref<1x1024x32xf32, #tpu.memory_space<hbm>>) target_semaphore(%arg13 : memref<!tpu.dma_semaphore, #tpu.memory_space<semaphore_mem>>)
    %add3A_1781 = arith.constant 384 : i32
    %add3A_1782 = arith.addi %add3A, %add3A_1781 : i32
    %jit3A_1783 = arith.constant 4 : i32
    %div3A_1784 = arith.divsi %add3A_1782, %jit3A_1783 : i32
    %sign3A_1785 = arith.constant 0 : i32
    %sign3A_1786 = arith.cmpi sgt, %add3A_1782, %sign3A_1785 : i32
    %sign3A_1787 = arith.extui %sign3A_1786 : i1 to i32
    %sign3A_1788 = arith.constant 0 : i32
    %sign3A_1789 = arith.cmpi slt, %add3A_1782, %sign3A_1788 : i32
    %sign3A_1790 = arith.extui %sign3A_1789 : i1 to i32
    %sign3A_1791 = arith.subi %sign3A_1787, %sign3A_1790 : i32
    %sign3A_1792 = arith.constant 0 : i32
    %sign3A_1793 = arith.cmpi sgt, %jit3A_1783, %sign3A_1792 : i32
    %sign3A_1794 = arith.extui %sign3A_1793 : i1 to i32
    %sign3A_1795 = arith.constant 0 : i32
    %sign3A_1796 = arith.cmpi slt, %jit3A_1783, %sign3A_1795 : i32
    %sign3A_1797 = arith.extui %sign3A_1796 : i1 to i32
    %sign3A_1798 = arith.subi %sign3A_1794, %sign3A_1797 : i32
    %ne3A_1799 = arith.cmpi ne, %sign3A_1791, %sign3A_1798 : i32
    %rem3A_1800 = arith.remsi %add3A_1782, %jit3A_1783 : i32
    %ne3A_1801 = arith.constant 0 : i32
    %ne3A_1802 = arith.cmpi ne, %rem3A_1800, %ne3A_1801 : i32
    %and3A_1803 = arith.andi %ne3A_1799, %ne3A_1802 : i1
    %sub3A_1804 = arith.constant 1 : i32
    %sub3A_1805 = arith.subi %div3A_1784, %sub3A_1804 : i32
    %select_n3A_1806 = arith.select %and3A_1803, %sub3A_1805, %div3A_1784 : i32
    %rem3A_1807 = arith.constant 4 : i32
    %rem3A_1808 = arith.remsi %add3A_1782, %rem3A_1807 : i32
    %mul3A_1809 = arith.constant 1024 : i32
    %mul3A_1810 = arith.muli %rem3A_1808, %mul3A_1809 : i32
    %dma_wait3A_1811 = tpu.memref_slice %arg3[%select_n3A_1806, %mul3A_1810] : memref<200x4096xi32, #tpu.memory_space<hbm>> -> memref<1x1024xi32, #tpu.memory_space<hbm>>
    %dma_wait3A_1812 = tpu.memref_slice %arg3[%select_n3A_1806, %mul3A_1810] : memref<200x4096xi32, #tpu.memory_space<hbm>> -> memref<1x1024xi32, #tpu.memory_space<hbm>>
    tpu.wait_dma2 semaphore(%arg9 : memref<!tpu.dma_semaphore, #tpu.memory_space<semaphore_mem>>) src(%dma_wait3A_1812 : memref<1x1024xi32, #tpu.memory_space<hbm>>) dst(%arg5 : memref<1x1024xi32, #tpu.memory_space<vmem>>)
    %add3A_1813 = arith.constant 320 : i32
    %add3A_1814 = arith.addi %add3A, %add3A_1813 : i32
    %jit3A_1815 = arith.constant 4 : i32
    %div3A_1816 = arith.divsi %add3A_1814, %jit3A_1815 : i32
    %sign3A_1817 = arith.constant 0 : i32
    %sign3A_1818 = arith.cmpi sgt, %add3A_1814, %sign3A_1817 : i32
    %sign3A_1819 = arith.extui %sign3A_1818 : i1 to i32
    %sign3A_1820 = arith.constant 0 : i32
    %sign3A_1821 = arith.cmpi slt, %add3A_1814, %sign3A_1820 : i32
    %sign3A_1822 = arith.extui %sign3A_1821 : i1 to i32
    %sign3A_1823 = arith.subi %sign3A_1819, %sign3A_1822 : i32
    %sign3A_1824 = arith.constant 0 : i32
    %sign3A_1825 = arith.cmpi sgt, %jit3A_1815, %sign3A_1824 : i32
    %sign3A_1826 = arith.extui %sign3A_1825 : i1 to i32
    %sign3A_1827 = arith.constant 0 : i32
    %sign3A_1828 = arith.cmpi slt, %jit3A_1815, %sign3A_1827 : i32
    %sign3A_1829 = arith.extui %sign3A_1828 : i1 to i32
    %sign3A_1830 = arith.subi %sign3A_1826, %sign3A_1829 : i32
    %ne3A_1831 = arith.cmpi ne, %sign3A_1823, %sign3A_1830 : i32
    %rem3A_1832 = arith.remsi %add3A_1814, %jit3A_1815 : i32
    %ne3A_1833 = arith.constant 0 : i32
    %ne3A_1834 = arith.cmpi ne, %rem3A_1832, %ne3A_1833 : i32
    %and3A_1835 = arith.andi %ne3A_1831, %ne3A_1834 : i1
    %sub3A_1836 = arith.constant 1 : i32
    %sub3A_1837 = arith.subi %div3A_1816, %sub3A_1836 : i32
    %select_n3A_1838 = arith.select %and3A_1835, %sub3A_1837, %div3A_1816 : i32
    %rem3A_1839 = arith.constant 4 : i32
    %rem3A_1840 = arith.remsi %add3A_1814, %rem3A_1839 : i32
    %mul3A_1841 = arith.constant 1024 : i32
    %mul3A_1842 = arith.muli %rem3A_1840, %mul3A_1841 : i32
    %dma_wait3A_1843 = arith.constant 0 : i32
    %dma_wait3A_1844 = tpu.memref_slice %arg4[%select_n3A_1838, %mul3A_1842, %dma_wait3A_1843] : memref<200x4096x32xf32, #tpu.memory_space<hbm>> -> memref<1x1024x32xf32, #tpu.memory_space<hbm>>
    %dma_wait3A_1845 = arith.constant 0 : i32
    %dma_wait3A_1846 = tpu.memref_slice %arg4[%select_n3A_1838, %mul3A_1842, %dma_wait3A_1845] : memref<200x4096x32xf32, #tpu.memory_space<hbm>> -> memref<1x1024x32xf32, #tpu.memory_space<hbm>>
    tpu.wait_dma2 semaphore(%arg13 : memref<!tpu.dma_semaphore, #tpu.memory_space<semaphore_mem>>) src(%arg7 : memref<1x1024x32xf32, #tpu.memory_space<vmem>>) dst(%dma_wait3A_1846 : memref<1x1024x32xf32, #tpu.memory_space<hbm>>)
    %dma_start3A_1847 = arith.constant 0 : i32
    %dma_start3A_1848 = arith.constant 0 : i32
    %dma_start3A_1849 = arith.constant 0 : i32
    %dma_start3A_1850 = arith.constant 0 : i32
    %dma_start3A_1851 = tpu.memref_slice %arg7[%dma_start3A_1848, %dma_start3A_1849, %dma_start3A_1850] : memref<1x1024x32xf32, #tpu.memory_space<vmem>> -> memref<1x1024x32xf32, #tpu.memory_space<vmem>>
    %dma_start3A_1852 = tpu.memref_squeeze %dma_start3A_1851 : memref<1x1024x32xf32, #tpu.memory_space<vmem>> -> memref<1024x32xf32, #tpu.memory_space<vmem>>
    %dma_start3A_1853 = arith.constant 0 : i32
    %dma_start3A_1854 = tpu.memref_slice %arg5[%dma_start3A_1847, %dma_start3A_1853] : memref<1x1024xi32, #tpu.memory_space<vmem>> -> memref<1x1024xi32, #tpu.memory_space<vmem>>
    %dma_start3A_1855 = tpu.memref_squeeze %dma_start3A_1854 : memref<1x1024xi32, #tpu.memory_space<vmem>> -> memref<1024xi32, #tpu.memory_space<vmem>>
    %dma_start3A_1856 = arith.constant 0 : i32
    %dma_start3A_1857 = arith.constant 0 : i32
    %dma_start3A_1858 = tpu.memref_slice %arg2[%dma_start3A_1856, %dma_start3A_1857] : memref<1000000x32xf32, #tpu.memory_space<hbm>> -> memref<1000000x32xf32, #tpu.memory_space<hbm>>
    tpu.enqueue_indirect_dma source(%dma_start3A_1858 : memref<1000000x32xf32, #tpu.memory_space<hbm>>) target(%dma_start3A_1852 : memref<1024x32xf32, #tpu.memory_space<vmem>>) offsets(%dma_start3A_1855 : memref<1024xi32, #tpu.memory_space<vmem>>) semaphore(%arg11 : memref<!tpu.dma_semaphore, #tpu.memory_space<semaphore_mem>>)
    %dma_wait3A_1859 = arith.constant 0 : i32
    %dma_wait3A_1860 = arith.constant 0 : i32
    %dma_wait3A_1861 = arith.constant 0 : i32
    %dma_wait3A_1862 = arith.constant 0 : i32
    %dma_wait3A_1863 = tpu.memref_slice %arg8[%dma_wait3A_1860, %dma_wait3A_1861, %dma_wait3A_1862] : memref<1x1024x32xf32, #tpu.memory_space<vmem>> -> memref<1x1024x32xf32, #tpu.memory_space<vmem>>
    %dma_wait3A_1864 = tpu.memref_squeeze %dma_wait3A_1863 : memref<1x1024x32xf32, #tpu.memory_space<vmem>> -> memref<1024x32xf32, #tpu.memory_space<vmem>>
    %dma_wait3A_1865 = arith.constant 0 : i32
    %dma_wait3A_1866 = tpu.memref_slice %arg6[%dma_wait3A_1859, %dma_wait3A_1865] : memref<1x1024xi32, #tpu.memory_space<vmem>> -> memref<1x1024xi32, #tpu.memory_space<vmem>>
    %dma_wait3A_1867 = tpu.memref_squeeze %dma_wait3A_1866 : memref<1x1024xi32, #tpu.memory_space<vmem>> -> memref<1024xi32, #tpu.memory_space<vmem>>
    %dma_wait3A_1868 = arith.constant 0 : i32
    %dma_wait3A_1869 = arith.constant 0 : i32
    %dma_wait3A_1870 = tpu.memref_slice %arg2[%dma_wait3A_1868, %dma_wait3A_1869] : memref<1000000x32xf32, #tpu.memory_space<hbm>> -> memref<1000000x32xf32, #tpu.memory_space<hbm>>
    tpu.wait_indirect_dma semaphore(%arg12 : memref<!tpu.dma_semaphore, #tpu.memory_space<semaphore_mem>>) src(%dma_wait3A_1870 : memref<1000000x32xf32, #tpu.memory_space<hbm>>) dst(%dma_wait3A_1864 : memref<1024x32xf32, #tpu.memory_space<vmem>>)
    %add3A_1871 = arith.constant 416 : i32
    %add3A_1872 = arith.addi %add3A, %add3A_1871 : i32
    %jit3A_1873 = arith.constant 4 : i32
    %div3A_1874 = arith.divsi %add3A_1872, %jit3A_1873 : i32
    %sign3A_1875 = arith.constant 0 : i32
    %sign3A_1876 = arith.cmpi sgt, %add3A_1872, %sign3A_1875 : i32
    %sign3A_1877 = arith.extui %sign3A_1876 : i1 to i32
    %sign3A_1878 = arith.constant 0 : i32
    %sign3A_1879 = arith.cmpi slt, %add3A_1872, %sign3A_1878 : i32
    %sign3A_1880 = arith.extui %sign3A_1879 : i1 to i32
    %sign3A_1881 = arith.subi %sign3A_1877, %sign3A_1880 : i32
    %sign3A_1882 = arith.constant 0 : i32
    %sign3A_1883 = arith.cmpi sgt, %jit3A_1873, %sign3A_1882 : i32
    %sign3A_1884 = arith.extui %sign3A_1883 : i1 to i32
    %sign3A_1885 = arith.constant 0 : i32
    %sign3A_1886 = arith.cmpi slt, %jit3A_1873, %sign3A_1885 : i32
    %sign3A_1887 = arith.extui %sign3A_1886 : i1 to i32
    %sign3A_1888 = arith.subi %sign3A_1884, %sign3A_1887 : i32
    %ne3A_1889 = arith.cmpi ne, %sign3A_1881, %sign3A_1888 : i32
    %rem3A_1890 = arith.remsi %add3A_1872, %jit3A_1873 : i32
    %ne3A_1891 = arith.constant 0 : i32
    %ne3A_1892 = arith.cmpi ne, %rem3A_1890, %ne3A_1891 : i32
    %and3A_1893 = arith.andi %ne3A_1889, %ne3A_1892 : i1
    %sub3A_1894 = arith.constant 1 : i32
    %sub3A_1895 = arith.subi %div3A_1874, %sub3A_1894 : i32
    %select_n3A_1896 = arith.select %and3A_1893, %sub3A_1895, %div3A_1874 : i32
    %rem3A_1897 = arith.constant 4 : i32
    %rem3A_1898 = arith.remsi %add3A_1872, %rem3A_1897 : i32
    %mul3A_1899 = arith.constant 1024 : i32
    %mul3A_1900 = arith.muli %rem3A_1898, %mul3A_1899 : i32
    %dma_start3A_1901 = tpu.memref_slice %arg3[%select_n3A_1896, %mul3A_1900] : memref<200x4096xi32, #tpu.memory_space<hbm>> -> memref<1x1024xi32, #tpu.memory_space<hbm>>
    %dma_start3A_1902 = tpu.memref_slice %arg3[%select_n3A_1896, %mul3A_1900] : memref<200x4096xi32, #tpu.memory_space<hbm>> -> memref<1x1024xi32, #tpu.memory_space<hbm>>
    tpu.enqueue_dma source(%dma_start3A_1902 : memref<1x1024xi32, #tpu.memory_space<hbm>>) target(%arg6 : memref<1x1024xi32, #tpu.memory_space<vmem>>) target_semaphore(%arg10 : memref<!tpu.dma_semaphore, #tpu.memory_space<semaphore_mem>>)
    %add3A_1903 = arith.constant 352 : i32
    %add3A_1904 = arith.addi %add3A, %add3A_1903 : i32
    %jit3A_1905 = arith.constant 4 : i32
    %div3A_1906 = arith.divsi %add3A_1904, %jit3A_1905 : i32
    %sign3A_1907 = arith.constant 0 : i32
    %sign3A_1908 = arith.cmpi sgt, %add3A_1904, %sign3A_1907 : i32
    %sign3A_1909 = arith.extui %sign3A_1908 : i1 to i32
    %sign3A_1910 = arith.constant 0 : i32
    %sign3A_1911 = arith.cmpi slt, %add3A_1904, %sign3A_1910 : i32
    %sign3A_1912 = arith.extui %sign3A_1911 : i1 to i32
    %sign3A_1913 = arith.subi %sign3A_1909, %sign3A_1912 : i32
    %sign3A_1914 = arith.constant 0 : i32
    %sign3A_1915 = arith.cmpi sgt, %jit3A_1905, %sign3A_1914 : i32
    %sign3A_1916 = arith.extui %sign3A_1915 : i1 to i32
    %sign3A_1917 = arith.constant 0 : i32
    %sign3A_1918 = arith.cmpi slt, %jit3A_1905, %sign3A_1917 : i32
    %sign3A_1919 = arith.extui %sign3A_1918 : i1 to i32
    %sign3A_1920 = arith.subi %sign3A_1916, %sign3A_1919 : i32
    %ne3A_1921 = arith.cmpi ne, %sign3A_1913, %sign3A_1920 : i32
    %rem3A_1922 = arith.remsi %add3A_1904, %jit3A_1905 : i32
    %ne3A_1923 = arith.constant 0 : i32
    %ne3A_1924 = arith.cmpi ne, %rem3A_1922, %ne3A_1923 : i32
    %and3A_1925 = arith.andi %ne3A_1921, %ne3A_1924 : i1
    %sub3A_1926 = arith.constant 1 : i32
    %sub3A_1927 = arith.subi %div3A_1906, %sub3A_1926 : i32
    %select_n3A_1928 = arith.select %and3A_1925, %sub3A_1927, %div3A_1906 : i32
    %rem3A_1929 = arith.constant 4 : i32
    %rem3A_1930 = arith.remsi %add3A_1904, %rem3A_1929 : i32
    %mul3A_1931 = arith.constant 1024 : i32
    %mul3A_1932 = arith.muli %rem3A_1930, %mul3A_1931 : i32
    %dma_start3A_1933 = arith.constant 0 : i32
    %dma_start3A_1934 = tpu.memref_slice %arg4[%select_n3A_1928, %mul3A_1932, %dma_start3A_1933] : memref<200x4096x32xf32, #tpu.memory_space<hbm>> -> memref<1x1024x32xf32, #tpu.memory_space<hbm>>
    %dma_start3A_1935 = arith.constant 0 : i32
    %dma_start3A_1936 = tpu.memref_slice %arg4[%select_n3A_1928, %mul3A_1932, %dma_start3A_1935] : memref<200x4096x32xf32, #tpu.memory_space<hbm>> -> memref<1x1024x32xf32, #tpu.memory_space<hbm>>
    tpu.enqueue_dma source(%arg8 : memref<1x1024x32xf32, #tpu.memory_space<vmem>>) target(%dma_start3A_1936 : memref<1x1024x32xf32, #tpu.memory_space<hbm>>) target_semaphore(%arg14 : memref<!tpu.dma_semaphore, #tpu.memory_space<semaphore_mem>>)
    %add3A_1937 = arith.constant 416 : i32
    %add3A_1938 = arith.addi %add3A, %add3A_1937 : i32
    %jit3A_1939 = arith.constant 4 : i32
    %div3A_1940 = arith.divsi %add3A_1938, %jit3A_1939 : i32
    %sign3A_1941 = arith.constant 0 : i32
    %sign3A_1942 = arith.cmpi sgt, %add3A_1938, %sign3A_1941 : i32
    %sign3A_1943 = arith.extui %sign3A_1942 : i1 to i32
    %sign3A_1944 = arith.constant 0 : i32
    %sign3A_1945 = arith.cmpi slt, %add3A_1938, %sign3A_1944 : i32
    %sign3A_1946 = arith.extui %sign3A_1945 : i1 to i32
    %sign3A_1947 = arith.subi %sign3A_1943, %sign3A_1946 : i32
    %sign3A_1948 = arith.constant 0 : i32
    %sign3A_1949 = arith.cmpi sgt, %jit3A_1939, %sign3A_1948 : i32
    %sign3A_1950 = arith.extui %sign3A_1949 : i1 to i32
    %sign3A_1951 = arith.constant 0 : i32
    %sign3A_1952 = arith.cmpi slt, %jit3A_1939, %sign3A_1951 : i32
    %sign3A_1953 = arith.extui %sign3A_1952 : i1 to i32
    %sign3A_1954 = arith.subi %sign3A_1950, %sign3A_1953 : i32
    %ne3A_1955 = arith.cmpi ne, %sign3A_1947, %sign3A_1954 : i32
    %rem3A_1956 = arith.remsi %add3A_1938, %jit3A_1939 : i32
    %ne3A_1957 = arith.constant 0 : i32
    %ne3A_1958 = arith.cmpi ne, %rem3A_1956, %ne3A_1957 : i32
    %and3A_1959 = arith.andi %ne3A_1955, %ne3A_1958 : i1
    %sub3A_1960 = arith.constant 1 : i32
    %sub3A_1961 = arith.subi %div3A_1940, %sub3A_1960 : i32
    %select_n3A_1962 = arith.select %and3A_1959, %sub3A_1961, %div3A_1940 : i32
    %rem3A_1963 = arith.constant 4 : i32
    %rem3A_1964 = arith.remsi %add3A_1938, %rem3A_1963 : i32
    %mul3A_1965 = arith.constant 1024 : i32
    %mul3A_1966 = arith.muli %rem3A_1964, %mul3A_1965 : i32
    %dma_wait3A_1967 = tpu.memref_slice %arg3[%select_n3A_1962, %mul3A_1966] : memref<200x4096xi32, #tpu.memory_space<hbm>> -> memref<1x1024xi32, #tpu.memory_space<hbm>>
    %dma_wait3A_1968 = tpu.memref_slice %arg3[%select_n3A_1962, %mul3A_1966] : memref<200x4096xi32, #tpu.memory_space<hbm>> -> memref<1x1024xi32, #tpu.memory_space<hbm>>
    tpu.wait_dma2 semaphore(%arg10 : memref<!tpu.dma_semaphore, #tpu.memory_space<semaphore_mem>>) src(%dma_wait3A_1968 : memref<1x1024xi32, #tpu.memory_space<hbm>>) dst(%arg6 : memref<1x1024xi32, #tpu.memory_space<vmem>>)
    %add3A_1969 = arith.constant 352 : i32
    %add3A_1970 = arith.addi %add3A, %add3A_1969 : i32
    %jit3A_1971 = arith.constant 4 : i32
    %div3A_1972 = arith.divsi %add3A_1970, %jit3A_1971 : i32
    %sign3A_1973 = arith.constant 0 : i32
    %sign3A_1974 = arith.cmpi sgt, %add3A_1970, %sign3A_1973 : i32
    %sign3A_1975 = arith.extui %sign3A_1974 : i1 to i32
    %sign3A_1976 = arith.constant 0 : i32
    %sign3A_1977 = arith.cmpi slt, %add3A_1970, %sign3A_1976 : i32
    %sign3A_1978 = arith.extui %sign3A_1977 : i1 to i32
    %sign3A_1979 = arith.subi %sign3A_1975, %sign3A_1978 : i32
    %sign3A_1980 = arith.constant 0 : i32
    %sign3A_1981 = arith.cmpi sgt, %jit3A_1971, %sign3A_1980 : i32
    %sign3A_1982 = arith.extui %sign3A_1981 : i1 to i32
    %sign3A_1983 = arith.constant 0 : i32
    %sign3A_1984 = arith.cmpi slt, %jit3A_1971, %sign3A_1983 : i32
    %sign3A_1985 = arith.extui %sign3A_1984 : i1 to i32
    %sign3A_1986 = arith.subi %sign3A_1982, %sign3A_1985 : i32
    %ne3A_1987 = arith.cmpi ne, %sign3A_1979, %sign3A_1986 : i32
    %rem3A_1988 = arith.remsi %add3A_1970, %jit3A_1971 : i32
    %ne3A_1989 = arith.constant 0 : i32
    %ne3A_1990 = arith.cmpi ne, %rem3A_1988, %ne3A_1989 : i32
    %and3A_1991 = arith.andi %ne3A_1987, %ne3A_1990 : i1
    %sub3A_1992 = arith.constant 1 : i32
    %sub3A_1993 = arith.subi %div3A_1972, %sub3A_1992 : i32
    %select_n3A_1994 = arith.select %and3A_1991, %sub3A_1993, %div3A_1972 : i32
    %rem3A_1995 = arith.constant 4 : i32
    %rem3A_1996 = arith.remsi %add3A_1970, %rem3A_1995 : i32
    %mul3A_1997 = arith.constant 1024 : i32
    %mul3A_1998 = arith.muli %rem3A_1996, %mul3A_1997 : i32
    %dma_wait3A_1999 = arith.constant 0 : i32
    %dma_wait3A_2000 = tpu.memref_slice %arg4[%select_n3A_1994, %mul3A_1998, %dma_wait3A_1999] : memref<200x4096x32xf32, #tpu.memory_space<hbm>> -> memref<1x1024x32xf32, #tpu.memory_space<hbm>>
    %dma_wait3A_2001 = arith.constant 0 : i32
    %dma_wait3A_2002 = tpu.memref_slice %arg4[%select_n3A_1994, %mul3A_1998, %dma_wait3A_2001] : memref<200x4096x32xf32, #tpu.memory_space<hbm>> -> memref<1x1024x32xf32, #tpu.memory_space<hbm>>
    tpu.wait_dma2 semaphore(%arg14 : memref<!tpu.dma_semaphore, #tpu.memory_space<semaphore_mem>>) src(%arg8 : memref<1x1024x32xf32, #tpu.memory_space<vmem>>) dst(%dma_wait3A_2002 : memref<1x1024x32xf32, #tpu.memory_space<hbm>>)
    %dma_start3A_2003 = arith.constant 0 : i32
    %dma_start3A_2004 = arith.constant 0 : i32
    %dma_start3A_2005 = arith.constant 0 : i32
    %dma_start3A_2006 = arith.constant 0 : i32
    %dma_start3A_2007 = tpu.memref_slice %arg8[%dma_start3A_2004, %dma_start3A_2005, %dma_start3A_2006] : memref<1x1024x32xf32, #tpu.memory_space<vmem>> -> memref<1x1024x32xf32, #tpu.memory_space<vmem>>
    %dma_start3A_2008 = tpu.memref_squeeze %dma_start3A_2007 : memref<1x1024x32xf32, #tpu.memory_space<vmem>> -> memref<1024x32xf32, #tpu.memory_space<vmem>>
    %dma_start3A_2009 = arith.constant 0 : i32
    %dma_start3A_2010 = tpu.memref_slice %arg6[%dma_start3A_2003, %dma_start3A_2009] : memref<1x1024xi32, #tpu.memory_space<vmem>> -> memref<1x1024xi32, #tpu.memory_space<vmem>>
    %dma_start3A_2011 = tpu.memref_squeeze %dma_start3A_2010 : memref<1x1024xi32, #tpu.memory_space<vmem>> -> memref<1024xi32, #tpu.memory_space<vmem>>
    %dma_start3A_2012 = arith.constant 0 : i32
    %dma_start3A_2013 = arith.constant 0 : i32
    %dma_start3A_2014 = tpu.memref_slice %arg2[%dma_start3A_2012, %dma_start3A_2013] : memref<1000000x32xf32, #tpu.memory_space<hbm>> -> memref<1000000x32xf32, #tpu.memory_space<hbm>>
    tpu.enqueue_indirect_dma source(%dma_start3A_2014 : memref<1000000x32xf32, #tpu.memory_space<hbm>>) target(%dma_start3A_2008 : memref<1024x32xf32, #tpu.memory_space<vmem>>) offsets(%dma_start3A_2011 : memref<1024xi32, #tpu.memory_space<vmem>>) semaphore(%arg12 : memref<!tpu.dma_semaphore, #tpu.memory_space<semaphore_mem>>)
    %dma_wait3A_2015 = arith.constant 0 : i32
    %dma_wait3A_2016 = arith.constant 0 : i32
    %dma_wait3A_2017 = arith.constant 0 : i32
    %dma_wait3A_2018 = arith.constant 0 : i32
    %dma_wait3A_2019 = tpu.memref_slice %arg7[%dma_wait3A_2016, %dma_wait3A_2017, %dma_wait3A_2018] : memref<1x1024x32xf32, #tpu.memory_space<vmem>> -> memref<1x1024x32xf32, #tpu.memory_space<vmem>>
    %dma_wait3A_2020 = tpu.memref_squeeze %dma_wait3A_2019 : memref<1x1024x32xf32, #tpu.memory_space<vmem>> -> memref<1024x32xf32, #tpu.memory_space<vmem>>
    %dma_wait3A_2021 = arith.constant 0 : i32
    %dma_wait3A_2022 = tpu.memref_slice %arg5[%dma_wait3A_2015, %dma_wait3A_2021] : memref<1x1024xi32, #tpu.memory_space<vmem>> -> memref<1x1024xi32, #tpu.memory_space<vmem>>
    %dma_wait3A_2023 = tpu.memref_squeeze %dma_wait3A_2022 : memref<1x1024xi32, #tpu.memory_space<vmem>> -> memref<1024xi32, #tpu.memory_space<vmem>>
    %dma_wait3A_2024 = arith.constant 0 : i32
    %dma_wait3A_2025 = arith.constant 0 : i32
    %dma_wait3A_2026 = tpu.memref_slice %arg2[%dma_wait3A_2024, %dma_wait3A_2025] : memref<1000000x32xf32, #tpu.memory_space<hbm>> -> memref<1000000x32xf32, #tpu.memory_space<hbm>>
    tpu.wait_indirect_dma semaphore(%arg11 : memref<!tpu.dma_semaphore, #tpu.memory_space<semaphore_mem>>) src(%dma_wait3A_2026 : memref<1000000x32xf32, #tpu.memory_space<hbm>>) dst(%dma_wait3A_2020 : memref<1024x32xf32, #tpu.memory_space<vmem>>)
    %add3A_2027 = arith.constant 448 : i32
    %add3A_2028 = arith.addi %add3A, %add3A_2027 : i32
    %jit3A_2029 = arith.constant 4 : i32
    %div3A_2030 = arith.divsi %add3A_2028, %jit3A_2029 : i32
    %sign3A_2031 = arith.constant 0 : i32
    %sign3A_2032 = arith.cmpi sgt, %add3A_2028, %sign3A_2031 : i32
    %sign3A_2033 = arith.extui %sign3A_2032 : i1 to i32
    %sign3A_2034 = arith.constant 0 : i32
    %sign3A_2035 = arith.cmpi slt, %add3A_2028, %sign3A_2034 : i32
    %sign3A_2036 = arith.extui %sign3A_2035 : i1 to i32
    %sign3A_2037 = arith.subi %sign3A_2033, %sign3A_2036 : i32
    %sign3A_2038 = arith.constant 0 : i32
    %sign3A_2039 = arith.cmpi sgt, %jit3A_2029, %sign3A_2038 : i32
    %sign3A_2040 = arith.extui %sign3A_2039 : i1 to i32
    %sign3A_2041 = arith.constant 0 : i32
    %sign3A_2042 = arith.cmpi slt, %jit3A_2029, %sign3A_2041 : i32
    %sign3A_2043 = arith.extui %sign3A_2042 : i1 to i32
    %sign3A_2044 = arith.subi %sign3A_2040, %sign3A_2043 : i32
    %ne3A_2045 = arith.cmpi ne, %sign3A_2037, %sign3A_2044 : i32
    %rem3A_2046 = arith.remsi %add3A_2028, %jit3A_2029 : i32
    %ne3A_2047 = arith.constant 0 : i32
    %ne3A_2048 = arith.cmpi ne, %rem3A_2046, %ne3A_2047 : i32
    %and3A_2049 = arith.andi %ne3A_2045, %ne3A_2048 : i1
    %sub3A_2050 = arith.constant 1 : i32
    %sub3A_2051 = arith.subi %div3A_2030, %sub3A_2050 : i32
    %select_n3A_2052 = arith.select %and3A_2049, %sub3A_2051, %div3A_2030 : i32
    %rem3A_2053 = arith.constant 4 : i32
    %rem3A_2054 = arith.remsi %add3A_2028, %rem3A_2053 : i32
    %mul3A_2055 = arith.constant 1024 : i32
    %mul3A_2056 = arith.muli %rem3A_2054, %mul3A_2055 : i32
    %dma_start3A_2057 = tpu.memref_slice %arg3[%select_n3A_2052, %mul3A_2056] : memref<200x4096xi32, #tpu.memory_space<hbm>> -> memref<1x1024xi32, #tpu.memory_space<hbm>>
    %dma_start3A_2058 = tpu.memref_slice %arg3[%select_n3A_2052, %mul3A_2056] : memref<200x4096xi32, #tpu.memory_space<hbm>> -> memref<1x1024xi32, #tpu.memory_space<hbm>>
    tpu.enqueue_dma source(%dma_start3A_2058 : memref<1x1024xi32, #tpu.memory_space<hbm>>) target(%arg5 : memref<1x1024xi32, #tpu.memory_space<vmem>>) target_semaphore(%arg9 : memref<!tpu.dma_semaphore, #tpu.memory_space<semaphore_mem>>)
    %add3A_2059 = arith.constant 384 : i32
    %add3A_2060 = arith.addi %add3A, %add3A_2059 : i32
    %jit3A_2061 = arith.constant 4 : i32
    %div3A_2062 = arith.divsi %add3A_2060, %jit3A_2061 : i32
    %sign3A_2063 = arith.constant 0 : i32
    %sign3A_2064 = arith.cmpi sgt, %add3A_2060, %sign3A_2063 : i32
    %sign3A_2065 = arith.extui %sign3A_2064 : i1 to i32
    %sign3A_2066 = arith.constant 0 : i32
    %sign3A_2067 = arith.cmpi slt, %add3A_2060, %sign3A_2066 : i32
    %sign3A_2068 = arith.extui %sign3A_2067 : i1 to i32
    %sign3A_2069 = arith.subi %sign3A_2065, %sign3A_2068 : i32
    %sign3A_2070 = arith.constant 0 : i32
    %sign3A_2071 = arith.cmpi sgt, %jit3A_2061, %sign3A_2070 : i32
    %sign3A_2072 = arith.extui %sign3A_2071 : i1 to i32
    %sign3A_2073 = arith.constant 0 : i32
    %sign3A_2074 = arith.cmpi slt, %jit3A_2061, %sign3A_2073 : i32
    %sign3A_2075 = arith.extui %sign3A_2074 : i1 to i32
    %sign3A_2076 = arith.subi %sign3A_2072, %sign3A_2075 : i32
    %ne3A_2077 = arith.cmpi ne, %sign3A_2069, %sign3A_2076 : i32
    %rem3A_2078 = arith.remsi %add3A_2060, %jit3A_2061 : i32
    %ne3A_2079 = arith.constant 0 : i32
    %ne3A_2080 = arith.cmpi ne, %rem3A_2078, %ne3A_2079 : i32
    %and3A_2081 = arith.andi %ne3A_2077, %ne3A_2080 : i1
    %sub3A_2082 = arith.constant 1 : i32
    %sub3A_2083 = arith.subi %div3A_2062, %sub3A_2082 : i32
    %select_n3A_2084 = arith.select %and3A_2081, %sub3A_2083, %div3A_2062 : i32
    %rem3A_2085 = arith.constant 4 : i32
    %rem3A_2086 = arith.remsi %add3A_2060, %rem3A_2085 : i32
    %mul3A_2087 = arith.constant 1024 : i32
    %mul3A_2088 = arith.muli %rem3A_2086, %mul3A_2087 : i32
    %dma_start3A_2089 = arith.constant 0 : i32
    %dma_start3A_2090 = tpu.memref_slice %arg4[%select_n3A_2084, %mul3A_2088, %dma_start3A_2089] : memref<200x4096x32xf32, #tpu.memory_space<hbm>> -> memref<1x1024x32xf32, #tpu.memory_space<hbm>>
    %dma_start3A_2091 = arith.constant 0 : i32
    %dma_start3A_2092 = tpu.memref_slice %arg4[%select_n3A_2084, %mul3A_2088, %dma_start3A_2091] : memref<200x4096x32xf32, #tpu.memory_space<hbm>> -> memref<1x1024x32xf32, #tpu.memory_space<hbm>>
    tpu.enqueue_dma source(%arg7 : memref<1x1024x32xf32, #tpu.memory_space<vmem>>) target(%dma_start3A_2092 : memref<1x1024x32xf32, #tpu.memory_space<hbm>>) target_semaphore(%arg13 : memref<!tpu.dma_semaphore, #tpu.memory_space<semaphore_mem>>)
    %add3A_2093 = arith.constant 448 : i32
    %add3A_2094 = arith.addi %add3A, %add3A_2093 : i32
    %jit3A_2095 = arith.constant 4 : i32
    %div3A_2096 = arith.divsi %add3A_2094, %jit3A_2095 : i32
    %sign3A_2097 = arith.constant 0 : i32
    %sign3A_2098 = arith.cmpi sgt, %add3A_2094, %sign3A_2097 : i32
    %sign3A_2099 = arith.extui %sign3A_2098 : i1 to i32
    %sign3A_2100 = arith.constant 0 : i32
    %sign3A_2101 = arith.cmpi slt, %add3A_2094, %sign3A_2100 : i32
    %sign3A_2102 = arith.extui %sign3A_2101 : i1 to i32
    %sign3A_2103 = arith.subi %sign3A_2099, %sign3A_2102 : i32
    %sign3A_2104 = arith.constant 0 : i32
    %sign3A_2105 = arith.cmpi sgt, %jit3A_2095, %sign3A_2104 : i32
    %sign3A_2106 = arith.extui %sign3A_2105 : i1 to i32
    %sign3A_2107 = arith.constant 0 : i32
    %sign3A_2108 = arith.cmpi slt, %jit3A_2095, %sign3A_2107 : i32
    %sign3A_2109 = arith.extui %sign3A_2108 : i1 to i32
    %sign3A_2110 = arith.subi %sign3A_2106, %sign3A_2109 : i32
    %ne3A_2111 = arith.cmpi ne, %sign3A_2103, %sign3A_2110 : i32
    %rem3A_2112 = arith.remsi %add3A_2094, %jit3A_2095 : i32
    %ne3A_2113 = arith.constant 0 : i32
    %ne3A_2114 = arith.cmpi ne, %rem3A_2112, %ne3A_2113 : i32
    %and3A_2115 = arith.andi %ne3A_2111, %ne3A_2114 : i1
    %sub3A_2116 = arith.constant 1 : i32
    %sub3A_2117 = arith.subi %div3A_2096, %sub3A_2116 : i32
    %select_n3A_2118 = arith.select %and3A_2115, %sub3A_2117, %div3A_2096 : i32
    %rem3A_2119 = arith.constant 4 : i32
    %rem3A_2120 = arith.remsi %add3A_2094, %rem3A_2119 : i32
    %mul3A_2121 = arith.constant 1024 : i32
    %mul3A_2122 = arith.muli %rem3A_2120, %mul3A_2121 : i32
    %dma_wait3A_2123 = tpu.memref_slice %arg3[%select_n3A_2118, %mul3A_2122] : memref<200x4096xi32, #tpu.memory_space<hbm>> -> memref<1x1024xi32, #tpu.memory_space<hbm>>
    %dma_wait3A_2124 = tpu.memref_slice %arg3[%select_n3A_2118, %mul3A_2122] : memref<200x4096xi32, #tpu.memory_space<hbm>> -> memref<1x1024xi32, #tpu.memory_space<hbm>>
    tpu.wait_dma2 semaphore(%arg9 : memref<!tpu.dma_semaphore, #tpu.memory_space<semaphore_mem>>) src(%dma_wait3A_2124 : memref<1x1024xi32, #tpu.memory_space<hbm>>) dst(%arg5 : memref<1x1024xi32, #tpu.memory_space<vmem>>)
    %add3A_2125 = arith.constant 384 : i32
    %add3A_2126 = arith.addi %add3A, %add3A_2125 : i32
    %jit3A_2127 = arith.constant 4 : i32
    %div3A_2128 = arith.divsi %add3A_2126, %jit3A_2127 : i32
    %sign3A_2129 = arith.constant 0 : i32
    %sign3A_2130 = arith.cmpi sgt, %add3A_2126, %sign3A_2129 : i32
    %sign3A_2131 = arith.extui %sign3A_2130 : i1 to i32
    %sign3A_2132 = arith.constant 0 : i32
    %sign3A_2133 = arith.cmpi slt, %add3A_2126, %sign3A_2132 : i32
    %sign3A_2134 = arith.extui %sign3A_2133 : i1 to i32
    %sign3A_2135 = arith.subi %sign3A_2131, %sign3A_2134 : i32
    %sign3A_2136 = arith.constant 0 : i32
    %sign3A_2137 = arith.cmpi sgt, %jit3A_2127, %sign3A_2136 : i32
    %sign3A_2138 = arith.extui %sign3A_2137 : i1 to i32
    %sign3A_2139 = arith.constant 0 : i32
    %sign3A_2140 = arith.cmpi slt, %jit3A_2127, %sign3A_2139 : i32
    %sign3A_2141 = arith.extui %sign3A_2140 : i1 to i32
    %sign3A_2142 = arith.subi %sign3A_2138, %sign3A_2141 : i32
    %ne3A_2143 = arith.cmpi ne, %sign3A_2135, %sign3A_2142 : i32
    %rem3A_2144 = arith.remsi %add3A_2126, %jit3A_2127 : i32
    %ne3A_2145 = arith.constant 0 : i32
    %ne3A_2146 = arith.cmpi ne, %rem3A_2144, %ne3A_2145 : i32
    %and3A_2147 = arith.andi %ne3A_2143, %ne3A_2146 : i1
    %sub3A_2148 = arith.constant 1 : i32
    %sub3A_2149 = arith.subi %div3A_2128, %sub3A_2148 : i32
    %select_n3A_2150 = arith.select %and3A_2147, %sub3A_2149, %div3A_2128 : i32
    %rem3A_2151 = arith.constant 4 : i32
    %rem3A_2152 = arith.remsi %add3A_2126, %rem3A_2151 : i32
    %mul3A_2153 = arith.constant 1024 : i32
    %mul3A_2154 = arith.muli %rem3A_2152, %mul3A_2153 : i32
    %dma_wait3A_2155 = arith.constant 0 : i32
    %dma_wait3A_2156 = tpu.memref_slice %arg4[%select_n3A_2150, %mul3A_2154, %dma_wait3A_2155] : memref<200x4096x32xf32, #tpu.memory_space<hbm>> -> memref<1x1024x32xf32, #tpu.memory_space<hbm>>
    %dma_wait3A_2157 = arith.constant 0 : i32
    %dma_wait3A_2158 = tpu.memref_slice %arg4[%select_n3A_2150, %mul3A_2154, %dma_wait3A_2157] : memref<200x4096x32xf32, #tpu.memory_space<hbm>> -> memref<1x1024x32xf32, #tpu.memory_space<hbm>>
    tpu.wait_dma2 semaphore(%arg13 : memref<!tpu.dma_semaphore, #tpu.memory_space<semaphore_mem>>) src(%arg7 : memref<1x1024x32xf32, #tpu.memory_space<vmem>>) dst(%dma_wait3A_2158 : memref<1x1024x32xf32, #tpu.memory_space<hbm>>)
    %dma_start3A_2159 = arith.constant 0 : i32
    %dma_start3A_2160 = arith.constant 0 : i32
    %dma_start3A_2161 = arith.constant 0 : i32
    %dma_start3A_2162 = arith.constant 0 : i32
    %dma_start3A_2163 = tpu.memref_slice %arg7[%dma_start3A_2160, %dma_start3A_2161, %dma_start3A_2162] : memref<1x1024x32xf32, #tpu.memory_space<vmem>> -> memref<1x1024x32xf32, #tpu.memory_space<vmem>>
    %dma_start3A_2164 = tpu.memref_squeeze %dma_start3A_2163 : memref<1x1024x32xf32, #tpu.memory_space<vmem>> -> memref<1024x32xf32, #tpu.memory_space<vmem>>
    %dma_start3A_2165 = arith.constant 0 : i32
    %dma_start3A_2166 = tpu.memref_slice %arg5[%dma_start3A_2159, %dma_start3A_2165] : memref<1x1024xi32, #tpu.memory_space<vmem>> -> memref<1x1024xi32, #tpu.memory_space<vmem>>
    %dma_start3A_2167 = tpu.memref_squeeze %dma_start3A_2166 : memref<1x1024xi32, #tpu.memory_space<vmem>> -> memref<1024xi32, #tpu.memory_space<vmem>>
    %dma_start3A_2168 = arith.constant 0 : i32
    %dma_start3A_2169 = arith.constant 0 : i32
    %dma_start3A_2170 = tpu.memref_slice %arg2[%dma_start3A_2168, %dma_start3A_2169] : memref<1000000x32xf32, #tpu.memory_space<hbm>> -> memref<1000000x32xf32, #tpu.memory_space<hbm>>
    tpu.enqueue_indirect_dma source(%dma_start3A_2170 : memref<1000000x32xf32, #tpu.memory_space<hbm>>) target(%dma_start3A_2164 : memref<1024x32xf32, #tpu.memory_space<vmem>>) offsets(%dma_start3A_2167 : memref<1024xi32, #tpu.memory_space<vmem>>) semaphore(%arg11 : memref<!tpu.dma_semaphore, #tpu.memory_space<semaphore_mem>>)
    %dma_wait3A_2171 = arith.constant 0 : i32
    %dma_wait3A_2172 = arith.constant 0 : i32
    %dma_wait3A_2173 = arith.constant 0 : i32
    %dma_wait3A_2174 = arith.constant 0 : i32
    %dma_wait3A_2175 = tpu.memref_slice %arg8[%dma_wait3A_2172, %dma_wait3A_2173, %dma_wait3A_2174] : memref<1x1024x32xf32, #tpu.memory_space<vmem>> -> memref<1x1024x32xf32, #tpu.memory_space<vmem>>
    %dma_wait3A_2176 = tpu.memref_squeeze %dma_wait3A_2175 : memref<1x1024x32xf32, #tpu.memory_space<vmem>> -> memref<1024x32xf32, #tpu.memory_space<vmem>>
    %dma_wait3A_2177 = arith.constant 0 : i32
    %dma_wait3A_2178 = tpu.memref_slice %arg6[%dma_wait3A_2171, %dma_wait3A_2177] : memref<1x1024xi32, #tpu.memory_space<vmem>> -> memref<1x1024xi32, #tpu.memory_space<vmem>>
    %dma_wait3A_2179 = tpu.memref_squeeze %dma_wait3A_2178 : memref<1x1024xi32, #tpu.memory_space<vmem>> -> memref<1024xi32, #tpu.memory_space<vmem>>
    %dma_wait3A_2180 = arith.constant 0 : i32
    %dma_wait3A_2181 = arith.constant 0 : i32
    %dma_wait3A_2182 = tpu.memref_slice %arg2[%dma_wait3A_2180, %dma_wait3A_2181] : memref<1000000x32xf32, #tpu.memory_space<hbm>> -> memref<1000000x32xf32, #tpu.memory_space<hbm>>
    tpu.wait_indirect_dma semaphore(%arg12 : memref<!tpu.dma_semaphore, #tpu.memory_space<semaphore_mem>>) src(%dma_wait3A_2182 : memref<1000000x32xf32, #tpu.memory_space<hbm>>) dst(%dma_wait3A_2176 : memref<1024x32xf32, #tpu.memory_space<vmem>>)
    %add3A_2183 = arith.constant 480 : i32
    %add3A_2184 = arith.addi %add3A, %add3A_2183 : i32
    %jit3A_2185 = arith.constant 4 : i32
    %div3A_2186 = arith.divsi %add3A_2184, %jit3A_2185 : i32
    %sign3A_2187 = arith.constant 0 : i32
    %sign3A_2188 = arith.cmpi sgt, %add3A_2184, %sign3A_2187 : i32
    %sign3A_2189 = arith.extui %sign3A_2188 : i1 to i32
    %sign3A_2190 = arith.constant 0 : i32
    %sign3A_2191 = arith.cmpi slt, %add3A_2184, %sign3A_2190 : i32
    %sign3A_2192 = arith.extui %sign3A_2191 : i1 to i32
    %sign3A_2193 = arith.subi %sign3A_2189, %sign3A_2192 : i32
    %sign3A_2194 = arith.constant 0 : i32
    %sign3A_2195 = arith.cmpi sgt, %jit3A_2185, %sign3A_2194 : i32
    %sign3A_2196 = arith.extui %sign3A_2195 : i1 to i32
    %sign3A_2197 = arith.constant 0 : i32
    %sign3A_2198 = arith.cmpi slt, %jit3A_2185, %sign3A_2197 : i32
    %sign3A_2199 = arith.extui %sign3A_2198 : i1 to i32
    %sign3A_2200 = arith.subi %sign3A_2196, %sign3A_2199 : i32
    %ne3A_2201 = arith.cmpi ne, %sign3A_2193, %sign3A_2200 : i32
    %rem3A_2202 = arith.remsi %add3A_2184, %jit3A_2185 : i32
    %ne3A_2203 = arith.constant 0 : i32
    %ne3A_2204 = arith.cmpi ne, %rem3A_2202, %ne3A_2203 : i32
    %and3A_2205 = arith.andi %ne3A_2201, %ne3A_2204 : i1
    %sub3A_2206 = arith.constant 1 : i32
    %sub3A_2207 = arith.subi %div3A_2186, %sub3A_2206 : i32
    %select_n3A_2208 = arith.select %and3A_2205, %sub3A_2207, %div3A_2186 : i32
    %rem3A_2209 = arith.constant 4 : i32
    %rem3A_2210 = arith.remsi %add3A_2184, %rem3A_2209 : i32
    %mul3A_2211 = arith.constant 1024 : i32
    %mul3A_2212 = arith.muli %rem3A_2210, %mul3A_2211 : i32
    %dma_start3A_2213 = tpu.memref_slice %arg3[%select_n3A_2208, %mul3A_2212] : memref<200x4096xi32, #tpu.memory_space<hbm>> -> memref<1x1024xi32, #tpu.memory_space<hbm>>
    %dma_start3A_2214 = tpu.memref_slice %arg3[%select_n3A_2208, %mul3A_2212] : memref<200x4096xi32, #tpu.memory_space<hbm>> -> memref<1x1024xi32, #tpu.memory_space<hbm>>
    tpu.enqueue_dma source(%dma_start3A_2214 : memref<1x1024xi32, #tpu.memory_space<hbm>>) target(%arg6 : memref<1x1024xi32, #tpu.memory_space<vmem>>) target_semaphore(%arg10 : memref<!tpu.dma_semaphore, #tpu.memory_space<semaphore_mem>>)
    %add3A_2215 = arith.constant 416 : i32
    %add3A_2216 = arith.addi %add3A, %add3A_2215 : i32
    %jit3A_2217 = arith.constant 4 : i32
    %div3A_2218 = arith.divsi %add3A_2216, %jit3A_2217 : i32
    %sign3A_2219 = arith.constant 0 : i32
    %sign3A_2220 = arith.cmpi sgt, %add3A_2216, %sign3A_2219 : i32
    %sign3A_2221 = arith.extui %sign3A_2220 : i1 to i32
    %sign3A_2222 = arith.constant 0 : i32
    %sign3A_2223 = arith.cmpi slt, %add3A_2216, %sign3A_2222 : i32
    %sign3A_2224 = arith.extui %sign3A_2223 : i1 to i32
    %sign3A_2225 = arith.subi %sign3A_2221, %sign3A_2224 : i32
    %sign3A_2226 = arith.constant 0 : i32
    %sign3A_2227 = arith.cmpi sgt, %jit3A_2217, %sign3A_2226 : i32
    %sign3A_2228 = arith.extui %sign3A_2227 : i1 to i32
    %sign3A_2229 = arith.constant 0 : i32
    %sign3A_2230 = arith.cmpi slt, %jit3A_2217, %sign3A_2229 : i32
    %sign3A_2231 = arith.extui %sign3A_2230 : i1 to i32
    %sign3A_2232 = arith.subi %sign3A_2228, %sign3A_2231 : i32
    %ne3A_2233 = arith.cmpi ne, %sign3A_2225, %sign3A_2232 : i32
    %rem3A_2234 = arith.remsi %add3A_2216, %jit3A_2217 : i32
    %ne3A_2235 = arith.constant 0 : i32
    %ne3A_2236 = arith.cmpi ne, %rem3A_2234, %ne3A_2235 : i32
    %and3A_2237 = arith.andi %ne3A_2233, %ne3A_2236 : i1
    %sub3A_2238 = arith.constant 1 : i32
    %sub3A_2239 = arith.subi %div3A_2218, %sub3A_2238 : i32
    %select_n3A_2240 = arith.select %and3A_2237, %sub3A_2239, %div3A_2218 : i32
    %rem3A_2241 = arith.constant 4 : i32
    %rem3A_2242 = arith.remsi %add3A_2216, %rem3A_2241 : i32
    %mul3A_2243 = arith.constant 1024 : i32
    %mul3A_2244 = arith.muli %rem3A_2242, %mul3A_2243 : i32
    %dma_start3A_2245 = arith.constant 0 : i32
    %dma_start3A_2246 = tpu.memref_slice %arg4[%select_n3A_2240, %mul3A_2244, %dma_start3A_2245] : memref<200x4096x32xf32, #tpu.memory_space<hbm>> -> memref<1x1024x32xf32, #tpu.memory_space<hbm>>
    %dma_start3A_2247 = arith.constant 0 : i32
    %dma_start3A_2248 = tpu.memref_slice %arg4[%select_n3A_2240, %mul3A_2244, %dma_start3A_2247] : memref<200x4096x32xf32, #tpu.memory_space<hbm>> -> memref<1x1024x32xf32, #tpu.memory_space<hbm>>
    tpu.enqueue_dma source(%arg8 : memref<1x1024x32xf32, #tpu.memory_space<vmem>>) target(%dma_start3A_2248 : memref<1x1024x32xf32, #tpu.memory_space<hbm>>) target_semaphore(%arg14 : memref<!tpu.dma_semaphore, #tpu.memory_space<semaphore_mem>>)
    %add3A_2249 = arith.constant 480 : i32
    %add3A_2250 = arith.addi %add3A, %add3A_2249 : i32
    %jit3A_2251 = arith.constant 4 : i32
    %div3A_2252 = arith.divsi %add3A_2250, %jit3A_2251 : i32
    %sign3A_2253 = arith.constant 0 : i32
    %sign3A_2254 = arith.cmpi sgt, %add3A_2250, %sign3A_2253 : i32
    %sign3A_2255 = arith.extui %sign3A_2254 : i1 to i32
    %sign3A_2256 = arith.constant 0 : i32
    %sign3A_2257 = arith.cmpi slt, %add3A_2250, %sign3A_2256 : i32
    %sign3A_2258 = arith.extui %sign3A_2257 : i1 to i32
    %sign3A_2259 = arith.subi %sign3A_2255, %sign3A_2258 : i32
    %sign3A_2260 = arith.constant 0 : i32
    %sign3A_2261 = arith.cmpi sgt, %jit3A_2251, %sign3A_2260 : i32
    %sign3A_2262 = arith.extui %sign3A_2261 : i1 to i32
    %sign3A_2263 = arith.constant 0 : i32
    %sign3A_2264 = arith.cmpi slt, %jit3A_2251, %sign3A_2263 : i32
    %sign3A_2265 = arith.extui %sign3A_2264 : i1 to i32
    %sign3A_2266 = arith.subi %sign3A_2262, %sign3A_2265 : i32
    %ne3A_2267 = arith.cmpi ne, %sign3A_2259, %sign3A_2266 : i32
    %rem3A_2268 = arith.remsi %add3A_2250, %jit3A_2251 : i32
    %ne3A_2269 = arith.constant 0 : i32
    %ne3A_2270 = arith.cmpi ne, %rem3A_2268, %ne3A_2269 : i32
    %and3A_2271 = arith.andi %ne3A_2267, %ne3A_2270 : i1
    %sub3A_2272 = arith.constant 1 : i32
    %sub3A_2273 = arith.subi %div3A_2252, %sub3A_2272 : i32
    %select_n3A_2274 = arith.select %and3A_2271, %sub3A_2273, %div3A_2252 : i32
    %rem3A_2275 = arith.constant 4 : i32
    %rem3A_2276 = arith.remsi %add3A_2250, %rem3A_2275 : i32
    %mul3A_2277 = arith.constant 1024 : i32
    %mul3A_2278 = arith.muli %rem3A_2276, %mul3A_2277 : i32
    %dma_wait3A_2279 = tpu.memref_slice %arg3[%select_n3A_2274, %mul3A_2278] : memref<200x4096xi32, #tpu.memory_space<hbm>> -> memref<1x1024xi32, #tpu.memory_space<hbm>>
    %dma_wait3A_2280 = tpu.memref_slice %arg3[%select_n3A_2274, %mul3A_2278] : memref<200x4096xi32, #tpu.memory_space<hbm>> -> memref<1x1024xi32, #tpu.memory_space<hbm>>
    tpu.wait_dma2 semaphore(%arg10 : memref<!tpu.dma_semaphore, #tpu.memory_space<semaphore_mem>>) src(%dma_wait3A_2280 : memref<1x1024xi32, #tpu.memory_space<hbm>>) dst(%arg6 : memref<1x1024xi32, #tpu.memory_space<vmem>>)
    %add3A_2281 = arith.constant 416 : i32
    %add3A_2282 = arith.addi %add3A, %add3A_2281 : i32
    %jit3A_2283 = arith.constant 4 : i32
    %div3A_2284 = arith.divsi %add3A_2282, %jit3A_2283 : i32
    %sign3A_2285 = arith.constant 0 : i32
    %sign3A_2286 = arith.cmpi sgt, %add3A_2282, %sign3A_2285 : i32
    %sign3A_2287 = arith.extui %sign3A_2286 : i1 to i32
    %sign3A_2288 = arith.constant 0 : i32
    %sign3A_2289 = arith.cmpi slt, %add3A_2282, %sign3A_2288 : i32
    %sign3A_2290 = arith.extui %sign3A_2289 : i1 to i32
    %sign3A_2291 = arith.subi %sign3A_2287, %sign3A_2290 : i32
    %sign3A_2292 = arith.constant 0 : i32
    %sign3A_2293 = arith.cmpi sgt, %jit3A_2283, %sign3A_2292 : i32
    %sign3A_2294 = arith.extui %sign3A_2293 : i1 to i32
    %sign3A_2295 = arith.constant 0 : i32
    %sign3A_2296 = arith.cmpi slt, %jit3A_2283, %sign3A_2295 : i32
    %sign3A_2297 = arith.extui %sign3A_2296 : i1 to i32
    %sign3A_2298 = arith.subi %sign3A_2294, %sign3A_2297 : i32
    %ne3A_2299 = arith.cmpi ne, %sign3A_2291, %sign3A_2298 : i32
    %rem3A_2300 = arith.remsi %add3A_2282, %jit3A_2283 : i32
    %ne3A_2301 = arith.constant 0 : i32
    %ne3A_2302 = arith.cmpi ne, %rem3A_2300, %ne3A_2301 : i32
    %and3A_2303 = arith.andi %ne3A_2299, %ne3A_2302 : i1
    %sub3A_2304 = arith.constant 1 : i32
    %sub3A_2305 = arith.subi %div3A_2284, %sub3A_2304 : i32
    %select_n3A_2306 = arith.select %and3A_2303, %sub3A_2305, %div3A_2284 : i32
    %rem3A_2307 = arith.constant 4 : i32
    %rem3A_2308 = arith.remsi %add3A_2282, %rem3A_2307 : i32
    %mul3A_2309 = arith.constant 1024 : i32
    %mul3A_2310 = arith.muli %rem3A_2308, %mul3A_2309 : i32
    %dma_wait3A_2311 = arith.constant 0 : i32
    %dma_wait3A_2312 = tpu.memref_slice %arg4[%select_n3A_2306, %mul3A_2310, %dma_wait3A_2311] : memref<200x4096x32xf32, #tpu.memory_space<hbm>> -> memref<1x1024x32xf32, #tpu.memory_space<hbm>>
    %dma_wait3A_2313 = arith.constant 0 : i32
    %dma_wait3A_2314 = tpu.memref_slice %arg4[%select_n3A_2306, %mul3A_2310, %dma_wait3A_2313] : memref<200x4096x32xf32, #tpu.memory_space<hbm>> -> memref<1x1024x32xf32, #tpu.memory_space<hbm>>
    tpu.wait_dma2 semaphore(%arg14 : memref<!tpu.dma_semaphore, #tpu.memory_space<semaphore_mem>>) src(%arg8 : memref<1x1024x32xf32, #tpu.memory_space<vmem>>) dst(%dma_wait3A_2314 : memref<1x1024x32xf32, #tpu.memory_space<hbm>>)
    %dma_start3A_2315 = arith.constant 0 : i32
    %dma_start3A_2316 = arith.constant 0 : i32
    %dma_start3A_2317 = arith.constant 0 : i32
    %dma_start3A_2318 = arith.constant 0 : i32
    %dma_start3A_2319 = tpu.memref_slice %arg8[%dma_start3A_2316, %dma_start3A_2317, %dma_start3A_2318] : memref<1x1024x32xf32, #tpu.memory_space<vmem>> -> memref<1x1024x32xf32, #tpu.memory_space<vmem>>
    %dma_start3A_2320 = tpu.memref_squeeze %dma_start3A_2319 : memref<1x1024x32xf32, #tpu.memory_space<vmem>> -> memref<1024x32xf32, #tpu.memory_space<vmem>>
    %dma_start3A_2321 = arith.constant 0 : i32
    %dma_start3A_2322 = tpu.memref_slice %arg6[%dma_start3A_2315, %dma_start3A_2321] : memref<1x1024xi32, #tpu.memory_space<vmem>> -> memref<1x1024xi32, #tpu.memory_space<vmem>>
    %dma_start3A_2323 = tpu.memref_squeeze %dma_start3A_2322 : memref<1x1024xi32, #tpu.memory_space<vmem>> -> memref<1024xi32, #tpu.memory_space<vmem>>
    %dma_start3A_2324 = arith.constant 0 : i32
    %dma_start3A_2325 = arith.constant 0 : i32
    %dma_start3A_2326 = tpu.memref_slice %arg2[%dma_start3A_2324, %dma_start3A_2325] : memref<1000000x32xf32, #tpu.memory_space<hbm>> -> memref<1000000x32xf32, #tpu.memory_space<hbm>>
    tpu.enqueue_indirect_dma source(%dma_start3A_2326 : memref<1000000x32xf32, #tpu.memory_space<hbm>>) target(%dma_start3A_2320 : memref<1024x32xf32, #tpu.memory_space<vmem>>) offsets(%dma_start3A_2323 : memref<1024xi32, #tpu.memory_space<vmem>>) semaphore(%arg12 : memref<!tpu.dma_semaphore, #tpu.memory_space<semaphore_mem>>)
    %dma_wait3A_2327 = arith.constant 0 : i32
    %dma_wait3A_2328 = arith.constant 0 : i32
    %dma_wait3A_2329 = arith.constant 0 : i32
    %dma_wait3A_2330 = arith.constant 0 : i32
    %dma_wait3A_2331 = tpu.memref_slice %arg7[%dma_wait3A_2328, %dma_wait3A_2329, %dma_wait3A_2330] : memref<1x1024x32xf32, #tpu.memory_space<vmem>> -> memref<1x1024x32xf32, #tpu.memory_space<vmem>>
    %dma_wait3A_2332 = tpu.memref_squeeze %dma_wait3A_2331 : memref<1x1024x32xf32, #tpu.memory_space<vmem>> -> memref<1024x32xf32, #tpu.memory_space<vmem>>
    %dma_wait3A_2333 = arith.constant 0 : i32
    %dma_wait3A_2334 = tpu.memref_slice %arg5[%dma_wait3A_2327, %dma_wait3A_2333] : memref<1x1024xi32, #tpu.memory_space<vmem>> -> memref<1x1024xi32, #tpu.memory_space<vmem>>
    %dma_wait3A_2335 = tpu.memref_squeeze %dma_wait3A_2334 : memref<1x1024xi32, #tpu.memory_space<vmem>> -> memref<1024xi32, #tpu.memory_space<vmem>>
    %dma_wait3A_2336 = arith.constant 0 : i32
    %dma_wait3A_2337 = arith.constant 0 : i32
    %dma_wait3A_2338 = tpu.memref_slice %arg2[%dma_wait3A_2336, %dma_wait3A_2337] : memref<1000000x32xf32, #tpu.memory_space<hbm>> -> memref<1000000x32xf32, #tpu.memory_space<hbm>>
    tpu.wait_indirect_dma semaphore(%arg11 : memref<!tpu.dma_semaphore, #tpu.memory_space<semaphore_mem>>) src(%dma_wait3A_2338 : memref<1000000x32xf32, #tpu.memory_space<hbm>>) dst(%dma_wait3A_2332 : memref<1024x32xf32, #tpu.memory_space<vmem>>)
    %add3A_2339 = arith.constant 512 : i32
    %add3A_2340 = arith.addi %add3A, %add3A_2339 : i32
    %jit3A_2341 = arith.constant 4 : i32
    %div3A_2342 = arith.divsi %add3A_2340, %jit3A_2341 : i32
    %sign3A_2343 = arith.constant 0 : i32
    %sign3A_2344 = arith.cmpi sgt, %add3A_2340, %sign3A_2343 : i32
    %sign3A_2345 = arith.extui %sign3A_2344 : i1 to i32
    %sign3A_2346 = arith.constant 0 : i32
    %sign3A_2347 = arith.cmpi slt, %add3A_2340, %sign3A_2346 : i32
    %sign3A_2348 = arith.extui %sign3A_2347 : i1 to i32
    %sign3A_2349 = arith.subi %sign3A_2345, %sign3A_2348 : i32
    %sign3A_2350 = arith.constant 0 : i32
    %sign3A_2351 = arith.cmpi sgt, %jit3A_2341, %sign3A_2350 : i32
    %sign3A_2352 = arith.extui %sign3A_2351 : i1 to i32
    %sign3A_2353 = arith.constant 0 : i32
    %sign3A_2354 = arith.cmpi slt, %jit3A_2341, %sign3A_2353 : i32
    %sign3A_2355 = arith.extui %sign3A_2354 : i1 to i32
    %sign3A_2356 = arith.subi %sign3A_2352, %sign3A_2355 : i32
    %ne3A_2357 = arith.cmpi ne, %sign3A_2349, %sign3A_2356 : i32
    %rem3A_2358 = arith.remsi %add3A_2340, %jit3A_2341 : i32
    %ne3A_2359 = arith.constant 0 : i32
    %ne3A_2360 = arith.cmpi ne, %rem3A_2358, %ne3A_2359 : i32
    %and3A_2361 = arith.andi %ne3A_2357, %ne3A_2360 : i1
    %sub3A_2362 = arith.constant 1 : i32
    %sub3A_2363 = arith.subi %div3A_2342, %sub3A_2362 : i32
    %select_n3A_2364 = arith.select %and3A_2361, %sub3A_2363, %div3A_2342 : i32
    %rem3A_2365 = arith.constant 4 : i32
    %rem3A_2366 = arith.remsi %add3A_2340, %rem3A_2365 : i32
    %mul3A_2367 = arith.constant 1024 : i32
    %mul3A_2368 = arith.muli %rem3A_2366, %mul3A_2367 : i32
    %dma_start3A_2369 = tpu.memref_slice %arg3[%select_n3A_2364, %mul3A_2368] : memref<200x4096xi32, #tpu.memory_space<hbm>> -> memref<1x1024xi32, #tpu.memory_space<hbm>>
    %dma_start3A_2370 = tpu.memref_slice %arg3[%select_n3A_2364, %mul3A_2368] : memref<200x4096xi32, #tpu.memory_space<hbm>> -> memref<1x1024xi32, #tpu.memory_space<hbm>>
    tpu.enqueue_dma source(%dma_start3A_2370 : memref<1x1024xi32, #tpu.memory_space<hbm>>) target(%arg5 : memref<1x1024xi32, #tpu.memory_space<vmem>>) target_semaphore(%arg9 : memref<!tpu.dma_semaphore, #tpu.memory_space<semaphore_mem>>)
    %add3A_2371 = arith.constant 448 : i32
    %add3A_2372 = arith.addi %add3A, %add3A_2371 : i32
    %jit3A_2373 = arith.constant 4 : i32
    %div3A_2374 = arith.divsi %add3A_2372, %jit3A_2373 : i32
    %sign3A_2375 = arith.constant 0 : i32
    %sign3A_2376 = arith.cmpi sgt, %add3A_2372, %sign3A_2375 : i32
    %sign3A_2377 = arith.extui %sign3A_2376 : i1 to i32
    %sign3A_2378 = arith.constant 0 : i32
    %sign3A_2379 = arith.cmpi slt, %add3A_2372, %sign3A_2378 : i32
    %sign3A_2380 = arith.extui %sign3A_2379 : i1 to i32
    %sign3A_2381 = arith.subi %sign3A_2377, %sign3A_2380 : i32
    %sign3A_2382 = arith.constant 0 : i32
    %sign3A_2383 = arith.cmpi sgt, %jit3A_2373, %sign3A_2382 : i32
    %sign3A_2384 = arith.extui %sign3A_2383 : i1 to i32
    %sign3A_2385 = arith.constant 0 : i32
    %sign3A_2386 = arith.cmpi slt, %jit3A_2373, %sign3A_2385 : i32
    %sign3A_2387 = arith.extui %sign3A_2386 : i1 to i32
    %sign3A_2388 = arith.subi %sign3A_2384, %sign3A_2387 : i32
    %ne3A_2389 = arith.cmpi ne, %sign3A_2381, %sign3A_2388 : i32
    %rem3A_2390 = arith.remsi %add3A_2372, %jit3A_2373 : i32
    %ne3A_2391 = arith.constant 0 : i32
    %ne3A_2392 = arith.cmpi ne, %rem3A_2390, %ne3A_2391 : i32
    %and3A_2393 = arith.andi %ne3A_2389, %ne3A_2392 : i1
    %sub3A_2394 = arith.constant 1 : i32
    %sub3A_2395 = arith.subi %div3A_2374, %sub3A_2394 : i32
    %select_n3A_2396 = arith.select %and3A_2393, %sub3A_2395, %div3A_2374 : i32
    %rem3A_2397 = arith.constant 4 : i32
    %rem3A_2398 = arith.remsi %add3A_2372, %rem3A_2397 : i32
    %mul3A_2399 = arith.constant 1024 : i32
    %mul3A_2400 = arith.muli %rem3A_2398, %mul3A_2399 : i32
    %dma_start3A_2401 = arith.constant 0 : i32
    %dma_start3A_2402 = tpu.memref_slice %arg4[%select_n3A_2396, %mul3A_2400, %dma_start3A_2401] : memref<200x4096x32xf32, #tpu.memory_space<hbm>> -> memref<1x1024x32xf32, #tpu.memory_space<hbm>>
    %dma_start3A_2403 = arith.constant 0 : i32
    %dma_start3A_2404 = tpu.memref_slice %arg4[%select_n3A_2396, %mul3A_2400, %dma_start3A_2403] : memref<200x4096x32xf32, #tpu.memory_space<hbm>> -> memref<1x1024x32xf32, #tpu.memory_space<hbm>>
    tpu.enqueue_dma source(%arg7 : memref<1x1024x32xf32, #tpu.memory_space<vmem>>) target(%dma_start3A_2404 : memref<1x1024x32xf32, #tpu.memory_space<hbm>>) target_semaphore(%arg13 : memref<!tpu.dma_semaphore, #tpu.memory_space<semaphore_mem>>)
    %add3A_2405 = arith.constant 512 : i32
    %add3A_2406 = arith.addi %add3A, %add3A_2405 : i32
    %jit3A_2407 = arith.constant 4 : i32
    %div3A_2408 = arith.divsi %add3A_2406, %jit3A_2407 : i32
    %sign3A_2409 = arith.constant 0 : i32
    %sign3A_2410 = arith.cmpi sgt, %add3A_2406, %sign3A_2409 : i32
    %sign3A_2411 = arith.extui %sign3A_2410 : i1 to i32
    %sign3A_2412 = arith.constant 0 : i32
    %sign3A_2413 = arith.cmpi slt, %add3A_2406, %sign3A_2412 : i32
    %sign3A_2414 = arith.extui %sign3A_2413 : i1 to i32
    %sign3A_2415 = arith.subi %sign3A_2411, %sign3A_2414 : i32
    %sign3A_2416 = arith.constant 0 : i32
    %sign3A_2417 = arith.cmpi sgt, %jit3A_2407, %sign3A_2416 : i32
    %sign3A_2418 = arith.extui %sign3A_2417 : i1 to i32
    %sign3A_2419 = arith.constant 0 : i32
    %sign3A_2420 = arith.cmpi slt, %jit3A_2407, %sign3A_2419 : i32
    %sign3A_2421 = arith.extui %sign3A_2420 : i1 to i32
    %sign3A_2422 = arith.subi %sign3A_2418, %sign3A_2421 : i32
    %ne3A_2423 = arith.cmpi ne, %sign3A_2415, %sign3A_2422 : i32
    %rem3A_2424 = arith.remsi %add3A_2406, %jit3A_2407 : i32
    %ne3A_2425 = arith.constant 0 : i32
    %ne3A_2426 = arith.cmpi ne, %rem3A_2424, %ne3A_2425 : i32
    %and3A_2427 = arith.andi %ne3A_2423, %ne3A_2426 : i1
    %sub3A_2428 = arith.constant 1 : i32
    %sub3A_2429 = arith.subi %div3A_2408, %sub3A_2428 : i32
    %select_n3A_2430 = arith.select %and3A_2427, %sub3A_2429, %div3A_2408 : i32
    %rem3A_2431 = arith.constant 4 : i32
    %rem3A_2432 = arith.remsi %add3A_2406, %rem3A_2431 : i32
    %mul3A_2433 = arith.constant 1024 : i32
    %mul3A_2434 = arith.muli %rem3A_2432, %mul3A_2433 : i32
    %dma_wait3A_2435 = tpu.memref_slice %arg3[%select_n3A_2430, %mul3A_2434] : memref<200x4096xi32, #tpu.memory_space<hbm>> -> memref<1x1024xi32, #tpu.memory_space<hbm>>
    %dma_wait3A_2436 = tpu.memref_slice %arg3[%select_n3A_2430, %mul3A_2434] : memref<200x4096xi32, #tpu.memory_space<hbm>> -> memref<1x1024xi32, #tpu.memory_space<hbm>>
    tpu.wait_dma2 semaphore(%arg9 : memref<!tpu.dma_semaphore, #tpu.memory_space<semaphore_mem>>) src(%dma_wait3A_2436 : memref<1x1024xi32, #tpu.memory_space<hbm>>) dst(%arg5 : memref<1x1024xi32, #tpu.memory_space<vmem>>)
    %add3A_2437 = arith.constant 448 : i32
    %add3A_2438 = arith.addi %add3A, %add3A_2437 : i32
    %jit3A_2439 = arith.constant 4 : i32
    %div3A_2440 = arith.divsi %add3A_2438, %jit3A_2439 : i32
    %sign3A_2441 = arith.constant 0 : i32
    %sign3A_2442 = arith.cmpi sgt, %add3A_2438, %sign3A_2441 : i32
    %sign3A_2443 = arith.extui %sign3A_2442 : i1 to i32
    %sign3A_2444 = arith.constant 0 : i32
    %sign3A_2445 = arith.cmpi slt, %add3A_2438, %sign3A_2444 : i32
    %sign3A_2446 = arith.extui %sign3A_2445 : i1 to i32
    %sign3A_2447 = arith.subi %sign3A_2443, %sign3A_2446 : i32
    %sign3A_2448 = arith.constant 0 : i32
    %sign3A_2449 = arith.cmpi sgt, %jit3A_2439, %sign3A_2448 : i32
    %sign3A_2450 = arith.extui %sign3A_2449 : i1 to i32
    %sign3A_2451 = arith.constant 0 : i32
    %sign3A_2452 = arith.cmpi slt, %jit3A_2439, %sign3A_2451 : i32
    %sign3A_2453 = arith.extui %sign3A_2452 : i1 to i32
    %sign3A_2454 = arith.subi %sign3A_2450, %sign3A_2453 : i32
    %ne3A_2455 = arith.cmpi ne, %sign3A_2447, %sign3A_2454 : i32
    %rem3A_2456 = arith.remsi %add3A_2438, %jit3A_2439 : i32
    %ne3A_2457 = arith.constant 0 : i32
    %ne3A_2458 = arith.cmpi ne, %rem3A_2456, %ne3A_2457 : i32
    %and3A_2459 = arith.andi %ne3A_2455, %ne3A_2458 : i1
    %sub3A_2460 = arith.constant 1 : i32
    %sub3A_2461 = arith.subi %div3A_2440, %sub3A_2460 : i32
    %select_n3A_2462 = arith.select %and3A_2459, %sub3A_2461, %div3A_2440 : i32
    %rem3A_2463 = arith.constant 4 : i32
    %rem3A_2464 = arith.remsi %add3A_2438, %rem3A_2463 : i32
    %mul3A_2465 = arith.constant 1024 : i32
    %mul3A_2466 = arith.muli %rem3A_2464, %mul3A_2465 : i32
    %dma_wait3A_2467 = arith.constant 0 : i32
    %dma_wait3A_2468 = tpu.memref_slice %arg4[%select_n3A_2462, %mul3A_2466, %dma_wait3A_2467] : memref<200x4096x32xf32, #tpu.memory_space<hbm>> -> memref<1x1024x32xf32, #tpu.memory_space<hbm>>
    %dma_wait3A_2469 = arith.constant 0 : i32
    %dma_wait3A_2470 = tpu.memref_slice %arg4[%select_n3A_2462, %mul3A_2466, %dma_wait3A_2469] : memref<200x4096x32xf32, #tpu.memory_space<hbm>> -> memref<1x1024x32xf32, #tpu.memory_space<hbm>>
    tpu.wait_dma2 semaphore(%arg13 : memref<!tpu.dma_semaphore, #tpu.memory_space<semaphore_mem>>) src(%arg7 : memref<1x1024x32xf32, #tpu.memory_space<vmem>>) dst(%dma_wait3A_2470 : memref<1x1024x32xf32, #tpu.memory_space<hbm>>)
    %dma_start3A_2471 = arith.constant 0 : i32
    %dma_start3A_2472 = arith.constant 0 : i32
    %dma_start3A_2473 = arith.constant 0 : i32
    %dma_start3A_2474 = arith.constant 0 : i32
    %dma_start3A_2475 = tpu.memref_slice %arg7[%dma_start3A_2472, %dma_start3A_2473, %dma_start3A_2474] : memref<1x1024x32xf32, #tpu.memory_space<vmem>> -> memref<1x1024x32xf32, #tpu.memory_space<vmem>>
    %dma_start3A_2476 = tpu.memref_squeeze %dma_start3A_2475 : memref<1x1024x32xf32, #tpu.memory_space<vmem>> -> memref<1024x32xf32, #tpu.memory_space<vmem>>
    %dma_start3A_2477 = arith.constant 0 : i32
    %dma_start3A_2478 = tpu.memref_slice %arg5[%dma_start3A_2471, %dma_start3A_2477] : memref<1x1024xi32, #tpu.memory_space<vmem>> -> memref<1x1024xi32, #tpu.memory_space<vmem>>
    %dma_start3A_2479 = tpu.memref_squeeze %dma_start3A_2478 : memref<1x1024xi32, #tpu.memory_space<vmem>> -> memref<1024xi32, #tpu.memory_space<vmem>>
    %dma_start3A_2480 = arith.constant 0 : i32
    %dma_start3A_2481 = arith.constant 0 : i32
    %dma_start3A_2482 = tpu.memref_slice %arg2[%dma_start3A_2480, %dma_start3A_2481] : memref<1000000x32xf32, #tpu.memory_space<hbm>> -> memref<1000000x32xf32, #tpu.memory_space<hbm>>
    tpu.enqueue_indirect_dma source(%dma_start3A_2482 : memref<1000000x32xf32, #tpu.memory_space<hbm>>) target(%dma_start3A_2476 : memref<1024x32xf32, #tpu.memory_space<vmem>>) offsets(%dma_start3A_2479 : memref<1024xi32, #tpu.memory_space<vmem>>) semaphore(%arg11 : memref<!tpu.dma_semaphore, #tpu.memory_space<semaphore_mem>>)
    %dma_wait3A_2483 = arith.constant 0 : i32
    %dma_wait3A_2484 = arith.constant 0 : i32
    %dma_wait3A_2485 = arith.constant 0 : i32
    %dma_wait3A_2486 = arith.constant 0 : i32
    %dma_wait3A_2487 = tpu.memref_slice %arg8[%dma_wait3A_2484, %dma_wait3A_2485, %dma_wait3A_2486] : memref<1x1024x32xf32, #tpu.memory_space<vmem>> -> memref<1x1024x32xf32, #tpu.memory_space<vmem>>
    %dma_wait3A_2488 = tpu.memref_squeeze %dma_wait3A_2487 : memref<1x1024x32xf32, #tpu.memory_space<vmem>> -> memref<1024x32xf32, #tpu.memory_space<vmem>>
    %dma_wait3A_2489 = arith.constant 0 : i32
    %dma_wait3A_2490 = tpu.memref_slice %arg6[%dma_wait3A_2483, %dma_wait3A_2489] : memref<1x1024xi32, #tpu.memory_space<vmem>> -> memref<1x1024xi32, #tpu.memory_space<vmem>>
    %dma_wait3A_2491 = tpu.memref_squeeze %dma_wait3A_2490 : memref<1x1024xi32, #tpu.memory_space<vmem>> -> memref<1024xi32, #tpu.memory_space<vmem>>
    %dma_wait3A_2492 = arith.constant 0 : i32
    %dma_wait3A_2493 = arith.constant 0 : i32
    %dma_wait3A_2494 = tpu.memref_slice %arg2[%dma_wait3A_2492, %dma_wait3A_2493] : memref<1000000x32xf32, #tpu.memory_space<hbm>> -> memref<1000000x32xf32, #tpu.memory_space<hbm>>
    tpu.wait_indirect_dma semaphore(%arg12 : memref<!tpu.dma_semaphore, #tpu.memory_space<semaphore_mem>>) src(%dma_wait3A_2494 : memref<1000000x32xf32, #tpu.memory_space<hbm>>) dst(%dma_wait3A_2488 : memref<1024x32xf32, #tpu.memory_space<vmem>>)
    %add3A_2495 = arith.constant 544 : i32
    %add3A_2496 = arith.addi %add3A, %add3A_2495 : i32
    %jit3A_2497 = arith.constant 4 : i32
    %div3A_2498 = arith.divsi %add3A_2496, %jit3A_2497 : i32
    %sign3A_2499 = arith.constant 0 : i32
    %sign3A_2500 = arith.cmpi sgt, %add3A_2496, %sign3A_2499 : i32
    %sign3A_2501 = arith.extui %sign3A_2500 : i1 to i32
    %sign3A_2502 = arith.constant 0 : i32
    %sign3A_2503 = arith.cmpi slt, %add3A_2496, %sign3A_2502 : i32
    %sign3A_2504 = arith.extui %sign3A_2503 : i1 to i32
    %sign3A_2505 = arith.subi %sign3A_2501, %sign3A_2504 : i32
    %sign3A_2506 = arith.constant 0 : i32
    %sign3A_2507 = arith.cmpi sgt, %jit3A_2497, %sign3A_2506 : i32
    %sign3A_2508 = arith.extui %sign3A_2507 : i1 to i32
    %sign3A_2509 = arith.constant 0 : i32
    %sign3A_2510 = arith.cmpi slt, %jit3A_2497, %sign3A_2509 : i32
    %sign3A_2511 = arith.extui %sign3A_2510 : i1 to i32
    %sign3A_2512 = arith.subi %sign3A_2508, %sign3A_2511 : i32
    %ne3A_2513 = arith.cmpi ne, %sign3A_2505, %sign3A_2512 : i32
    %rem3A_2514 = arith.remsi %add3A_2496, %jit3A_2497 : i32
    %ne3A_2515 = arith.constant 0 : i32
    %ne3A_2516 = arith.cmpi ne, %rem3A_2514, %ne3A_2515 : i32
    %and3A_2517 = arith.andi %ne3A_2513, %ne3A_2516 : i1
    %sub3A_2518 = arith.constant 1 : i32
    %sub3A_2519 = arith.subi %div3A_2498, %sub3A_2518 : i32
    %select_n3A_2520 = arith.select %and3A_2517, %sub3A_2519, %div3A_2498 : i32
    %rem3A_2521 = arith.constant 4 : i32
    %rem3A_2522 = arith.remsi %add3A_2496, %rem3A_2521 : i32
    %mul3A_2523 = arith.constant 1024 : i32
    %mul3A_2524 = arith.muli %rem3A_2522, %mul3A_2523 : i32
    %dma_start3A_2525 = tpu.memref_slice %arg3[%select_n3A_2520, %mul3A_2524] : memref<200x4096xi32, #tpu.memory_space<hbm>> -> memref<1x1024xi32, #tpu.memory_space<hbm>>
    %dma_start3A_2526 = tpu.memref_slice %arg3[%select_n3A_2520, %mul3A_2524] : memref<200x4096xi32, #tpu.memory_space<hbm>> -> memref<1x1024xi32, #tpu.memory_space<hbm>>
    tpu.enqueue_dma source(%dma_start3A_2526 : memref<1x1024xi32, #tpu.memory_space<hbm>>) target(%arg6 : memref<1x1024xi32, #tpu.memory_space<vmem>>) target_semaphore(%arg10 : memref<!tpu.dma_semaphore, #tpu.memory_space<semaphore_mem>>)
    %add3A_2527 = arith.constant 480 : i32
    %add3A_2528 = arith.addi %add3A, %add3A_2527 : i32
    %jit3A_2529 = arith.constant 4 : i32
    %div3A_2530 = arith.divsi %add3A_2528, %jit3A_2529 : i32
    %sign3A_2531 = arith.constant 0 : i32
    %sign3A_2532 = arith.cmpi sgt, %add3A_2528, %sign3A_2531 : i32
    %sign3A_2533 = arith.extui %sign3A_2532 : i1 to i32
    %sign3A_2534 = arith.constant 0 : i32
    %sign3A_2535 = arith.cmpi slt, %add3A_2528, %sign3A_2534 : i32
    %sign3A_2536 = arith.extui %sign3A_2535 : i1 to i32
    %sign3A_2537 = arith.subi %sign3A_2533, %sign3A_2536 : i32
    %sign3A_2538 = arith.constant 0 : i32
    %sign3A_2539 = arith.cmpi sgt, %jit3A_2529, %sign3A_2538 : i32
    %sign3A_2540 = arith.extui %sign3A_2539 : i1 to i32
    %sign3A_2541 = arith.constant 0 : i32
    %sign3A_2542 = arith.cmpi slt, %jit3A_2529, %sign3A_2541 : i32
    %sign3A_2543 = arith.extui %sign3A_2542 : i1 to i32
    %sign3A_2544 = arith.subi %sign3A_2540, %sign3A_2543 : i32
    %ne3A_2545 = arith.cmpi ne, %sign3A_2537, %sign3A_2544 : i32
    %rem3A_2546 = arith.remsi %add3A_2528, %jit3A_2529 : i32
    %ne3A_2547 = arith.constant 0 : i32
    %ne3A_2548 = arith.cmpi ne, %rem3A_2546, %ne3A_2547 : i32
    %and3A_2549 = arith.andi %ne3A_2545, %ne3A_2548 : i1
    %sub3A_2550 = arith.constant 1 : i32
    %sub3A_2551 = arith.subi %div3A_2530, %sub3A_2550 : i32
    %select_n3A_2552 = arith.select %and3A_2549, %sub3A_2551, %div3A_2530 : i32
    %rem3A_2553 = arith.constant 4 : i32
    %rem3A_2554 = arith.remsi %add3A_2528, %rem3A_2553 : i32
    %mul3A_2555 = arith.constant 1024 : i32
    %mul3A_2556 = arith.muli %rem3A_2554, %mul3A_2555 : i32
    %dma_start3A_2557 = arith.constant 0 : i32
    %dma_start3A_2558 = tpu.memref_slice %arg4[%select_n3A_2552, %mul3A_2556, %dma_start3A_2557] : memref<200x4096x32xf32, #tpu.memory_space<hbm>> -> memref<1x1024x32xf32, #tpu.memory_space<hbm>>
    %dma_start3A_2559 = arith.constant 0 : i32
    %dma_start3A_2560 = tpu.memref_slice %arg4[%select_n3A_2552, %mul3A_2556, %dma_start3A_2559] : memref<200x4096x32xf32, #tpu.memory_space<hbm>> -> memref<1x1024x32xf32, #tpu.memory_space<hbm>>
    tpu.enqueue_dma source(%arg8 : memref<1x1024x32xf32, #tpu.memory_space<vmem>>) target(%dma_start3A_2560 : memref<1x1024x32xf32, #tpu.memory_space<hbm>>) target_semaphore(%arg14 : memref<!tpu.dma_semaphore, #tpu.memory_space<semaphore_mem>>)
    %add3A_2561 = arith.constant 544 : i32
    %add3A_2562 = arith.addi %add3A, %add3A_2561 : i32
    %jit3A_2563 = arith.constant 4 : i32
    %div3A_2564 = arith.divsi %add3A_2562, %jit3A_2563 : i32
    %sign3A_2565 = arith.constant 0 : i32
    %sign3A_2566 = arith.cmpi sgt, %add3A_2562, %sign3A_2565 : i32
    %sign3A_2567 = arith.extui %sign3A_2566 : i1 to i32
    %sign3A_2568 = arith.constant 0 : i32
    %sign3A_2569 = arith.cmpi slt, %add3A_2562, %sign3A_2568 : i32
    %sign3A_2570 = arith.extui %sign3A_2569 : i1 to i32
    %sign3A_2571 = arith.subi %sign3A_2567, %sign3A_2570 : i32
    %sign3A_2572 = arith.constant 0 : i32
    %sign3A_2573 = arith.cmpi sgt, %jit3A_2563, %sign3A_2572 : i32
    %sign3A_2574 = arith.extui %sign3A_2573 : i1 to i32
    %sign3A_2575 = arith.constant 0 : i32
    %sign3A_2576 = arith.cmpi slt, %jit3A_2563, %sign3A_2575 : i32
    %sign3A_2577 = arith.extui %sign3A_2576 : i1 to i32
    %sign3A_2578 = arith.subi %sign3A_2574, %sign3A_2577 : i32
    %ne3A_2579 = arith.cmpi ne, %sign3A_2571, %sign3A_2578 : i32
    %rem3A_2580 = arith.remsi %add3A_2562, %jit3A_2563 : i32
    %ne3A_2581 = arith.constant 0 : i32
    %ne3A_2582 = arith.cmpi ne, %rem3A_2580, %ne3A_2581 : i32
    %and3A_2583 = arith.andi %ne3A_2579, %ne3A_2582 : i1
    %sub3A_2584 = arith.constant 1 : i32
    %sub3A_2585 = arith.subi %div3A_2564, %sub3A_2584 : i32
    %select_n3A_2586 = arith.select %and3A_2583, %sub3A_2585, %div3A_2564 : i32
    %rem3A_2587 = arith.constant 4 : i32
    %rem3A_2588 = arith.remsi %add3A_2562, %rem3A_2587 : i32
    %mul3A_2589 = arith.constant 1024 : i32
    %mul3A_2590 = arith.muli %rem3A_2588, %mul3A_2589 : i32
    %dma_wait3A_2591 = tpu.memref_slice %arg3[%select_n3A_2586, %mul3A_2590] : memref<200x4096xi32, #tpu.memory_space<hbm>> -> memref<1x1024xi32, #tpu.memory_space<hbm>>
    %dma_wait3A_2592 = tpu.memref_slice %arg3[%select_n3A_2586, %mul3A_2590] : memref<200x4096xi32, #tpu.memory_space<hbm>> -> memref<1x1024xi32, #tpu.memory_space<hbm>>
    tpu.wait_dma2 semaphore(%arg10 : memref<!tpu.dma_semaphore, #tpu.memory_space<semaphore_mem>>) src(%dma_wait3A_2592 : memref<1x1024xi32, #tpu.memory_space<hbm>>) dst(%arg6 : memref<1x1024xi32, #tpu.memory_space<vmem>>)
    %add3A_2593 = arith.constant 480 : i32
    %add3A_2594 = arith.addi %add3A, %add3A_2593 : i32
    %jit3A_2595 = arith.constant 4 : i32
    %div3A_2596 = arith.divsi %add3A_2594, %jit3A_2595 : i32
    %sign3A_2597 = arith.constant 0 : i32
    %sign3A_2598 = arith.cmpi sgt, %add3A_2594, %sign3A_2597 : i32
    %sign3A_2599 = arith.extui %sign3A_2598 : i1 to i32
    %sign3A_2600 = arith.constant 0 : i32
    %sign3A_2601 = arith.cmpi slt, %add3A_2594, %sign3A_2600 : i32
    %sign3A_2602 = arith.extui %sign3A_2601 : i1 to i32
    %sign3A_2603 = arith.subi %sign3A_2599, %sign3A_2602 : i32
    %sign3A_2604 = arith.constant 0 : i32
    %sign3A_2605 = arith.cmpi sgt, %jit3A_2595, %sign3A_2604 : i32
    %sign3A_2606 = arith.extui %sign3A_2605 : i1 to i32
    %sign3A_2607 = arith.constant 0 : i32
    %sign3A_2608 = arith.cmpi slt, %jit3A_2595, %sign3A_2607 : i32
    %sign3A_2609 = arith.extui %sign3A_2608 : i1 to i32
    %sign3A_2610 = arith.subi %sign3A_2606, %sign3A_2609 : i32
    %ne3A_2611 = arith.cmpi ne, %sign3A_2603, %sign3A_2610 : i32
    %rem3A_2612 = arith.remsi %add3A_2594, %jit3A_2595 : i32
    %ne3A_2613 = arith.constant 0 : i32
    %ne3A_2614 = arith.cmpi ne, %rem3A_2612, %ne3A_2613 : i32
    %and3A_2615 = arith.andi %ne3A_2611, %ne3A_2614 : i1
    %sub3A_2616 = arith.constant 1 : i32
    %sub3A_2617 = arith.subi %div3A_2596, %sub3A_2616 : i32
    %select_n3A_2618 = arith.select %and3A_2615, %sub3A_2617, %div3A_2596 : i32
    %rem3A_2619 = arith.constant 4 : i32
    %rem3A_2620 = arith.remsi %add3A_2594, %rem3A_2619 : i32
    %mul3A_2621 = arith.constant 1024 : i32
    %mul3A_2622 = arith.muli %rem3A_2620, %mul3A_2621 : i32
    %dma_wait3A_2623 = arith.constant 0 : i32
    %dma_wait3A_2624 = tpu.memref_slice %arg4[%select_n3A_2618, %mul3A_2622, %dma_wait3A_2623] : memref<200x4096x32xf32, #tpu.memory_space<hbm>> -> memref<1x1024x32xf32, #tpu.memory_space<hbm>>
    %dma_wait3A_2625 = arith.constant 0 : i32
    %dma_wait3A_2626 = tpu.memref_slice %arg4[%select_n3A_2618, %mul3A_2622, %dma_wait3A_2625] : memref<200x4096x32xf32, #tpu.memory_space<hbm>> -> memref<1x1024x32xf32, #tpu.memory_space<hbm>>
    tpu.wait_dma2 semaphore(%arg14 : memref<!tpu.dma_semaphore, #tpu.memory_space<semaphore_mem>>) src(%arg8 : memref<1x1024x32xf32, #tpu.memory_space<vmem>>) dst(%dma_wait3A_2626 : memref<1x1024x32xf32, #tpu.memory_space<hbm>>)
    %dma_start3A_2627 = arith.constant 0 : i32
    %dma_start3A_2628 = arith.constant 0 : i32
    %dma_start3A_2629 = arith.constant 0 : i32
    %dma_start3A_2630 = arith.constant 0 : i32
    %dma_start3A_2631 = tpu.memref_slice %arg8[%dma_start3A_2628, %dma_start3A_2629, %dma_start3A_2630] : memref<1x1024x32xf32, #tpu.memory_space<vmem>> -> memref<1x1024x32xf32, #tpu.memory_space<vmem>>
    %dma_start3A_2632 = tpu.memref_squeeze %dma_start3A_2631 : memref<1x1024x32xf32, #tpu.memory_space<vmem>> -> memref<1024x32xf32, #tpu.memory_space<vmem>>
    %dma_start3A_2633 = arith.constant 0 : i32
    %dma_start3A_2634 = tpu.memref_slice %arg6[%dma_start3A_2627, %dma_start3A_2633] : memref<1x1024xi32, #tpu.memory_space<vmem>> -> memref<1x1024xi32, #tpu.memory_space<vmem>>
    %dma_start3A_2635 = tpu.memref_squeeze %dma_start3A_2634 : memref<1x1024xi32, #tpu.memory_space<vmem>> -> memref<1024xi32, #tpu.memory_space<vmem>>
    %dma_start3A_2636 = arith.constant 0 : i32
    %dma_start3A_2637 = arith.constant 0 : i32
    %dma_start3A_2638 = tpu.memref_slice %arg2[%dma_start3A_2636, %dma_start3A_2637] : memref<1000000x32xf32, #tpu.memory_space<hbm>> -> memref<1000000x32xf32, #tpu.memory_space<hbm>>
    tpu.enqueue_indirect_dma source(%dma_start3A_2638 : memref<1000000x32xf32, #tpu.memory_space<hbm>>) target(%dma_start3A_2632 : memref<1024x32xf32, #tpu.memory_space<vmem>>) offsets(%dma_start3A_2635 : memref<1024xi32, #tpu.memory_space<vmem>>) semaphore(%arg12 : memref<!tpu.dma_semaphore, #tpu.memory_space<semaphore_mem>>)
    %dma_wait3A_2639 = arith.constant 0 : i32
    %dma_wait3A_2640 = arith.constant 0 : i32
    %dma_wait3A_2641 = arith.constant 0 : i32
    %dma_wait3A_2642 = arith.constant 0 : i32
    %dma_wait3A_2643 = tpu.memref_slice %arg7[%dma_wait3A_2640, %dma_wait3A_2641, %dma_wait3A_2642] : memref<1x1024x32xf32, #tpu.memory_space<vmem>> -> memref<1x1024x32xf32, #tpu.memory_space<vmem>>
    %dma_wait3A_2644 = tpu.memref_squeeze %dma_wait3A_2643 : memref<1x1024x32xf32, #tpu.memory_space<vmem>> -> memref<1024x32xf32, #tpu.memory_space<vmem>>
    %dma_wait3A_2645 = arith.constant 0 : i32
    %dma_wait3A_2646 = tpu.memref_slice %arg5[%dma_wait3A_2639, %dma_wait3A_2645] : memref<1x1024xi32, #tpu.memory_space<vmem>> -> memref<1x1024xi32, #tpu.memory_space<vmem>>
    %dma_wait3A_2647 = tpu.memref_squeeze %dma_wait3A_2646 : memref<1x1024xi32, #tpu.memory_space<vmem>> -> memref<1024xi32, #tpu.memory_space<vmem>>
    %dma_wait3A_2648 = arith.constant 0 : i32
    %dma_wait3A_2649 = arith.constant 0 : i32
    %dma_wait3A_2650 = tpu.memref_slice %arg2[%dma_wait3A_2648, %dma_wait3A_2649] : memref<1000000x32xf32, #tpu.memory_space<hbm>> -> memref<1000000x32xf32, #tpu.memory_space<hbm>>
    tpu.wait_indirect_dma semaphore(%arg11 : memref<!tpu.dma_semaphore, #tpu.memory_space<semaphore_mem>>) src(%dma_wait3A_2650 : memref<1000000x32xf32, #tpu.memory_space<hbm>>) dst(%dma_wait3A_2644 : memref<1024x32xf32, #tpu.memory_space<vmem>>)
    %add3A_2651 = arith.constant 576 : i32
    %add3A_2652 = arith.addi %add3A, %add3A_2651 : i32
    %jit3A_2653 = arith.constant 4 : i32
    %div3A_2654 = arith.divsi %add3A_2652, %jit3A_2653 : i32
    %sign3A_2655 = arith.constant 0 : i32
    %sign3A_2656 = arith.cmpi sgt, %add3A_2652, %sign3A_2655 : i32
    %sign3A_2657 = arith.extui %sign3A_2656 : i1 to i32
    %sign3A_2658 = arith.constant 0 : i32
    %sign3A_2659 = arith.cmpi slt, %add3A_2652, %sign3A_2658 : i32
    %sign3A_2660 = arith.extui %sign3A_2659 : i1 to i32
    %sign3A_2661 = arith.subi %sign3A_2657, %sign3A_2660 : i32
    %sign3A_2662 = arith.constant 0 : i32
    %sign3A_2663 = arith.cmpi sgt, %jit3A_2653, %sign3A_2662 : i32
    %sign3A_2664 = arith.extui %sign3A_2663 : i1 to i32
    %sign3A_2665 = arith.constant 0 : i32
    %sign3A_2666 = arith.cmpi slt, %jit3A_2653, %sign3A_2665 : i32
    %sign3A_2667 = arith.extui %sign3A_2666 : i1 to i32
    %sign3A_2668 = arith.subi %sign3A_2664, %sign3A_2667 : i32
    %ne3A_2669 = arith.cmpi ne, %sign3A_2661, %sign3A_2668 : i32
    %rem3A_2670 = arith.remsi %add3A_2652, %jit3A_2653 : i32
    %ne3A_2671 = arith.constant 0 : i32
    %ne3A_2672 = arith.cmpi ne, %rem3A_2670, %ne3A_2671 : i32
    %and3A_2673 = arith.andi %ne3A_2669, %ne3A_2672 : i1
    %sub3A_2674 = arith.constant 1 : i32
    %sub3A_2675 = arith.subi %div3A_2654, %sub3A_2674 : i32
    %select_n3A_2676 = arith.select %and3A_2673, %sub3A_2675, %div3A_2654 : i32
    %rem3A_2677 = arith.constant 4 : i32
    %rem3A_2678 = arith.remsi %add3A_2652, %rem3A_2677 : i32
    %mul3A_2679 = arith.constant 1024 : i32
    %mul3A_2680 = arith.muli %rem3A_2678, %mul3A_2679 : i32
    %dma_start3A_2681 = tpu.memref_slice %arg3[%select_n3A_2676, %mul3A_2680] : memref<200x4096xi32, #tpu.memory_space<hbm>> -> memref<1x1024xi32, #tpu.memory_space<hbm>>
    %dma_start3A_2682 = tpu.memref_slice %arg3[%select_n3A_2676, %mul3A_2680] : memref<200x4096xi32, #tpu.memory_space<hbm>> -> memref<1x1024xi32, #tpu.memory_space<hbm>>
    tpu.enqueue_dma source(%dma_start3A_2682 : memref<1x1024xi32, #tpu.memory_space<hbm>>) target(%arg5 : memref<1x1024xi32, #tpu.memory_space<vmem>>) target_semaphore(%arg9 : memref<!tpu.dma_semaphore, #tpu.memory_space<semaphore_mem>>)
    %add3A_2683 = arith.constant 512 : i32
    %add3A_2684 = arith.addi %add3A, %add3A_2683 : i32
    %jit3A_2685 = arith.constant 4 : i32
    %div3A_2686 = arith.divsi %add3A_2684, %jit3A_2685 : i32
    %sign3A_2687 = arith.constant 0 : i32
    %sign3A_2688 = arith.cmpi sgt, %add3A_2684, %sign3A_2687 : i32
    %sign3A_2689 = arith.extui %sign3A_2688 : i1 to i32
    %sign3A_2690 = arith.constant 0 : i32
    %sign3A_2691 = arith.cmpi slt, %add3A_2684, %sign3A_2690 : i32
    %sign3A_2692 = arith.extui %sign3A_2691 : i1 to i32
    %sign3A_2693 = arith.subi %sign3A_2689, %sign3A_2692 : i32
    %sign3A_2694 = arith.constant 0 : i32
    %sign3A_2695 = arith.cmpi sgt, %jit3A_2685, %sign3A_2694 : i32
    %sign3A_2696 = arith.extui %sign3A_2695 : i1 to i32
    %sign3A_2697 = arith.constant 0 : i32
    %sign3A_2698 = arith.cmpi slt, %jit3A_2685, %sign3A_2697 : i32
    %sign3A_2699 = arith.extui %sign3A_2698 : i1 to i32
    %sign3A_2700 = arith.subi %sign3A_2696, %sign3A_2699 : i32
    %ne3A_2701 = arith.cmpi ne, %sign3A_2693, %sign3A_2700 : i32
    %rem3A_2702 = arith.remsi %add3A_2684, %jit3A_2685 : i32
    %ne3A_2703 = arith.constant 0 : i32
    %ne3A_2704 = arith.cmpi ne, %rem3A_2702, %ne3A_2703 : i32
    %and3A_2705 = arith.andi %ne3A_2701, %ne3A_2704 : i1
    %sub3A_2706 = arith.constant 1 : i32
    %sub3A_2707 = arith.subi %div3A_2686, %sub3A_2706 : i32
    %select_n3A_2708 = arith.select %and3A_2705, %sub3A_2707, %div3A_2686 : i32
    %rem3A_2709 = arith.constant 4 : i32
    %rem3A_2710 = arith.remsi %add3A_2684, %rem3A_2709 : i32
    %mul3A_2711 = arith.constant 1024 : i32
    %mul3A_2712 = arith.muli %rem3A_2710, %mul3A_2711 : i32
    %dma_start3A_2713 = arith.constant 0 : i32
    %dma_start3A_2714 = tpu.memref_slice %arg4[%select_n3A_2708, %mul3A_2712, %dma_start3A_2713] : memref<200x4096x32xf32, #tpu.memory_space<hbm>> -> memref<1x1024x32xf32, #tpu.memory_space<hbm>>
    %dma_start3A_2715 = arith.constant 0 : i32
    %dma_start3A_2716 = tpu.memref_slice %arg4[%select_n3A_2708, %mul3A_2712, %dma_start3A_2715] : memref<200x4096x32xf32, #tpu.memory_space<hbm>> -> memref<1x1024x32xf32, #tpu.memory_space<hbm>>
    tpu.enqueue_dma source(%arg7 : memref<1x1024x32xf32, #tpu.memory_space<vmem>>) target(%dma_start3A_2716 : memref<1x1024x32xf32, #tpu.memory_space<hbm>>) target_semaphore(%arg13 : memref<!tpu.dma_semaphore, #tpu.memory_space<semaphore_mem>>)
    %add3A_2717 = arith.constant 576 : i32
    %add3A_2718 = arith.addi %add3A, %add3A_2717 : i32
    %jit3A_2719 = arith.constant 4 : i32
    %div3A_2720 = arith.divsi %add3A_2718, %jit3A_2719 : i32
    %sign3A_2721 = arith.constant 0 : i32
    %sign3A_2722 = arith.cmpi sgt, %add3A_2718, %sign3A_2721 : i32
    %sign3A_2723 = arith.extui %sign3A_2722 : i1 to i32
    %sign3A_2724 = arith.constant 0 : i32
    %sign3A_2725 = arith.cmpi slt, %add3A_2718, %sign3A_2724 : i32
    %sign3A_2726 = arith.extui %sign3A_2725 : i1 to i32
    %sign3A_2727 = arith.subi %sign3A_2723, %sign3A_2726 : i32
    %sign3A_2728 = arith.constant 0 : i32
    %sign3A_2729 = arith.cmpi sgt, %jit3A_2719, %sign3A_2728 : i32
    %sign3A_2730 = arith.extui %sign3A_2729 : i1 to i32
    %sign3A_2731 = arith.constant 0 : i32
    %sign3A_2732 = arith.cmpi slt, %jit3A_2719, %sign3A_2731 : i32
    %sign3A_2733 = arith.extui %sign3A_2732 : i1 to i32
    %sign3A_2734 = arith.subi %sign3A_2730, %sign3A_2733 : i32
    %ne3A_2735 = arith.cmpi ne, %sign3A_2727, %sign3A_2734 : i32
    %rem3A_2736 = arith.remsi %add3A_2718, %jit3A_2719 : i32
    %ne3A_2737 = arith.constant 0 : i32
    %ne3A_2738 = arith.cmpi ne, %rem3A_2736, %ne3A_2737 : i32
    %and3A_2739 = arith.andi %ne3A_2735, %ne3A_2738 : i1
    %sub3A_2740 = arith.constant 1 : i32
    %sub3A_2741 = arith.subi %div3A_2720, %sub3A_2740 : i32
    %select_n3A_2742 = arith.select %and3A_2739, %sub3A_2741, %div3A_2720 : i32
    %rem3A_2743 = arith.constant 4 : i32
    %rem3A_2744 = arith.remsi %add3A_2718, %rem3A_2743 : i32
    %mul3A_2745 = arith.constant 1024 : i32
    %mul3A_2746 = arith.muli %rem3A_2744, %mul3A_2745 : i32
    %dma_wait3A_2747 = tpu.memref_slice %arg3[%select_n3A_2742, %mul3A_2746] : memref<200x4096xi32, #tpu.memory_space<hbm>> -> memref<1x1024xi32, #tpu.memory_space<hbm>>
    %dma_wait3A_2748 = tpu.memref_slice %arg3[%select_n3A_2742, %mul3A_2746] : memref<200x4096xi32, #tpu.memory_space<hbm>> -> memref<1x1024xi32, #tpu.memory_space<hbm>>
    tpu.wait_dma2 semaphore(%arg9 : memref<!tpu.dma_semaphore, #tpu.memory_space<semaphore_mem>>) src(%dma_wait3A_2748 : memref<1x1024xi32, #tpu.memory_space<hbm>>) dst(%arg5 : memref<1x1024xi32, #tpu.memory_space<vmem>>)
    %add3A_2749 = arith.constant 512 : i32
    %add3A_2750 = arith.addi %add3A, %add3A_2749 : i32
    %jit3A_2751 = arith.constant 4 : i32
    %div3A_2752 = arith.divsi %add3A_2750, %jit3A_2751 : i32
    %sign3A_2753 = arith.constant 0 : i32
    %sign3A_2754 = arith.cmpi sgt, %add3A_2750, %sign3A_2753 : i32
    %sign3A_2755 = arith.extui %sign3A_2754 : i1 to i32
    %sign3A_2756 = arith.constant 0 : i32
    %sign3A_2757 = arith.cmpi slt, %add3A_2750, %sign3A_2756 : i32
    %sign3A_2758 = arith.extui %sign3A_2757 : i1 to i32
    %sign3A_2759 = arith.subi %sign3A_2755, %sign3A_2758 : i32
    %sign3A_2760 = arith.constant 0 : i32
    %sign3A_2761 = arith.cmpi sgt, %jit3A_2751, %sign3A_2760 : i32
    %sign3A_2762 = arith.extui %sign3A_2761 : i1 to i32
    %sign3A_2763 = arith.constant 0 : i32
    %sign3A_2764 = arith.cmpi slt, %jit3A_2751, %sign3A_2763 : i32
    %sign3A_2765 = arith.extui %sign3A_2764 : i1 to i32
    %sign3A_2766 = arith.subi %sign3A_2762, %sign3A_2765 : i32
    %ne3A_2767 = arith.cmpi ne, %sign3A_2759, %sign3A_2766 : i32
    %rem3A_2768 = arith.remsi %add3A_2750, %jit3A_2751 : i32
    %ne3A_2769 = arith.constant 0 : i32
    %ne3A_2770 = arith.cmpi ne, %rem3A_2768, %ne3A_2769 : i32
    %and3A_2771 = arith.andi %ne3A_2767, %ne3A_2770 : i1
    %sub3A_2772 = arith.constant 1 : i32
    %sub3A_2773 = arith.subi %div3A_2752, %sub3A_2772 : i32
    %select_n3A_2774 = arith.select %and3A_2771, %sub3A_2773, %div3A_2752 : i32
    %rem3A_2775 = arith.constant 4 : i32
    %rem3A_2776 = arith.remsi %add3A_2750, %rem3A_2775 : i32
    %mul3A_2777 = arith.constant 1024 : i32
    %mul3A_2778 = arith.muli %rem3A_2776, %mul3A_2777 : i32
    %dma_wait3A_2779 = arith.constant 0 : i32
    %dma_wait3A_2780 = tpu.memref_slice %arg4[%select_n3A_2774, %mul3A_2778, %dma_wait3A_2779] : memref<200x4096x32xf32, #tpu.memory_space<hbm>> -> memref<1x1024x32xf32, #tpu.memory_space<hbm>>
    %dma_wait3A_2781 = arith.constant 0 : i32
    %dma_wait3A_2782 = tpu.memref_slice %arg4[%select_n3A_2774, %mul3A_2778, %dma_wait3A_2781] : memref<200x4096x32xf32, #tpu.memory_space<hbm>> -> memref<1x1024x32xf32, #tpu.memory_space<hbm>>
    tpu.wait_dma2 semaphore(%arg13 : memref<!tpu.dma_semaphore, #tpu.memory_space<semaphore_mem>>) src(%arg7 : memref<1x1024x32xf32, #tpu.memory_space<vmem>>) dst(%dma_wait3A_2782 : memref<1x1024x32xf32, #tpu.memory_space<hbm>>)
    %dma_start3A_2783 = arith.constant 0 : i32
    %dma_start3A_2784 = arith.constant 0 : i32
    %dma_start3A_2785 = arith.constant 0 : i32
    %dma_start3A_2786 = arith.constant 0 : i32
    %dma_start3A_2787 = tpu.memref_slice %arg7[%dma_start3A_2784, %dma_start3A_2785, %dma_start3A_2786] : memref<1x1024x32xf32, #tpu.memory_space<vmem>> -> memref<1x1024x32xf32, #tpu.memory_space<vmem>>
    %dma_start3A_2788 = tpu.memref_squeeze %dma_start3A_2787 : memref<1x1024x32xf32, #tpu.memory_space<vmem>> -> memref<1024x32xf32, #tpu.memory_space<vmem>>
    %dma_start3A_2789 = arith.constant 0 : i32
    %dma_start3A_2790 = tpu.memref_slice %arg5[%dma_start3A_2783, %dma_start3A_2789] : memref<1x1024xi32, #tpu.memory_space<vmem>> -> memref<1x1024xi32, #tpu.memory_space<vmem>>
    %dma_start3A_2791 = tpu.memref_squeeze %dma_start3A_2790 : memref<1x1024xi32, #tpu.memory_space<vmem>> -> memref<1024xi32, #tpu.memory_space<vmem>>
    %dma_start3A_2792 = arith.constant 0 : i32
    %dma_start3A_2793 = arith.constant 0 : i32
    %dma_start3A_2794 = tpu.memref_slice %arg2[%dma_start3A_2792, %dma_start3A_2793] : memref<1000000x32xf32, #tpu.memory_space<hbm>> -> memref<1000000x32xf32, #tpu.memory_space<hbm>>
    tpu.enqueue_indirect_dma source(%dma_start3A_2794 : memref<1000000x32xf32, #tpu.memory_space<hbm>>) target(%dma_start3A_2788 : memref<1024x32xf32, #tpu.memory_space<vmem>>) offsets(%dma_start3A_2791 : memref<1024xi32, #tpu.memory_space<vmem>>) semaphore(%arg11 : memref<!tpu.dma_semaphore, #tpu.memory_space<semaphore_mem>>)
    %dma_wait3A_2795 = arith.constant 0 : i32
    %dma_wait3A_2796 = arith.constant 0 : i32
    %dma_wait3A_2797 = arith.constant 0 : i32
    %dma_wait3A_2798 = arith.constant 0 : i32
    %dma_wait3A_2799 = tpu.memref_slice %arg8[%dma_wait3A_2796, %dma_wait3A_2797, %dma_wait3A_2798] : memref<1x1024x32xf32, #tpu.memory_space<vmem>> -> memref<1x1024x32xf32, #tpu.memory_space<vmem>>
    %dma_wait3A_2800 = tpu.memref_squeeze %dma_wait3A_2799 : memref<1x1024x32xf32, #tpu.memory_space<vmem>> -> memref<1024x32xf32, #tpu.memory_space<vmem>>
    %dma_wait3A_2801 = arith.constant 0 : i32
    %dma_wait3A_2802 = tpu.memref_slice %arg6[%dma_wait3A_2795, %dma_wait3A_2801] : memref<1x1024xi32, #tpu.memory_space<vmem>> -> memref<1x1024xi32, #tpu.memory_space<vmem>>
    %dma_wait3A_2803 = tpu.memref_squeeze %dma_wait3A_2802 : memref<1x1024xi32, #tpu.memory_space<vmem>> -> memref<1024xi32, #tpu.memory_space<vmem>>
    %dma_wait3A_2804 = arith.constant 0 : i32
    %dma_wait3A_2805 = arith.constant 0 : i32
    %dma_wait3A_2806 = tpu.memref_slice %arg2[%dma_wait3A_2804, %dma_wait3A_2805] : memref<1000000x32xf32, #tpu.memory_space<hbm>> -> memref<1000000x32xf32, #tpu.memory_space<hbm>>
    tpu.wait_indirect_dma semaphore(%arg12 : memref<!tpu.dma_semaphore, #tpu.memory_space<semaphore_mem>>) src(%dma_wait3A_2806 : memref<1000000x32xf32, #tpu.memory_space<hbm>>) dst(%dma_wait3A_2800 : memref<1024x32xf32, #tpu.memory_space<vmem>>)
    %add3A_2807 = arith.constant 608 : i32
    %add3A_2808 = arith.addi %add3A, %add3A_2807 : i32
    %jit3A_2809 = arith.constant 4 : i32
    %div3A_2810 = arith.divsi %add3A_2808, %jit3A_2809 : i32
    %sign3A_2811 = arith.constant 0 : i32
    %sign3A_2812 = arith.cmpi sgt, %add3A_2808, %sign3A_2811 : i32
    %sign3A_2813 = arith.extui %sign3A_2812 : i1 to i32
    %sign3A_2814 = arith.constant 0 : i32
    %sign3A_2815 = arith.cmpi slt, %add3A_2808, %sign3A_2814 : i32
    %sign3A_2816 = arith.extui %sign3A_2815 : i1 to i32
    %sign3A_2817 = arith.subi %sign3A_2813, %sign3A_2816 : i32
    %sign3A_2818 = arith.constant 0 : i32
    %sign3A_2819 = arith.cmpi sgt, %jit3A_2809, %sign3A_2818 : i32
    %sign3A_2820 = arith.extui %sign3A_2819 : i1 to i32
    %sign3A_2821 = arith.constant 0 : i32
    %sign3A_2822 = arith.cmpi slt, %jit3A_2809, %sign3A_2821 : i32
    %sign3A_2823 = arith.extui %sign3A_2822 : i1 to i32
    %sign3A_2824 = arith.subi %sign3A_2820, %sign3A_2823 : i32
    %ne3A_2825 = arith.cmpi ne, %sign3A_2817, %sign3A_2824 : i32
    %rem3A_2826 = arith.remsi %add3A_2808, %jit3A_2809 : i32
    %ne3A_2827 = arith.constant 0 : i32
    %ne3A_2828 = arith.cmpi ne, %rem3A_2826, %ne3A_2827 : i32
    %and3A_2829 = arith.andi %ne3A_2825, %ne3A_2828 : i1
    %sub3A_2830 = arith.constant 1 : i32
    %sub3A_2831 = arith.subi %div3A_2810, %sub3A_2830 : i32
    %select_n3A_2832 = arith.select %and3A_2829, %sub3A_2831, %div3A_2810 : i32
    %rem3A_2833 = arith.constant 4 : i32
    %rem3A_2834 = arith.remsi %add3A_2808, %rem3A_2833 : i32
    %mul3A_2835 = arith.constant 1024 : i32
    %mul3A_2836 = arith.muli %rem3A_2834, %mul3A_2835 : i32
    %dma_start3A_2837 = tpu.memref_slice %arg3[%select_n3A_2832, %mul3A_2836] : memref<200x4096xi32, #tpu.memory_space<hbm>> -> memref<1x1024xi32, #tpu.memory_space<hbm>>
    %dma_start3A_2838 = tpu.memref_slice %arg3[%select_n3A_2832, %mul3A_2836] : memref<200x4096xi32, #tpu.memory_space<hbm>> -> memref<1x1024xi32, #tpu.memory_space<hbm>>
    tpu.enqueue_dma source(%dma_start3A_2838 : memref<1x1024xi32, #tpu.memory_space<hbm>>) target(%arg6 : memref<1x1024xi32, #tpu.memory_space<vmem>>) target_semaphore(%arg10 : memref<!tpu.dma_semaphore, #tpu.memory_space<semaphore_mem>>)
    %add3A_2839 = arith.constant 544 : i32
    %add3A_2840 = arith.addi %add3A, %add3A_2839 : i32
    %jit3A_2841 = arith.constant 4 : i32
    %div3A_2842 = arith.divsi %add3A_2840, %jit3A_2841 : i32
    %sign3A_2843 = arith.constant 0 : i32
    %sign3A_2844 = arith.cmpi sgt, %add3A_2840, %sign3A_2843 : i32
    %sign3A_2845 = arith.extui %sign3A_2844 : i1 to i32
    %sign3A_2846 = arith.constant 0 : i32
    %sign3A_2847 = arith.cmpi slt, %add3A_2840, %sign3A_2846 : i32
    %sign3A_2848 = arith.extui %sign3A_2847 : i1 to i32
    %sign3A_2849 = arith.subi %sign3A_2845, %sign3A_2848 : i32
    %sign3A_2850 = arith.constant 0 : i32
    %sign3A_2851 = arith.cmpi sgt, %jit3A_2841, %sign3A_2850 : i32
    %sign3A_2852 = arith.extui %sign3A_2851 : i1 to i32
    %sign3A_2853 = arith.constant 0 : i32
    %sign3A_2854 = arith.cmpi slt, %jit3A_2841, %sign3A_2853 : i32
    %sign3A_2855 = arith.extui %sign3A_2854 : i1 to i32
    %sign3A_2856 = arith.subi %sign3A_2852, %sign3A_2855 : i32
    %ne3A_2857 = arith.cmpi ne, %sign3A_2849, %sign3A_2856 : i32
    %rem3A_2858 = arith.remsi %add3A_2840, %jit3A_2841 : i32
    %ne3A_2859 = arith.constant 0 : i32
    %ne3A_2860 = arith.cmpi ne, %rem3A_2858, %ne3A_2859 : i32
    %and3A_2861 = arith.andi %ne3A_2857, %ne3A_2860 : i1
    %sub3A_2862 = arith.constant 1 : i32
    %sub3A_2863 = arith.subi %div3A_2842, %sub3A_2862 : i32
    %select_n3A_2864 = arith.select %and3A_2861, %sub3A_2863, %div3A_2842 : i32
    %rem3A_2865 = arith.constant 4 : i32
    %rem3A_2866 = arith.remsi %add3A_2840, %rem3A_2865 : i32
    %mul3A_2867 = arith.constant 1024 : i32
    %mul3A_2868 = arith.muli %rem3A_2866, %mul3A_2867 : i32
    %dma_start3A_2869 = arith.constant 0 : i32
    %dma_start3A_2870 = tpu.memref_slice %arg4[%select_n3A_2864, %mul3A_2868, %dma_start3A_2869] : memref<200x4096x32xf32, #tpu.memory_space<hbm>> -> memref<1x1024x32xf32, #tpu.memory_space<hbm>>
    %dma_start3A_2871 = arith.constant 0 : i32
    %dma_start3A_2872 = tpu.memref_slice %arg4[%select_n3A_2864, %mul3A_2868, %dma_start3A_2871] : memref<200x4096x32xf32, #tpu.memory_space<hbm>> -> memref<1x1024x32xf32, #tpu.memory_space<hbm>>
    tpu.enqueue_dma source(%arg8 : memref<1x1024x32xf32, #tpu.memory_space<vmem>>) target(%dma_start3A_2872 : memref<1x1024x32xf32, #tpu.memory_space<hbm>>) target_semaphore(%arg14 : memref<!tpu.dma_semaphore, #tpu.memory_space<semaphore_mem>>)
    %add3A_2873 = arith.constant 608 : i32
    %add3A_2874 = arith.addi %add3A, %add3A_2873 : i32
    %jit3A_2875 = arith.constant 4 : i32
    %div3A_2876 = arith.divsi %add3A_2874, %jit3A_2875 : i32
    %sign3A_2877 = arith.constant 0 : i32
    %sign3A_2878 = arith.cmpi sgt, %add3A_2874, %sign3A_2877 : i32
    %sign3A_2879 = arith.extui %sign3A_2878 : i1 to i32
    %sign3A_2880 = arith.constant 0 : i32
    %sign3A_2881 = arith.cmpi slt, %add3A_2874, %sign3A_2880 : i32
    %sign3A_2882 = arith.extui %sign3A_2881 : i1 to i32
    %sign3A_2883 = arith.subi %sign3A_2879, %sign3A_2882 : i32
    %sign3A_2884 = arith.constant 0 : i32
    %sign3A_2885 = arith.cmpi sgt, %jit3A_2875, %sign3A_2884 : i32
    %sign3A_2886 = arith.extui %sign3A_2885 : i1 to i32
    %sign3A_2887 = arith.constant 0 : i32
    %sign3A_2888 = arith.cmpi slt, %jit3A_2875, %sign3A_2887 : i32
    %sign3A_2889 = arith.extui %sign3A_2888 : i1 to i32
    %sign3A_2890 = arith.subi %sign3A_2886, %sign3A_2889 : i32
    %ne3A_2891 = arith.cmpi ne, %sign3A_2883, %sign3A_2890 : i32
    %rem3A_2892 = arith.remsi %add3A_2874, %jit3A_2875 : i32
    %ne3A_2893 = arith.constant 0 : i32
    %ne3A_2894 = arith.cmpi ne, %rem3A_2892, %ne3A_2893 : i32
    %and3A_2895 = arith.andi %ne3A_2891, %ne3A_2894 : i1
    %sub3A_2896 = arith.constant 1 : i32
    %sub3A_2897 = arith.subi %div3A_2876, %sub3A_2896 : i32
    %select_n3A_2898 = arith.select %and3A_2895, %sub3A_2897, %div3A_2876 : i32
    %rem3A_2899 = arith.constant 4 : i32
    %rem3A_2900 = arith.remsi %add3A_2874, %rem3A_2899 : i32
    %mul3A_2901 = arith.constant 1024 : i32
    %mul3A_2902 = arith.muli %rem3A_2900, %mul3A_2901 : i32
    %dma_wait3A_2903 = tpu.memref_slice %arg3[%select_n3A_2898, %mul3A_2902] : memref<200x4096xi32, #tpu.memory_space<hbm>> -> memref<1x1024xi32, #tpu.memory_space<hbm>>
    %dma_wait3A_2904 = tpu.memref_slice %arg3[%select_n3A_2898, %mul3A_2902] : memref<200x4096xi32, #tpu.memory_space<hbm>> -> memref<1x1024xi32, #tpu.memory_space<hbm>>
    tpu.wait_dma2 semaphore(%arg10 : memref<!tpu.dma_semaphore, #tpu.memory_space<semaphore_mem>>) src(%dma_wait3A_2904 : memref<1x1024xi32, #tpu.memory_space<hbm>>) dst(%arg6 : memref<1x1024xi32, #tpu.memory_space<vmem>>)
    %add3A_2905 = arith.constant 544 : i32
    %add3A_2906 = arith.addi %add3A, %add3A_2905 : i32
    %jit3A_2907 = arith.constant 4 : i32
    %div3A_2908 = arith.divsi %add3A_2906, %jit3A_2907 : i32
    %sign3A_2909 = arith.constant 0 : i32
    %sign3A_2910 = arith.cmpi sgt, %add3A_2906, %sign3A_2909 : i32
    %sign3A_2911 = arith.extui %sign3A_2910 : i1 to i32
    %sign3A_2912 = arith.constant 0 : i32
    %sign3A_2913 = arith.cmpi slt, %add3A_2906, %sign3A_2912 : i32
    %sign3A_2914 = arith.extui %sign3A_2913 : i1 to i32
    %sign3A_2915 = arith.subi %sign3A_2911, %sign3A_2914 : i32
    %sign3A_2916 = arith.constant 0 : i32
    %sign3A_2917 = arith.cmpi sgt, %jit3A_2907, %sign3A_2916 : i32
    %sign3A_2918 = arith.extui %sign3A_2917 : i1 to i32
    %sign3A_2919 = arith.constant 0 : i32
    %sign3A_2920 = arith.cmpi slt, %jit3A_2907, %sign3A_2919 : i32
    %sign3A_2921 = arith.extui %sign3A_2920 : i1 to i32
    %sign3A_2922 = arith.subi %sign3A_2918, %sign3A_2921 : i32
    %ne3A_2923 = arith.cmpi ne, %sign3A_2915, %sign3A_2922 : i32
    %rem3A_2924 = arith.remsi %add3A_2906, %jit3A_2907 : i32
    %ne3A_2925 = arith.constant 0 : i32
    %ne3A_2926 = arith.cmpi ne, %rem3A_2924, %ne3A_2925 : i32
    %and3A_2927 = arith.andi %ne3A_2923, %ne3A_2926 : i1
    %sub3A_2928 = arith.constant 1 : i32
    %sub3A_2929 = arith.subi %div3A_2908, %sub3A_2928 : i32
    %select_n3A_2930 = arith.select %and3A_2927, %sub3A_2929, %div3A_2908 : i32
    %rem3A_2931 = arith.constant 4 : i32
    %rem3A_2932 = arith.remsi %add3A_2906, %rem3A_2931 : i32
    %mul3A_2933 = arith.constant 1024 : i32
    %mul3A_2934 = arith.muli %rem3A_2932, %mul3A_2933 : i32
    %dma_wait3A_2935 = arith.constant 0 : i32
    %dma_wait3A_2936 = tpu.memref_slice %arg4[%select_n3A_2930, %mul3A_2934, %dma_wait3A_2935] : memref<200x4096x32xf32, #tpu.memory_space<hbm>> -> memref<1x1024x32xf32, #tpu.memory_space<hbm>>
    %dma_wait3A_2937 = arith.constant 0 : i32
    %dma_wait3A_2938 = tpu.memref_slice %arg4[%select_n3A_2930, %mul3A_2934, %dma_wait3A_2937] : memref<200x4096x32xf32, #tpu.memory_space<hbm>> -> memref<1x1024x32xf32, #tpu.memory_space<hbm>>
    tpu.wait_dma2 semaphore(%arg14 : memref<!tpu.dma_semaphore, #tpu.memory_space<semaphore_mem>>) src(%arg8 : memref<1x1024x32xf32, #tpu.memory_space<vmem>>) dst(%dma_wait3A_2938 : memref<1x1024x32xf32, #tpu.memory_space<hbm>>)
    %dma_start3A_2939 = arith.constant 0 : i32
    %dma_start3A_2940 = arith.constant 0 : i32
    %dma_start3A_2941 = arith.constant 0 : i32
    %dma_start3A_2942 = arith.constant 0 : i32
    %dma_start3A_2943 = tpu.memref_slice %arg8[%dma_start3A_2940, %dma_start3A_2941, %dma_start3A_2942] : memref<1x1024x32xf32, #tpu.memory_space<vmem>> -> memref<1x1024x32xf32, #tpu.memory_space<vmem>>
    %dma_start3A_2944 = tpu.memref_squeeze %dma_start3A_2943 : memref<1x1024x32xf32, #tpu.memory_space<vmem>> -> memref<1024x32xf32, #tpu.memory_space<vmem>>
    %dma_start3A_2945 = arith.constant 0 : i32
    %dma_start3A_2946 = tpu.memref_slice %arg6[%dma_start3A_2939, %dma_start3A_2945] : memref<1x1024xi32, #tpu.memory_space<vmem>> -> memref<1x1024xi32, #tpu.memory_space<vmem>>
    %dma_start3A_2947 = tpu.memref_squeeze %dma_start3A_2946 : memref<1x1024xi32, #tpu.memory_space<vmem>> -> memref<1024xi32, #tpu.memory_space<vmem>>
    %dma_start3A_2948 = arith.constant 0 : i32
    %dma_start3A_2949 = arith.constant 0 : i32
    %dma_start3A_2950 = tpu.memref_slice %arg2[%dma_start3A_2948, %dma_start3A_2949] : memref<1000000x32xf32, #tpu.memory_space<hbm>> -> memref<1000000x32xf32, #tpu.memory_space<hbm>>
    tpu.enqueue_indirect_dma source(%dma_start3A_2950 : memref<1000000x32xf32, #tpu.memory_space<hbm>>) target(%dma_start3A_2944 : memref<1024x32xf32, #tpu.memory_space<vmem>>) offsets(%dma_start3A_2947 : memref<1024xi32, #tpu.memory_space<vmem>>) semaphore(%arg12 : memref<!tpu.dma_semaphore, #tpu.memory_space<semaphore_mem>>)
    %dma_wait3A_2951 = arith.constant 0 : i32
    %dma_wait3A_2952 = arith.constant 0 : i32
    %dma_wait3A_2953 = arith.constant 0 : i32
    %dma_wait3A_2954 = arith.constant 0 : i32
    %dma_wait3A_2955 = tpu.memref_slice %arg7[%dma_wait3A_2952, %dma_wait3A_2953, %dma_wait3A_2954] : memref<1x1024x32xf32, #tpu.memory_space<vmem>> -> memref<1x1024x32xf32, #tpu.memory_space<vmem>>
    %dma_wait3A_2956 = tpu.memref_squeeze %dma_wait3A_2955 : memref<1x1024x32xf32, #tpu.memory_space<vmem>> -> memref<1024x32xf32, #tpu.memory_space<vmem>>
    %dma_wait3A_2957 = arith.constant 0 : i32
    %dma_wait3A_2958 = tpu.memref_slice %arg5[%dma_wait3A_2951, %dma_wait3A_2957] : memref<1x1024xi32, #tpu.memory_space<vmem>> -> memref<1x1024xi32, #tpu.memory_space<vmem>>
    %dma_wait3A_2959 = tpu.memref_squeeze %dma_wait3A_2958 : memref<1x1024xi32, #tpu.memory_space<vmem>> -> memref<1024xi32, #tpu.memory_space<vmem>>
    %dma_wait3A_2960 = arith.constant 0 : i32
    %dma_wait3A_2961 = arith.constant 0 : i32
    %dma_wait3A_2962 = tpu.memref_slice %arg2[%dma_wait3A_2960, %dma_wait3A_2961] : memref<1000000x32xf32, #tpu.memory_space<hbm>> -> memref<1000000x32xf32, #tpu.memory_space<hbm>>
    tpu.wait_indirect_dma semaphore(%arg11 : memref<!tpu.dma_semaphore, #tpu.memory_space<semaphore_mem>>) src(%dma_wait3A_2962 : memref<1000000x32xf32, #tpu.memory_space<hbm>>) dst(%dma_wait3A_2956 : memref<1024x32xf32, #tpu.memory_space<vmem>>)
    %add3A_2963 = arith.constant 640 : i32
    %add3A_2964 = arith.addi %add3A, %add3A_2963 : i32
    %jit3A_2965 = arith.constant 4 : i32
    %div3A_2966 = arith.divsi %add3A_2964, %jit3A_2965 : i32
    %sign3A_2967 = arith.constant 0 : i32
    %sign3A_2968 = arith.cmpi sgt, %add3A_2964, %sign3A_2967 : i32
    %sign3A_2969 = arith.extui %sign3A_2968 : i1 to i32
    %sign3A_2970 = arith.constant 0 : i32
    %sign3A_2971 = arith.cmpi slt, %add3A_2964, %sign3A_2970 : i32
    %sign3A_2972 = arith.extui %sign3A_2971 : i1 to i32
    %sign3A_2973 = arith.subi %sign3A_2969, %sign3A_2972 : i32
    %sign3A_2974 = arith.constant 0 : i32
    %sign3A_2975 = arith.cmpi sgt, %jit3A_2965, %sign3A_2974 : i32
    %sign3A_2976 = arith.extui %sign3A_2975 : i1 to i32
    %sign3A_2977 = arith.constant 0 : i32
    %sign3A_2978 = arith.cmpi slt, %jit3A_2965, %sign3A_2977 : i32
    %sign3A_2979 = arith.extui %sign3A_2978 : i1 to i32
    %sign3A_2980 = arith.subi %sign3A_2976, %sign3A_2979 : i32
    %ne3A_2981 = arith.cmpi ne, %sign3A_2973, %sign3A_2980 : i32
    %rem3A_2982 = arith.remsi %add3A_2964, %jit3A_2965 : i32
    %ne3A_2983 = arith.constant 0 : i32
    %ne3A_2984 = arith.cmpi ne, %rem3A_2982, %ne3A_2983 : i32
    %and3A_2985 = arith.andi %ne3A_2981, %ne3A_2984 : i1
    %sub3A_2986 = arith.constant 1 : i32
    %sub3A_2987 = arith.subi %div3A_2966, %sub3A_2986 : i32
    %select_n3A_2988 = arith.select %and3A_2985, %sub3A_2987, %div3A_2966 : i32
    %rem3A_2989 = arith.constant 4 : i32
    %rem3A_2990 = arith.remsi %add3A_2964, %rem3A_2989 : i32
    %mul3A_2991 = arith.constant 1024 : i32
    %mul3A_2992 = arith.muli %rem3A_2990, %mul3A_2991 : i32
    %dma_start3A_2993 = tpu.memref_slice %arg3[%select_n3A_2988, %mul3A_2992] : memref<200x4096xi32, #tpu.memory_space<hbm>> -> memref<1x1024xi32, #tpu.memory_space<hbm>>
    %dma_start3A_2994 = tpu.memref_slice %arg3[%select_n3A_2988, %mul3A_2992] : memref<200x4096xi32, #tpu.memory_space<hbm>> -> memref<1x1024xi32, #tpu.memory_space<hbm>>
    tpu.enqueue_dma source(%dma_start3A_2994 : memref<1x1024xi32, #tpu.memory_space<hbm>>) target(%arg5 : memref<1x1024xi32, #tpu.memory_space<vmem>>) target_semaphore(%arg9 : memref<!tpu.dma_semaphore, #tpu.memory_space<semaphore_mem>>)
    %add3A_2995 = arith.constant 576 : i32
    %add3A_2996 = arith.addi %add3A, %add3A_2995 : i32
    %jit3A_2997 = arith.constant 4 : i32
    %div3A_2998 = arith.divsi %add3A_2996, %jit3A_2997 : i32
    %sign3A_2999 = arith.constant 0 : i32
    %sign3A_3000 = arith.cmpi sgt, %add3A_2996, %sign3A_2999 : i32
    %sign3A_3001 = arith.extui %sign3A_3000 : i1 to i32
    %sign3A_3002 = arith.constant 0 : i32
    %sign3A_3003 = arith.cmpi slt, %add3A_2996, %sign3A_3002 : i32
    %sign3A_3004 = arith.extui %sign3A_3003 : i1 to i32
    %sign3A_3005 = arith.subi %sign3A_3001, %sign3A_3004 : i32
    %sign3A_3006 = arith.constant 0 : i32
    %sign3A_3007 = arith.cmpi sgt, %jit3A_2997, %sign3A_3006 : i32
    %sign3A_3008 = arith.extui %sign3A_3007 : i1 to i32
    %sign3A_3009 = arith.constant 0 : i32
    %sign3A_3010 = arith.cmpi slt, %jit3A_2997, %sign3A_3009 : i32
    %sign3A_3011 = arith.extui %sign3A_3010 : i1 to i32
    %sign3A_3012 = arith.subi %sign3A_3008, %sign3A_3011 : i32
    %ne3A_3013 = arith.cmpi ne, %sign3A_3005, %sign3A_3012 : i32
    %rem3A_3014 = arith.remsi %add3A_2996, %jit3A_2997 : i32
    %ne3A_3015 = arith.constant 0 : i32
    %ne3A_3016 = arith.cmpi ne, %rem3A_3014, %ne3A_3015 : i32
    %and3A_3017 = arith.andi %ne3A_3013, %ne3A_3016 : i1
    %sub3A_3018 = arith.constant 1 : i32
    %sub3A_3019 = arith.subi %div3A_2998, %sub3A_3018 : i32
    %select_n3A_3020 = arith.select %and3A_3017, %sub3A_3019, %div3A_2998 : i32
    %rem3A_3021 = arith.constant 4 : i32
    %rem3A_3022 = arith.remsi %add3A_2996, %rem3A_3021 : i32
    %mul3A_3023 = arith.constant 1024 : i32
    %mul3A_3024 = arith.muli %rem3A_3022, %mul3A_3023 : i32
    %dma_start3A_3025 = arith.constant 0 : i32
    %dma_start3A_3026 = tpu.memref_slice %arg4[%select_n3A_3020, %mul3A_3024, %dma_start3A_3025] : memref<200x4096x32xf32, #tpu.memory_space<hbm>> -> memref<1x1024x32xf32, #tpu.memory_space<hbm>>
    %dma_start3A_3027 = arith.constant 0 : i32
    %dma_start3A_3028 = tpu.memref_slice %arg4[%select_n3A_3020, %mul3A_3024, %dma_start3A_3027] : memref<200x4096x32xf32, #tpu.memory_space<hbm>> -> memref<1x1024x32xf32, #tpu.memory_space<hbm>>
    tpu.enqueue_dma source(%arg7 : memref<1x1024x32xf32, #tpu.memory_space<vmem>>) target(%dma_start3A_3028 : memref<1x1024x32xf32, #tpu.memory_space<hbm>>) target_semaphore(%arg13 : memref<!tpu.dma_semaphore, #tpu.memory_space<semaphore_mem>>)
    %add3A_3029 = arith.constant 640 : i32
    %add3A_3030 = arith.addi %add3A, %add3A_3029 : i32
    %jit3A_3031 = arith.constant 4 : i32
    %div3A_3032 = arith.divsi %add3A_3030, %jit3A_3031 : i32
    %sign3A_3033 = arith.constant 0 : i32
    %sign3A_3034 = arith.cmpi sgt, %add3A_3030, %sign3A_3033 : i32
    %sign3A_3035 = arith.extui %sign3A_3034 : i1 to i32
    %sign3A_3036 = arith.constant 0 : i32
    %sign3A_3037 = arith.cmpi slt, %add3A_3030, %sign3A_3036 : i32
    %sign3A_3038 = arith.extui %sign3A_3037 : i1 to i32
    %sign3A_3039 = arith.subi %sign3A_3035, %sign3A_3038 : i32
    %sign3A_3040 = arith.constant 0 : i32
    %sign3A_3041 = arith.cmpi sgt, %jit3A_3031, %sign3A_3040 : i32
    %sign3A_3042 = arith.extui %sign3A_3041 : i1 to i32
    %sign3A_3043 = arith.constant 0 : i32
    %sign3A_3044 = arith.cmpi slt, %jit3A_3031, %sign3A_3043 : i32
    %sign3A_3045 = arith.extui %sign3A_3044 : i1 to i32
    %sign3A_3046 = arith.subi %sign3A_3042, %sign3A_3045 : i32
    %ne3A_3047 = arith.cmpi ne, %sign3A_3039, %sign3A_3046 : i32
    %rem3A_3048 = arith.remsi %add3A_3030, %jit3A_3031 : i32
    %ne3A_3049 = arith.constant 0 : i32
    %ne3A_3050 = arith.cmpi ne, %rem3A_3048, %ne3A_3049 : i32
    %and3A_3051 = arith.andi %ne3A_3047, %ne3A_3050 : i1
    %sub3A_3052 = arith.constant 1 : i32
    %sub3A_3053 = arith.subi %div3A_3032, %sub3A_3052 : i32
    %select_n3A_3054 = arith.select %and3A_3051, %sub3A_3053, %div3A_3032 : i32
    %rem3A_3055 = arith.constant 4 : i32
    %rem3A_3056 = arith.remsi %add3A_3030, %rem3A_3055 : i32
    %mul3A_3057 = arith.constant 1024 : i32
    %mul3A_3058 = arith.muli %rem3A_3056, %mul3A_3057 : i32
    %dma_wait3A_3059 = tpu.memref_slice %arg3[%select_n3A_3054, %mul3A_3058] : memref<200x4096xi32, #tpu.memory_space<hbm>> -> memref<1x1024xi32, #tpu.memory_space<hbm>>
    %dma_wait3A_3060 = tpu.memref_slice %arg3[%select_n3A_3054, %mul3A_3058] : memref<200x4096xi32, #tpu.memory_space<hbm>> -> memref<1x1024xi32, #tpu.memory_space<hbm>>
    tpu.wait_dma2 semaphore(%arg9 : memref<!tpu.dma_semaphore, #tpu.memory_space<semaphore_mem>>) src(%dma_wait3A_3060 : memref<1x1024xi32, #tpu.memory_space<hbm>>) dst(%arg5 : memref<1x1024xi32, #tpu.memory_space<vmem>>)
    %add3A_3061 = arith.constant 576 : i32
    %add3A_3062 = arith.addi %add3A, %add3A_3061 : i32
    %jit3A_3063 = arith.constant 4 : i32
    %div3A_3064 = arith.divsi %add3A_3062, %jit3A_3063 : i32
    %sign3A_3065 = arith.constant 0 : i32
    %sign3A_3066 = arith.cmpi sgt, %add3A_3062, %sign3A_3065 : i32
    %sign3A_3067 = arith.extui %sign3A_3066 : i1 to i32
    %sign3A_3068 = arith.constant 0 : i32
    %sign3A_3069 = arith.cmpi slt, %add3A_3062, %sign3A_3068 : i32
    %sign3A_3070 = arith.extui %sign3A_3069 : i1 to i32
    %sign3A_3071 = arith.subi %sign3A_3067, %sign3A_3070 : i32
    %sign3A_3072 = arith.constant 0 : i32
    %sign3A_3073 = arith.cmpi sgt, %jit3A_3063, %sign3A_3072 : i32
    %sign3A_3074 = arith.extui %sign3A_3073 : i1 to i32
    %sign3A_3075 = arith.constant 0 : i32
    %sign3A_3076 = arith.cmpi slt, %jit3A_3063, %sign3A_3075 : i32
    %sign3A_3077 = arith.extui %sign3A_3076 : i1 to i32
    %sign3A_3078 = arith.subi %sign3A_3074, %sign3A_3077 : i32
    %ne3A_3079 = arith.cmpi ne, %sign3A_3071, %sign3A_3078 : i32
    %rem3A_3080 = arith.remsi %add3A_3062, %jit3A_3063 : i32
    %ne3A_3081 = arith.constant 0 : i32
    %ne3A_3082 = arith.cmpi ne, %rem3A_3080, %ne3A_3081 : i32
    %and3A_3083 = arith.andi %ne3A_3079, %ne3A_3082 : i1
    %sub3A_3084 = arith.constant 1 : i32
    %sub3A_3085 = arith.subi %div3A_3064, %sub3A_3084 : i32
    %select_n3A_3086 = arith.select %and3A_3083, %sub3A_3085, %div3A_3064 : i32
    %rem3A_3087 = arith.constant 4 : i32
    %rem3A_3088 = arith.remsi %add3A_3062, %rem3A_3087 : i32
    %mul3A_3089 = arith.constant 1024 : i32
    %mul3A_3090 = arith.muli %rem3A_3088, %mul3A_3089 : i32
    %dma_wait3A_3091 = arith.constant 0 : i32
    %dma_wait3A_3092 = tpu.memref_slice %arg4[%select_n3A_3086, %mul3A_3090, %dma_wait3A_3091] : memref<200x4096x32xf32, #tpu.memory_space<hbm>> -> memref<1x1024x32xf32, #tpu.memory_space<hbm>>
    %dma_wait3A_3093 = arith.constant 0 : i32
    %dma_wait3A_3094 = tpu.memref_slice %arg4[%select_n3A_3086, %mul3A_3090, %dma_wait3A_3093] : memref<200x4096x32xf32, #tpu.memory_space<hbm>> -> memref<1x1024x32xf32, #tpu.memory_space<hbm>>
    tpu.wait_dma2 semaphore(%arg13 : memref<!tpu.dma_semaphore, #tpu.memory_space<semaphore_mem>>) src(%arg7 : memref<1x1024x32xf32, #tpu.memory_space<vmem>>) dst(%dma_wait3A_3094 : memref<1x1024x32xf32, #tpu.memory_space<hbm>>)
    %dma_start3A_3095 = arith.constant 0 : i32
    %dma_start3A_3096 = arith.constant 0 : i32
    %dma_start3A_3097 = arith.constant 0 : i32
    %dma_start3A_3098 = arith.constant 0 : i32
    %dma_start3A_3099 = tpu.memref_slice %arg7[%dma_start3A_3096, %dma_start3A_3097, %dma_start3A_3098] : memref<1x1024x32xf32, #tpu.memory_space<vmem>> -> memref<1x1024x32xf32, #tpu.memory_space<vmem>>
    %dma_start3A_3100 = tpu.memref_squeeze %dma_start3A_3099 : memref<1x1024x32xf32, #tpu.memory_space<vmem>> -> memref<1024x32xf32, #tpu.memory_space<vmem>>
    %dma_start3A_3101 = arith.constant 0 : i32
    %dma_start3A_3102 = tpu.memref_slice %arg5[%dma_start3A_3095, %dma_start3A_3101] : memref<1x1024xi32, #tpu.memory_space<vmem>> -> memref<1x1024xi32, #tpu.memory_space<vmem>>
    %dma_start3A_3103 = tpu.memref_squeeze %dma_start3A_3102 : memref<1x1024xi32, #tpu.memory_space<vmem>> -> memref<1024xi32, #tpu.memory_space<vmem>>
    %dma_start3A_3104 = arith.constant 0 : i32
    %dma_start3A_3105 = arith.constant 0 : i32
    %dma_start3A_3106 = tpu.memref_slice %arg2[%dma_start3A_3104, %dma_start3A_3105] : memref<1000000x32xf32, #tpu.memory_space<hbm>> -> memref<1000000x32xf32, #tpu.memory_space<hbm>>
    tpu.enqueue_indirect_dma source(%dma_start3A_3106 : memref<1000000x32xf32, #tpu.memory_space<hbm>>) target(%dma_start3A_3100 : memref<1024x32xf32, #tpu.memory_space<vmem>>) offsets(%dma_start3A_3103 : memref<1024xi32, #tpu.memory_space<vmem>>) semaphore(%arg11 : memref<!tpu.dma_semaphore, #tpu.memory_space<semaphore_mem>>)
    %dma_wait3A_3107 = arith.constant 0 : i32
    %dma_wait3A_3108 = arith.constant 0 : i32
    %dma_wait3A_3109 = arith.constant 0 : i32
    %dma_wait3A_3110 = arith.constant 0 : i32
    %dma_wait3A_3111 = tpu.memref_slice %arg8[%dma_wait3A_3108, %dma_wait3A_3109, %dma_wait3A_3110] : memref<1x1024x32xf32, #tpu.memory_space<vmem>> -> memref<1x1024x32xf32, #tpu.memory_space<vmem>>
    %dma_wait3A_3112 = tpu.memref_squeeze %dma_wait3A_3111 : memref<1x1024x32xf32, #tpu.memory_space<vmem>> -> memref<1024x32xf32, #tpu.memory_space<vmem>>
    %dma_wait3A_3113 = arith.constant 0 : i32
    %dma_wait3A_3114 = tpu.memref_slice %arg6[%dma_wait3A_3107, %dma_wait3A_3113] : memref<1x1024xi32, #tpu.memory_space<vmem>> -> memref<1x1024xi32, #tpu.memory_space<vmem>>
    %dma_wait3A_3115 = tpu.memref_squeeze %dma_wait3A_3114 : memref<1x1024xi32, #tpu.memory_space<vmem>> -> memref<1024xi32, #tpu.memory_space<vmem>>
    %dma_wait3A_3116 = arith.constant 0 : i32
    %dma_wait3A_3117 = arith.constant 0 : i32
    %dma_wait3A_3118 = tpu.memref_slice %arg2[%dma_wait3A_3116, %dma_wait3A_3117] : memref<1000000x32xf32, #tpu.memory_space<hbm>> -> memref<1000000x32xf32, #tpu.memory_space<hbm>>
    tpu.wait_indirect_dma semaphore(%arg12 : memref<!tpu.dma_semaphore, #tpu.memory_space<semaphore_mem>>) src(%dma_wait3A_3118 : memref<1000000x32xf32, #tpu.memory_space<hbm>>) dst(%dma_wait3A_3112 : memref<1024x32xf32, #tpu.memory_space<vmem>>)
    %add3A_3119 = arith.constant 672 : i32
    %add3A_3120 = arith.addi %add3A, %add3A_3119 : i32
    %jit3A_3121 = arith.constant 4 : i32
    %div3A_3122 = arith.divsi %add3A_3120, %jit3A_3121 : i32
    %sign3A_3123 = arith.constant 0 : i32
    %sign3A_3124 = arith.cmpi sgt, %add3A_3120, %sign3A_3123 : i32
    %sign3A_3125 = arith.extui %sign3A_3124 : i1 to i32
    %sign3A_3126 = arith.constant 0 : i32
    %sign3A_3127 = arith.cmpi slt, %add3A_3120, %sign3A_3126 : i32
    %sign3A_3128 = arith.extui %sign3A_3127 : i1 to i32
    %sign3A_3129 = arith.subi %sign3A_3125, %sign3A_3128 : i32
    %sign3A_3130 = arith.constant 0 : i32
    %sign3A_3131 = arith.cmpi sgt, %jit3A_3121, %sign3A_3130 : i32
    %sign3A_3132 = arith.extui %sign3A_3131 : i1 to i32
    %sign3A_3133 = arith.constant 0 : i32
    %sign3A_3134 = arith.cmpi slt, %jit3A_3121, %sign3A_3133 : i32
    %sign3A_3135 = arith.extui %sign3A_3134 : i1 to i32
    %sign3A_3136 = arith.subi %sign3A_3132, %sign3A_3135 : i32
    %ne3A_3137 = arith.cmpi ne, %sign3A_3129, %sign3A_3136 : i32
    %rem3A_3138 = arith.remsi %add3A_3120, %jit3A_3121 : i32
    %ne3A_3139 = arith.constant 0 : i32
    %ne3A_3140 = arith.cmpi ne, %rem3A_3138, %ne3A_3139 : i32
    %and3A_3141 = arith.andi %ne3A_3137, %ne3A_3140 : i1
    %sub3A_3142 = arith.constant 1 : i32
    %sub3A_3143 = arith.subi %div3A_3122, %sub3A_3142 : i32
    %select_n3A_3144 = arith.select %and3A_3141, %sub3A_3143, %div3A_3122 : i32
    %rem3A_3145 = arith.constant 4 : i32
    %rem3A_3146 = arith.remsi %add3A_3120, %rem3A_3145 : i32
    %mul3A_3147 = arith.constant 1024 : i32
    %mul3A_3148 = arith.muli %rem3A_3146, %mul3A_3147 : i32
    %dma_start3A_3149 = tpu.memref_slice %arg3[%select_n3A_3144, %mul3A_3148] : memref<200x4096xi32, #tpu.memory_space<hbm>> -> memref<1x1024xi32, #tpu.memory_space<hbm>>
    %dma_start3A_3150 = tpu.memref_slice %arg3[%select_n3A_3144, %mul3A_3148] : memref<200x4096xi32, #tpu.memory_space<hbm>> -> memref<1x1024xi32, #tpu.memory_space<hbm>>
    tpu.enqueue_dma source(%dma_start3A_3150 : memref<1x1024xi32, #tpu.memory_space<hbm>>) target(%arg6 : memref<1x1024xi32, #tpu.memory_space<vmem>>) target_semaphore(%arg10 : memref<!tpu.dma_semaphore, #tpu.memory_space<semaphore_mem>>)
    %add3A_3151 = arith.constant 608 : i32
    %add3A_3152 = arith.addi %add3A, %add3A_3151 : i32
    %jit3A_3153 = arith.constant 4 : i32
    %div3A_3154 = arith.divsi %add3A_3152, %jit3A_3153 : i32
    %sign3A_3155 = arith.constant 0 : i32
    %sign3A_3156 = arith.cmpi sgt, %add3A_3152, %sign3A_3155 : i32
    %sign3A_3157 = arith.extui %sign3A_3156 : i1 to i32
    %sign3A_3158 = arith.constant 0 : i32
    %sign3A_3159 = arith.cmpi slt, %add3A_3152, %sign3A_3158 : i32
    %sign3A_3160 = arith.extui %sign3A_3159 : i1 to i32
    %sign3A_3161 = arith.subi %sign3A_3157, %sign3A_3160 : i32
    %sign3A_3162 = arith.constant 0 : i32
    %sign3A_3163 = arith.cmpi sgt, %jit3A_3153, %sign3A_3162 : i32
    %sign3A_3164 = arith.extui %sign3A_3163 : i1 to i32
    %sign3A_3165 = arith.constant 0 : i32
    %sign3A_3166 = arith.cmpi slt, %jit3A_3153, %sign3A_3165 : i32
    %sign3A_3167 = arith.extui %sign3A_3166 : i1 to i32
    %sign3A_3168 = arith.subi %sign3A_3164, %sign3A_3167 : i32
    %ne3A_3169 = arith.cmpi ne, %sign3A_3161, %sign3A_3168 : i32
    %rem3A_3170 = arith.remsi %add3A_3152, %jit3A_3153 : i32
    %ne3A_3171 = arith.constant 0 : i32
    %ne3A_3172 = arith.cmpi ne, %rem3A_3170, %ne3A_3171 : i32
    %and3A_3173 = arith.andi %ne3A_3169, %ne3A_3172 : i1
    %sub3A_3174 = arith.constant 1 : i32
    %sub3A_3175 = arith.subi %div3A_3154, %sub3A_3174 : i32
    %select_n3A_3176 = arith.select %and3A_3173, %sub3A_3175, %div3A_3154 : i32
    %rem3A_3177 = arith.constant 4 : i32
    %rem3A_3178 = arith.remsi %add3A_3152, %rem3A_3177 : i32
    %mul3A_3179 = arith.constant 1024 : i32
    %mul3A_3180 = arith.muli %rem3A_3178, %mul3A_3179 : i32
    %dma_start3A_3181 = arith.constant 0 : i32
    %dma_start3A_3182 = tpu.memref_slice %arg4[%select_n3A_3176, %mul3A_3180, %dma_start3A_3181] : memref<200x4096x32xf32, #tpu.memory_space<hbm>> -> memref<1x1024x32xf32, #tpu.memory_space<hbm>>
    %dma_start3A_3183 = arith.constant 0 : i32
    %dma_start3A_3184 = tpu.memref_slice %arg4[%select_n3A_3176, %mul3A_3180, %dma_start3A_3183] : memref<200x4096x32xf32, #tpu.memory_space<hbm>> -> memref<1x1024x32xf32, #tpu.memory_space<hbm>>
    tpu.enqueue_dma source(%arg8 : memref<1x1024x32xf32, #tpu.memory_space<vmem>>) target(%dma_start3A_3184 : memref<1x1024x32xf32, #tpu.memory_space<hbm>>) target_semaphore(%arg14 : memref<!tpu.dma_semaphore, #tpu.memory_space<semaphore_mem>>)
    %add3A_3185 = arith.constant 672 : i32
    %add3A_3186 = arith.addi %add3A, %add3A_3185 : i32
    %jit3A_3187 = arith.constant 4 : i32
    %div3A_3188 = arith.divsi %add3A_3186, %jit3A_3187 : i32
    %sign3A_3189 = arith.constant 0 : i32
    %sign3A_3190 = arith.cmpi sgt, %add3A_3186, %sign3A_3189 : i32
    %sign3A_3191 = arith.extui %sign3A_3190 : i1 to i32
    %sign3A_3192 = arith.constant 0 : i32
    %sign3A_3193 = arith.cmpi slt, %add3A_3186, %sign3A_3192 : i32
    %sign3A_3194 = arith.extui %sign3A_3193 : i1 to i32
    %sign3A_3195 = arith.subi %sign3A_3191, %sign3A_3194 : i32
    %sign3A_3196 = arith.constant 0 : i32
    %sign3A_3197 = arith.cmpi sgt, %jit3A_3187, %sign3A_3196 : i32
    %sign3A_3198 = arith.extui %sign3A_3197 : i1 to i32
    %sign3A_3199 = arith.constant 0 : i32
    %sign3A_3200 = arith.cmpi slt, %jit3A_3187, %sign3A_3199 : i32
    %sign3A_3201 = arith.extui %sign3A_3200 : i1 to i32
    %sign3A_3202 = arith.subi %sign3A_3198, %sign3A_3201 : i32
    %ne3A_3203 = arith.cmpi ne, %sign3A_3195, %sign3A_3202 : i32
    %rem3A_3204 = arith.remsi %add3A_3186, %jit3A_3187 : i32
    %ne3A_3205 = arith.constant 0 : i32
    %ne3A_3206 = arith.cmpi ne, %rem3A_3204, %ne3A_3205 : i32
    %and3A_3207 = arith.andi %ne3A_3203, %ne3A_3206 : i1
    %sub3A_3208 = arith.constant 1 : i32
    %sub3A_3209 = arith.subi %div3A_3188, %sub3A_3208 : i32
    %select_n3A_3210 = arith.select %and3A_3207, %sub3A_3209, %div3A_3188 : i32
    %rem3A_3211 = arith.constant 4 : i32
    %rem3A_3212 = arith.remsi %add3A_3186, %rem3A_3211 : i32
    %mul3A_3213 = arith.constant 1024 : i32
    %mul3A_3214 = arith.muli %rem3A_3212, %mul3A_3213 : i32
    %dma_wait3A_3215 = tpu.memref_slice %arg3[%select_n3A_3210, %mul3A_3214] : memref<200x4096xi32, #tpu.memory_space<hbm>> -> memref<1x1024xi32, #tpu.memory_space<hbm>>
    %dma_wait3A_3216 = tpu.memref_slice %arg3[%select_n3A_3210, %mul3A_3214] : memref<200x4096xi32, #tpu.memory_space<hbm>> -> memref<1x1024xi32, #tpu.memory_space<hbm>>
    tpu.wait_dma2 semaphore(%arg10 : memref<!tpu.dma_semaphore, #tpu.memory_space<semaphore_mem>>) src(%dma_wait3A_3216 : memref<1x1024xi32, #tpu.memory_space<hbm>>) dst(%arg6 : memref<1x1024xi32, #tpu.memory_space<vmem>>)
    %add3A_3217 = arith.constant 608 : i32
    %add3A_3218 = arith.addi %add3A, %add3A_3217 : i32
    %jit3A_3219 = arith.constant 4 : i32
    %div3A_3220 = arith.divsi %add3A_3218, %jit3A_3219 : i32
    %sign3A_3221 = arith.constant 0 : i32
    %sign3A_3222 = arith.cmpi sgt, %add3A_3218, %sign3A_3221 : i32
    %sign3A_3223 = arith.extui %sign3A_3222 : i1 to i32
    %sign3A_3224 = arith.constant 0 : i32
    %sign3A_3225 = arith.cmpi slt, %add3A_3218, %sign3A_3224 : i32
    %sign3A_3226 = arith.extui %sign3A_3225 : i1 to i32
    %sign3A_3227 = arith.subi %sign3A_3223, %sign3A_3226 : i32
    %sign3A_3228 = arith.constant 0 : i32
    %sign3A_3229 = arith.cmpi sgt, %jit3A_3219, %sign3A_3228 : i32
    %sign3A_3230 = arith.extui %sign3A_3229 : i1 to i32
    %sign3A_3231 = arith.constant 0 : i32
    %sign3A_3232 = arith.cmpi slt, %jit3A_3219, %sign3A_3231 : i32
    %sign3A_3233 = arith.extui %sign3A_3232 : i1 to i32
    %sign3A_3234 = arith.subi %sign3A_3230, %sign3A_3233 : i32
    %ne3A_3235 = arith.cmpi ne, %sign3A_3227, %sign3A_3234 : i32
    %rem3A_3236 = arith.remsi %add3A_3218, %jit3A_3219 : i32
    %ne3A_3237 = arith.constant 0 : i32
    %ne3A_3238 = arith.cmpi ne, %rem3A_3236, %ne3A_3237 : i32
    %and3A_3239 = arith.andi %ne3A_3235, %ne3A_3238 : i1
    %sub3A_3240 = arith.constant 1 : i32
    %sub3A_3241 = arith.subi %div3A_3220, %sub3A_3240 : i32
    %select_n3A_3242 = arith.select %and3A_3239, %sub3A_3241, %div3A_3220 : i32
    %rem3A_3243 = arith.constant 4 : i32
    %rem3A_3244 = arith.remsi %add3A_3218, %rem3A_3243 : i32
    %mul3A_3245 = arith.constant 1024 : i32
    %mul3A_3246 = arith.muli %rem3A_3244, %mul3A_3245 : i32
    %dma_wait3A_3247 = arith.constant 0 : i32
    %dma_wait3A_3248 = tpu.memref_slice %arg4[%select_n3A_3242, %mul3A_3246, %dma_wait3A_3247] : memref<200x4096x32xf32, #tpu.memory_space<hbm>> -> memref<1x1024x32xf32, #tpu.memory_space<hbm>>
    %dma_wait3A_3249 = arith.constant 0 : i32
    %dma_wait3A_3250 = tpu.memref_slice %arg4[%select_n3A_3242, %mul3A_3246, %dma_wait3A_3249] : memref<200x4096x32xf32, #tpu.memory_space<hbm>> -> memref<1x1024x32xf32, #tpu.memory_space<hbm>>
    tpu.wait_dma2 semaphore(%arg14 : memref<!tpu.dma_semaphore, #tpu.memory_space<semaphore_mem>>) src(%arg8 : memref<1x1024x32xf32, #tpu.memory_space<vmem>>) dst(%dma_wait3A_3250 : memref<1x1024x32xf32, #tpu.memory_space<hbm>>)
    %dma_start3A_3251 = arith.constant 0 : i32
    %dma_start3A_3252 = arith.constant 0 : i32
    %dma_start3A_3253 = arith.constant 0 : i32
    %dma_start3A_3254 = arith.constant 0 : i32
    %dma_start3A_3255 = tpu.memref_slice %arg8[%dma_start3A_3252, %dma_start3A_3253, %dma_start3A_3254] : memref<1x1024x32xf32, #tpu.memory_space<vmem>> -> memref<1x1024x32xf32, #tpu.memory_space<vmem>>
    %dma_start3A_3256 = tpu.memref_squeeze %dma_start3A_3255 : memref<1x1024x32xf32, #tpu.memory_space<vmem>> -> memref<1024x32xf32, #tpu.memory_space<vmem>>
    %dma_start3A_3257 = arith.constant 0 : i32
    %dma_start3A_3258 = tpu.memref_slice %arg6[%dma_start3A_3251, %dma_start3A_3257] : memref<1x1024xi32, #tpu.memory_space<vmem>> -> memref<1x1024xi32, #tpu.memory_space<vmem>>
    %dma_start3A_3259 = tpu.memref_squeeze %dma_start3A_3258 : memref<1x1024xi32, #tpu.memory_space<vmem>> -> memref<1024xi32, #tpu.memory_space<vmem>>
    %dma_start3A_3260 = arith.constant 0 : i32
    %dma_start3A_3261 = arith.constant 0 : i32
    %dma_start3A_3262 = tpu.memref_slice %arg2[%dma_start3A_3260, %dma_start3A_3261] : memref<1000000x32xf32, #tpu.memory_space<hbm>> -> memref<1000000x32xf32, #tpu.memory_space<hbm>>
    tpu.enqueue_indirect_dma source(%dma_start3A_3262 : memref<1000000x32xf32, #tpu.memory_space<hbm>>) target(%dma_start3A_3256 : memref<1024x32xf32, #tpu.memory_space<vmem>>) offsets(%dma_start3A_3259 : memref<1024xi32, #tpu.memory_space<vmem>>) semaphore(%arg12 : memref<!tpu.dma_semaphore, #tpu.memory_space<semaphore_mem>>)
    %dma_wait3A_3263 = arith.constant 0 : i32
    %dma_wait3A_3264 = arith.constant 0 : i32
    %dma_wait3A_3265 = arith.constant 0 : i32
    %dma_wait3A_3266 = arith.constant 0 : i32
    %dma_wait3A_3267 = tpu.memref_slice %arg7[%dma_wait3A_3264, %dma_wait3A_3265, %dma_wait3A_3266] : memref<1x1024x32xf32, #tpu.memory_space<vmem>> -> memref<1x1024x32xf32, #tpu.memory_space<vmem>>
    %dma_wait3A_3268 = tpu.memref_squeeze %dma_wait3A_3267 : memref<1x1024x32xf32, #tpu.memory_space<vmem>> -> memref<1024x32xf32, #tpu.memory_space<vmem>>
    %dma_wait3A_3269 = arith.constant 0 : i32
    %dma_wait3A_3270 = tpu.memref_slice %arg5[%dma_wait3A_3263, %dma_wait3A_3269] : memref<1x1024xi32, #tpu.memory_space<vmem>> -> memref<1x1024xi32, #tpu.memory_space<vmem>>
    %dma_wait3A_3271 = tpu.memref_squeeze %dma_wait3A_3270 : memref<1x1024xi32, #tpu.memory_space<vmem>> -> memref<1024xi32, #tpu.memory_space<vmem>>
    %dma_wait3A_3272 = arith.constant 0 : i32
    %dma_wait3A_3273 = arith.constant 0 : i32
    %dma_wait3A_3274 = tpu.memref_slice %arg2[%dma_wait3A_3272, %dma_wait3A_3273] : memref<1000000x32xf32, #tpu.memory_space<hbm>> -> memref<1000000x32xf32, #tpu.memory_space<hbm>>
    tpu.wait_indirect_dma semaphore(%arg11 : memref<!tpu.dma_semaphore, #tpu.memory_space<semaphore_mem>>) src(%dma_wait3A_3274 : memref<1000000x32xf32, #tpu.memory_space<hbm>>) dst(%dma_wait3A_3268 : memref<1024x32xf32, #tpu.memory_space<vmem>>)
    %add3A_3275 = arith.constant 704 : i32
    %add3A_3276 = arith.addi %add3A, %add3A_3275 : i32
    %jit3A_3277 = arith.constant 4 : i32
    %div3A_3278 = arith.divsi %add3A_3276, %jit3A_3277 : i32
    %sign3A_3279 = arith.constant 0 : i32
    %sign3A_3280 = arith.cmpi sgt, %add3A_3276, %sign3A_3279 : i32
    %sign3A_3281 = arith.extui %sign3A_3280 : i1 to i32
    %sign3A_3282 = arith.constant 0 : i32
    %sign3A_3283 = arith.cmpi slt, %add3A_3276, %sign3A_3282 : i32
    %sign3A_3284 = arith.extui %sign3A_3283 : i1 to i32
    %sign3A_3285 = arith.subi %sign3A_3281, %sign3A_3284 : i32
    %sign3A_3286 = arith.constant 0 : i32
    %sign3A_3287 = arith.cmpi sgt, %jit3A_3277, %sign3A_3286 : i32
    %sign3A_3288 = arith.extui %sign3A_3287 : i1 to i32
    %sign3A_3289 = arith.constant 0 : i32
    %sign3A_3290 = arith.cmpi slt, %jit3A_3277, %sign3A_3289 : i32
    %sign3A_3291 = arith.extui %sign3A_3290 : i1 to i32
    %sign3A_3292 = arith.subi %sign3A_3288, %sign3A_3291 : i32
    %ne3A_3293 = arith.cmpi ne, %sign3A_3285, %sign3A_3292 : i32
    %rem3A_3294 = arith.remsi %add3A_3276, %jit3A_3277 : i32
    %ne3A_3295 = arith.constant 0 : i32
    %ne3A_3296 = arith.cmpi ne, %rem3A_3294, %ne3A_3295 : i32
    %and3A_3297 = arith.andi %ne3A_3293, %ne3A_3296 : i1
    %sub3A_3298 = arith.constant 1 : i32
    %sub3A_3299 = arith.subi %div3A_3278, %sub3A_3298 : i32
    %select_n3A_3300 = arith.select %and3A_3297, %sub3A_3299, %div3A_3278 : i32
    %rem3A_3301 = arith.constant 4 : i32
    %rem3A_3302 = arith.remsi %add3A_3276, %rem3A_3301 : i32
    %mul3A_3303 = arith.constant 1024 : i32
    %mul3A_3304 = arith.muli %rem3A_3302, %mul3A_3303 : i32
    %dma_start3A_3305 = tpu.memref_slice %arg3[%select_n3A_3300, %mul3A_3304] : memref<200x4096xi32, #tpu.memory_space<hbm>> -> memref<1x1024xi32, #tpu.memory_space<hbm>>
    %dma_start3A_3306 = tpu.memref_slice %arg3[%select_n3A_3300, %mul3A_3304] : memref<200x4096xi32, #tpu.memory_space<hbm>> -> memref<1x1024xi32, #tpu.memory_space<hbm>>
    tpu.enqueue_dma source(%dma_start3A_3306 : memref<1x1024xi32, #tpu.memory_space<hbm>>) target(%arg5 : memref<1x1024xi32, #tpu.memory_space<vmem>>) target_semaphore(%arg9 : memref<!tpu.dma_semaphore, #tpu.memory_space<semaphore_mem>>)
    %add3A_3307 = arith.constant 640 : i32
    %add3A_3308 = arith.addi %add3A, %add3A_3307 : i32
    %jit3A_3309 = arith.constant 4 : i32
    %div3A_3310 = arith.divsi %add3A_3308, %jit3A_3309 : i32
    %sign3A_3311 = arith.constant 0 : i32
    %sign3A_3312 = arith.cmpi sgt, %add3A_3308, %sign3A_3311 : i32
    %sign3A_3313 = arith.extui %sign3A_3312 : i1 to i32
    %sign3A_3314 = arith.constant 0 : i32
    %sign3A_3315 = arith.cmpi slt, %add3A_3308, %sign3A_3314 : i32
    %sign3A_3316 = arith.extui %sign3A_3315 : i1 to i32
    %sign3A_3317 = arith.subi %sign3A_3313, %sign3A_3316 : i32
    %sign3A_3318 = arith.constant 0 : i32
    %sign3A_3319 = arith.cmpi sgt, %jit3A_3309, %sign3A_3318 : i32
    %sign3A_3320 = arith.extui %sign3A_3319 : i1 to i32
    %sign3A_3321 = arith.constant 0 : i32
    %sign3A_3322 = arith.cmpi slt, %jit3A_3309, %sign3A_3321 : i32
    %sign3A_3323 = arith.extui %sign3A_3322 : i1 to i32
    %sign3A_3324 = arith.subi %sign3A_3320, %sign3A_3323 : i32
    %ne3A_3325 = arith.cmpi ne, %sign3A_3317, %sign3A_3324 : i32
    %rem3A_3326 = arith.remsi %add3A_3308, %jit3A_3309 : i32
    %ne3A_3327 = arith.constant 0 : i32
    %ne3A_3328 = arith.cmpi ne, %rem3A_3326, %ne3A_3327 : i32
    %and3A_3329 = arith.andi %ne3A_3325, %ne3A_3328 : i1
    %sub3A_3330 = arith.constant 1 : i32
    %sub3A_3331 = arith.subi %div3A_3310, %sub3A_3330 : i32
    %select_n3A_3332 = arith.select %and3A_3329, %sub3A_3331, %div3A_3310 : i32
    %rem3A_3333 = arith.constant 4 : i32
    %rem3A_3334 = arith.remsi %add3A_3308, %rem3A_3333 : i32
    %mul3A_3335 = arith.constant 1024 : i32
    %mul3A_3336 = arith.muli %rem3A_3334, %mul3A_3335 : i32
    %dma_start3A_3337 = arith.constant 0 : i32
    %dma_start3A_3338 = tpu.memref_slice %arg4[%select_n3A_3332, %mul3A_3336, %dma_start3A_3337] : memref<200x4096x32xf32, #tpu.memory_space<hbm>> -> memref<1x1024x32xf32, #tpu.memory_space<hbm>>
    %dma_start3A_3339 = arith.constant 0 : i32
    %dma_start3A_3340 = tpu.memref_slice %arg4[%select_n3A_3332, %mul3A_3336, %dma_start3A_3339] : memref<200x4096x32xf32, #tpu.memory_space<hbm>> -> memref<1x1024x32xf32, #tpu.memory_space<hbm>>
    tpu.enqueue_dma source(%arg7 : memref<1x1024x32xf32, #tpu.memory_space<vmem>>) target(%dma_start3A_3340 : memref<1x1024x32xf32, #tpu.memory_space<hbm>>) target_semaphore(%arg13 : memref<!tpu.dma_semaphore, #tpu.memory_space<semaphore_mem>>)
    %add3A_3341 = arith.constant 704 : i32
    %add3A_3342 = arith.addi %add3A, %add3A_3341 : i32
    %jit3A_3343 = arith.constant 4 : i32
    %div3A_3344 = arith.divsi %add3A_3342, %jit3A_3343 : i32
    %sign3A_3345 = arith.constant 0 : i32
    %sign3A_3346 = arith.cmpi sgt, %add3A_3342, %sign3A_3345 : i32
    %sign3A_3347 = arith.extui %sign3A_3346 : i1 to i32
    %sign3A_3348 = arith.constant 0 : i32
    %sign3A_3349 = arith.cmpi slt, %add3A_3342, %sign3A_3348 : i32
    %sign3A_3350 = arith.extui %sign3A_3349 : i1 to i32
    %sign3A_3351 = arith.subi %sign3A_3347, %sign3A_3350 : i32
    %sign3A_3352 = arith.constant 0 : i32
    %sign3A_3353 = arith.cmpi sgt, %jit3A_3343, %sign3A_3352 : i32
    %sign3A_3354 = arith.extui %sign3A_3353 : i1 to i32
    %sign3A_3355 = arith.constant 0 : i32
    %sign3A_3356 = arith.cmpi slt, %jit3A_3343, %sign3A_3355 : i32
    %sign3A_3357 = arith.extui %sign3A_3356 : i1 to i32
    %sign3A_3358 = arith.subi %sign3A_3354, %sign3A_3357 : i32
    %ne3A_3359 = arith.cmpi ne, %sign3A_3351, %sign3A_3358 : i32
    %rem3A_3360 = arith.remsi %add3A_3342, %jit3A_3343 : i32
    %ne3A_3361 = arith.constant 0 : i32
    %ne3A_3362 = arith.cmpi ne, %rem3A_3360, %ne3A_3361 : i32
    %and3A_3363 = arith.andi %ne3A_3359, %ne3A_3362 : i1
    %sub3A_3364 = arith.constant 1 : i32
    %sub3A_3365 = arith.subi %div3A_3344, %sub3A_3364 : i32
    %select_n3A_3366 = arith.select %and3A_3363, %sub3A_3365, %div3A_3344 : i32
    %rem3A_3367 = arith.constant 4 : i32
    %rem3A_3368 = arith.remsi %add3A_3342, %rem3A_3367 : i32
    %mul3A_3369 = arith.constant 1024 : i32
    %mul3A_3370 = arith.muli %rem3A_3368, %mul3A_3369 : i32
    %dma_wait3A_3371 = tpu.memref_slice %arg3[%select_n3A_3366, %mul3A_3370] : memref<200x4096xi32, #tpu.memory_space<hbm>> -> memref<1x1024xi32, #tpu.memory_space<hbm>>
    %dma_wait3A_3372 = tpu.memref_slice %arg3[%select_n3A_3366, %mul3A_3370] : memref<200x4096xi32, #tpu.memory_space<hbm>> -> memref<1x1024xi32, #tpu.memory_space<hbm>>
    tpu.wait_dma2 semaphore(%arg9 : memref<!tpu.dma_semaphore, #tpu.memory_space<semaphore_mem>>) src(%dma_wait3A_3372 : memref<1x1024xi32, #tpu.memory_space<hbm>>) dst(%arg5 : memref<1x1024xi32, #tpu.memory_space<vmem>>)
    %add3A_3373 = arith.constant 640 : i32
    %add3A_3374 = arith.addi %add3A, %add3A_3373 : i32
    %jit3A_3375 = arith.constant 4 : i32
    %div3A_3376 = arith.divsi %add3A_3374, %jit3A_3375 : i32
    %sign3A_3377 = arith.constant 0 : i32
    %sign3A_3378 = arith.cmpi sgt, %add3A_3374, %sign3A_3377 : i32
    %sign3A_3379 = arith.extui %sign3A_3378 : i1 to i32
    %sign3A_3380 = arith.constant 0 : i32
    %sign3A_3381 = arith.cmpi slt, %add3A_3374, %sign3A_3380 : i32
    %sign3A_3382 = arith.extui %sign3A_3381 : i1 to i32
    %sign3A_3383 = arith.subi %sign3A_3379, %sign3A_3382 : i32
    %sign3A_3384 = arith.constant 0 : i32
    %sign3A_3385 = arith.cmpi sgt, %jit3A_3375, %sign3A_3384 : i32
    %sign3A_3386 = arith.extui %sign3A_3385 : i1 to i32
    %sign3A_3387 = arith.constant 0 : i32
    %sign3A_3388 = arith.cmpi slt, %jit3A_3375, %sign3A_3387 : i32
    %sign3A_3389 = arith.extui %sign3A_3388 : i1 to i32
    %sign3A_3390 = arith.subi %sign3A_3386, %sign3A_3389 : i32
    %ne3A_3391 = arith.cmpi ne, %sign3A_3383, %sign3A_3390 : i32
    %rem3A_3392 = arith.remsi %add3A_3374, %jit3A_3375 : i32
    %ne3A_3393 = arith.constant 0 : i32
    %ne3A_3394 = arith.cmpi ne, %rem3A_3392, %ne3A_3393 : i32
    %and3A_3395 = arith.andi %ne3A_3391, %ne3A_3394 : i1
    %sub3A_3396 = arith.constant 1 : i32
    %sub3A_3397 = arith.subi %div3A_3376, %sub3A_3396 : i32
    %select_n3A_3398 = arith.select %and3A_3395, %sub3A_3397, %div3A_3376 : i32
    %rem3A_3399 = arith.constant 4 : i32
    %rem3A_3400 = arith.remsi %add3A_3374, %rem3A_3399 : i32
    %mul3A_3401 = arith.constant 1024 : i32
    %mul3A_3402 = arith.muli %rem3A_3400, %mul3A_3401 : i32
    %dma_wait3A_3403 = arith.constant 0 : i32
    %dma_wait3A_3404 = tpu.memref_slice %arg4[%select_n3A_3398, %mul3A_3402, %dma_wait3A_3403] : memref<200x4096x32xf32, #tpu.memory_space<hbm>> -> memref<1x1024x32xf32, #tpu.memory_space<hbm>>
    %dma_wait3A_3405 = arith.constant 0 : i32
    %dma_wait3A_3406 = tpu.memref_slice %arg4[%select_n3A_3398, %mul3A_3402, %dma_wait3A_3405] : memref<200x4096x32xf32, #tpu.memory_space<hbm>> -> memref<1x1024x32xf32, #tpu.memory_space<hbm>>
    tpu.wait_dma2 semaphore(%arg13 : memref<!tpu.dma_semaphore, #tpu.memory_space<semaphore_mem>>) src(%arg7 : memref<1x1024x32xf32, #tpu.memory_space<vmem>>) dst(%dma_wait3A_3406 : memref<1x1024x32xf32, #tpu.memory_space<hbm>>)
    %dma_start3A_3407 = arith.constant 0 : i32
    %dma_start3A_3408 = arith.constant 0 : i32
    %dma_start3A_3409 = arith.constant 0 : i32
    %dma_start3A_3410 = arith.constant 0 : i32
    %dma_start3A_3411 = tpu.memref_slice %arg7[%dma_start3A_3408, %dma_start3A_3409, %dma_start3A_3410] : memref<1x1024x32xf32, #tpu.memory_space<vmem>> -> memref<1x1024x32xf32, #tpu.memory_space<vmem>>
    %dma_start3A_3412 = tpu.memref_squeeze %dma_start3A_3411 : memref<1x1024x32xf32, #tpu.memory_space<vmem>> -> memref<1024x32xf32, #tpu.memory_space<vmem>>
    %dma_start3A_3413 = arith.constant 0 : i32
    %dma_start3A_3414 = tpu.memref_slice %arg5[%dma_start3A_3407, %dma_start3A_3413] : memref<1x1024xi32, #tpu.memory_space<vmem>> -> memref<1x1024xi32, #tpu.memory_space<vmem>>
    %dma_start3A_3415 = tpu.memref_squeeze %dma_start3A_3414 : memref<1x1024xi32, #tpu.memory_space<vmem>> -> memref<1024xi32, #tpu.memory_space<vmem>>
    %dma_start3A_3416 = arith.constant 0 : i32
    %dma_start3A_3417 = arith.constant 0 : i32
    %dma_start3A_3418 = tpu.memref_slice %arg2[%dma_start3A_3416, %dma_start3A_3417] : memref<1000000x32xf32, #tpu.memory_space<hbm>> -> memref<1000000x32xf32, #tpu.memory_space<hbm>>
    tpu.enqueue_indirect_dma source(%dma_start3A_3418 : memref<1000000x32xf32, #tpu.memory_space<hbm>>) target(%dma_start3A_3412 : memref<1024x32xf32, #tpu.memory_space<vmem>>) offsets(%dma_start3A_3415 : memref<1024xi32, #tpu.memory_space<vmem>>) semaphore(%arg11 : memref<!tpu.dma_semaphore, #tpu.memory_space<semaphore_mem>>)
    %dma_wait3A_3419 = arith.constant 0 : i32
    %dma_wait3A_3420 = arith.constant 0 : i32
    %dma_wait3A_3421 = arith.constant 0 : i32
    %dma_wait3A_3422 = arith.constant 0 : i32
    %dma_wait3A_3423 = tpu.memref_slice %arg8[%dma_wait3A_3420, %dma_wait3A_3421, %dma_wait3A_3422] : memref<1x1024x32xf32, #tpu.memory_space<vmem>> -> memref<1x1024x32xf32, #tpu.memory_space<vmem>>
    %dma_wait3A_3424 = tpu.memref_squeeze %dma_wait3A_3423 : memref<1x1024x32xf32, #tpu.memory_space<vmem>> -> memref<1024x32xf32, #tpu.memory_space<vmem>>
    %dma_wait3A_3425 = arith.constant 0 : i32
    %dma_wait3A_3426 = tpu.memref_slice %arg6[%dma_wait3A_3419, %dma_wait3A_3425] : memref<1x1024xi32, #tpu.memory_space<vmem>> -> memref<1x1024xi32, #tpu.memory_space<vmem>>
    %dma_wait3A_3427 = tpu.memref_squeeze %dma_wait3A_3426 : memref<1x1024xi32, #tpu.memory_space<vmem>> -> memref<1024xi32, #tpu.memory_space<vmem>>
    %dma_wait3A_3428 = arith.constant 0 : i32
    %dma_wait3A_3429 = arith.constant 0 : i32
    %dma_wait3A_3430 = tpu.memref_slice %arg2[%dma_wait3A_3428, %dma_wait3A_3429] : memref<1000000x32xf32, #tpu.memory_space<hbm>> -> memref<1000000x32xf32, #tpu.memory_space<hbm>>
    tpu.wait_indirect_dma semaphore(%arg12 : memref<!tpu.dma_semaphore, #tpu.memory_space<semaphore_mem>>) src(%dma_wait3A_3430 : memref<1000000x32xf32, #tpu.memory_space<hbm>>) dst(%dma_wait3A_3424 : memref<1024x32xf32, #tpu.memory_space<vmem>>)
    %add3A_3431 = arith.constant 736 : i32
    %add3A_3432 = arith.addi %add3A, %add3A_3431 : i32
    %jit3A_3433 = arith.constant 4 : i32
    %div3A_3434 = arith.divsi %add3A_3432, %jit3A_3433 : i32
    %sign3A_3435 = arith.constant 0 : i32
    %sign3A_3436 = arith.cmpi sgt, %add3A_3432, %sign3A_3435 : i32
    %sign3A_3437 = arith.extui %sign3A_3436 : i1 to i32
    %sign3A_3438 = arith.constant 0 : i32
    %sign3A_3439 = arith.cmpi slt, %add3A_3432, %sign3A_3438 : i32
    %sign3A_3440 = arith.extui %sign3A_3439 : i1 to i32
    %sign3A_3441 = arith.subi %sign3A_3437, %sign3A_3440 : i32
    %sign3A_3442 = arith.constant 0 : i32
    %sign3A_3443 = arith.cmpi sgt, %jit3A_3433, %sign3A_3442 : i32
    %sign3A_3444 = arith.extui %sign3A_3443 : i1 to i32
    %sign3A_3445 = arith.constant 0 : i32
    %sign3A_3446 = arith.cmpi slt, %jit3A_3433, %sign3A_3445 : i32
    %sign3A_3447 = arith.extui %sign3A_3446 : i1 to i32
    %sign3A_3448 = arith.subi %sign3A_3444, %sign3A_3447 : i32
    %ne3A_3449 = arith.cmpi ne, %sign3A_3441, %sign3A_3448 : i32
    %rem3A_3450 = arith.remsi %add3A_3432, %jit3A_3433 : i32
    %ne3A_3451 = arith.constant 0 : i32
    %ne3A_3452 = arith.cmpi ne, %rem3A_3450, %ne3A_3451 : i32
    %and3A_3453 = arith.andi %ne3A_3449, %ne3A_3452 : i1
    %sub3A_3454 = arith.constant 1 : i32
    %sub3A_3455 = arith.subi %div3A_3434, %sub3A_3454 : i32
    %select_n3A_3456 = arith.select %and3A_3453, %sub3A_3455, %div3A_3434 : i32
    %rem3A_3457 = arith.constant 4 : i32
    %rem3A_3458 = arith.remsi %add3A_3432, %rem3A_3457 : i32
    %mul3A_3459 = arith.constant 1024 : i32
    %mul3A_3460 = arith.muli %rem3A_3458, %mul3A_3459 : i32
    %dma_start3A_3461 = tpu.memref_slice %arg3[%select_n3A_3456, %mul3A_3460] : memref<200x4096xi32, #tpu.memory_space<hbm>> -> memref<1x1024xi32, #tpu.memory_space<hbm>>
    %dma_start3A_3462 = tpu.memref_slice %arg3[%select_n3A_3456, %mul3A_3460] : memref<200x4096xi32, #tpu.memory_space<hbm>> -> memref<1x1024xi32, #tpu.memory_space<hbm>>
    tpu.enqueue_dma source(%dma_start3A_3462 : memref<1x1024xi32, #tpu.memory_space<hbm>>) target(%arg6 : memref<1x1024xi32, #tpu.memory_space<vmem>>) target_semaphore(%arg10 : memref<!tpu.dma_semaphore, #tpu.memory_space<semaphore_mem>>)
    %add3A_3463 = arith.constant 672 : i32
    %add3A_3464 = arith.addi %add3A, %add3A_3463 : i32
    %jit3A_3465 = arith.constant 4 : i32
    %div3A_3466 = arith.divsi %add3A_3464, %jit3A_3465 : i32
    %sign3A_3467 = arith.constant 0 : i32
    %sign3A_3468 = arith.cmpi sgt, %add3A_3464, %sign3A_3467 : i32
    %sign3A_3469 = arith.extui %sign3A_3468 : i1 to i32
    %sign3A_3470 = arith.constant 0 : i32
    %sign3A_3471 = arith.cmpi slt, %add3A_3464, %sign3A_3470 : i32
    %sign3A_3472 = arith.extui %sign3A_3471 : i1 to i32
    %sign3A_3473 = arith.subi %sign3A_3469, %sign3A_3472 : i32
    %sign3A_3474 = arith.constant 0 : i32
    %sign3A_3475 = arith.cmpi sgt, %jit3A_3465, %sign3A_3474 : i32
    %sign3A_3476 = arith.extui %sign3A_3475 : i1 to i32
    %sign3A_3477 = arith.constant 0 : i32
    %sign3A_3478 = arith.cmpi slt, %jit3A_3465, %sign3A_3477 : i32
    %sign3A_3479 = arith.extui %sign3A_3478 : i1 to i32
    %sign3A_3480 = arith.subi %sign3A_3476, %sign3A_3479 : i32
    %ne3A_3481 = arith.cmpi ne, %sign3A_3473, %sign3A_3480 : i32
    %rem3A_3482 = arith.remsi %add3A_3464, %jit3A_3465 : i32
    %ne3A_3483 = arith.constant 0 : i32
    %ne3A_3484 = arith.cmpi ne, %rem3A_3482, %ne3A_3483 : i32
    %and3A_3485 = arith.andi %ne3A_3481, %ne3A_3484 : i1
    %sub3A_3486 = arith.constant 1 : i32
    %sub3A_3487 = arith.subi %div3A_3466, %sub3A_3486 : i32
    %select_n3A_3488 = arith.select %and3A_3485, %sub3A_3487, %div3A_3466 : i32
    %rem3A_3489 = arith.constant 4 : i32
    %rem3A_3490 = arith.remsi %add3A_3464, %rem3A_3489 : i32
    %mul3A_3491 = arith.constant 1024 : i32
    %mul3A_3492 = arith.muli %rem3A_3490, %mul3A_3491 : i32
    %dma_start3A_3493 = arith.constant 0 : i32
    %dma_start3A_3494 = tpu.memref_slice %arg4[%select_n3A_3488, %mul3A_3492, %dma_start3A_3493] : memref<200x4096x32xf32, #tpu.memory_space<hbm>> -> memref<1x1024x32xf32, #tpu.memory_space<hbm>>
    %dma_start3A_3495 = arith.constant 0 : i32
    %dma_start3A_3496 = tpu.memref_slice %arg4[%select_n3A_3488, %mul3A_3492, %dma_start3A_3495] : memref<200x4096x32xf32, #tpu.memory_space<hbm>> -> memref<1x1024x32xf32, #tpu.memory_space<hbm>>
    tpu.enqueue_dma source(%arg8 : memref<1x1024x32xf32, #tpu.memory_space<vmem>>) target(%dma_start3A_3496 : memref<1x1024x32xf32, #tpu.memory_space<hbm>>) target_semaphore(%arg14 : memref<!tpu.dma_semaphore, #tpu.memory_space<semaphore_mem>>)
    %add3A_3497 = arith.constant 736 : i32
    %add3A_3498 = arith.addi %add3A, %add3A_3497 : i32
    %jit3A_3499 = arith.constant 4 : i32
    %div3A_3500 = arith.divsi %add3A_3498, %jit3A_3499 : i32
    %sign3A_3501 = arith.constant 0 : i32
    %sign3A_3502 = arith.cmpi sgt, %add3A_3498, %sign3A_3501 : i32
    %sign3A_3503 = arith.extui %sign3A_3502 : i1 to i32
    %sign3A_3504 = arith.constant 0 : i32
    %sign3A_3505 = arith.cmpi slt, %add3A_3498, %sign3A_3504 : i32
    %sign3A_3506 = arith.extui %sign3A_3505 : i1 to i32
    %sign3A_3507 = arith.subi %sign3A_3503, %sign3A_3506 : i32
    %sign3A_3508 = arith.constant 0 : i32
    %sign3A_3509 = arith.cmpi sgt, %jit3A_3499, %sign3A_3508 : i32
    %sign3A_3510 = arith.extui %sign3A_3509 : i1 to i32
    %sign3A_3511 = arith.constant 0 : i32
    %sign3A_3512 = arith.cmpi slt, %jit3A_3499, %sign3A_3511 : i32
    %sign3A_3513 = arith.extui %sign3A_3512 : i1 to i32
    %sign3A_3514 = arith.subi %sign3A_3510, %sign3A_3513 : i32
    %ne3A_3515 = arith.cmpi ne, %sign3A_3507, %sign3A_3514 : i32
    %rem3A_3516 = arith.remsi %add3A_3498, %jit3A_3499 : i32
    %ne3A_3517 = arith.constant 0 : i32
    %ne3A_3518 = arith.cmpi ne, %rem3A_3516, %ne3A_3517 : i32
    %and3A_3519 = arith.andi %ne3A_3515, %ne3A_3518 : i1
    %sub3A_3520 = arith.constant 1 : i32
    %sub3A_3521 = arith.subi %div3A_3500, %sub3A_3520 : i32
    %select_n3A_3522 = arith.select %and3A_3519, %sub3A_3521, %div3A_3500 : i32
    %rem3A_3523 = arith.constant 4 : i32
    %rem3A_3524 = arith.remsi %add3A_3498, %rem3A_3523 : i32
    %mul3A_3525 = arith.constant 1024 : i32
    %mul3A_3526 = arith.muli %rem3A_3524, %mul3A_3525 : i32
    %dma_wait3A_3527 = tpu.memref_slice %arg3[%select_n3A_3522, %mul3A_3526] : memref<200x4096xi32, #tpu.memory_space<hbm>> -> memref<1x1024xi32, #tpu.memory_space<hbm>>
    %dma_wait3A_3528 = tpu.memref_slice %arg3[%select_n3A_3522, %mul3A_3526] : memref<200x4096xi32, #tpu.memory_space<hbm>> -> memref<1x1024xi32, #tpu.memory_space<hbm>>
    tpu.wait_dma2 semaphore(%arg10 : memref<!tpu.dma_semaphore, #tpu.memory_space<semaphore_mem>>) src(%dma_wait3A_3528 : memref<1x1024xi32, #tpu.memory_space<hbm>>) dst(%arg6 : memref<1x1024xi32, #tpu.memory_space<vmem>>)
    %add3A_3529 = arith.constant 672 : i32
    %add3A_3530 = arith.addi %add3A, %add3A_3529 : i32
    %jit3A_3531 = arith.constant 4 : i32
    %div3A_3532 = arith.divsi %add3A_3530, %jit3A_3531 : i32
    %sign3A_3533 = arith.constant 0 : i32
    %sign3A_3534 = arith.cmpi sgt, %add3A_3530, %sign3A_3533 : i32
    %sign3A_3535 = arith.extui %sign3A_3534 : i1 to i32
    %sign3A_3536 = arith.constant 0 : i32
    %sign3A_3537 = arith.cmpi slt, %add3A_3530, %sign3A_3536 : i32
    %sign3A_3538 = arith.extui %sign3A_3537 : i1 to i32
    %sign3A_3539 = arith.subi %sign3A_3535, %sign3A_3538 : i32
    %sign3A_3540 = arith.constant 0 : i32
    %sign3A_3541 = arith.cmpi sgt, %jit3A_3531, %sign3A_3540 : i32
    %sign3A_3542 = arith.extui %sign3A_3541 : i1 to i32
    %sign3A_3543 = arith.constant 0 : i32
    %sign3A_3544 = arith.cmpi slt, %jit3A_3531, %sign3A_3543 : i32
    %sign3A_3545 = arith.extui %sign3A_3544 : i1 to i32
    %sign3A_3546 = arith.subi %sign3A_3542, %sign3A_3545 : i32
    %ne3A_3547 = arith.cmpi ne, %sign3A_3539, %sign3A_3546 : i32
    %rem3A_3548 = arith.remsi %add3A_3530, %jit3A_3531 : i32
    %ne3A_3549 = arith.constant 0 : i32
    %ne3A_3550 = arith.cmpi ne, %rem3A_3548, %ne3A_3549 : i32
    %and3A_3551 = arith.andi %ne3A_3547, %ne3A_3550 : i1
    %sub3A_3552 = arith.constant 1 : i32
    %sub3A_3553 = arith.subi %div3A_3532, %sub3A_3552 : i32
    %select_n3A_3554 = arith.select %and3A_3551, %sub3A_3553, %div3A_3532 : i32
    %rem3A_3555 = arith.constant 4 : i32
    %rem3A_3556 = arith.remsi %add3A_3530, %rem3A_3555 : i32
    %mul3A_3557 = arith.constant 1024 : i32
    %mul3A_3558 = arith.muli %rem3A_3556, %mul3A_3557 : i32
    %dma_wait3A_3559 = arith.constant 0 : i32
    %dma_wait3A_3560 = tpu.memref_slice %arg4[%select_n3A_3554, %mul3A_3558, %dma_wait3A_3559] : memref<200x4096x32xf32, #tpu.memory_space<hbm>> -> memref<1x1024x32xf32, #tpu.memory_space<hbm>>
    %dma_wait3A_3561 = arith.constant 0 : i32
    %dma_wait3A_3562 = tpu.memref_slice %arg4[%select_n3A_3554, %mul3A_3558, %dma_wait3A_3561] : memref<200x4096x32xf32, #tpu.memory_space<hbm>> -> memref<1x1024x32xf32, #tpu.memory_space<hbm>>
    tpu.wait_dma2 semaphore(%arg14 : memref<!tpu.dma_semaphore, #tpu.memory_space<semaphore_mem>>) src(%arg8 : memref<1x1024x32xf32, #tpu.memory_space<vmem>>) dst(%dma_wait3A_3562 : memref<1x1024x32xf32, #tpu.memory_space<hbm>>)
    %dma_start3A_3563 = arith.constant 0 : i32
    %dma_start3A_3564 = arith.constant 0 : i32
    %dma_start3A_3565 = arith.constant 0 : i32
    %dma_start3A_3566 = arith.constant 0 : i32
    %dma_start3A_3567 = tpu.memref_slice %arg8[%dma_start3A_3564, %dma_start3A_3565, %dma_start3A_3566] : memref<1x1024x32xf32, #tpu.memory_space<vmem>> -> memref<1x1024x32xf32, #tpu.memory_space<vmem>>
    %dma_start3A_3568 = tpu.memref_squeeze %dma_start3A_3567 : memref<1x1024x32xf32, #tpu.memory_space<vmem>> -> memref<1024x32xf32, #tpu.memory_space<vmem>>
    %dma_start3A_3569 = arith.constant 0 : i32
    %dma_start3A_3570 = tpu.memref_slice %arg6[%dma_start3A_3563, %dma_start3A_3569] : memref<1x1024xi32, #tpu.memory_space<vmem>> -> memref<1x1024xi32, #tpu.memory_space<vmem>>
    %dma_start3A_3571 = tpu.memref_squeeze %dma_start3A_3570 : memref<1x1024xi32, #tpu.memory_space<vmem>> -> memref<1024xi32, #tpu.memory_space<vmem>>
    %dma_start3A_3572 = arith.constant 0 : i32
    %dma_start3A_3573 = arith.constant 0 : i32
    %dma_start3A_3574 = tpu.memref_slice %arg2[%dma_start3A_3572, %dma_start3A_3573] : memref<1000000x32xf32, #tpu.memory_space<hbm>> -> memref<1000000x32xf32, #tpu.memory_space<hbm>>
    tpu.enqueue_indirect_dma source(%dma_start3A_3574 : memref<1000000x32xf32, #tpu.memory_space<hbm>>) target(%dma_start3A_3568 : memref<1024x32xf32, #tpu.memory_space<vmem>>) offsets(%dma_start3A_3571 : memref<1024xi32, #tpu.memory_space<vmem>>) semaphore(%arg12 : memref<!tpu.dma_semaphore, #tpu.memory_space<semaphore_mem>>)
    %dma_wait3A_3575 = arith.constant 0 : i32
    %dma_wait3A_3576 = arith.constant 0 : i32
    %dma_wait3A_3577 = arith.constant 0 : i32
    %dma_wait3A_3578 = arith.constant 0 : i32
    %dma_wait3A_3579 = tpu.memref_slice %arg7[%dma_wait3A_3576, %dma_wait3A_3577, %dma_wait3A_3578] : memref<1x1024x32xf32, #tpu.memory_space<vmem>> -> memref<1x1024x32xf32, #tpu.memory_space<vmem>>
    %dma_wait3A_3580 = tpu.memref_squeeze %dma_wait3A_3579 : memref<1x1024x32xf32, #tpu.memory_space<vmem>> -> memref<1024x32xf32, #tpu.memory_space<vmem>>
    %dma_wait3A_3581 = arith.constant 0 : i32
    %dma_wait3A_3582 = tpu.memref_slice %arg5[%dma_wait3A_3575, %dma_wait3A_3581] : memref<1x1024xi32, #tpu.memory_space<vmem>> -> memref<1x1024xi32, #tpu.memory_space<vmem>>
    %dma_wait3A_3583 = tpu.memref_squeeze %dma_wait3A_3582 : memref<1x1024xi32, #tpu.memory_space<vmem>> -> memref<1024xi32, #tpu.memory_space<vmem>>
    %dma_wait3A_3584 = arith.constant 0 : i32
    %dma_wait3A_3585 = arith.constant 0 : i32
    %dma_wait3A_3586 = tpu.memref_slice %arg2[%dma_wait3A_3584, %dma_wait3A_3585] : memref<1000000x32xf32, #tpu.memory_space<hbm>> -> memref<1000000x32xf32, #tpu.memory_space<hbm>>
    tpu.wait_indirect_dma semaphore(%arg11 : memref<!tpu.dma_semaphore, #tpu.memory_space<semaphore_mem>>) src(%dma_wait3A_3586 : memref<1000000x32xf32, #tpu.memory_space<hbm>>) dst(%dma_wait3A_3580 : memref<1024x32xf32, #tpu.memory_space<vmem>>)
    %add3A_3587 = arith.constant 768 : i32
    %add3A_3588 = arith.addi %add3A, %add3A_3587 : i32
    %jit3A_3589 = arith.constant 4 : i32
    %div3A_3590 = arith.divsi %add3A_3588, %jit3A_3589 : i32
    %sign3A_3591 = arith.constant 0 : i32
    %sign3A_3592 = arith.cmpi sgt, %add3A_3588, %sign3A_3591 : i32
    %sign3A_3593 = arith.extui %sign3A_3592 : i1 to i32
    %sign3A_3594 = arith.constant 0 : i32
    %sign3A_3595 = arith.cmpi slt, %add3A_3588, %sign3A_3594 : i32
    %sign3A_3596 = arith.extui %sign3A_3595 : i1 to i32
    %sign3A_3597 = arith.subi %sign3A_3593, %sign3A_3596 : i32
    %sign3A_3598 = arith.constant 0 : i32
    %sign3A_3599 = arith.cmpi sgt, %jit3A_3589, %sign3A_3598 : i32
    %sign3A_3600 = arith.extui %sign3A_3599 : i1 to i32
    %sign3A_3601 = arith.constant 0 : i32
    %sign3A_3602 = arith.cmpi slt, %jit3A_3589, %sign3A_3601 : i32
    %sign3A_3603 = arith.extui %sign3A_3602 : i1 to i32
    %sign3A_3604 = arith.subi %sign3A_3600, %sign3A_3603 : i32
    %ne3A_3605 = arith.cmpi ne, %sign3A_3597, %sign3A_3604 : i32
    %rem3A_3606 = arith.remsi %add3A_3588, %jit3A_3589 : i32
    %ne3A_3607 = arith.constant 0 : i32
    %ne3A_3608 = arith.cmpi ne, %rem3A_3606, %ne3A_3607 : i32
    %and3A_3609 = arith.andi %ne3A_3605, %ne3A_3608 : i1
    %sub3A_3610 = arith.constant 1 : i32
    %sub3A_3611 = arith.subi %div3A_3590, %sub3A_3610 : i32
    %select_n3A_3612 = arith.select %and3A_3609, %sub3A_3611, %div3A_3590 : i32
    %rem3A_3613 = arith.constant 4 : i32
    %rem3A_3614 = arith.remsi %add3A_3588, %rem3A_3613 : i32
    %mul3A_3615 = arith.constant 1024 : i32
    %mul3A_3616 = arith.muli %rem3A_3614, %mul3A_3615 : i32
    %dma_start3A_3617 = tpu.memref_slice %arg3[%select_n3A_3612, %mul3A_3616] : memref<200x4096xi32, #tpu.memory_space<hbm>> -> memref<1x1024xi32, #tpu.memory_space<hbm>>
    %dma_start3A_3618 = tpu.memref_slice %arg3[%select_n3A_3612, %mul3A_3616] : memref<200x4096xi32, #tpu.memory_space<hbm>> -> memref<1x1024xi32, #tpu.memory_space<hbm>>
    tpu.enqueue_dma source(%dma_start3A_3618 : memref<1x1024xi32, #tpu.memory_space<hbm>>) target(%arg5 : memref<1x1024xi32, #tpu.memory_space<vmem>>) target_semaphore(%arg9 : memref<!tpu.dma_semaphore, #tpu.memory_space<semaphore_mem>>)
    %add3A_3619 = arith.constant 704 : i32
    %add3A_3620 = arith.addi %add3A, %add3A_3619 : i32
    %jit3A_3621 = arith.constant 4 : i32
    %div3A_3622 = arith.divsi %add3A_3620, %jit3A_3621 : i32
    %sign3A_3623 = arith.constant 0 : i32
    %sign3A_3624 = arith.cmpi sgt, %add3A_3620, %sign3A_3623 : i32
    %sign3A_3625 = arith.extui %sign3A_3624 : i1 to i32
    %sign3A_3626 = arith.constant 0 : i32
    %sign3A_3627 = arith.cmpi slt, %add3A_3620, %sign3A_3626 : i32
    %sign3A_3628 = arith.extui %sign3A_3627 : i1 to i32
    %sign3A_3629 = arith.subi %sign3A_3625, %sign3A_3628 : i32
    %sign3A_3630 = arith.constant 0 : i32
    %sign3A_3631 = arith.cmpi sgt, %jit3A_3621, %sign3A_3630 : i32
    %sign3A_3632 = arith.extui %sign3A_3631 : i1 to i32
    %sign3A_3633 = arith.constant 0 : i32
    %sign3A_3634 = arith.cmpi slt, %jit3A_3621, %sign3A_3633 : i32
    %sign3A_3635 = arith.extui %sign3A_3634 : i1 to i32
    %sign3A_3636 = arith.subi %sign3A_3632, %sign3A_3635 : i32
    %ne3A_3637 = arith.cmpi ne, %sign3A_3629, %sign3A_3636 : i32
    %rem3A_3638 = arith.remsi %add3A_3620, %jit3A_3621 : i32
    %ne3A_3639 = arith.constant 0 : i32
    %ne3A_3640 = arith.cmpi ne, %rem3A_3638, %ne3A_3639 : i32
    %and3A_3641 = arith.andi %ne3A_3637, %ne3A_3640 : i1
    %sub3A_3642 = arith.constant 1 : i32
    %sub3A_3643 = arith.subi %div3A_3622, %sub3A_3642 : i32
    %select_n3A_3644 = arith.select %and3A_3641, %sub3A_3643, %div3A_3622 : i32
    %rem3A_3645 = arith.constant 4 : i32
    %rem3A_3646 = arith.remsi %add3A_3620, %rem3A_3645 : i32
    %mul3A_3647 = arith.constant 1024 : i32
    %mul3A_3648 = arith.muli %rem3A_3646, %mul3A_3647 : i32
    %dma_start3A_3649 = arith.constant 0 : i32
    %dma_start3A_3650 = tpu.memref_slice %arg4[%select_n3A_3644, %mul3A_3648, %dma_start3A_3649] : memref<200x4096x32xf32, #tpu.memory_space<hbm>> -> memref<1x1024x32xf32, #tpu.memory_space<hbm>>
    %dma_start3A_3651 = arith.constant 0 : i32
    %dma_start3A_3652 = tpu.memref_slice %arg4[%select_n3A_3644, %mul3A_3648, %dma_start3A_3651] : memref<200x4096x32xf32, #tpu.memory_space<hbm>> -> memref<1x1024x32xf32, #tpu.memory_space<hbm>>
    tpu.enqueue_dma source(%arg7 : memref<1x1024x32xf32, #tpu.memory_space<vmem>>) target(%dma_start3A_3652 : memref<1x1024x32xf32, #tpu.memory_space<hbm>>) target_semaphore(%arg13 : memref<!tpu.dma_semaphore, #tpu.memory_space<semaphore_mem>>)
    %add3A_3653 = arith.constant 768 : i32
    %add3A_3654 = arith.addi %add3A, %add3A_3653 : i32
    %jit3A_3655 = arith.constant 4 : i32
    %div3A_3656 = arith.divsi %add3A_3654, %jit3A_3655 : i32
    %sign3A_3657 = arith.constant 0 : i32
    %sign3A_3658 = arith.cmpi sgt, %add3A_3654, %sign3A_3657 : i32
    %sign3A_3659 = arith.extui %sign3A_3658 : i1 to i32
    %sign3A_3660 = arith.constant 0 : i32
    %sign3A_3661 = arith.cmpi slt, %add3A_3654, %sign3A_3660 : i32
    %sign3A_3662 = arith.extui %sign3A_3661 : i1 to i32
    %sign3A_3663 = arith.subi %sign3A_3659, %sign3A_3662 : i32
    %sign3A_3664 = arith.constant 0 : i32
    %sign3A_3665 = arith.cmpi sgt, %jit3A_3655, %sign3A_3664 : i32
    %sign3A_3666 = arith.extui %sign3A_3665 : i1 to i32
    %sign3A_3667 = arith.constant 0 : i32
    %sign3A_3668 = arith.cmpi slt, %jit3A_3655, %sign3A_3667 : i32
    %sign3A_3669 = arith.extui %sign3A_3668 : i1 to i32
    %sign3A_3670 = arith.subi %sign3A_3666, %sign3A_3669 : i32
    %ne3A_3671 = arith.cmpi ne, %sign3A_3663, %sign3A_3670 : i32
    %rem3A_3672 = arith.remsi %add3A_3654, %jit3A_3655 : i32
    %ne3A_3673 = arith.constant 0 : i32
    %ne3A_3674 = arith.cmpi ne, %rem3A_3672, %ne3A_3673 : i32
    %and3A_3675 = arith.andi %ne3A_3671, %ne3A_3674 : i1
    %sub3A_3676 = arith.constant 1 : i32
    %sub3A_3677 = arith.subi %div3A_3656, %sub3A_3676 : i32
    %select_n3A_3678 = arith.select %and3A_3675, %sub3A_3677, %div3A_3656 : i32
    %rem3A_3679 = arith.constant 4 : i32
    %rem3A_3680 = arith.remsi %add3A_3654, %rem3A_3679 : i32
    %mul3A_3681 = arith.constant 1024 : i32
    %mul3A_3682 = arith.muli %rem3A_3680, %mul3A_3681 : i32
    %dma_wait3A_3683 = tpu.memref_slice %arg3[%select_n3A_3678, %mul3A_3682] : memref<200x4096xi32, #tpu.memory_space<hbm>> -> memref<1x1024xi32, #tpu.memory_space<hbm>>
    %dma_wait3A_3684 = tpu.memref_slice %arg3[%select_n3A_3678, %mul3A_3682] : memref<200x4096xi32, #tpu.memory_space<hbm>> -> memref<1x1024xi32, #tpu.memory_space<hbm>>
    tpu.wait_dma2 semaphore(%arg9 : memref<!tpu.dma_semaphore, #tpu.memory_space<semaphore_mem>>) src(%dma_wait3A_3684 : memref<1x1024xi32, #tpu.memory_space<hbm>>) dst(%arg5 : memref<1x1024xi32, #tpu.memory_space<vmem>>)
    %add3A_3685 = arith.constant 704 : i32
    %add3A_3686 = arith.addi %add3A, %add3A_3685 : i32
    %jit3A_3687 = arith.constant 4 : i32
    %div3A_3688 = arith.divsi %add3A_3686, %jit3A_3687 : i32
    %sign3A_3689 = arith.constant 0 : i32
    %sign3A_3690 = arith.cmpi sgt, %add3A_3686, %sign3A_3689 : i32
    %sign3A_3691 = arith.extui %sign3A_3690 : i1 to i32
    %sign3A_3692 = arith.constant 0 : i32
    %sign3A_3693 = arith.cmpi slt, %add3A_3686, %sign3A_3692 : i32
    %sign3A_3694 = arith.extui %sign3A_3693 : i1 to i32
    %sign3A_3695 = arith.subi %sign3A_3691, %sign3A_3694 : i32
    %sign3A_3696 = arith.constant 0 : i32
    %sign3A_3697 = arith.cmpi sgt, %jit3A_3687, %sign3A_3696 : i32
    %sign3A_3698 = arith.extui %sign3A_3697 : i1 to i32
    %sign3A_3699 = arith.constant 0 : i32
    %sign3A_3700 = arith.cmpi slt, %jit3A_3687, %sign3A_3699 : i32
    %sign3A_3701 = arith.extui %sign3A_3700 : i1 to i32
    %sign3A_3702 = arith.subi %sign3A_3698, %sign3A_3701 : i32
    %ne3A_3703 = arith.cmpi ne, %sign3A_3695, %sign3A_3702 : i32
    %rem3A_3704 = arith.remsi %add3A_3686, %jit3A_3687 : i32
    %ne3A_3705 = arith.constant 0 : i32
    %ne3A_3706 = arith.cmpi ne, %rem3A_3704, %ne3A_3705 : i32
    %and3A_3707 = arith.andi %ne3A_3703, %ne3A_3706 : i1
    %sub3A_3708 = arith.constant 1 : i32
    %sub3A_3709 = arith.subi %div3A_3688, %sub3A_3708 : i32
    %select_n3A_3710 = arith.select %and3A_3707, %sub3A_3709, %div3A_3688 : i32
    %rem3A_3711 = arith.constant 4 : i32
    %rem3A_3712 = arith.remsi %add3A_3686, %rem3A_3711 : i32
    %mul3A_3713 = arith.constant 1024 : i32
    %mul3A_3714 = arith.muli %rem3A_3712, %mul3A_3713 : i32
    %dma_wait3A_3715 = arith.constant 0 : i32
    %dma_wait3A_3716 = tpu.memref_slice %arg4[%select_n3A_3710, %mul3A_3714, %dma_wait3A_3715] : memref<200x4096x32xf32, #tpu.memory_space<hbm>> -> memref<1x1024x32xf32, #tpu.memory_space<hbm>>
    %dma_wait3A_3717 = arith.constant 0 : i32
    %dma_wait3A_3718 = tpu.memref_slice %arg4[%select_n3A_3710, %mul3A_3714, %dma_wait3A_3717] : memref<200x4096x32xf32, #tpu.memory_space<hbm>> -> memref<1x1024x32xf32, #tpu.memory_space<hbm>>
    tpu.wait_dma2 semaphore(%arg13 : memref<!tpu.dma_semaphore, #tpu.memory_space<semaphore_mem>>) src(%arg7 : memref<1x1024x32xf32, #tpu.memory_space<vmem>>) dst(%dma_wait3A_3718 : memref<1x1024x32xf32, #tpu.memory_space<hbm>>)
    %dma_start3A_3719 = arith.constant 0 : i32
    %dma_start3A_3720 = arith.constant 0 : i32
    %dma_start3A_3721 = arith.constant 0 : i32
    %dma_start3A_3722 = arith.constant 0 : i32
    %dma_start3A_3723 = tpu.memref_slice %arg7[%dma_start3A_3720, %dma_start3A_3721, %dma_start3A_3722] : memref<1x1024x32xf32, #tpu.memory_space<vmem>> -> memref<1x1024x32xf32, #tpu.memory_space<vmem>>
    %dma_start3A_3724 = tpu.memref_squeeze %dma_start3A_3723 : memref<1x1024x32xf32, #tpu.memory_space<vmem>> -> memref<1024x32xf32, #tpu.memory_space<vmem>>
    %dma_start3A_3725 = arith.constant 0 : i32
    %dma_start3A_3726 = tpu.memref_slice %arg5[%dma_start3A_3719, %dma_start3A_3725] : memref<1x1024xi32, #tpu.memory_space<vmem>> -> memref<1x1024xi32, #tpu.memory_space<vmem>>
    %dma_start3A_3727 = tpu.memref_squeeze %dma_start3A_3726 : memref<1x1024xi32, #tpu.memory_space<vmem>> -> memref<1024xi32, #tpu.memory_space<vmem>>
    %dma_start3A_3728 = arith.constant 0 : i32
    %dma_start3A_3729 = arith.constant 0 : i32
    %dma_start3A_3730 = tpu.memref_slice %arg2[%dma_start3A_3728, %dma_start3A_3729] : memref<1000000x32xf32, #tpu.memory_space<hbm>> -> memref<1000000x32xf32, #tpu.memory_space<hbm>>
    tpu.enqueue_indirect_dma source(%dma_start3A_3730 : memref<1000000x32xf32, #tpu.memory_space<hbm>>) target(%dma_start3A_3724 : memref<1024x32xf32, #tpu.memory_space<vmem>>) offsets(%dma_start3A_3727 : memref<1024xi32, #tpu.memory_space<vmem>>) semaphore(%arg11 : memref<!tpu.dma_semaphore, #tpu.memory_space<semaphore_mem>>)
    %dma_wait3A_3731 = arith.constant 0 : i32
    %dma_wait3A_3732 = arith.constant 0 : i32
    %dma_wait3A_3733 = arith.constant 0 : i32
    %dma_wait3A_3734 = arith.constant 0 : i32
    %dma_wait3A_3735 = tpu.memref_slice %arg8[%dma_wait3A_3732, %dma_wait3A_3733, %dma_wait3A_3734] : memref<1x1024x32xf32, #tpu.memory_space<vmem>> -> memref<1x1024x32xf32, #tpu.memory_space<vmem>>
    %dma_wait3A_3736 = tpu.memref_squeeze %dma_wait3A_3735 : memref<1x1024x32xf32, #tpu.memory_space<vmem>> -> memref<1024x32xf32, #tpu.memory_space<vmem>>
    %dma_wait3A_3737 = arith.constant 0 : i32
    %dma_wait3A_3738 = tpu.memref_slice %arg6[%dma_wait3A_3731, %dma_wait3A_3737] : memref<1x1024xi32, #tpu.memory_space<vmem>> -> memref<1x1024xi32, #tpu.memory_space<vmem>>
    %dma_wait3A_3739 = tpu.memref_squeeze %dma_wait3A_3738 : memref<1x1024xi32, #tpu.memory_space<vmem>> -> memref<1024xi32, #tpu.memory_space<vmem>>
    %dma_wait3A_3740 = arith.constant 0 : i32
    %dma_wait3A_3741 = arith.constant 0 : i32
    %dma_wait3A_3742 = tpu.memref_slice %arg2[%dma_wait3A_3740, %dma_wait3A_3741] : memref<1000000x32xf32, #tpu.memory_space<hbm>> -> memref<1000000x32xf32, #tpu.memory_space<hbm>>
    tpu.wait_indirect_dma semaphore(%arg12 : memref<!tpu.dma_semaphore, #tpu.memory_space<semaphore_mem>>) src(%dma_wait3A_3742 : memref<1000000x32xf32, #tpu.memory_space<hbm>>) dst(%dma_wait3A_3736 : memref<1024x32xf32, #tpu.memory_space<vmem>>)
    %add3A_3743 = arith.constant 736 : i32
    %add3A_3744 = arith.addi %add3A, %add3A_3743 : i32
    %jit3A_3745 = arith.constant 4 : i32
    %div3A_3746 = arith.divsi %add3A_3744, %jit3A_3745 : i32
    %sign3A_3747 = arith.constant 0 : i32
    %sign3A_3748 = arith.cmpi sgt, %add3A_3744, %sign3A_3747 : i32
    %sign3A_3749 = arith.extui %sign3A_3748 : i1 to i32
    %sign3A_3750 = arith.constant 0 : i32
    %sign3A_3751 = arith.cmpi slt, %add3A_3744, %sign3A_3750 : i32
    %sign3A_3752 = arith.extui %sign3A_3751 : i1 to i32
    %sign3A_3753 = arith.subi %sign3A_3749, %sign3A_3752 : i32
    %sign3A_3754 = arith.constant 0 : i32
    %sign3A_3755 = arith.cmpi sgt, %jit3A_3745, %sign3A_3754 : i32
    %sign3A_3756 = arith.extui %sign3A_3755 : i1 to i32
    %sign3A_3757 = arith.constant 0 : i32
    %sign3A_3758 = arith.cmpi slt, %jit3A_3745, %sign3A_3757 : i32
    %sign3A_3759 = arith.extui %sign3A_3758 : i1 to i32
    %sign3A_3760 = arith.subi %sign3A_3756, %sign3A_3759 : i32
    %ne3A_3761 = arith.cmpi ne, %sign3A_3753, %sign3A_3760 : i32
    %rem3A_3762 = arith.remsi %add3A_3744, %jit3A_3745 : i32
    %ne3A_3763 = arith.constant 0 : i32
    %ne3A_3764 = arith.cmpi ne, %rem3A_3762, %ne3A_3763 : i32
    %and3A_3765 = arith.andi %ne3A_3761, %ne3A_3764 : i1
    %sub3A_3766 = arith.constant 1 : i32
    %sub3A_3767 = arith.subi %div3A_3746, %sub3A_3766 : i32
    %select_n3A_3768 = arith.select %and3A_3765, %sub3A_3767, %div3A_3746 : i32
    %rem3A_3769 = arith.constant 4 : i32
    %rem3A_3770 = arith.remsi %add3A_3744, %rem3A_3769 : i32
    %mul3A_3771 = arith.constant 1024 : i32
    %mul3A_3772 = arith.muli %rem3A_3770, %mul3A_3771 : i32
    %dma_start3A_3773 = arith.constant 0 : i32
    %dma_start3A_3774 = tpu.memref_slice %arg4[%select_n3A_3768, %mul3A_3772, %dma_start3A_3773] : memref<200x4096x32xf32, #tpu.memory_space<hbm>> -> memref<1x1024x32xf32, #tpu.memory_space<hbm>>
    %dma_start3A_3775 = arith.constant 0 : i32
    %dma_start3A_3776 = tpu.memref_slice %arg4[%select_n3A_3768, %mul3A_3772, %dma_start3A_3775] : memref<200x4096x32xf32, #tpu.memory_space<hbm>> -> memref<1x1024x32xf32, #tpu.memory_space<hbm>>
    tpu.enqueue_dma source(%arg8 : memref<1x1024x32xf32, #tpu.memory_space<vmem>>) target(%dma_start3A_3776 : memref<1x1024x32xf32, #tpu.memory_space<hbm>>) target_semaphore(%arg14 : memref<!tpu.dma_semaphore, #tpu.memory_space<semaphore_mem>>)
    %dma_wait3A_3777 = arith.constant 0 : i32
    %dma_wait3A_3778 = arith.constant 0 : i32
    %dma_wait3A_3779 = arith.constant 0 : i32
    %dma_wait3A_3780 = arith.constant 0 : i32
    %dma_wait3A_3781 = tpu.memref_slice %arg7[%dma_wait3A_3778, %dma_wait3A_3779, %dma_wait3A_3780] : memref<1x1024x32xf32, #tpu.memory_space<vmem>> -> memref<1x1024x32xf32, #tpu.memory_space<vmem>>
    %dma_wait3A_3782 = tpu.memref_squeeze %dma_wait3A_3781 : memref<1x1024x32xf32, #tpu.memory_space<vmem>> -> memref<1024x32xf32, #tpu.memory_space<vmem>>
    %dma_wait3A_3783 = arith.constant 0 : i32
    %dma_wait3A_3784 = tpu.memref_slice %arg5[%dma_wait3A_3777, %dma_wait3A_3783] : memref<1x1024xi32, #tpu.memory_space<vmem>> -> memref<1x1024xi32, #tpu.memory_space<vmem>>
    %dma_wait3A_3785 = tpu.memref_squeeze %dma_wait3A_3784 : memref<1x1024xi32, #tpu.memory_space<vmem>> -> memref<1024xi32, #tpu.memory_space<vmem>>
    %dma_wait3A_3786 = arith.constant 0 : i32
    %dma_wait3A_3787 = arith.constant 0 : i32
    %dma_wait3A_3788 = tpu.memref_slice %arg2[%dma_wait3A_3786, %dma_wait3A_3787] : memref<1000000x32xf32, #tpu.memory_space<hbm>> -> memref<1000000x32xf32, #tpu.memory_space<hbm>>
    tpu.wait_indirect_dma semaphore(%arg11 : memref<!tpu.dma_semaphore, #tpu.memory_space<semaphore_mem>>) src(%dma_wait3A_3788 : memref<1000000x32xf32, #tpu.memory_space<hbm>>) dst(%dma_wait3A_3782 : memref<1024x32xf32, #tpu.memory_space<vmem>>)
    %add3A_3789 = arith.constant 768 : i32
    %add3A_3790 = arith.addi %add3A, %add3A_3789 : i32
    %jit3A_3791 = arith.constant 4 : i32
    %div3A_3792 = arith.divsi %add3A_3790, %jit3A_3791 : i32
    %sign3A_3793 = arith.constant 0 : i32
    %sign3A_3794 = arith.cmpi sgt, %add3A_3790, %sign3A_3793 : i32
    %sign3A_3795 = arith.extui %sign3A_3794 : i1 to i32
    %sign3A_3796 = arith.constant 0 : i32
    %sign3A_3797 = arith.cmpi slt, %add3A_3790, %sign3A_3796 : i32
    %sign3A_3798 = arith.extui %sign3A_3797 : i1 to i32
    %sign3A_3799 = arith.subi %sign3A_3795, %sign3A_3798 : i32
    %sign3A_3800 = arith.constant 0 : i32
    %sign3A_3801 = arith.cmpi sgt, %jit3A_3791, %sign3A_3800 : i32
    %sign3A_3802 = arith.extui %sign3A_3801 : i1 to i32
    %sign3A_3803 = arith.constant 0 : i32
    %sign3A_3804 = arith.cmpi slt, %jit3A_3791, %sign3A_3803 : i32
    %sign3A_3805 = arith.extui %sign3A_3804 : i1 to i32
    %sign3A_3806 = arith.subi %sign3A_3802, %sign3A_3805 : i32
    %ne3A_3807 = arith.cmpi ne, %sign3A_3799, %sign3A_3806 : i32
    %rem3A_3808 = arith.remsi %add3A_3790, %jit3A_3791 : i32
    %ne3A_3809 = arith.constant 0 : i32
    %ne3A_3810 = arith.cmpi ne, %rem3A_3808, %ne3A_3809 : i32
    %and3A_3811 = arith.andi %ne3A_3807, %ne3A_3810 : i1
    %sub3A_3812 = arith.constant 1 : i32
    %sub3A_3813 = arith.subi %div3A_3792, %sub3A_3812 : i32
    %select_n3A_3814 = arith.select %and3A_3811, %sub3A_3813, %div3A_3792 : i32
    %rem3A_3815 = arith.constant 4 : i32
    %rem3A_3816 = arith.remsi %add3A_3790, %rem3A_3815 : i32
    %mul3A_3817 = arith.constant 1024 : i32
    %mul3A_3818 = arith.muli %rem3A_3816, %mul3A_3817 : i32
    %dma_start3A_3819 = arith.constant 0 : i32
    %dma_start3A_3820 = tpu.memref_slice %arg4[%select_n3A_3814, %mul3A_3818, %dma_start3A_3819] : memref<200x4096x32xf32, #tpu.memory_space<hbm>> -> memref<1x1024x32xf32, #tpu.memory_space<hbm>>
    %dma_start3A_3821 = arith.constant 0 : i32
    %dma_start3A_3822 = tpu.memref_slice %arg4[%select_n3A_3814, %mul3A_3818, %dma_start3A_3821] : memref<200x4096x32xf32, #tpu.memory_space<hbm>> -> memref<1x1024x32xf32, #tpu.memory_space<hbm>>
    tpu.enqueue_dma source(%arg7 : memref<1x1024x32xf32, #tpu.memory_space<vmem>>) target(%dma_start3A_3822 : memref<1x1024x32xf32, #tpu.memory_space<hbm>>) target_semaphore(%arg13 : memref<!tpu.dma_semaphore, #tpu.memory_space<semaphore_mem>>)
    %add3A_3823 = arith.constant 736 : i32
    %add3A_3824 = arith.addi %add3A, %add3A_3823 : i32
    %jit3A_3825 = arith.constant 4 : i32
    %div3A_3826 = arith.divsi %add3A_3824, %jit3A_3825 : i32
    %sign3A_3827 = arith.constant 0 : i32
    %sign3A_3828 = arith.cmpi sgt, %add3A_3824, %sign3A_3827 : i32
    %sign3A_3829 = arith.extui %sign3A_3828 : i1 to i32
    %sign3A_3830 = arith.constant 0 : i32
    %sign3A_3831 = arith.cmpi slt, %add3A_3824, %sign3A_3830 : i32
    %sign3A_3832 = arith.extui %sign3A_3831 : i1 to i32
    %sign3A_3833 = arith.subi %sign3A_3829, %sign3A_3832 : i32
    %sign3A_3834 = arith.constant 0 : i32
    %sign3A_3835 = arith.cmpi sgt, %jit3A_3825, %sign3A_3834 : i32
    %sign3A_3836 = arith.extui %sign3A_3835 : i1 to i32
    %sign3A_3837 = arith.constant 0 : i32
    %sign3A_3838 = arith.cmpi slt, %jit3A_3825, %sign3A_3837 : i32
    %sign3A_3839 = arith.extui %sign3A_3838 : i1 to i32
    %sign3A_3840 = arith.subi %sign3A_3836, %sign3A_3839 : i32
    %ne3A_3841 = arith.cmpi ne, %sign3A_3833, %sign3A_3840 : i32
    %rem3A_3842 = arith.remsi %add3A_3824, %jit3A_3825 : i32
    %ne3A_3843 = arith.constant 0 : i32
    %ne3A_3844 = arith.cmpi ne, %rem3A_3842, %ne3A_3843 : i32
    %and3A_3845 = arith.andi %ne3A_3841, %ne3A_3844 : i1
    %sub3A_3846 = arith.constant 1 : i32
    %sub3A_3847 = arith.subi %div3A_3826, %sub3A_3846 : i32
    %select_n3A_3848 = arith.select %and3A_3845, %sub3A_3847, %div3A_3826 : i32
    %rem3A_3849 = arith.constant 4 : i32
    %rem3A_3850 = arith.remsi %add3A_3824, %rem3A_3849 : i32
    %mul3A_3851 = arith.constant 1024 : i32
    %mul3A_3852 = arith.muli %rem3A_3850, %mul3A_3851 : i32
    %dma_wait3A_3853 = arith.constant 0 : i32
    %dma_wait3A_3854 = tpu.memref_slice %arg4[%select_n3A_3848, %mul3A_3852, %dma_wait3A_3853] : memref<200x4096x32xf32, #tpu.memory_space<hbm>> -> memref<1x1024x32xf32, #tpu.memory_space<hbm>>
    %dma_wait3A_3855 = arith.constant 0 : i32
    %dma_wait3A_3856 = tpu.memref_slice %arg4[%select_n3A_3848, %mul3A_3852, %dma_wait3A_3855] : memref<200x4096x32xf32, #tpu.memory_space<hbm>> -> memref<1x1024x32xf32, #tpu.memory_space<hbm>>
    tpu.wait_dma2 semaphore(%arg14 : memref<!tpu.dma_semaphore, #tpu.memory_space<semaphore_mem>>) src(%arg8 : memref<1x1024x32xf32, #tpu.memory_space<vmem>>) dst(%dma_wait3A_3856 : memref<1x1024x32xf32, #tpu.memory_space<hbm>>)
    %add3A_3857 = arith.constant 768 : i32
    %add3A_3858 = arith.addi %add3A, %add3A_3857 : i32
    %jit3A_3859 = arith.constant 4 : i32
    %div3A_3860 = arith.divsi %add3A_3858, %jit3A_3859 : i32
    %sign3A_3861 = arith.constant 0 : i32
    %sign3A_3862 = arith.cmpi sgt, %add3A_3858, %sign3A_3861 : i32
    %sign3A_3863 = arith.extui %sign3A_3862 : i1 to i32
    %sign3A_3864 = arith.constant 0 : i32
    %sign3A_3865 = arith.cmpi slt, %add3A_3858, %sign3A_3864 : i32
    %sign3A_3866 = arith.extui %sign3A_3865 : i1 to i32
    %sign3A_3867 = arith.subi %sign3A_3863, %sign3A_3866 : i32
    %sign3A_3868 = arith.constant 0 : i32
    %sign3A_3869 = arith.cmpi sgt, %jit3A_3859, %sign3A_3868 : i32
    %sign3A_3870 = arith.extui %sign3A_3869 : i1 to i32
    %sign3A_3871 = arith.constant 0 : i32
    %sign3A_3872 = arith.cmpi slt, %jit3A_3859, %sign3A_3871 : i32
    %sign3A_3873 = arith.extui %sign3A_3872 : i1 to i32
    %sign3A_3874 = arith.subi %sign3A_3870, %sign3A_3873 : i32
    %ne3A_3875 = arith.cmpi ne, %sign3A_3867, %sign3A_3874 : i32
    %rem3A_3876 = arith.remsi %add3A_3858, %jit3A_3859 : i32
    %ne3A_3877 = arith.constant 0 : i32
    %ne3A_3878 = arith.cmpi ne, %rem3A_3876, %ne3A_3877 : i32
    %and3A_3879 = arith.andi %ne3A_3875, %ne3A_3878 : i1
    %sub3A_3880 = arith.constant 1 : i32
    %sub3A_3881 = arith.subi %div3A_3860, %sub3A_3880 : i32
    %select_n3A_3882 = arith.select %and3A_3879, %sub3A_3881, %div3A_3860 : i32
    %rem3A_3883 = arith.constant 4 : i32
    %rem3A_3884 = arith.remsi %add3A_3858, %rem3A_3883 : i32
    %mul3A_3885 = arith.constant 1024 : i32
    %mul3A_3886 = arith.muli %rem3A_3884, %mul3A_3885 : i32
    %dma_wait3A_3887 = arith.constant 0 : i32
    %dma_wait3A_3888 = tpu.memref_slice %arg4[%select_n3A_3882, %mul3A_3886, %dma_wait3A_3887] : memref<200x4096x32xf32, #tpu.memory_space<hbm>> -> memref<1x1024x32xf32, #tpu.memory_space<hbm>>
    %dma_wait3A_3889 = arith.constant 0 : i32
    %dma_wait3A_3890 = tpu.memref_slice %arg4[%select_n3A_3882, %mul3A_3886, %dma_wait3A_3889] : memref<200x4096x32xf32, #tpu.memory_space<hbm>> -> memref<1x1024x32xf32, #tpu.memory_space<hbm>>
    tpu.wait_dma2 semaphore(%arg13 : memref<!tpu.dma_semaphore, #tpu.memory_space<semaphore_mem>>) src(%arg7 : memref<1x1024x32xf32, #tpu.memory_space<vmem>>) dst(%dma_wait3A_3890 : memref<1x1024x32xf32, #tpu.memory_space<hbm>>)
    return
  }
}

</mosaic_0001>

<sc_bundles>
// kernel: kernel.3.cloned.1.call-start
scs
__scs_entry_jumppad:
0x0: {  	(pc) =	sbr.rel $0x88, $3  }
0x1: {  	(tag) =	ssettag $0x0;
	lr =	simm.s32 $0x1  }
0x2: {  	[smem:$0x3F9F] =	sst lr;
	_ =	strace $0xD0000000  }
0x3: {  	_ = 	snop  }
0x4: {  	_ = 	snop  }
0x5: {  	_ = 	snop  }
0x6: {  	_ = 	snop  }
0x7: {  	_ = 	snop  }
__scs_overlays_trampoline_lowered:
0x8: {  	[smem:$0x3FAE] =	sst s0  }
0x9: {  	[smem:$0x3FAF] =	sst s1  }
0xa: {  	[smem:$0x3FB0] =	sst s2  }
0xb: {  	[smem:$0x3FB1] =	sst s3  }
0xc: {  	[smem:$0x3FB2] =	sst s4  }
0xd: {  	[smem:$0x3FB3] =	sst s5  }
0xe: {  	[smem:$0x3FB4] =	sst s6  }
0xf: {  	[smem:$0x3FB5] =	sst s7  }
0x10: {  	[smem:$0x3FB6] =	sst s8  }
0x11: {  	[smem:$0x3FB7] =	sst s9;
	s0 =	simm.s32 @!p0 $0x0  }
0x12: {  	s1 =	sld [smem:$0x3F9D];
	s0 =	simm.s32 @p0 $0x1  }
0x13: {  	[smem:$0x3FB8] =	sst s0;
	s0 =	simm.s32 @!p1 $0x0  }
0x14: {  	s2 =	sld [smem:$0x3F9C];
	s0 =	simm.s32 @p1 $0x1  }
0x15: {  	[smem:$0x3FB9] =	sst s0;
	s0 =	simm.s32 @!p2 $0x0  }
0x16: {  	s3 =	sld [smem:$0x3FDB];
	s0 =	simm.s32 @p2 $0x1  }
0x17: {  	s4 =	simm.s32 $0x1BF5;
	[smem:$0x3FBB] =	sst s0  }
0x18: {  	s0 =	sld [smem:$0x3F9E];
	_ =	swait.ge [sflag:s4], $0x0  }
0x19: {  	s7 =	sld [smem:$0x3F9F]  }
0x1a: {  	s8 =	sadd.s32 $0xFFFFE003, lr  }
0x1b: {  	s9 =	sadd.s32 $0xFFFFFEF7, lr;
	s5 =	simm.s32 $0xFFFFFFFF;
	p2 =	slt.u32 s8, $0xFFFFF086  }
0x1c: {  	p1 =	slt.u32 s9, $0xF7A;
	s5 =	simm.s32 @!p2 $0x0  }
0x1d: {  	s5 =	simm.s32 @p1 $0x1;
	p0 =	seq.s32 s7, s2  }
0x1e: {  	s7 =	smul.u32 @!p0 $0xF7A, s2;
	p2 =	seq.s32 @!p0 s5, $0x0  }
0x1f: {  	s9 =	smul.u32 $0xF7A, s1;
	s8 =	simm.s32 @!p0 $0x1BF5;
	p2 =	por !p2, p0  }
0x20: {  	[sflag:s8] =	ssyncset.s32 @!p0 $0xFFFFF086;
	s6 =	sadd.s32 @!p0 s3, s7;
	s7 =	simm.s32 @!p0 $0x108  }
0x21: {  	s3 =	sadd.s32 s3, s9;
	s6 =	sadd.s32 @!p0 $0x88, s6;
	s7 =	simm.s32 @p2 $0x1082  }
0x22: {  	[simem:s7], [sflag:s8] =	dma.local @!p0 [hbm:s6], $0xF7A  }
0x23: {  	s9 =	sor.u32 $0xD0000000, s2;
	s6 =	simm.s32 $0x108;
	_ =	swait.ge @!p0 [sflag:s8], $0x0  }
0x24: {  	s3 =	sadd.s32 $0x88, s3;
	s6 =	simm.s32 @!p1 $0x1082;
	[sflag:s4] =	ssyncset.s32 $0xFFFFF086  }
0x25: {  	[simem:s6], [sflag:s4] =	dma.local [hbm:s3], $0xF7A  }
0x26: {  	[smem:$0x3F9F] =	sst s1;
	(tag) =	ssettag s2;
	_ =	strace s9  }
0x27: {  	s1 =	sld [smem:$0x3FAF]  }
0x28: {  	s2 =	sld [smem:$0x3FB0]  }
0x29: {  	s4 =	sld [smem:$0x3FB2]  }
0x2a: {  	p0 =	seq.s32 s5, $0x0;
	s5 =	sld [smem:$0x3FB3]  }
0x2b: {  	s6 =	sld [smem:$0x3FB4]  }
0x2c: {  	s7 =	sld [smem:$0x3FB5]  }
0x2d: {  	s3 =	simm.s32 $0x108;
	s8 =	sld [smem:$0x3FB6]  }
0x2e: {  	s3 =	simm.s32 @!p0 $0x1082;
	s9 =	sld [smem:$0x3FB7]  }
0x2f: {  	lr =	sadd.s32 s0, s3;
	s0 =	sld [smem:$0x3FAE]  }
0x30: {  	s3 =	sld [smem:$0x3FB1]  }
0x31: {  	[smem:$0x3FBA] =	sst s10  }
0x32: {  	s10 =	sld [smem:$0x3FB8];
	_ =	sdelay $0x3  }
0x33: {  	p0 =	seq.s32 s10, $0x1;
	s10 =	sld [smem:$0x3FBA];
	_ =	sdelay $0x3  }
0x34: {  	[smem:$0x3FBA] =	sst s10  }
0x35: {  	s10 =	sld [smem:$0x3FB9];
	_ =	sdelay $0x3  }
0x36: {  	p1 =	seq.s32 s10, $0x1;
	s10 =	sld [smem:$0x3FBA];
	_ =	sdelay $0x3  }
0x37: {  	[smem:$0x3FBA] =	sst s10  }
0x38: {  	s10 =	sld [smem:$0x3FBB]  }
0x39: {  	_ = 	snop;
	(pc) =	sbr.ind lr, $3  }
0x3a: {  	_ = 	snop  }
0x3b: {  	_ = 	snop  }
0x3c: {  	p2 =	seq.s32 s10, $0x1;
	s10 =	sld [smem:$0x3FBA]  }
0x3d: {  	_ =	shalt  }
0x3e: {  	_ =	shalt  }
0x3f: {  	_ =	shalt  }
0x40: {  	_ =	shalt  }
0x41: {  	_ =	shalt  }
0x42: {  	_ =	shalt  }
0x43: {  	_ =	shalt  }
0x44: {  	_ =	shalt  }
0x45: {  	_ =	shalt  }
0x46: {  	_ =	shalt  }
0x47: {  	_ =	shalt  }
0x48: {  	_ =	shalt  }
0x49: {  	_ =	shalt  }
0x4a: {  	_ =	shalt  }
0x4b: {  	_ =	shalt  }
0x4c: {  	_ =	shalt  }
0x4d: {  	_ =	shalt  }
0x4e: {  	_ =	shalt  }
0x4f: {  	_ =	shalt  }
0x50: {  	_ =	shalt  }
0x51: {  	_ =	shalt  }
0x52: {  	_ =	shalt  }
0x53: {  	_ =	shalt  }
0x54: {  	_ =	shalt  }
0x55: {  	_ =	shalt  }
0x56: {  	_ =	shalt  }
0x57: {  	_ =	shalt  }
0x58: {  	_ =	shalt  }
0x59: {  	_ =	shalt  }
0x5a: {  	_ =	shalt  }
0x5b: {  	_ =	shalt  }
0x5c: {  	_ =	shalt  }
0x5d: {  	_ =	shalt  }
0x5e: {  	_ =	shalt  }
0x5f: {  	_ =	shalt  }
0x60: {  	_ =	shalt  }
0x61: {  	_ =	shalt  }
0x62: {  	_ =	shalt  }
0x63: {  	_ =	shalt  }
0x64: {  	_ =	shalt  }
0x65: {  	_ =	shalt  }
0x66: {  	_ =	shalt  }
0x67: {  	_ =	shalt  }
0x68: {  	_ =	shalt  }
0x69: {  	_ =	shalt  }
0x6a: {  	_ =	shalt  }
0x6b: {  	_ =	shalt  }
0x6c: {  	_ =	shalt  }
0x6d: {  	_ =	shalt  }
0x6e: {  	_ =	shalt  }
0x6f: {  	_ =	shalt  }
0x70: {  	_ =	shalt  }
0x71: {  	_ =	shalt  }
0x72: {  	_ =	shalt  }
0x73: {  	_ =	shalt  }
0x74: {  	_ =	shalt  }
0x75: {  	_ =	shalt  }
0x76: {  	_ =	shalt  }
0x77: {  	_ =	shalt  }
0x78: {  	_ =	shalt  }
0x79: {  	_ =	shalt  }
0x7a: {  	_ =	shalt  }
0x7b: {  	_ =	shalt  }
0x7c: {  	_ =	shalt  }
0x7d: {  	_ =	shalt  }
0x7e: {  	_ =	shalt  }
0x7f: {  	_ =	shalt  }
0x80: {  	_ =	shalt  }
0x81: {  	_ =	shalt  }
0x82: {  	_ =	shalt  }
0x83: {  	_ =	shalt  }
0x84: {  	_ =	shalt  }
0x85: {  	_ =	shalt  }
0x86: {  	_ =	shalt  }
0x87: {  	_ =	shalt  }
.Lfunc_end0:
.L_simem_size_0:
called_computation.1_lowered:
.L_overlay_start_0:
0x88: {  	s2 =	sld [smem:$0x3FD9]  }
0x89: {  	s3 =	sld [smem:$0x3FFE];
	_ =	sdelay $0x1  }
0x8a: {  	s1 =	srdreg.scid  }
0x8b: {  	s0 =	sand.u32 $0x1, s1  }
0x8c: {  	s17 =	sshll.u32 s0, $0xA;
	s2 =	sadd.s32 s3, s2  }
0x8d: {  	s2 =	sadd.s32 s2, s17  }
0x8e: {  	[smem:$0x3FC6] =	sst s2  }
0x8f: {  	_ = 	snop  }
0x90: {  	s2 =	sld [smem:$0x3FD0];
	(tm) =	ssettm $0x1  }
0x91: {  	s18 =	sld [smem:$0x3FFB];
	_ =	sdelay $0x3  }
0x92: {  	_ =	strace s18  }
0x93: {  	s3 =	sld [smem:$0x3FFC];
	_ =	sdelay $0x3  }
0x94: {  	_ =	strace s3  }
0x95: {  	s3 =	sld [smem:$0x3FFD];
	_ =	sdelay $0x3  }
0x96: {  	_ =	strace s3  }
0x97: {  	_ =	strace $0x8FFFFFFF  }
0x98: {  	s19 =	sld [smem:$0x3FDB];
	_ =	sdelay $0x1  }
0x99: {  	s4 =	simm.s32 $_scs_section_size  }
0x9a: {  	s5 =	simm.s32 $_size__tile_overlayer_lowered;
	s6 =	simm.s32 $_tile_overlayer_lowered  }
0x9b: {  	s22 =	simm.s32 $0x1BFF;
	s21 =	sshll.u32 s6, $0x1;
	s3 =	sadd.s32 s4, s19  }
0x9c: {  	s7 =	simm.s32 $0x0;
	s20 =	sshll.u32 s5, $0x1;
	s5 =	sadd.s32 s21, s3  }
0x9d: {  	[timem:s7], [sflag:s22] =	dma.local [hbm:s5], s20  }
0x9e: {  	_ =	swait.ge [sflag:s22], s20  }
0x9f: {  	s4 =	ssub.s32 $0x0, s20;
	[sflag:s22] =	ssyncset.done $0x0  }
0xa0: {  	[sflag:s22] =	ssyncadd.s32 s4;
	_ =	sdelay $0x1  }
0xa1: {  	s23 =	simm.s32 $0x1B8B  }
0xa2: {  	_ =	swait.ge [sflag:s23], $0x1  }
0xa3: {  	[sflag:s23] =	ssyncset.done $0x0  }
0xa4: {  	s25 =	simm.s32 $0x1B8E;
	s24 =	sld [smem:$0x3FFE];
	[sflag:s23] =	ssyncadd.s32 $0xFFFFFFFF  }
0xa5: {  	s26 =	simm.s32 $execute0_lowered;
	[smem:$0x3FD2] =	sst s25  }
0xa6: {  	s5 =	sshll.u32 s26, $0x1;
	_ =	strace $0x80000046;
	[dreg:$0x1] =	wrdreg $0xFFFFFFFF  }
0xa7: {  	s28 =	simm.s32 $_size_execute0_lowered;
	s3 =	sadd.s32 s3, s5;
	[dreg:$0x0] =	wrdreg $0x0  }
0xa8: {  	s5 =	sshll.u32 s28, $0x1;
	[dreg:$0x2] =	wrdreg s3  }
0xa9: {  	[dreg:$0x3] =	wrdreg s5  }
0xaa: {  	[dreg:$0x4] =	wrdreg $0xC0  }
0xab: {  	_ =	task [dreg:s7], $0x5FFFF  }
0xac: {  	[dreg:$0x1] =	wrdreg $0xFFFFFFFF  }
0xad: {  	[dreg:$0x0] =	wrdreg $0x60  }
0xae: {  	[dreg:$0x2] =	wrdreg s24  }
0xaf: {  	[dreg:$0x3] =	wrdreg s2  }
0xb0: {  	[dreg:$0x4] =	wrdreg $0x9  }
0xb1: {  	_ =	task.clear_ibuf [dreg:s7], $0x5FFFF;
	_ =	strace $0x90000046  }
0xb2: {  	s29 =	simm.s32 $0x9;
	_ =	strace $0x80000048  }
0xb3: {  	_ =	swait.ge [sflag:s29], $0x1  }
0xb4: {  	[sflag:s29] =	ssyncadd.s32 $0xFFFFFFFF  }
0xb5: {  	_ =	strace $0x90000048  }
0xb6: {  	_ =	sfence  }
0xb7: {  	s30 =	sld [smem:$0x0];
	_ =	sdelay $0x2  }
0xb8: {  	s31 =	sshll.u32 s1, $0xD;
	s1 =	sshrl.u32 s1, $0x2  }
0xb9: {  	s3 =	sand.u32 $0x4000, s31;
	s1 =	sadd.s32 s1, s30  }
0xba: {  	s0 =	sor.u32 s3, s0;
	s1 =	sshll.u32 s1, $0x11  }
0xbb: {  	s0 =	sor.u32 s1, s0  }
0xbc: {  	s0 =	sadd.s32 $0x8F2B, s0  }
0xbd: {  	[sflag:s0] =	ssyncadd.remote.s32 $0x1  }
0xbe: {  	_ =	sfence.sel $0xFFFF  }
0xbf: {  	[dreg:$0x0] =	wrdreg $0xFFFFFFFF;
	(pc) =	sbr.abs _section_cstart, $3  }
0xc0: {  	[dreg:$0x1] =	wrdreg $0xFFFFFFFF  }
0xc1: {  	_ =	task.clear_ibuf [dreg:s7], $0x2FFFF;
	_ =	strace $0x9FFFFFFF  }
0xc2: {  	(tm) =	ssettm $0x7FFFFFFF  }
0xc3: {  	_ =	shalt  }
tec
execute0_lowered:
.L_overlay_start_1:
0x0: {  	(tag) =	ssettag $0x1  }
0x1: {  	s3 =	rddreg [dreg:$0x0]  }
0x2: {  	s0 =	rddreg [dreg:$0x1]  }
0x3: {  	s2 =	simm.s32 $0x0;
	s6 =	stileid.u32;
	s1 =	srdreg.scid  }
0x4: {  	[smem:$0x7FF] =	sst s2;
	s4 =	sshll.u32 s6, $0x1;
	s1 =	sand.u32 $0x1, s1  }
0x5: {  	s7 =	sshrl.u32 s6, $0x1;
	_ =	strace $0x80000047;
	s5 =	sand.u32 $0x2, s4  }
0x6: {  	s4 =	sadd.s32 $0xA00, s3;
	s9 =	sshll.u32 s7, $0xC;
	s10 =	sor.u32 $0x8, s7  }
0x7: {  	s8 =	ssub.s32 $0x2, s1;
	s12 =	sor.u32 $0x10, s7;
	s13 =	sshll.u32 s7, $0x11  }
0x8: {  	s15 =	sor.u32 $0x18, s7;
	s19 =	sor.u32 $0x20, s7;
	s5 =	sor.u32 s1, s5  }
0x9: {  	s11 =	sshll.u32 s10, $0xC;
	s26 =	sshll.u32 s12, $0xC;
	s17 =	sshll.u32 s15, $0xC  }
0xa: {  	s10 =	sshll.u32 s10, $0x11;
	s23 =	sshll.u32 s12, $0x11;
	s6 =	sshll.u32 s5, $0xA  }
0xb: {  	s12 =	sor.u32 $0x90, s7;
	s5 =	sshll.u32 s5, $0xF;
	s24 =	sor.u32 s9, s6  }
0xc: {  	s9 =	sshrl.u32 s8, $0x1;
	s11 =	sor.u32 s11, s6;
	s14 =	sor.u32 s13, s5  }
0xd: {  	s18 =	sor.u32 s17, s6;
	s10 =	sor.u32 s10, s5;
	s13 =	sshll.u32 s15, $0x11  }
0xe: {  	s17 =	sshll.u32 s19, $0x11;
	s1 =	sshrl.u32 s24, $0x3;
	s11 =	sshrl.u32 s11, $0x3  }
0xf: {  	s10 =	sshrl.u32 s10, $0x3;
	s24 =	sor.u32 $0x28, s7;
	s13 =	sor.u32 s13, s5  }
0x10: {  	s8 =	ssub.s32 s8, s9;
	s1 =	sadd.s32 s4, s1;
	s25 =	sadd.s32 s4, s11  }
0x11: {  	s11 =	sor.u32 s26, s6;
	s20 =	sadd.s32 s0, s10;
	[smem:$0x7FD] =	sst s8  }
0x12: {  	s10 =	sor.u32 s23, s5;
	s26 =	sshll.u32 s24, $0xC;
	[dreg:$0x3] =	wrdreg s1  }
0x13: {  	s23 =	sshll.u32 s24, $0x11;
	s24 =	sor.u32 $0x40, s7;
	[dreg:$0x4] =	wrdreg s25  }
0x14: {  	s11 =	sshrl.u32 s11, $0x3;
	[dreg:$0x8] =	wrdreg s20;
	s25 =	sshrl.u32 s10, $0x3  }
0x15: {  	s10 =	sor.u32 s26, s6;
	s26 =	sshll.u32 s24, $0xC;
	s1 =	sadd.s32 s4, s11  }
0x16: {  	s11 =	sshrl.u32 s14, $0x3;
	s14 =	sshll.u32 s19, $0xC;
	s10 =	sshrl.u32 s10, $0x3  }
0x17: {  	[dreg:$0x5] =	wrdreg s1;
	s16 =	sadd.s32 s0, s11;
	s1 =	sshrl.u32 s18, $0x3  }
0x18: {  	s21 =	sor.u32 s14, s6;
	s18 =	sor.u32 $0x38, s7;
	s11 =	sor.u32 $0x68, s7  }
0x19: {  	[dreg:$0x6] =	wrdreg s16;
	s1 =	sadd.s32 s4, s1;
	s22 =	sshrl.u32 s21, $0x3  }
0x1a: {  	s19 =	sshll.u32 s18, $0xC;
	[dreg:$0x7] =	wrdreg s1;
	s1 =	sadd.s32 s4, s22  }
0x1b: {  	s21 =	sor.u32 s19, s6;
	[dreg:$0x9] =	wrdreg s1;
	s1 =	sadd.s32 s0, s25  }
0x1c: {  	s22 =	sshrl.u32 s21, $0x3;
	[dreg:$0xa] =	wrdreg s1;
	s1 =	sadd.s32 s4, s10  }
0x1d: {  	s10 =	sshrl.u32 s13, $0x3;
	s13 =	sor.u32 $0x30, s7;
	[dreg:$0xb] =	wrdreg s1  }
0x1e: {  	s14 =	sadd.s32 s0, s10;
	s15 =	sshll.u32 s13, $0xC;
	s10 =	sor.u32 s17, s5  }
0x1f: {  	s13 =	sshll.u32 s13, $0x11;
	s17 =	sshll.u32 s18, $0x11;
	s18 =	sor.u32 $0x50, s7  }
0x20: {  	[dreg:$0xc] =	wrdreg s14;
	s16 =	sor.u32 s15, s6;
	s10 =	sshrl.u32 s10, $0x3  }
0x21: {  	s13 =	sor.u32 s13, s5;
	s19 =	sshll.u32 s18, $0xC;
	s18 =	sshll.u32 s18, $0x11  }
0x22: {  	s1 =	sshrl.u32 s16, $0x3;
	s20 =	sadd.s32 s0, s10;
	s10 =	sor.u32 s23, s5  }
0x23: {  	s21 =	sor.u32 s19, s6;
	s23 =	sshll.u32 s24, $0x11;
	s24 =	sor.u32 $0x58, s7  }
0x24: {  	s19 =	sshll.u32 s11, $0xC;
	s1 =	sadd.s32 s4, s1;
	[dreg:$0xe] =	wrdreg s20  }
0x25: {  	s25 =	sshrl.u32 s10, $0x3;
	s10 =	sor.u32 s26, s6;
	s26 =	sshll.u32 s24, $0xC  }
0x26: {  	[dreg:$0xd] =	wrdreg s1;
	s1 =	sadd.s32 s4, s22;
	s10 =	sshrl.u32 s10, $0x3  }
0x27: {  	s22 =	sshrl.u32 s21, $0x3;
	s21 =	sor.u32 s19, s6;
	s19 =	sshll.u32 s11, $0x11  }
0x28: {  	[dreg:$0xf] =	wrdreg s1;
	s1 =	sadd.s32 s0, s25;
	s9 =	sor.u32 s19, s5  }
0x29: {  	[dreg:$0x10] =	wrdreg s1;
	s1 =	sadd.s32 s4, s10;
	s10 =	sshrl.u32 s13, $0x3  }
0x2a: {  	s13 =	sor.u32 $0x48, s7;
	[dreg:$0x11] =	wrdreg s1;
	s14 =	sadd.s32 s0, s10  }
0x2b: {  	s15 =	sshll.u32 s13, $0xC;
	s10 =	sor.u32 s17, s5;
	s13 =	sshll.u32 s13, $0x11  }
0x2c: {  	[dreg:$0x12] =	wrdreg s14;
	s16 =	sor.u32 s15, s6;
	s10 =	sshrl.u32 s10, $0x3  }
0x2d: {  	s14 =	sor.u32 s13, s5;
	s13 =	sor.u32 $0x60, s7;
	s1 =	sshrl.u32 s16, $0x3  }
0x2e: {  	s20 =	sadd.s32 s0, s10;
	s10 =	sor.u32 s23, s5;
	s16 =	sshll.u32 s13, $0xC  }
0x2f: {  	s23 =	sshll.u32 s24, $0x11;
	s24 =	sor.u32 $0x70, s7;
	s13 =	sshll.u32 s13, $0x11  }
0x30: {  	s1 =	sadd.s32 s4, s1;
	[dreg:$0x14] =	wrdreg s20;
	s25 =	sshrl.u32 s10, $0x3  }
0x31: {  	s10 =	sor.u32 s26, s6;
	s17 =	sor.u32 s16, s6;
	s26 =	sshll.u32 s24, $0xC  }
0x32: {  	[dreg:$0x13] =	wrdreg s1;
	s1 =	sadd.s32 s4, s22;
	s10 =	sshrl.u32 s10, $0x3  }
0x33: {  	s22 =	sshrl.u32 s21, $0x3;
	[dreg:$0x15] =	wrdreg s1;
	s1 =	sadd.s32 s0, s25  }
0x34: {  	s21 =	sshrl.u32 s9, $0x3;
	[dreg:$0x16] =	wrdreg s1;
	s1 =	sadd.s32 s4, s10  }
0x35: {  	s10 =	sshrl.u32 s14, $0x3;
	s14 =	sor.u32 s13, s5;
	[dreg:$0x17] =	wrdreg s1  }
0x36: {  	s15 =	sadd.s32 s0, s10;
	s1 =	sshrl.u32 s17, $0x3;
	s10 =	sor.u32 s18, s5  }
0x37: {  	[dreg:$0x18] =	wrdreg s15;
	s1 =	sadd.s32 s4, s1;
	s10 =	sshrl.u32 s10, $0x3  }
0x38: {  	s15 =	sor.u32 $0x78, s7;
	[dreg:$0x19] =	wrdreg s1;
	s20 =	sadd.s32 s0, s10  }
0x39: {  	s1 =	sadd.s32 s4, s22;
	s10 =	sor.u32 s23, s5;
	s17 =	sshll.u32 s15, $0xC  }
0x3a: {  	s23 =	sshll.u32 s24, $0x11;
	s13 =	sshll.u32 s15, $0x11;
	[dreg:$0x1a] =	wrdreg s20  }
0x3b: {  	[dreg:$0x1b] =	wrdreg s1;
	s25 =	sshrl.u32 s10, $0x3;
	s10 =	sor.u32 s26, s6  }
0x3c: {  	s18 =	sor.u32 s17, s6;
	s17 =	sor.u32 $0xA8, s7;
	s13 =	sor.u32 s13, s5  }
0x3d: {  	s1 =	sadd.s32 s0, s25;
	s10 =	sshrl.u32 s10, $0x3;
	s25 =	sor.u32 s23, s5  }
0x3e: {  	s19 =	sshll.u32 s17, $0xC;
	s23 =	sor.u32 $0xB0, s7;
	s13 =	sshrl.u32 s13, $0x3  }
0x3f: {  	[dreg:$0x1c] =	wrdreg s1;
	s1 =	sadd.s32 s4, s10;
	s10 =	sshrl.u32 s14, $0x3  }
0x40: {  	s26 =	sshrl.u32 s25, $0x3;
	s19 =	sor.u32 s19, s6;
	s31 =	sadd.s32 s0, s13  }
0x41: {  	[dreg:$0x1d] =	wrdreg s1;
	s16 =	sadd.s32 s0, s10;
	s1 =	sshrl.u32 s18, $0x3  }
0x42: {  	s10 =	sor.u32 $0x80, s7;
	[dreg:$0x1e] =	wrdreg s16;
	s1 =	sadd.s32 s4, s1  }
0x43: {  	s20 =	sshll.u32 s10, $0xC;
	s16 =	sor.u32 $0xA0, s7;
	s25 =	sshll.u32 s10, $0x11  }
0x44: {  	[dreg:$0x1f] =	wrdreg s1;
	s22 =	sor.u32 s20, s6;
	s1 =	sadd.s32 s0, s21  }
0x45: {  	s21 =	sshll.u32 s12, $0xC;
	s18 =	sshll.u32 s16, $0xC;
	s20 =	sshll.u32 s23, $0xC  }
0x46: {  	s16 =	sshll.u32 s16, $0x11;
	s9 =	sshrl.u32 s22, $0x3;
	[smem:$0x7F8] =	sst s1  }
0x47: {  	s1 =	sadd.s32 s0, s26;
	s11 =	sor.u32 s21, s6;
	s22 =	sor.u32 $0x98, s7  }
0x48: {  	s18 =	sor.u32 s18, s6;
	s20 =	sor.u32 s20, s6;
	s24 =	sadd.s32 s4, s9  }
0x49: {  	s9 =	sor.u32 $0x88, s7;
	[smem:$0x7FA] =	sst s1;
	s15 =	sshll.u32 s22, $0xC  }
0x4a: {  	[smem:$0x7FB] =	sst s20;
	s26 =	sshrl.u32 s11, $0x3;
	s11 =	sshll.u32 s12, $0x11  }
0x4b: {  	s12 =	sshrl.u32 s18, $0x3;
	s13 =	sshll.u32 s22, $0x11;
	[smem:$0x7F9] =	sst s24  }
0x4c: {  	s8 =	sshll.u32 s9, $0xC;
	s15 =	sor.u32 s15, s6;
	s9 =	sshll.u32 s9, $0x11  }
0x4d: {  	s28 =	sadd.s32 s4, s26;
	s22 =	sadd.s32 s4, s12;
	s18 =	sld [smem:$0x7FB]  }
0x4e: {  	s14 =	sor.u32 s8, s6;
	s8 =	sor.u32 $0xB8, s7;
	s7 =	sor.u32 $0xC0, s7  }
0x4f: {  	s9 =	sor.u32 s9, s5;
	s10 =	sshrl.u32 s15, $0x3;
	s15 =	sshrl.u32 s19, $0x3  }
0x50: {  	s19 =	sshll.u32 s17, $0x11;
	s24 =	sshll.u32 s8, $0xC;
	s21 =	sshll.u32 s7, $0xC  }
0x51: {  	s1 =	sshrl.u32 s14, $0x3;
	s9 =	sshrl.u32 s9, $0x3;
	s14 =	sor.u32 s13, s5  }
0x52: {  	s7 =	sshll.u32 s7, $0x11;
	s20 =	sor.u32 s24, s6;
	s6 =	sor.u32 s21, s6  }
0x53: {  	s30 =	sadd.s32 s4, s1;
	s1 =	sor.u32 s25, s5;
	s25 =	sadd.s32 s4, s10  }
0x54: {  	s26 =	sadd.s32 s0, s9;
	s9 =	sshrl.u32 s14, $0x3;
	s10 =	sor.u32 s19, s5  }
0x55: {  	s7 =	sor.u32 s7, s5;
	[smem:$0x7FC] =	sst s20;
	s1 =	sshrl.u32 s1, $0x3  }
0x56: {  	s20 =	sadd.s32 s4, s15;
	s21 =	sadd.s32 s0, s9;
	s9 =	sshrl.u32 s18, $0x3  }
0x57: {  	s12 =	sshrl.u32 s6, $0x3;
	s29 =	sadd.s32 s0, s1;
	s1 =	sor.u32 s11, s5  }
0x58: {  	s15 =	sshll.u32 s23, $0x11;
	s11 =	sld [smem:$0x7FC];
	s1 =	sshrl.u32 s1, $0x3  }
0x59: {  	s17 =	sshrl.u32 s7, $0x3;
	s24 =	sadd.s32 s0, s1;
	s1 =	sor.u32 s16, s5  }
0x5a: {  	s23 =	sld [smem:$0x7FD];
	s18 =	sadd.s32 s4, s9;
	s1 =	sshrl.u32 s1, $0x3  }
0x5b: {  	s9 =	sshrl.u32 s10, $0x3;
	s19 =	sadd.s32 s0, s1;
	s1 =	sshrl.u32 s11, $0x3  }
0x5c: {  	s16 =	sshll.u32 s8, $0x11;
	s13 =	sadd.s32 s4, s1;
	s1 =	sor.u32 s15, s5  }
0x5d: {  	s6 =	sadd.s32 s4, s12;
	s4 =	sor.u32 s16, s5;
	s1 =	sshrl.u32 s1, $0x3  }
0x5e: {  	s14 =	sadd.s32 s0, s9;
	s4 =	sshrl.u32 s4, $0x3;
	s12 =	sadd.s32 s0, s1  }
0x5f: {  	s5 =	sadd.s32 s0, s4;
	s4 =	sadd.s32 s0, s17;
	s0 =	smax.u32 s23, $0x1  }
0x60: {  	p1 =	sne.s32 s0, $0x1  }
.Ltmp0:
0x61: {  	p0 =	por $0x0, $0x0;
	(pc) =	sbr.rel @!p1 .LBB2_3-.Ltmp0, $4  }
0x62: {  	s3 =	sadd.s32 $0xF42E00, s3;
	s7 =	simm.s32 $0x800;
	s10 =	simm.s32 $0x6  }
0x63: {  	s9 =	simm.s32 $0x400;
	s8 =	simm.s32 $0x5;
	s11 =	simm.s32 $0x3  }
0x64: {  	s16 =	simm.s32 $0x1;
	s15 =	simm.s32 $0x8800;
	s23 =	simm.s32 $0x2  }
0x65: {  	s17 =	simm.s32 $0x4;
	s1 =	rddreg [dreg:$0x3];
	s0 =	sadd.s32 $0xFFFFFFFF, s0  }
0x66: {  	[smem:$0x7F6] =	sst s0  }
0x67: {  	[tilespmem:s2], [sflag:$0x1] =	stream.linear.gather [hbm4b:s1+s2], $0x400, $0x38;
	[tilespmem:$0x10800] =	vst v63  }
0x68: {  	s0 =	rddreg [dreg:$0x4]  }
0x69: {  	[tilespmem:s9], [sflag:$0x2] =	stream.linear.gather [hbm4b:s0+s2], $0x400, $0x38;
	[tilespmem:$0x10800] =	vst v63  }
0x6a: {  	_ =	swait.ge [sflag:s16], $0x400  }
0x6b: {  	[sflag:s16] =	ssyncset.done $0x0  }
0x6c: {  	[sflag:s16] =	ssyncadd.s32 $0xFFFFFC00  }
0x6d: {  	[tilespmem:s7], [sflag:$0x3] =	stream.indirect.gather [hbm4b:s3+s9], $0x20, s2, s9, $0xb8;
	[tilespmem:$0x10800] =	vst v63  }
0x6e: {  	_ =	swait.ge [sflag:s23], $0x400  }
0x6f: {  	[sflag:s23] =	ssyncset.done $0x0  }
0x70: {  	[sflag:s23] =	ssyncadd.s32 $0xFFFFFC00  }
0x71: {  	[tilespmem:s15], [sflag:$0x4] =	stream.indirect.gather [hbm4b:s3+s9], $0x20, s9, s9, $0xb8;
	[tilespmem:$0x10800] =	vst v63  }
0x72: {  	_ =	swait.ge [sflag:s11], $0x8000  }
0x73: {  	[sflag:s11] =	ssyncset.done $0x0  }
0x74: {  	s0 =	rddreg [dreg:$0x5];
	[sflag:s11] =	ssyncadd.s32 $0xFFFF8000  }
0x75: {  	[tilespmem:s2], [sflag:$0x1] =	stream.linear.gather [hbm4b:s0+s2], $0x400, $0x38;
	[tilespmem:$0x10800] =	vst v63  }
0x76: {  	s1 =	rddreg [dreg:$0x6]  }
0x77: {  	[hbm4b:s1+s2] =	stream.linear.scatter [tilespmem:s7], [sflag:$0x5], $0x8000, $0x38;
	[tilespmem:$0x10800] =	vst v63  }
0x78: {  	_ =	swait.ge [sflag:s16], $0x400  }
0x79: {  	[sflag:s16] =	ssyncset.done $0x0  }
0x7a: {  	[sflag:s16] =	ssyncadd.s32 $0xFFFFFC00  }
0x7b: {  	_ =	swait.ge [sflag:s8], $0x8000  }
0x7c: {  	[sflag:s8] =	ssyncset.done $0x0  }
0x7d: {  	[sflag:s8] =	ssyncadd.s32 $0xFFFF8000  }
0x7e: {  	[tilespmem:s7], [sflag:$0x3] =	stream.indirect.gather [hbm4b:s3+s9], $0x20, s2, s9, $0xb8;
	[tilespmem:$0x10800] =	vst v63  }
0x7f: {  	_ =	swait.ge [sflag:s17], $0x8000  }
0x80: {  	[sflag:s17] =	ssyncset.done $0x0  }
0x81: {  	s0 =	rddreg [dreg:$0x7];
	[sflag:s17] =	ssyncadd.s32 $0xFFFF8000  }
0x82: {  	[tilespmem:s9], [sflag:$0x2] =	stream.linear.gather [hbm4b:s0+s2], $0x400, $0x38;
	[tilespmem:$0x10800] =	vst v63  }
0x83: {  	s1 =	rddreg [dreg:$0x8]  }
0x84: {  	[hbm4b:s1+s2] =	stream.linear.scatter [tilespmem:s15], [sflag:$0x6], $0x8000, $0x38;
	[tilespmem:$0x10800] =	vst v63  }
0x85: {  	_ =	swait.ge [sflag:s23], $0x400  }
0x86: {  	[sflag:s23] =	ssyncset.done $0x0  }
0x87: {  	[sflag:s23] =	ssyncadd.s32 $0xFFFFFC00  }
0x88: {  	_ =	swait.ge [sflag:s10], $0x8000  }
0x89: {  	[sflag:s10] =	ssyncset.done $0x0  }
0x8a: {  	[sflag:s10] =	ssyncadd.s32 $0xFFFF8000  }
0x8b: {  	[tilespmem:s15], [sflag:$0x4] =	stream.indirect.gather [hbm4b:s3+s9], $0x20, s9, s9, $0xb8;
	[tilespmem:$0x10800] =	vst v63  }
0x8c: {  	_ =	swait.ge [sflag:s11], $0x8000  }
0x8d: {  	[sflag:s11] =	ssyncset.done $0x0  }
0x8e: {  	s0 =	rddreg [dreg:$0x9];
	[sflag:s11] =	ssyncadd.s32 $0xFFFF8000  }
0x8f: {  	[tilespmem:s2], [sflag:$0x1] =	stream.linear.gather [hbm4b:s0+s2], $0x400, $0x38;
	[tilespmem:$0x10800] =	vst v63  }
0x90: {  	s1 =	rddreg [dreg:$0xa]  }
0x91: {  	[hbm4b:s1+s2] =	stream.linear.scatter [tilespmem:s7], [sflag:$0x5], $0x8000, $0x38;
	[tilespmem:$0x10800] =	vst v63  }
0x92: {  	_ =	swait.ge [sflag:s16], $0x400  }
0x93: {  	[sflag:s16] =	ssyncset.done $0x0  }
0x94: {  	[sflag:s16] =	ssyncadd.s32 $0xFFFFFC00  }
0x95: {  	_ =	swait.ge [sflag:s8], $0x8000  }
0x96: {  	[sflag:s8] =	ssyncset.done $0x0  }
0x97: {  	[sflag:s8] =	ssyncadd.s32 $0xFFFF8000  }
0x98: {  	[tilespmem:s7], [sflag:$0x3] =	stream.indirect.gather [hbm4b:s3+s9], $0x20, s2, s9, $0xb8;
	[tilespmem:$0x10800] =	vst v63  }
0x99: {  	_ =	swait.ge [sflag:s17], $0x8000  }
0x9a: {  	[sflag:s17] =	ssyncset.done $0x0  }
0x9b: {  	s0 =	rddreg [dreg:$0xb];
	[sflag:s17] =	ssyncadd.s32 $0xFFFF8000  }
0x9c: {  	[tilespmem:s9], [sflag:$0x2] =	stream.linear.gather [hbm4b:s0+s2], $0x400, $0x38;
	[tilespmem:$0x10800] =	vst v63  }
0x9d: {  	s1 =	rddreg [dreg:$0xc]  }
0x9e: {  	[hbm4b:s1+s2] =	stream.linear.scatter [tilespmem:s15], [sflag:$0x6], $0x8000, $0x38;
	[tilespmem:$0x10800] =	vst v63  }
0x9f: {  	_ =	swait.ge [sflag:s23], $0x400  }
0xa0: {  	[sflag:s23] =	ssyncset.done $0x0  }
0xa1: {  	[sflag:s23] =	ssyncadd.s32 $0xFFFFFC00  }
0xa2: {  	_ =	swait.ge [sflag:s10], $0x8000  }
0xa3: {  	[sflag:s10] =	ssyncset.done $0x0  }
0xa4: {  	[sflag:s10] =	ssyncadd.s32 $0xFFFF8000  }
0xa5: {  	[tilespmem:s15], [sflag:$0x4] =	stream.indirect.gather [hbm4b:s3+s9], $0x20, s9, s9, $0xb8;
	[tilespmem:$0x10800] =	vst v63  }
0xa6: {  	_ =	swait.ge [sflag:s11], $0x8000  }
0xa7: {  	[sflag:s11] =	ssyncset.done $0x0  }
0xa8: {  	s0 =	rddreg [dreg:$0xd];
	[sflag:s11] =	ssyncadd.s32 $0xFFFF8000  }
0xa9: {  	[tilespmem:s2], [sflag:$0x1] =	stream.linear.gather [hbm4b:s0+s2], $0x400, $0x38;
	[tilespmem:$0x10800] =	vst v63  }
0xaa: {  	s1 =	rddreg [dreg:$0xe]  }
0xab: {  	[hbm4b:s1+s2] =	stream.linear.scatter [tilespmem:s7], [sflag:$0x5], $0x8000, $0x38;
	[tilespmem:$0x10800] =	vst v63  }
0xac: {  	_ =	swait.ge [sflag:s16], $0x400  }
0xad: {  	[sflag:s16] =	ssyncset.done $0x0  }
0xae: {  	[sflag:s16] =	ssyncadd.s32 $0xFFFFFC00  }
0xaf: {  	_ =	swait.ge [sflag:s8], $0x8000  }
0xb0: {  	[sflag:s8] =	ssyncset.done $0x0  }
0xb1: {  	[sflag:s8] =	ssyncadd.s32 $0xFFFF8000  }
0xb2: {  	[tilespmem:s7], [sflag:$0x3] =	stream.indirect.gather [hbm4b:s3+s9], $0x20, s2, s9, $0xb8;
	[tilespmem:$0x10800] =	vst v63  }
0xb3: {  	_ =	swait.ge [sflag:s17], $0x8000  }
0xb4: {  	[sflag:s17] =	ssyncset.done $0x0  }
0xb5: {  	s0 =	rddreg [dreg:$0xf];
	[sflag:s17] =	ssyncadd.s32 $0xFFFF8000  }
0xb6: {  	[tilespmem:s9], [sflag:$0x2] =	stream.linear.gather [hbm4b:s0+s2], $0x400, $0x38;
	[tilespmem:$0x10800] =	vst v63  }
0xb7: {  	s1 =	rddreg [dreg:$0x10]  }
0xb8: {  	[hbm4b:s1+s2] =	stream.linear.scatter [tilespmem:s15], [sflag:$0x6], $0x8000, $0x38;
	[tilespmem:$0x10800] =	vst v63  }
0xb9: {  	_ =	swait.ge [sflag:s23], $0x400  }
0xba: {  	[sflag:s23] =	ssyncset.done $0x0  }
0xbb: {  	[sflag:s23] =	ssyncadd.s32 $0xFFFFFC00  }
0xbc: {  	_ =	swait.ge [sflag:s10], $0x8000  }
0xbd: {  	[sflag:s10] =	ssyncset.done $0x0  }
0xbe: {  	[sflag:s10] =	ssyncadd.s32 $0xFFFF8000  }
0xbf: {  	[tilespmem:s15], [sflag:$0x4] =	stream.indirect.gather [hbm4b:s3+s9], $0x20, s9, s9, $0xb8;
	[tilespmem:$0x10800] =	vst v63  }
0xc0: {  	_ =	swait.ge [sflag:s11], $0x8000  }
0xc1: {  	[sflag:s11] =	ssyncset.done $0x0  }
0xc2: {  	s0 =	rddreg [dreg:$0x11];
	[sflag:s11] =	ssyncadd.s32 $0xFFFF8000  }
0xc3: {  	[tilespmem:s2], [sflag:$0x1] =	stream.linear.gather [hbm4b:s0+s2], $0x400, $0x38;
	[tilespmem:$0x10800] =	vst v63  }
0xc4: {  	s1 =	rddreg [dreg:$0x12]  }
0xc5: {  	[hbm4b:s1+s2] =	stream.linear.scatter [tilespmem:s7], [sflag:$0x5], $0x8000, $0x38;
	[tilespmem:$0x10800] =	vst v63  }
0xc6: {  	_ =	swait.ge [sflag:s16], $0x400  }
0xc7: {  	[sflag:s16] =	ssyncset.done $0x0  }
0xc8: {  	[sflag:s16] =	ssyncadd.s32 $0xFFFFFC00  }
0xc9: {  	_ =	swait.ge [sflag:s8], $0x8000  }
0xca: {  	[sflag:s8] =	ssyncset.done $0x0  }
0xcb: {  	[sflag:s8] =	ssyncadd.s32 $0xFFFF8000  }
0xcc: {  	[tilespmem:s7], [sflag:$0x3] =	stream.indirect.gather [hbm4b:s3+s9], $0x20, s2, s9, $0xb8;
	[tilespmem:$0x10800] =	vst v63  }
0xcd: {  	_ =	swait.ge [sflag:s17], $0x8000  }
0xce: {  	[sflag:s17] =	ssyncset.done $0x0  }
0xcf: {  	s0 =	rddreg [dreg:$0x13];
	[sflag:s17] =	ssyncadd.s32 $0xFFFF8000  }
0xd0: {  	[tilespmem:s9], [sflag:$0x2] =	stream.linear.gather [hbm4b:s0+s2], $0x400, $0x38;
	[tilespmem:$0x10800] =	vst v63  }
0xd1: {  	s1 =	rddreg [dreg:$0x14]  }
0xd2: {  	[hbm4b:s1+s2] =	stream.linear.scatter [tilespmem:s15], [sflag:$0x6], $0x8000, $0x38;
	[tilespmem:$0x10800] =	vst v63  }
0xd3: {  	_ =	swait.ge [sflag:s23], $0x400  }
0xd4: {  	[sflag:s23] =	ssyncset.done $0x0  }
0xd5: {  	[sflag:s23] =	ssyncadd.s32 $0xFFFFFC00  }
0xd6: {  	_ =	swait.ge [sflag:s10], $0x8000  }
0xd7: {  	[sflag:s10] =	ssyncset.done $0x0  }
0xd8: {  	[sflag:s10] =	ssyncadd.s32 $0xFFFF8000  }
0xd9: {  	[tilespmem:s15], [sflag:$0x4] =	stream.indirect.gather [hbm4b:s3+s9], $0x20, s9, s9, $0xb8;
	[tilespmem:$0x10800] =	vst v63  }
0xda: {  	_ =	swait.ge [sflag:s11], $0x8000  }
0xdb: {  	[sflag:s11] =	ssyncset.done $0x0  }
0xdc: {  	s0 =	rddreg [dreg:$0x15];
	[sflag:s11] =	ssyncadd.s32 $0xFFFF8000  }
0xdd: {  	[tilespmem:s2], [sflag:$0x1] =	stream.linear.gather [hbm4b:s0+s2], $0x400, $0x38;
	[tilespmem:$0x10800] =	vst v63  }
0xde: {  	s1 =	rddreg [dreg:$0x16]  }
0xdf: {  	[hbm4b:s1+s2] =	stream.linear.scatter [tilespmem:s7], [sflag:$0x5], $0x8000, $0x38;
	[tilespmem:$0x10800] =	vst v63  }
0xe0: {  	_ =	swait.ge [sflag:s16], $0x400  }
0xe1: {  	[sflag:s16] =	ssyncset.done $0x0  }
0xe2: {  	[sflag:s16] =	ssyncadd.s32 $0xFFFFFC00  }
0xe3: {  	_ =	swait.ge [sflag:s8], $0x8000  }
0xe4: {  	[sflag:s8] =	ssyncset.done $0x0  }
0xe5: {  	[sflag:s8] =	ssyncadd.s32 $0xFFFF8000  }
0xe6: {  	[tilespmem:s7], [sflag:$0x3] =	stream.indirect.gather [hbm4b:s3+s9], $0x20, s2, s9, $0xb8;
	[tilespmem:$0x10800] =	vst v63  }
0xe7: {  	_ =	swait.ge [sflag:s17], $0x8000  }
0xe8: {  	[sflag:s17] =	ssyncset.done $0x0  }
0xe9: {  	s0 =	rddreg [dreg:$0x17];
	[sflag:s17] =	ssyncadd.s32 $0xFFFF8000  }
0xea: {  	[tilespmem:s9], [sflag:$0x2] =	stream.linear.gather [hbm4b:s0+s2], $0x400, $0x38;
	[tilespmem:$0x10800] =	vst v63  }
0xeb: {  	s1 =	rddreg [dreg:$0x18]  }
0xec: {  	[hbm4b:s1+s2] =	stream.linear.scatter [tilespmem:s15], [sflag:$0x6], $0x8000, $0x38;
	[tilespmem:$0x10800] =	vst v63  }
0xed: {  	_ =	swait.ge [sflag:s23], $0x400  }
0xee: {  	[sflag:s23] =	ssyncset.done $0x0  }
0xef: {  	[sflag:s23] =	ssyncadd.s32 $0xFFFFFC00  }
0xf0: {  	_ =	swait.ge [sflag:s10], $0x8000  }
0xf1: {  	[sflag:s10] =	ssyncset.done $0x0  }
0xf2: {  	[sflag:s10] =	ssyncadd.s32 $0xFFFF8000  }
0xf3: {  	[tilespmem:s15], [sflag:$0x4] =	stream.indirect.gather [hbm4b:s3+s9], $0x20, s9, s9, $0xb8;
	[tilespmem:$0x10800] =	vst v63  }
0xf4: {  	_ =	swait.ge [sflag:s11], $0x8000  }
0xf5: {  	[sflag:s11] =	ssyncset.done $0x0  }
0xf6: {  	s0 =	rddreg [dreg:$0x19];
	[sflag:s11] =	ssyncadd.s32 $0xFFFF8000  }
0xf7: {  	[tilespmem:s2], [sflag:$0x1] =	stream.linear.gather [hbm4b:s0+s2], $0x400, $0x38;
	[tilespmem:$0x10800] =	vst v63  }
0xf8: {  	s1 =	rddreg [dreg:$0x1a]  }
0xf9: {  	[hbm4b:s1+s2] =	stream.linear.scatter [tilespmem:s7], [sflag:$0x5], $0x8000, $0x38;
	[tilespmem:$0x10800] =	vst v63  }
0xfa: {  	_ =	swait.ge [sflag:s16], $0x400  }
0xfb: {  	[sflag:s16] =	ssyncset.done $0x0  }
0xfc: {  	[sflag:s16] =	ssyncadd.s32 $0xFFFFFC00  }
0xfd: {  	_ =	swait.ge [sflag:s8], $0x8000  }
0xfe: {  	[sflag:s8] =	ssyncset.done $0x0  }
0xff: {  	[sflag:s8] =	ssyncadd.s32 $0xFFFF8000  }
0x100: {  	[tilespmem:s7], [sflag:$0x3] =	stream.indirect.gather [hbm4b:s3+s9], $0x20, s2, s9, $0xb8;
	[tilespmem:$0x10800] =	vst v63  }
0x101: {  	_ =	swait.ge [sflag:s17], $0x8000  }
0x102: {  	[sflag:s17] =	ssyncset.done $0x0  }
0x103: {  	s0 =	rddreg [dreg:$0x1b];
	[sflag:s17] =	ssyncadd.s32 $0xFFFF8000  }
0x104: {  	[tilespmem:s9], [sflag:$0x2] =	stream.linear.gather [hbm4b:s0+s2], $0x400, $0x38;
	[tilespmem:$0x10800] =	vst v63  }
0x105: {  	s1 =	rddreg [dreg:$0x1c]  }
0x106: {  	[hbm4b:s1+s2] =	stream.linear.scatter [tilespmem:s15], [sflag:$0x6], $0x8000, $0x38;
	[tilespmem:$0x10800] =	vst v63  }
0x107: {  	_ =	swait.ge [sflag:s23], $0x400  }
0x108: {  	[sflag:s23] =	ssyncset.done $0x0  }
0x109: {  	[sflag:s23] =	ssyncadd.s32 $0xFFFFFC00  }
0x10a: {  	_ =	swait.ge [sflag:s10], $0x8000  }
0x10b: {  	[sflag:s10] =	ssyncset.done $0x0  }
0x10c: {  	[sflag:s10] =	ssyncadd.s32 $0xFFFF8000  }
0x10d: {  	[tilespmem:s15], [sflag:$0x4] =	stream.indirect.gather [hbm4b:s3+s9], $0x20, s9, s9, $0xb8;
	[tilespmem:$0x10800] =	vst v63  }
0x10e: {  	_ =	swait.ge [sflag:s11], $0x8000  }
0x10f: {  	[sflag:s11] =	ssyncset.done $0x0  }
0x110: {  	s0 =	rddreg [dreg:$0x1d];
	[sflag:s11] =	ssyncadd.s32 $0xFFFF8000  }
0x111: {  	[tilespmem:s2], [sflag:$0x1] =	stream.linear.gather [hbm4b:s0+s2], $0x400, $0x38;
	[tilespmem:$0x10800] =	vst v63  }
0x112: {  	s1 =	rddreg [dreg:$0x1e]  }
0x113: {  	[hbm4b:s1+s2] =	stream.linear.scatter [tilespmem:s7], [sflag:$0x5], $0x8000, $0x38;
	[tilespmem:$0x10800] =	vst v63  }
0x114: {  	_ =	swait.ge [sflag:s16], $0x400  }
0x115: {  	[sflag:s16] =	ssyncset.done $0x0  }
0x116: {  	[sflag:s16] =	ssyncadd.s32 $0xFFFFFC00  }
0x117: {  	_ =	swait.ge [sflag:s8], $0x8000  }
0x118: {  	[sflag:s8] =	ssyncset.done $0x0  }
0x119: {  	[sflag:s8] =	ssyncadd.s32 $0xFFFF8000  }
0x11a: {  	[tilespmem:s7], [sflag:$0x3] =	stream.indirect.gather [hbm4b:s3+s9], $0x20, s2, s9, $0xb8;
	[tilespmem:$0x10800] =	vst v63  }
0x11b: {  	_ =	swait.ge [sflag:s17], $0x8000  }
0x11c: {  	s0 =	rddreg [dreg:$0x1f];
	[sflag:s17] =	ssyncset.done $0x0  }
0x11d: {  	s1 =	sld [smem:$0x7F8];
	[sflag:s17] =	ssyncadd.s32 $0xFFFF8000  }
0x11e: {  	[tilespmem:s9], [sflag:$0x2] =	stream.linear.gather [hbm4b:s0+s2], $0x400, $0x38;
	[tilespmem:$0x10800] =	vst v63  }
0x11f: {  	_ = 	snop  }
0x120: {  	[hbm4b:s1+s2] =	stream.linear.scatter [tilespmem:s15], [sflag:$0x6], $0x8000, $0x38;
	[tilespmem:$0x10800] =	vst v63  }
0x121: {  	_ =	swait.ge [sflag:s23], $0x400  }
0x122: {  	[sflag:s23] =	ssyncset.done $0x0  }
0x123: {  	[sflag:s23] =	ssyncadd.s32 $0xFFFFFC00  }
0x124: {  	_ =	swait.ge [sflag:s10], $0x8000  }
0x125: {  	[sflag:s10] =	ssyncset.done $0x0  }
0x126: {  	[sflag:s10] =	ssyncadd.s32 $0xFFFF8000  }
0x127: {  	[tilespmem:s15], [sflag:$0x4] =	stream.indirect.gather [hbm4b:s3+s9], $0x20, s9, s9, $0xb8;
	[tilespmem:$0x10800] =	vst v63  }
0x128: {  	_ =	swait.ge [sflag:s11], $0x8000  }
0x129: {  	s0 =	sld [smem:$0x7F9]  }
0x12a: {  	[sflag:s11] =	ssyncset.done $0x0  }
0x12b: {  	s1 =	sld [smem:$0x7FA];
	[sflag:s11] =	ssyncadd.s32 $0xFFFF8000  }
0x12c: {  	[tilespmem:s2], [sflag:$0x1] =	stream.linear.gather [hbm4b:s0+s2], $0x400, $0x38;
	[tilespmem:$0x10800] =	vst v63  }
0x12d: {  	_ = 	snop  }
0x12e: {  	[hbm4b:s1+s2] =	stream.linear.scatter [tilespmem:s7], [sflag:$0x5], $0x8000, $0x38;
	[tilespmem:$0x10800] =	vst v63  }
0x12f: {  	_ =	swait.ge [sflag:s16], $0x400  }
0x130: {  	[sflag:s16] =	ssyncset.done $0x0  }
0x131: {  	[sflag:s16] =	ssyncadd.s32 $0xFFFFFC00  }
0x132: {  	_ =	swait.ge [sflag:s8], $0x8000  }
0x133: {  	[sflag:s8] =	ssyncset.done $0x0  }
0x134: {  	[sflag:s8] =	ssyncadd.s32 $0xFFFF8000  }
0x135: {  	[tilespmem:s7], [sflag:$0x3] =	stream.indirect.gather [hbm4b:s3+s9], $0x20, s2, s9, $0xb8;
	[tilespmem:$0x10800] =	vst v63  }
0x136: {  	_ =	swait.ge [sflag:s17], $0x8000  }
0x137: {  	[sflag:s17] =	ssyncset.done $0x0  }
0x138: {  	[sflag:s17] =	ssyncadd.s32 $0xFFFF8000  }
0x139: {  	[tilespmem:s9], [sflag:$0x2] =	stream.linear.gather [hbm4b:s30+s2], $0x400, $0x38;
	[tilespmem:$0x10800] =	vst v63  }
0x13a: {  	_ = 	snop  }
0x13b: {  	[hbm4b:s31+s2] =	stream.linear.scatter [tilespmem:s15], [sflag:$0x6], $0x8000, $0x38;
	[tilespmem:$0x10800] =	vst v63  }
0x13c: {  	_ =	swait.ge [sflag:s23], $0x400  }
0x13d: {  	[sflag:s23] =	ssyncset.done $0x0  }
0x13e: {  	[sflag:s23] =	ssyncadd.s32 $0xFFFFFC00  }
0x13f: {  	_ =	swait.ge [sflag:s10], $0x8000  }
0x140: {  	[sflag:s10] =	ssyncset.done $0x0  }
0x141: {  	[sflag:s10] =	ssyncadd.s32 $0xFFFF8000  }
0x142: {  	[tilespmem:s15], [sflag:$0x4] =	stream.indirect.gather [hbm4b:s3+s9], $0x20, s9, s9, $0xb8;
	[tilespmem:$0x10800] =	vst v63  }
0x143: {  	_ =	swait.ge [sflag:s11], $0x8000  }
0x144: {  	[sflag:s11] =	ssyncset.done $0x0  }
0x145: {  	[sflag:s11] =	ssyncadd.s32 $0xFFFF8000  }
0x146: {  	[tilespmem:s2], [sflag:$0x1] =	stream.linear.gather [hbm4b:s28+s2], $0x400, $0x38;
	[tilespmem:$0x10800] =	vst v63  }
0x147: {  	_ = 	snop  }
0x148: {  	[hbm4b:s29+s2] =	stream.linear.scatter [tilespmem:s7], [sflag:$0x5], $0x8000, $0x38;
	[tilespmem:$0x10800] =	vst v63  }
0x149: {  	_ =	swait.ge [sflag:s16], $0x400  }
0x14a: {  	[sflag:s16] =	ssyncset.done $0x0  }
0x14b: {  	[sflag:s16] =	ssyncadd.s32 $0xFFFFFC00  }
0x14c: {  	_ =	swait.ge [sflag:s8], $0x8000  }
0x14d: {  	[sflag:s8] =	ssyncset.done $0x0  }
0x14e: {  	[sflag:s8] =	ssyncadd.s32 $0xFFFF8000  }
0x14f: {  	[tilespmem:s7], [sflag:$0x3] =	stream.indirect.gather [hbm4b:s3+s9], $0x20, s2, s9, $0xb8;
	[tilespmem:$0x10800] =	vst v63  }
0x150: {  	_ =	swait.ge [sflag:s17], $0x8000  }
0x151: {  	[sflag:s17] =	ssyncset.done $0x0  }
0x152: {  	[sflag:s17] =	ssyncadd.s32 $0xFFFF8000  }
0x153: {  	[tilespmem:s9], [sflag:$0x2] =	stream.linear.gather [hbm4b:s25+s2], $0x400, $0x38;
	[tilespmem:$0x10800] =	vst v63  }
0x154: {  	_ = 	snop  }
0x155: {  	[hbm4b:s26+s2] =	stream.linear.scatter [tilespmem:s15], [sflag:$0x6], $0x8000, $0x38;
	[tilespmem:$0x10800] =	vst v63  }
0x156: {  	_ =	swait.ge [sflag:s23], $0x400  }
0x157: {  	[sflag:s23] =	ssyncset.done $0x0  }
0x158: {  	[sflag:s23] =	ssyncadd.s32 $0xFFFFFC00  }
0x159: {  	_ =	swait.ge [sflag:s10], $0x8000  }
0x15a: {  	[sflag:s10] =	ssyncset.done $0x0  }
0x15b: {  	[sflag:s10] =	ssyncadd.s32 $0xFFFF8000  }
0x15c: {  	[tilespmem:s15], [sflag:$0x4] =	stream.indirect.gather [hbm4b:s3+s9], $0x20, s9, s9, $0xb8;
	[tilespmem:$0x10800] =	vst v63  }
0x15d: {  	_ =	swait.ge [sflag:s11], $0x8000  }
0x15e: {  	[sflag:s11] =	ssyncset.done $0x0  }
0x15f: {  	[sflag:s11] =	ssyncadd.s32 $0xFFFF8000  }
0x160: {  	[tilespmem:s2], [sflag:$0x1] =	stream.linear.gather [hbm4b:s22+s2], $0x400, $0x38;
	[tilespmem:$0x10800] =	vst v63  }
0x161: {  	_ = 	snop  }
0x162: {  	[hbm4b:s24+s2] =	stream.linear.scatter [tilespmem:s7], [sflag:$0x5], $0x8000, $0x38;
	[tilespmem:$0x10800] =	vst v63  }
0x163: {  	_ =	swait.ge [sflag:s16], $0x400  }
0x164: {  	[sflag:s16] =	ssyncset.done $0x0  }
0x165: {  	[sflag:s16] =	ssyncadd.s32 $0xFFFFFC00  }
0x166: {  	_ =	swait.ge [sflag:s8], $0x8000  }
0x167: {  	[sflag:s8] =	ssyncset.done $0x0  }
0x168: {  	[sflag:s8] =	ssyncadd.s32 $0xFFFF8000  }
0x169: {  	[tilespmem:s7], [sflag:$0x3] =	stream.indirect.gather [hbm4b:s3+s9], $0x20, s2, s9, $0xb8;
	[tilespmem:$0x10800] =	vst v63  }
0x16a: {  	_ =	swait.ge [sflag:s17], $0x8000  }
0x16b: {  	[sflag:s17] =	ssyncset.done $0x0  }
0x16c: {  	[sflag:s17] =	ssyncadd.s32 $0xFFFF8000  }
0x16d: {  	[tilespmem:s9], [sflag:$0x2] =	stream.linear.gather [hbm4b:s20+s2], $0x400, $0x38;
	[tilespmem:$0x10800] =	vst v63  }
0x16e: {  	_ = 	snop  }
0x16f: {  	[hbm4b:s21+s2] =	stream.linear.scatter [tilespmem:s15], [sflag:$0x6], $0x8000, $0x38;
	[tilespmem:$0x10800] =	vst v63  }
0x170: {  	_ =	swait.ge [sflag:s23], $0x400  }
0x171: {  	[sflag:s23] =	ssyncset.done $0x0  }
0x172: {  	[sflag:s23] =	ssyncadd.s32 $0xFFFFFC00  }
0x173: {  	_ =	swait.ge [sflag:s10], $0x8000  }
0x174: {  	[sflag:s10] =	ssyncset.done $0x0  }
0x175: {  	[sflag:s10] =	ssyncadd.s32 $0xFFFF8000  }
0x176: {  	[tilespmem:s15], [sflag:$0x4] =	stream.indirect.gather [hbm4b:s3+s9], $0x20, s9, s9, $0xb8;
	[tilespmem:$0x10800] =	vst v63  }
0x177: {  	_ =	swait.ge [sflag:s11], $0x8000  }
0x178: {  	[sflag:s11] =	ssyncset.done $0x0  }
0x179: {  	[sflag:s11] =	ssyncadd.s32 $0xFFFF8000  }
0x17a: {  	[tilespmem:s2], [sflag:$0x1] =	stream.linear.gather [hbm4b:s18+s2], $0x400, $0x38;
	[tilespmem:$0x10800] =	vst v63  }
0x17b: {  	_ = 	snop  }
0x17c: {  	[hbm4b:s19+s2] =	stream.linear.scatter [tilespmem:s7], [sflag:$0x5], $0x8000, $0x38;
	[tilespmem:$0x10800] =	vst v63  }
0x17d: {  	_ =	swait.ge [sflag:s16], $0x400  }
0x17e: {  	[sflag:s16] =	ssyncset.done $0x0  }
0x17f: {  	[sflag:s16] =	ssyncadd.s32 $0xFFFFFC00  }
0x180: {  	_ =	swait.ge [sflag:s8], $0x8000  }
0x181: {  	[sflag:s8] =	ssyncset.done $0x0  }
0x182: {  	[sflag:s8] =	ssyncadd.s32 $0xFFFF8000  }
0x183: {  	[tilespmem:s7], [sflag:$0x3] =	stream.indirect.gather [hbm4b:s3+s9], $0x20, s2, s9, $0xb8;
	[tilespmem:$0x10800] =	vst v63  }
0x184: {  	_ =	swait.ge [sflag:s17], $0x8000  }
0x185: {  	[sflag:s17] =	ssyncset.done $0x0  }
0x186: {  	[sflag:s17] =	ssyncadd.s32 $0xFFFF8000  }
0x187: {  	[tilespmem:s9], [sflag:$0x2] =	stream.linear.gather [hbm4b:s13+s2], $0x400, $0x38;
	[tilespmem:$0x10800] =	vst v63  }
0x188: {  	_ = 	snop  }
0x189: {  	[hbm4b:s14+s2] =	stream.linear.scatter [tilespmem:s15], [sflag:$0x6], $0x8000, $0x38;
	[tilespmem:$0x10800] =	vst v63  }
0x18a: {  	_ =	swait.ge [sflag:s23], $0x400  }
0x18b: {  	[sflag:s23] =	ssyncset.done $0x0  }
0x18c: {  	[sflag:s23] =	ssyncadd.s32 $0xFFFFFC00  }
0x18d: {  	_ =	swait.ge [sflag:s10], $0x8000  }
0x18e: {  	[sflag:s10] =	ssyncset.done $0x0  }
0x18f: {  	[sflag:s10] =	ssyncadd.s32 $0xFFFF8000  }
0x190: {  	[tilespmem:s15], [sflag:$0x4] =	stream.indirect.gather [hbm4b:s3+s9], $0x20, s9, s9, $0xb8;
	[tilespmem:$0x10800] =	vst v63  }
0x191: {  	_ =	swait.ge [sflag:s11], $0x8000  }
0x192: {  	[sflag:s11] =	ssyncset.done $0x0  }
0x193: {  	[sflag:s11] =	ssyncadd.s32 $0xFFFF8000  }
0x194: {  	[tilespmem:s2], [sflag:$0x1] =	stream.linear.gather [hbm4b:s6+s2], $0x400, $0x38;
	[tilespmem:$0x10800] =	vst v63  }
0x195: {  	_ = 	snop  }
0x196: {  	[hbm4b:s12+s2] =	stream.linear.scatter [tilespmem:s7], [sflag:$0x5], $0x8000, $0x38;
	[tilespmem:$0x10800] =	vst v63  }
0x197: {  	_ =	swait.ge [sflag:s16], $0x400  }
0x198: {  	[sflag:s16] =	ssyncset.done $0x0  }
0x199: {  	[sflag:s16] =	ssyncadd.s32 $0xFFFFFC00  }
0x19a: {  	_ =	swait.ge [sflag:s8], $0x8000  }
0x19b: {  	[sflag:s8] =	ssyncset.done $0x0  }
0x19c: {  	[sflag:s8] =	ssyncadd.s32 $0xFFFF8000  }
0x19d: {  	[tilespmem:s7], [sflag:$0x3] =	stream.indirect.gather [hbm4b:s3+s9], $0x20, s2, s9, $0xb8;
	[tilespmem:$0x10800] =	vst v63  }
0x19e: {  	_ =	swait.ge [sflag:s17], $0x8000  }
0x19f: {  	[sflag:s17] =	ssyncset.done $0x0  }
0x1a0: {  	[sflag:s17] =	ssyncadd.s32 $0xFFFF8000  }
0x1a1: {  	[hbm4b:s5+s2] =	stream.linear.scatter [tilespmem:s15], [sflag:$0x6], $0x8000, $0x38;
	[tilespmem:$0x10800] =	vst v63  }
0x1a2: {  	_ =	swait.ge [sflag:s11], $0x8000  }
0x1a3: {  	[sflag:s11] =	ssyncset.done $0x0  }
0x1a4: {  	[sflag:s11] =	ssyncadd.s32 $0xFFFF8000  }
0x1a5: {  	[hbm4b:s4+s2] =	stream.linear.scatter [tilespmem:s7], [sflag:$0x5], $0x8000, $0x38;
	[tilespmem:$0x10800] =	vst v63  }
0x1a6: {  	_ =	swait.ge [sflag:s10], $0x8000  }
0x1a7: {  	s1 =	sld [smem:$0x7F6];
	_ =	sdelay $0x2  }
0x1a8: {  	p1 =	sne.s32 s1, $0x1  }
.Ltmp1:
0x1a9: {  	[sflag:s10] =	ssyncset.done $0x0;
	(pc) =	sbr.rel @!p1 .LBB2_3-.Ltmp1, $4  }
0x1aa: {  	[sflag:s10] =	ssyncadd.s32 $0xFFFF8000  }
0x1ab: {  	_ =	swait.ge [sflag:s8], $0x8000  }
0x1ac: {  	s0 =	sadd.s32 $0xFFFFFFFF, s1;
	s1 =	rddreg [dreg:$0x3]  }
0x1ad: {  	p0 =	por $0x1, $0x1;
	[sflag:s8] =	ssyncset.done $0x0;
	[smem:$0x7F7] =	sst s31  }
.LBB2_2:
0x1ae: {  	[sflag:s8] =	ssyncadd.s32 $0xFFFF8000  }
0x1af: {  	s31 =	smov.u32 s30;
	s30 =	smov.u32 s29;
	s29 =	smov.u32 s28  }
0x1b0: {  	s28 =	smov.u32 s26;
	s26 =	smov.u32 s25;
	s25 =	smov.u32 s24  }
0x1b1: {  	s24 =	smov.u32 s22;
	s22 =	smov.u32 s21;
	s21 =	smov.u32 s20  }
0x1b2: {  	s20 =	smov.u32 s19;
	s19 =	smov.u32 s18;
	s18 =	smov.u32 s14  }
0x1b3: {  	s14 =	smov.u32 s13;
	s13 =	smov.u32 s12;
	s12 =	smov.u32 s6  }
0x1b4: {  	[tilespmem:s2], [sflag:$0x1] =	stream.linear.gather [hbm4b:s1+s2], $0x400, $0x38;
	[tilespmem:$0x10800] =	vst v63  }
0x1b5: {  	s6 =	smov.u32 s5;
	s5 =	smov.u32 s4;
	s4 =	rddreg [dreg:$0x4]  }
0x1b6: {  	[tilespmem:s9], [sflag:$0x2] =	stream.linear.gather [hbm4b:s4+s2], $0x400, $0x38;
	[tilespmem:$0x10800] =	vst v63  }
0x1b7: {  	_ =	swait.ge [sflag:s16], $0x400  }
0x1b8: {  	[sflag:s16] =	ssyncset.done $0x0  }
0x1b9: {  	[sflag:s16] =	ssyncadd.s32 $0xFFFFFC00  }
0x1ba: {  	[tilespmem:s7], [sflag:$0x3] =	stream.indirect.gather [hbm4b:s3+s9], $0x20, s2, s9, $0xb8;
	[tilespmem:$0x10800] =	vst v63  }
0x1bb: {  	_ =	swait.ge [sflag:s23], $0x400  }
0x1bc: {  	[sflag:s23] =	ssyncset.done $0x0  }
0x1bd: {  	[sflag:s23] =	ssyncadd.s32 $0xFFFFFC00  }
0x1be: {  	[tilespmem:s15], [sflag:$0x4] =	stream.indirect.gather [hbm4b:s3+s9], $0x20, s9, s9, $0xb8;
	[tilespmem:$0x10800] =	vst v63  }
0x1bf: {  	_ =	swait.ge [sflag:s11], $0x8000  }
0x1c0: {  	[sflag:s11] =	ssyncset.done $0x0  }
0x1c1: {  	s1 =	rddreg [dreg:$0x5];
	[sflag:s11] =	ssyncadd.s32 $0xFFFF8000  }
0x1c2: {  	[tilespmem:s2], [sflag:$0x1] =	stream.linear.gather [hbm4b:s1+s2], $0x400, $0x38;
	[tilespmem:$0x10800] =	vst v63  }
0x1c3: {  	s4 =	rddreg [dreg:$0x6]  }
0x1c4: {  	[hbm4b:s4+s2] =	stream.linear.scatter [tilespmem:s7], [sflag:$0x5], $0x8000, $0x38;
	[tilespmem:$0x10800] =	vst v63  }
0x1c5: {  	_ =	swait.ge [sflag:s16], $0x400  }
0x1c6: {  	[sflag:s16] =	ssyncset.done $0x0  }
0x1c7: {  	[sflag:s16] =	ssyncadd.s32 $0xFFFFFC00  }
0x1c8: {  	_ =	swait.ge [sflag:s8], $0x8000  }
0x1c9: {  	[sflag:s8] =	ssyncset.done $0x0  }
0x1ca: {  	[sflag:s8] =	ssyncadd.s32 $0xFFFF8000  }
0x1cb: {  	[tilespmem:s7], [sflag:$0x3] =	stream.indirect.gather [hbm4b:s3+s9], $0x20, s2, s9, $0xb8;
	[tilespmem:$0x10800] =	vst v63  }
0x1cc: {  	_ =	swait.ge [sflag:s17], $0x8000  }
0x1cd: {  	[sflag:s17] =	ssyncset.done $0x0  }
0x1ce: {  	s1 =	rddreg [dreg:$0x7];
	[sflag:s17] =	ssyncadd.s32 $0xFFFF8000  }
0x1cf: {  	[tilespmem:s9], [sflag:$0x2] =	stream.linear.gather [hbm4b:s1+s2], $0x400, $0x38;
	[tilespmem:$0x10800] =	vst v63  }
0x1d0: {  	s4 =	rddreg [dreg:$0x8]  }
0x1d1: {  	[hbm4b:s4+s2] =	stream.linear.scatter [tilespmem:s15], [sflag:$0x6], $0x8000, $0x38;
	[tilespmem:$0x10800] =	vst v63  }
0x1d2: {  	_ =	swait.ge [sflag:s23], $0x400  }
0x1d3: {  	[sflag:s23] =	ssyncset.done $0x0  }
0x1d4: {  	[sflag:s23] =	ssyncadd.s32 $0xFFFFFC00  }
0x1d5: {  	_ =	swait.ge [sflag:s10], $0x8000  }
0x1d6: {  	[sflag:s10] =	ssyncset.done $0x0  }
0x1d7: {  	[sflag:s10] =	ssyncadd.s32 $0xFFFF8000  }
0x1d8: {  	[tilespmem:s15], [sflag:$0x4] =	stream.indirect.gather [hbm4b:s3+s9], $0x20, s9, s9, $0xb8;
	[tilespmem:$0x10800] =	vst v63  }
0x1d9: {  	_ =	swait.ge [sflag:s11], $0x8000  }
0x1da: {  	[sflag:s11] =	ssyncset.done $0x0  }
0x1db: {  	s1 =	rddreg [dreg:$0x9];
	[sflag:s11] =	ssyncadd.s32 $0xFFFF8000  }
0x1dc: {  	[tilespmem:s2], [sflag:$0x1] =	stream.linear.gather [hbm4b:s1+s2], $0x400, $0x38;
	[tilespmem:$0x10800] =	vst v63  }
0x1dd: {  	s4 =	rddreg [dreg:$0xa]  }
0x1de: {  	[hbm4b:s4+s2] =	stream.linear.scatter [tilespmem:s7], [sflag:$0x5], $0x8000, $0x38;
	[tilespmem:$0x10800] =	vst v63  }
0x1df: {  	_ =	swait.ge [sflag:s16], $0x400  }
0x1e0: {  	[sflag:s16] =	ssyncset.done $0x0  }
0x1e1: {  	[sflag:s16] =	ssyncadd.s32 $0xFFFFFC00  }
0x1e2: {  	_ =	swait.ge [sflag:s8], $0x8000  }
0x1e3: {  	[sflag:s8] =	ssyncset.done $0x0  }
0x1e4: {  	[sflag:s8] =	ssyncadd.s32 $0xFFFF8000  }
0x1e5: {  	[tilespmem:s7], [sflag:$0x3] =	stream.indirect.gather [hbm4b:s3+s9], $0x20, s2, s9, $0xb8;
	[tilespmem:$0x10800] =	vst v63  }
0x1e6: {  	_ =	swait.ge [sflag:s17], $0x8000  }
0x1e7: {  	[sflag:s17] =	ssyncset.done $0x0  }
0x1e8: {  	s1 =	rddreg [dreg:$0xb];
	[sflag:s17] =	ssyncadd.s32 $0xFFFF8000  }
0x1e9: {  	[tilespmem:s9], [sflag:$0x2] =	stream.linear.gather [hbm4b:s1+s2], $0x400, $0x38;
	[tilespmem:$0x10800] =	vst v63  }
0x1ea: {  	s4 =	rddreg [dreg:$0xc]  }
0x1eb: {  	[hbm4b:s4+s2] =	stream.linear.scatter [tilespmem:s15], [sflag:$0x6], $0x8000, $0x38;
	[tilespmem:$0x10800] =	vst v63  }
0x1ec: {  	_ =	swait.ge [sflag:s23], $0x400  }
0x1ed: {  	[sflag:s23] =	ssyncset.done $0x0  }
0x1ee: {  	[sflag:s23] =	ssyncadd.s32 $0xFFFFFC00  }
0x1ef: {  	_ =	swait.ge [sflag:s10], $0x8000  }
0x1f0: {  	[sflag:s10] =	ssyncset.done $0x0  }
0x1f1: {  	[sflag:s10] =	ssyncadd.s32 $0xFFFF8000  }
0x1f2: {  	[tilespmem:s15], [sflag:$0x4] =	stream.indirect.gather [hbm4b:s3+s9], $0x20, s9, s9, $0xb8;
	[tilespmem:$0x10800] =	vst v63  }
0x1f3: {  	_ =	swait.ge [sflag:s11], $0x8000  }
0x1f4: {  	[sflag:s11] =	ssyncset.done $0x0  }
0x1f5: {  	s1 =	rddreg [dreg:$0xd];
	[sflag:s11] =	ssyncadd.s32 $0xFFFF8000  }
0x1f6: {  	[tilespmem:s2], [sflag:$0x1] =	stream.linear.gather [hbm4b:s1+s2], $0x400, $0x38;
	[tilespmem:$0x10800] =	vst v63  }
0x1f7: {  	s4 =	rddreg [dreg:$0xe]  }
0x1f8: {  	[hbm4b:s4+s2] =	stream.linear.scatter [tilespmem:s7], [sflag:$0x5], $0x8000, $0x38;
	[tilespmem:$0x10800] =	vst v63  }
0x1f9: {  	_ =	swait.ge [sflag:s16], $0x400  }
0x1fa: {  	[sflag:s16] =	ssyncset.done $0x0  }
0x1fb: {  	[sflag:s16] =	ssyncadd.s32 $0xFFFFFC00  }
0x1fc: {  	_ =	swait.ge [sflag:s8], $0x8000  }
0x1fd: {  	[sflag:s8] =	ssyncset.done $0x0  }
0x1fe: {  	[sflag:s8] =	ssyncadd.s32 $0xFFFF8000  }
0x1ff: {  	[tilespmem:s7], [sflag:$0x3] =	stream.indirect.gather [hbm4b:s3+s9], $0x20, s2, s9, $0xb8;
	[tilespmem:$0x10800] =	vst v63  }
0x200: {  	_ =	swait.ge [sflag:s17], $0x8000  }
0x201: {  	[sflag:s17] =	ssyncset.done $0x0  }
0x202: {  	s1 =	rddreg [dreg:$0xf];
	[sflag:s17] =	ssyncadd.s32 $0xFFFF8000  }
0x203: {  	[tilespmem:s9], [sflag:$0x2] =	stream.linear.gather [hbm4b:s1+s2], $0x400, $0x38;
	[tilespmem:$0x10800] =	vst v63  }
0x204: {  	s4 =	rddreg [dreg:$0x10]  }
0x205: {  	[hbm4b:s4+s2] =	stream.linear.scatter [tilespmem:s15], [sflag:$0x6], $0x8000, $0x38;
	[tilespmem:$0x10800] =	vst v63  }
0x206: {  	_ =	swait.ge [sflag:s23], $0x400  }
0x207: {  	[sflag:s23] =	ssyncset.done $0x0  }
0x208: {  	[sflag:s23] =	ssyncadd.s32 $0xFFFFFC00  }
0x209: {  	_ =	swait.ge [sflag:s10], $0x8000  }
0x20a: {  	[sflag:s10] =	ssyncset.done $0x0  }
0x20b: {  	[sflag:s10] =	ssyncadd.s32 $0xFFFF8000  }
0x20c: {  	[tilespmem:s15], [sflag:$0x4] =	stream.indirect.gather [hbm4b:s3+s9], $0x20, s9, s9, $0xb8;
	[tilespmem:$0x10800] =	vst v63  }
0x20d: {  	_ =	swait.ge [sflag:s11], $0x8000  }
0x20e: {  	[sflag:s11] =	ssyncset.done $0x0  }
0x20f: {  	s1 =	rddreg [dreg:$0x11];
	[sflag:s11] =	ssyncadd.s32 $0xFFFF8000  }
0x210: {  	[tilespmem:s2], [sflag:$0x1] =	stream.linear.gather [hbm4b:s1+s2], $0x400, $0x38;
	[tilespmem:$0x10800] =	vst v63  }
0x211: {  	s4 =	rddreg [dreg:$0x12]  }
0x212: {  	[hbm4b:s4+s2] =	stream.linear.scatter [tilespmem:s7], [sflag:$0x5], $0x8000, $0x38;
	[tilespmem:$0x10800] =	vst v63  }
0x213: {  	_ =	swait.ge [sflag:s16], $0x400  }
0x214: {  	[sflag:s16] =	ssyncset.done $0x0  }
0x215: {  	[sflag:s16] =	ssyncadd.s32 $0xFFFFFC00  }
0x216: {  	_ =	swait.ge [sflag:s8], $0x8000  }
0x217: {  	[sflag:s8] =	ssyncset.done $0x0  }
0x218: {  	[sflag:s8] =	ssyncadd.s32 $0xFFFF8000  }
0x219: {  	[tilespmem:s7], [sflag:$0x3] =	stream.indirect.gather [hbm4b:s3+s9], $0x20, s2, s9, $0xb8;
	[tilespmem:$0x10800] =	vst v63  }
0x21a: {  	_ =	swait.ge [sflag:s17], $0x8000  }
0x21b: {  	[sflag:s17] =	ssyncset.done $0x0  }
0x21c: {  	s1 =	rddreg [dreg:$0x13];
	[sflag:s17] =	ssyncadd.s32 $0xFFFF8000  }
0x21d: {  	[tilespmem:s9], [sflag:$0x2] =	stream.linear.gather [hbm4b:s1+s2], $0x400, $0x38;
	[tilespmem:$0x10800] =	vst v63  }
0x21e: {  	s4 =	rddreg [dreg:$0x14]  }
0x21f: {  	[hbm4b:s4+s2] =	stream.linear.scatter [tilespmem:s15], [sflag:$0x6], $0x8000, $0x38;
	[tilespmem:$0x10800] =	vst v63  }
0x220: {  	_ =	swait.ge [sflag:s23], $0x400  }
0x221: {  	[sflag:s23] =	ssyncset.done $0x0  }
0x222: {  	[sflag:s23] =	ssyncadd.s32 $0xFFFFFC00  }
0x223: {  	_ =	swait.ge [sflag:s10], $0x8000  }
0x224: {  	[sflag:s10] =	ssyncset.done $0x0  }
0x225: {  	[sflag:s10] =	ssyncadd.s32 $0xFFFF8000  }
0x226: {  	[tilespmem:s15], [sflag:$0x4] =	stream.indirect.gather [hbm4b:s3+s9], $0x20, s9, s9, $0xb8;
	[tilespmem:$0x10800] =	vst v63  }
0x227: {  	_ =	swait.ge [sflag:s11], $0x8000  }
0x228: {  	[sflag:s11] =	ssyncset.done $0x0  }
0x229: {  	s1 =	rddreg [dreg:$0x15];
	[sflag:s11] =	ssyncadd.s32 $0xFFFF8000  }
0x22a: {  	[tilespmem:s2], [sflag:$0x1] =	stream.linear.gather [hbm4b:s1+s2], $0x400, $0x38;
	[tilespmem:$0x10800] =	vst v63  }
0x22b: {  	s4 =	rddreg [dreg:$0x16]  }
0x22c: {  	[hbm4b:s4+s2] =	stream.linear.scatter [tilespmem:s7], [sflag:$0x5], $0x8000, $0x38;
	[tilespmem:$0x10800] =	vst v63  }
0x22d: {  	_ =	swait.ge [sflag:s16], $0x400  }
0x22e: {  	[sflag:s16] =	ssyncset.done $0x0  }
0x22f: {  	[sflag:s16] =	ssyncadd.s32 $0xFFFFFC00  }
0x230: {  	_ =	swait.ge [sflag:s8], $0x8000  }
0x231: {  	[sflag:s8] =	ssyncset.done $0x0  }
0x232: {  	[sflag:s8] =	ssyncadd.s32 $0xFFFF8000  }
0x233: {  	[tilespmem:s7], [sflag:$0x3] =	stream.indirect.gather [hbm4b:s3+s9], $0x20, s2, s9, $0xb8;
	[tilespmem:$0x10800] =	vst v63  }
0x234: {  	_ =	swait.ge [sflag:s17], $0x8000  }
0x235: {  	[sflag:s17] =	ssyncset.done $0x0  }
0x236: {  	s1 =	rddreg [dreg:$0x17];
	[sflag:s17] =	ssyncadd.s32 $0xFFFF8000  }
0x237: {  	[tilespmem:s9], [sflag:$0x2] =	stream.linear.gather [hbm4b:s1+s2], $0x400, $0x38;
	[tilespmem:$0x10800] =	vst v63  }
0x238: {  	s4 =	rddreg [dreg:$0x18]  }
0x239: {  	[hbm4b:s4+s2] =	stream.linear.scatter [tilespmem:s15], [sflag:$0x6], $0x8000, $0x38;
	[tilespmem:$0x10800] =	vst v63  }
0x23a: {  	_ =	swait.ge [sflag:s23], $0x400  }
0x23b: {  	[sflag:s23] =	ssyncset.done $0x0  }
0x23c: {  	[sflag:s23] =	ssyncadd.s32 $0xFFFFFC00  }
0x23d: {  	_ =	swait.ge [sflag:s10], $0x8000  }
0x23e: {  	[sflag:s10] =	ssyncset.done $0x0  }
0x23f: {  	[sflag:s10] =	ssyncadd.s32 $0xFFFF8000  }
0x240: {  	[tilespmem:s15], [sflag:$0x4] =	stream.indirect.gather [hbm4b:s3+s9], $0x20, s9, s9, $0xb8;
	[tilespmem:$0x10800] =	vst v63  }
0x241: {  	_ =	swait.ge [sflag:s11], $0x8000  }
0x242: {  	[sflag:s11] =	ssyncset.done $0x0  }
0x243: {  	s1 =	rddreg [dreg:$0x19];
	[sflag:s11] =	ssyncadd.s32 $0xFFFF8000  }
0x244: {  	[tilespmem:s2], [sflag:$0x1] =	stream.linear.gather [hbm4b:s1+s2], $0x400, $0x38;
	[tilespmem:$0x10800] =	vst v63  }
0x245: {  	s4 =	rddreg [dreg:$0x1a]  }
0x246: {  	[hbm4b:s4+s2] =	stream.linear.scatter [tilespmem:s7], [sflag:$0x5], $0x8000, $0x38;
	[tilespmem:$0x10800] =	vst v63  }
0x247: {  	_ =	swait.ge [sflag:s16], $0x400  }
0x248: {  	[sflag:s16] =	ssyncset.done $0x0  }
0x249: {  	[sflag:s16] =	ssyncadd.s32 $0xFFFFFC00  }
0x24a: {  	_ =	swait.ge [sflag:s8], $0x8000  }
0x24b: {  	[sflag:s8] =	ssyncset.done $0x0  }
0x24c: {  	[sflag:s8] =	ssyncadd.s32 $0xFFFF8000  }
0x24d: {  	[tilespmem:s7], [sflag:$0x3] =	stream.indirect.gather [hbm4b:s3+s9], $0x20, s2, s9, $0xb8;
	[tilespmem:$0x10800] =	vst v63  }
0x24e: {  	_ =	swait.ge [sflag:s17], $0x8000  }
0x24f: {  	[sflag:s17] =	ssyncset.done $0x0  }
0x250: {  	s1 =	rddreg [dreg:$0x1b];
	[sflag:s17] =	ssyncadd.s32 $0xFFFF8000  }
0x251: {  	[tilespmem:s9], [sflag:$0x2] =	stream.linear.gather [hbm4b:s1+s2], $0x400, $0x38;
	[tilespmem:$0x10800] =	vst v63  }
0x252: {  	s4 =	rddreg [dreg:$0x1c]  }
0x253: {  	[hbm4b:s4+s2] =	stream.linear.scatter [tilespmem:s15], [sflag:$0x6], $0x8000, $0x38;
	[tilespmem:$0x10800] =	vst v63  }
0x254: {  	_ =	swait.ge [sflag:s23], $0x400  }
0x255: {  	[sflag:s23] =	ssyncset.done $0x0  }
0x256: {  	[sflag:s23] =	ssyncadd.s32 $0xFFFFFC00  }
0x257: {  	_ =	swait.ge [sflag:s10], $0x8000  }
0x258: {  	[sflag:s10] =	ssyncset.done $0x0  }
0x259: {  	[sflag:s10] =	ssyncadd.s32 $0xFFFF8000  }
0x25a: {  	[tilespmem:s15], [sflag:$0x4] =	stream.indirect.gather [hbm4b:s3+s9], $0x20, s9, s9, $0xb8;
	[tilespmem:$0x10800] =	vst v63  }
0x25b: {  	_ =	swait.ge [sflag:s11], $0x8000  }
0x25c: {  	[sflag:s11] =	ssyncset.done $0x0  }
0x25d: {  	s1 =	rddreg [dreg:$0x1d];
	[sflag:s11] =	ssyncadd.s32 $0xFFFF8000  }
0x25e: {  	[tilespmem:s2], [sflag:$0x1] =	stream.linear.gather [hbm4b:s1+s2], $0x400, $0x38;
	[tilespmem:$0x10800] =	vst v63  }
0x25f: {  	s4 =	rddreg [dreg:$0x1e]  }
0x260: {  	[hbm4b:s4+s2] =	stream.linear.scatter [tilespmem:s7], [sflag:$0x5], $0x8000, $0x38;
	[tilespmem:$0x10800] =	vst v63  }
0x261: {  	_ =	swait.ge [sflag:s16], $0x400  }
0x262: {  	[sflag:s16] =	ssyncset.done $0x0  }
0x263: {  	[sflag:s16] =	ssyncadd.s32 $0xFFFFFC00  }
0x264: {  	_ =	swait.ge [sflag:s8], $0x8000  }
0x265: {  	[sflag:s8] =	ssyncset.done $0x0  }
0x266: {  	[sflag:s8] =	ssyncadd.s32 $0xFFFF8000  }
0x267: {  	[tilespmem:s7], [sflag:$0x3] =	stream.indirect.gather [hbm4b:s3+s9], $0x20, s2, s9, $0xb8;
	[tilespmem:$0x10800] =	vst v63  }
0x268: {  	_ =	swait.ge [sflag:s17], $0x8000  }
0x269: {  	s1 =	rddreg [dreg:$0x1f];
	[sflag:s17] =	ssyncset.done $0x0  }
0x26a: {  	s4 =	sld [smem:$0x7F8];
	[sflag:s17] =	ssyncadd.s32 $0xFFFF8000  }
0x26b: {  	[tilespmem:s9], [sflag:$0x2] =	stream.linear.gather [hbm4b:s1+s2], $0x400, $0x38;
	[tilespmem:$0x10800] =	vst v63  }
0x26c: {  	_ = 	snop  }
0x26d: {  	[hbm4b:s4+s2] =	stream.linear.scatter [tilespmem:s15], [sflag:$0x6], $0x8000, $0x38;
	[tilespmem:$0x10800] =	vst v63  }
0x26e: {  	_ =	swait.ge [sflag:s23], $0x400  }
0x26f: {  	[sflag:s23] =	ssyncset.done $0x0  }
0x270: {  	[sflag:s23] =	ssyncadd.s32 $0xFFFFFC00  }
0x271: {  	_ =	swait.ge [sflag:s10], $0x8000  }
0x272: {  	[sflag:s10] =	ssyncset.done $0x0  }
0x273: {  	[sflag:s10] =	ssyncadd.s32 $0xFFFF8000  }
0x274: {  	[tilespmem:s15], [sflag:$0x4] =	stream.indirect.gather [hbm4b:s3+s9], $0x20, s9, s9, $0xb8;
	[tilespmem:$0x10800] =	vst v63  }
0x275: {  	_ =	swait.ge [sflag:s11], $0x8000  }
0x276: {  	s1 =	sld [smem:$0x7F9]  }
0x277: {  	[sflag:s11] =	ssyncset.done $0x0  }
0x278: {  	s4 =	sld [smem:$0x7FA];
	[sflag:s11] =	ssyncadd.s32 $0xFFFF8000  }
0x279: {  	[tilespmem:s2], [sflag:$0x1] =	stream.linear.gather [hbm4b:s1+s2], $0x400, $0x38;
	[tilespmem:$0x10800] =	vst v63  }
0x27a: {  	_ = 	snop  }
0x27b: {  	[hbm4b:s4+s2] =	stream.linear.scatter [tilespmem:s7], [sflag:$0x5], $0x8000, $0x38;
	[tilespmem:$0x10800] =	vst v63  }
0x27c: {  	s4 =	smov.u32 s5  }
0x27d: {  	s5 =	smov.u32 s6;
	s6 =	smov.u32 s12;
	s12 =	smov.u32 s13  }
0x27e: {  	s13 =	smov.u32 s14;
	s14 =	smov.u32 s18;
	s18 =	smov.u32 s19  }
0x27f: {  	s19 =	smov.u32 s20;
	s20 =	smov.u32 s21;
	s21 =	smov.u32 s22  }
0x280: {  	s22 =	smov.u32 s24;
	s24 =	smov.u32 s25;
	s25 =	smov.u32 s26  }
0x281: {  	s26 =	smov.u32 s28;
	s28 =	smov.u32 s29;
	s29 =	smov.u32 s30  }
0x282: {  	s30 =	smov.u32 s31;
	s31 =	sld [smem:$0x7F7];
	_ =	swait.ge [sflag:s16], $0x400  }
0x283: {  	[sflag:s16] =	ssyncset.done $0x0  }
0x284: {  	[sflag:s16] =	ssyncadd.s32 $0xFFFFFC00  }
0x285: {  	_ =	swait.ge [sflag:s8], $0x8000  }
0x286: {  	[sflag:s8] =	ssyncset.done $0x0  }
0x287: {  	[sflag:s8] =	ssyncadd.s32 $0xFFFF8000  }
0x288: {  	[tilespmem:s7], [sflag:$0x3] =	stream.indirect.gather [hbm4b:s3+s9], $0x20, s2, s9, $0xb8;
	[tilespmem:$0x10800] =	vst v63  }
0x289: {  	_ =	swait.ge [sflag:s17], $0x8000  }
0x28a: {  	[sflag:s17] =	ssyncset.done $0x0  }
0x28b: {  	[sflag:s17] =	ssyncadd.s32 $0xFFFF8000  }
0x28c: {  	[tilespmem:s9], [sflag:$0x2] =	stream.linear.gather [hbm4b:s30+s2], $0x400, $0x38;
	[tilespmem:$0x10800] =	vst v63  }
0x28d: {  	_ = 	snop  }
0x28e: {  	[hbm4b:s31+s2] =	stream.linear.scatter [tilespmem:s15], [sflag:$0x6], $0x8000, $0x38;
	[tilespmem:$0x10800] =	vst v63  }
0x28f: {  	_ =	swait.ge [sflag:s23], $0x400  }
0x290: {  	[sflag:s23] =	ssyncset.done $0x0  }
0x291: {  	[sflag:s23] =	ssyncadd.s32 $0xFFFFFC00  }
0x292: {  	_ =	swait.ge [sflag:s10], $0x8000  }
0x293: {  	[sflag:s10] =	ssyncset.done $0x0  }
0x294: {  	[sflag:s10] =	ssyncadd.s32 $0xFFFF8000  }
0x295: {  	[tilespmem:s15], [sflag:$0x4] =	stream.indirect.gather [hbm4b:s3+s9], $0x20, s9, s9, $0xb8;
	[tilespmem:$0x10800] =	vst v63  }
0x296: {  	_ =	swait.ge [sflag:s11], $0x8000  }
0x297: {  	[sflag:s11] =	ssyncset.done $0x0  }
0x298: {  	[sflag:s11] =	ssyncadd.s32 $0xFFFF8000  }
0x299: {  	[tilespmem:s2], [sflag:$0x1] =	stream.linear.gather [hbm4b:s28+s2], $0x400, $0x38;
	[tilespmem:$0x10800] =	vst v63  }
0x29a: {  	_ = 	snop  }
0x29b: {  	[hbm4b:s29+s2] =	stream.linear.scatter [tilespmem:s7], [sflag:$0x5], $0x8000, $0x38;
	[tilespmem:$0x10800] =	vst v63  }
0x29c: {  	_ =	swait.ge [sflag:s16], $0x400  }
0x29d: {  	[sflag:s16] =	ssyncset.done $0x0  }
0x29e: {  	[sflag:s16] =	ssyncadd.s32 $0xFFFFFC00  }
0x29f: {  	_ =	swait.ge [sflag:s8], $0x8000  }
0x2a0: {  	[sflag:s8] =	ssyncset.done $0x0  }
0x2a1: {  	[sflag:s8] =	ssyncadd.s32 $0xFFFF8000  }
0x2a2: {  	[tilespmem:s7], [sflag:$0x3] =	stream.indirect.gather [hbm4b:s3+s9], $0x20, s2, s9, $0xb8;
	[tilespmem:$0x10800] =	vst v63  }
0x2a3: {  	_ =	swait.ge [sflag:s17], $0x8000  }
0x2a4: {  	[sflag:s17] =	ssyncset.done $0x0  }
0x2a5: {  	[sflag:s17] =	ssyncadd.s32 $0xFFFF8000  }
0x2a6: {  	[tilespmem:s9], [sflag:$0x2] =	stream.linear.gather [hbm4b:s25+s2], $0x400, $0x38;
	[tilespmem:$0x10800] =	vst v63  }
0x2a7: {  	_ = 	snop  }
0x2a8: {  	[hbm4b:s26+s2] =	stream.linear.scatter [tilespmem:s15], [sflag:$0x6], $0x8000, $0x38;
	[tilespmem:$0x10800] =	vst v63  }
0x2a9: {  	_ =	swait.ge [sflag:s23], $0x400  }
0x2aa: {  	[sflag:s23] =	ssyncset.done $0x0  }
0x2ab: {  	[sflag:s23] =	ssyncadd.s32 $0xFFFFFC00  }
0x2ac: {  	_ =	swait.ge [sflag:s10], $0x8000  }
0x2ad: {  	[sflag:s10] =	ssyncset.done $0x0  }
0x2ae: {  	[sflag:s10] =	ssyncadd.s32 $0xFFFF8000  }
0x2af: {  	[tilespmem:s15], [sflag:$0x4] =	stream.indirect.gather [hbm4b:s3+s9], $0x20, s9, s9, $0xb8;
	[tilespmem:$0x10800] =	vst v63  }
0x2b0: {  	_ =	swait.ge [sflag:s11], $0x8000  }
0x2b1: {  	[sflag:s11] =	ssyncset.done $0x0  }
0x2b2: {  	[sflag:s11] =	ssyncadd.s32 $0xFFFF8000  }
0x2b3: {  	[tilespmem:s2], [sflag:$0x1] =	stream.linear.gather [hbm4b:s22+s2], $0x400, $0x38;
	[tilespmem:$0x10800] =	vst v63  }
0x2b4: {  	_ = 	snop  }
0x2b5: {  	[hbm4b:s24+s2] =	stream.linear.scatter [tilespmem:s7], [sflag:$0x5], $0x8000, $0x38;
	[tilespmem:$0x10800] =	vst v63  }
0x2b6: {  	_ =	swait.ge [sflag:s16], $0x400  }
0x2b7: {  	[sflag:s16] =	ssyncset.done $0x0  }
0x2b8: {  	[sflag:s16] =	ssyncadd.s32 $0xFFFFFC00  }
0x2b9: {  	_ =	swait.ge [sflag:s8], $0x8000  }
0x2ba: {  	[sflag:s8] =	ssyncset.done $0x0  }
0x2bb: {  	[sflag:s8] =	ssyncadd.s32 $0xFFFF8000  }
0x2bc: {  	[tilespmem:s7], [sflag:$0x3] =	stream.indirect.gather [hbm4b:s3+s9], $0x20, s2, s9, $0xb8;
	[tilespmem:$0x10800] =	vst v63  }
0x2bd: {  	_ =	swait.ge [sflag:s17], $0x8000  }
0x2be: {  	[sflag:s17] =	ssyncset.done $0x0  }
0x2bf: {  	[sflag:s17] =	ssyncadd.s32 $0xFFFF8000  }
0x2c0: {  	[tilespmem:s9], [sflag:$0x2] =	stream.linear.gather [hbm4b:s20+s2], $0x400, $0x38;
	[tilespmem:$0x10800] =	vst v63  }
0x2c1: {  	_ = 	snop  }
0x2c2: {  	[hbm4b:s21+s2] =	stream.linear.scatter [tilespmem:s15], [sflag:$0x6], $0x8000, $0x38;
	[tilespmem:$0x10800] =	vst v63  }
0x2c3: {  	_ =	swait.ge [sflag:s23], $0x400  }
0x2c4: {  	[sflag:s23] =	ssyncset.done $0x0  }
0x2c5: {  	[sflag:s23] =	ssyncadd.s32 $0xFFFFFC00  }
0x2c6: {  	_ =	swait.ge [sflag:s10], $0x8000  }
0x2c7: {  	[sflag:s10] =	ssyncset.done $0x0  }
0x2c8: {  	[sflag:s10] =	ssyncadd.s32 $0xFFFF8000  }
0x2c9: {  	[tilespmem:s15], [sflag:$0x4] =	stream.indirect.gather [hbm4b:s3+s9], $0x20, s9, s9, $0xb8;
	[tilespmem:$0x10800] =	vst v63  }
0x2ca: {  	_ =	swait.ge [sflag:s11], $0x8000  }
0x2cb: {  	[sflag:s11] =	ssyncset.done $0x0  }
0x2cc: {  	[sflag:s11] =	ssyncadd.s32 $0xFFFF8000  }
0x2cd: {  	[tilespmem:s2], [sflag:$0x1] =	stream.linear.gather [hbm4b:s18+s2], $0x400, $0x38;
	[tilespmem:$0x10800] =	vst v63  }
0x2ce: {  	_ = 	snop  }
0x2cf: {  	[hbm4b:s19+s2] =	stream.linear.scatter [tilespmem:s7], [sflag:$0x5], $0x8000, $0x38;
	[tilespmem:$0x10800] =	vst v63  }
0x2d0: {  	_ =	swait.ge [sflag:s16], $0x400  }
0x2d1: {  	[sflag:s16] =	ssyncset.done $0x0  }
0x2d2: {  	[sflag:s16] =	ssyncadd.s32 $0xFFFFFC00  }
0x2d3: {  	_ =	swait.ge [sflag:s8], $0x8000  }
0x2d4: {  	[sflag:s8] =	ssyncset.done $0x0  }
0x2d5: {  	[sflag:s8] =	ssyncadd.s32 $0xFFFF8000  }
0x2d6: {  	[tilespmem:s7], [sflag:$0x3] =	stream.indirect.gather [hbm4b:s3+s9], $0x20, s2, s9, $0xb8;
	[tilespmem:$0x10800] =	vst v63  }
0x2d7: {  	_ =	swait.ge [sflag:s17], $0x8000  }
0x2d8: {  	[sflag:s17] =	ssyncset.done $0x0  }
0x2d9: {  	[sflag:s17] =	ssyncadd.s32 $0xFFFF8000  }
0x2da: {  	[tilespmem:s9], [sflag:$0x2] =	stream.linear.gather [hbm4b:s13+s2], $0x400, $0x38;
	[tilespmem:$0x10800] =	vst v63  }
0x2db: {  	_ = 	snop  }
0x2dc: {  	[hbm4b:s14+s2] =	stream.linear.scatter [tilespmem:s15], [sflag:$0x6], $0x8000, $0x38;
	[tilespmem:$0x10800] =	vst v63  }
0x2dd: {  	_ =	swait.ge [sflag:s23], $0x400  }
0x2de: {  	[sflag:s23] =	ssyncset.done $0x0  }
0x2df: {  	[sflag:s23] =	ssyncadd.s32 $0xFFFFFC00  }
0x2e0: {  	_ =	swait.ge [sflag:s10], $0x8000  }
0x2e1: {  	[sflag:s10] =	ssyncset.done $0x0  }
0x2e2: {  	[sflag:s10] =	ssyncadd.s32 $0xFFFF8000  }
0x2e3: {  	[tilespmem:s15], [sflag:$0x4] =	stream.indirect.gather [hbm4b:s3+s9], $0x20, s9, s9, $0xb8;
	[tilespmem:$0x10800] =	vst v63  }
0x2e4: {  	_ =	swait.ge [sflag:s11], $0x8000  }
0x2e5: {  	[sflag:s11] =	ssyncset.done $0x0  }
0x2e6: {  	[sflag:s11] =	ssyncadd.s32 $0xFFFF8000  }
0x2e7: {  	[tilespmem:s2], [sflag:$0x1] =	stream.linear.gather [hbm4b:s6+s2], $0x400, $0x38;
	[tilespmem:$0x10800] =	vst v63  }
0x2e8: {  	_ = 	snop  }
0x2e9: {  	[hbm4b:s12+s2] =	stream.linear.scatter [tilespmem:s7], [sflag:$0x5], $0x8000, $0x38;
	[tilespmem:$0x10800] =	vst v63  }
0x2ea: {  	_ =	swait.ge [sflag:s16], $0x400  }
0x2eb: {  	[sflag:s16] =	ssyncset.done $0x0  }
0x2ec: {  	[sflag:s16] =	ssyncadd.s32 $0xFFFFFC00  }
0x2ed: {  	_ =	swait.ge [sflag:s8], $0x8000  }
0x2ee: {  	[sflag:s8] =	ssyncset.done $0x0  }
0x2ef: {  	[sflag:s8] =	ssyncadd.s32 $0xFFFF8000  }
0x2f0: {  	[tilespmem:s7], [sflag:$0x3] =	stream.indirect.gather [hbm4b:s3+s9], $0x20, s2, s9, $0xb8;
	[tilespmem:$0x10800] =	vst v63  }
0x2f1: {  	_ =	swait.ge [sflag:s17], $0x8000  }
0x2f2: {  	[sflag:s17] =	ssyncset.done $0x0  }
0x2f3: {  	[sflag:s17] =	ssyncadd.s32 $0xFFFF8000  }
0x2f4: {  	[hbm4b:s5+s2] =	stream.linear.scatter [tilespmem:s15], [sflag:$0x6], $0x8000, $0x38;
	[tilespmem:$0x10800] =	vst v63  }
0x2f5: {  	_ =	swait.ge [sflag:s11], $0x8000  }
0x2f6: {  	[sflag:s11] =	ssyncset.done $0x0  }
0x2f7: {  	p1 =	sne.s32 s0, $0x1;
	[sflag:s11] =	ssyncadd.s32 $0xFFFF8000  }
0x2f8: {  	[hbm4b:s4+s2] =	stream.linear.scatter [tilespmem:s7], [sflag:$0x5], $0x8000, $0x38;
	[tilespmem:$0x10800] =	vst v63  }
.Ltmp2:
0x2f9: {  	_ =	swait.ge [sflag:s10], $0x8000;
	(pc) =	sbr.rel @p1 .LBB2_2-.Ltmp2, $4  }
0x2fa: {  	[sflag:s10] =	ssyncset.done $0x0  }
0x2fb: {  	[sflag:s10] =	ssyncadd.s32 $0xFFFF8000  }
0x2fc: {  	_ =	swait.ge [sflag:s8], $0x8000  }
0x2fd: {  	s0 =	sadd.s32 $0xFFFFFFFF, s0;
	s1 =	rddreg [dreg:$0x3];
	[sflag:s8] =	ssyncset.done $0x0  }
.LBB2_3:
0x2fe: {  	[sflag:s8] =	ssyncadd.s32 @p0 $0xFFFF8000  }
0x2ff: {  	[tilespmem:s2], [sflag:$0x1] =	stream.linear.gather [hbm4b:s1+s2], $0x400, $0x38;
	[tilespmem:$0x10800] =	vst v63  }
0x300: {  	s0 =	rddreg [dreg:$0x4]  }
0x301: {  	[tilespmem:s9], [sflag:$0x2] =	stream.linear.gather [hbm4b:s0+s2], $0x400, $0x38;
	[tilespmem:$0x10800] =	vst v63  }
0x302: {  	_ =	swait.ge [sflag:s16], $0x400  }
0x303: {  	[sflag:s16] =	ssyncset.done $0x0  }
0x304: {  	[sflag:s16] =	ssyncadd.s32 $0xFFFFFC00  }
0x305: {  	[tilespmem:s7], [sflag:$0x3] =	stream.indirect.gather [hbm4b:s3+s9], $0x20, s2, s9, $0xb8;
	[tilespmem:$0x10800] =	vst v63  }
0x306: {  	_ =	swait.ge [sflag:s23], $0x400  }
0x307: {  	[sflag:s23] =	ssyncset.done $0x0  }
0x308: {  	[sflag:s23] =	ssyncadd.s32 $0xFFFFFC00  }
0x309: {  	[tilespmem:s15], [sflag:$0x4] =	stream.indirect.gather [hbm4b:s3+s9], $0x20, s9, s9, $0xb8;
	[tilespmem:$0x10800] =	vst v63  }
0x30a: {  	_ =	swait.ge [sflag:s11], $0x8000  }
0x30b: {  	[sflag:s11] =	ssyncset.done $0x0  }
0x30c: {  	s0 =	rddreg [dreg:$0x5];
	[sflag:s11] =	ssyncadd.s32 $0xFFFF8000  }
0x30d: {  	[tilespmem:s2], [sflag:$0x1] =	stream.linear.gather [hbm4b:s0+s2], $0x400, $0x38;
	[tilespmem:$0x10800] =	vst v63  }
0x30e: {  	s1 =	rddreg [dreg:$0x6]  }
0x30f: {  	[hbm4b:s1+s2] =	stream.linear.scatter [tilespmem:s7], [sflag:$0x5], $0x8000, $0x38;
	[tilespmem:$0x10800] =	vst v63  }
0x310: {  	_ =	swait.ge [sflag:s16], $0x400  }
0x311: {  	[sflag:s16] =	ssyncset.done $0x0  }
0x312: {  	[sflag:s16] =	ssyncadd.s32 $0xFFFFFC00  }
0x313: {  	_ =	swait.ge [sflag:s8], $0x8000  }
0x314: {  	[sflag:s8] =	ssyncset.done $0x0  }
0x315: {  	[sflag:s8] =	ssyncadd.s32 $0xFFFF8000  }
0x316: {  	[tilespmem:s7], [sflag:$0x3] =	stream.indirect.gather [hbm4b:s3+s9], $0x20, s2, s9, $0xb8;
	[tilespmem:$0x10800] =	vst v63  }
0x317: {  	_ =	swait.ge [sflag:s17], $0x8000  }
0x318: {  	[sflag:s17] =	ssyncset.done $0x0  }
0x319: {  	s0 =	rddreg [dreg:$0x7];
	[sflag:s17] =	ssyncadd.s32 $0xFFFF8000  }
0x31a: {  	[tilespmem:s9], [sflag:$0x2] =	stream.linear.gather [hbm4b:s0+s2], $0x400, $0x38;
	[tilespmem:$0x10800] =	vst v63  }
0x31b: {  	s1 =	rddreg [dreg:$0x8]  }
0x31c: {  	[hbm4b:s1+s2] =	stream.linear.scatter [tilespmem:s15], [sflag:$0x6], $0x8000, $0x38;
	[tilespmem:$0x10800] =	vst v63  }
0x31d: {  	_ =	swait.ge [sflag:s23], $0x400  }
0x31e: {  	[sflag:s23] =	ssyncset.done $0x0  }
0x31f: {  	[sflag:s23] =	ssyncadd.s32 $0xFFFFFC00  }
0x320: {  	_ =	swait.ge [sflag:s10], $0x8000  }
0x321: {  	[sflag:s10] =	ssyncset.done $0x0  }
0x322: {  	[sflag:s10] =	ssyncadd.s32 $0xFFFF8000  }
0x323: {  	[tilespmem:s15], [sflag:$0x4] =	stream.indirect.gather [hbm4b:s3+s9], $0x20, s9, s9, $0xb8;
	[tilespmem:$0x10800] =	vst v63  }
0x324: {  	_ =	swait.ge [sflag:s11], $0x8000  }
0x325: {  	[sflag:s11] =	ssyncset.done $0x0  }
0x326: {  	s0 =	rddreg [dreg:$0x9];
	[sflag:s11] =	ssyncadd.s32 $0xFFFF8000  }
0x327: {  	[tilespmem:s2], [sflag:$0x1] =	stream.linear.gather [hbm4b:s0+s2], $0x400, $0x38;
	[tilespmem:$0x10800] =	vst v63  }
0x328: {  	s1 =	rddreg [dreg:$0xa]  }
0x329: {  	[hbm4b:s1+s2] =	stream.linear.scatter [tilespmem:s7], [sflag:$0x5], $0x8000, $0x38;
	[tilespmem:$0x10800] =	vst v63  }
0x32a: {  	_ =	swait.ge [sflag:s16], $0x400  }
0x32b: {  	[sflag:s16] =	ssyncset.done $0x0  }
0x32c: {  	[sflag:s16] =	ssyncadd.s32 $0xFFFFFC00  }
0x32d: {  	_ =	swait.ge [sflag:s8], $0x8000  }
0x32e: {  	[sflag:s8] =	ssyncset.done $0x0  }
0x32f: {  	[sflag:s8] =	ssyncadd.s32 $0xFFFF8000  }
0x330: {  	[tilespmem:s7], [sflag:$0x3] =	stream.indirect.gather [hbm4b:s3+s9], $0x20, s2, s9, $0xb8;
	[tilespmem:$0x10800] =	vst v63  }
0x331: {  	_ =	swait.ge [sflag:s17], $0x8000  }
0x332: {  	[sflag:s17] =	ssyncset.done $0x0  }
0x333: {  	s0 =	rddreg [dreg:$0xb];
	[sflag:s17] =	ssyncadd.s32 $0xFFFF8000  }
0x334: {  	[tilespmem:s9], [sflag:$0x2] =	stream.linear.gather [hbm4b:s0+s2], $0x400, $0x38;
	[tilespmem:$0x10800] =	vst v63  }
0x335: {  	s1 =	rddreg [dreg:$0xc]  }
0x336: {  	[hbm4b:s1+s2] =	stream.linear.scatter [tilespmem:s15], [sflag:$0x6], $0x8000, $0x38;
	[tilespmem:$0x10800] =	vst v63  }
0x337: {  	_ =	swait.ge [sflag:s23], $0x400  }
0x338: {  	[sflag:s23] =	ssyncset.done $0x0  }
0x339: {  	[sflag:s23] =	ssyncadd.s32 $0xFFFFFC00  }
0x33a: {  	_ =	swait.ge [sflag:s10], $0x8000  }
0x33b: {  	[sflag:s10] =	ssyncset.done $0x0  }
0x33c: {  	[sflag:s10] =	ssyncadd.s32 $0xFFFF8000  }
0x33d: {  	[tilespmem:s15], [sflag:$0x4] =	stream.indirect.gather [hbm4b:s3+s9], $0x20, s9, s9, $0xb8;
	[tilespmem:$0x10800] =	vst v63  }
0x33e: {  	_ =	swait.ge [sflag:s11], $0x8000  }
0x33f: {  	[sflag:s11] =	ssyncset.done $0x0  }
0x340: {  	s0 =	rddreg [dreg:$0xd];
	[sflag:s11] =	ssyncadd.s32 $0xFFFF8000  }
0x341: {  	[tilespmem:s2], [sflag:$0x1] =	stream.linear.gather [hbm4b:s0+s2], $0x400, $0x38;
	[tilespmem:$0x10800] =	vst v63  }
0x342: {  	s1 =	rddreg [dreg:$0xe]  }
0x343: {  	[hbm4b:s1+s2] =	stream.linear.scatter [tilespmem:s7], [sflag:$0x5], $0x8000, $0x38;
	[tilespmem:$0x10800] =	vst v63  }
0x344: {  	_ =	swait.ge [sflag:s16], $0x400  }
0x345: {  	[sflag:s16] =	ssyncset.done $0x0  }
0x346: {  	[sflag:s16] =	ssyncadd.s32 $0xFFFFFC00  }
0x347: {  	_ =	swait.ge [sflag:s8], $0x8000  }
0x348: {  	[sflag:s8] =	ssyncset.done $0x0  }
0x349: {  	[sflag:s8] =	ssyncadd.s32 $0xFFFF8000  }
0x34a: {  	[tilespmem:s7], [sflag:$0x3] =	stream.indirect.gather [hbm4b:s3+s9], $0x20, s2, s9, $0xb8;
	[tilespmem:$0x10800] =	vst v63  }
0x34b: {  	_ =	swait.ge [sflag:s17], $0x8000  }
0x34c: {  	[sflag:s17] =	ssyncset.done $0x0  }
0x34d: {  	s0 =	rddreg [dreg:$0xf];
	[sflag:s17] =	ssyncadd.s32 $0xFFFF8000  }
0x34e: {  	[tilespmem:s9], [sflag:$0x2] =	stream.linear.gather [hbm4b:s0+s2], $0x400, $0x38;
	[tilespmem:$0x10800] =	vst v63  }
0x34f: {  	s1 =	rddreg [dreg:$0x10]  }
0x350: {  	[hbm4b:s1+s2] =	stream.linear.scatter [tilespmem:s15], [sflag:$0x6], $0x8000, $0x38;
	[tilespmem:$0x10800] =	vst v63  }
0x351: {  	_ =	swait.ge [sflag:s23], $0x400  }
0x352: {  	[sflag:s23] =	ssyncset.done $0x0  }
0x353: {  	[sflag:s23] =	ssyncadd.s32 $0xFFFFFC00  }
0x354: {  	_ =	swait.ge [sflag:s10], $0x8000  }
0x355: {  	[sflag:s10] =	ssyncset.done $0x0  }
0x356: {  	[sflag:s10] =	ssyncadd.s32 $0xFFFF8000  }
0x357: {  	[tilespmem:s15], [sflag:$0x4] =	stream.indirect.gather [hbm4b:s3+s9], $0x20, s9, s9, $0xb8;
	[tilespmem:$0x10800] =	vst v63  }
0x358: {  	_ =	swait.ge [sflag:s11], $0x8000  }
0x359: {  	[sflag:s11] =	ssyncset.done $0x0  }
0x35a: {  	s0 =	rddreg [dreg:$0x11];
	[sflag:s11] =	ssyncadd.s32 $0xFFFF8000  }
0x35b: {  	[tilespmem:s2], [sflag:$0x1] =	stream.linear.gather [hbm4b:s0+s2], $0x400, $0x38;
	[tilespmem:$0x10800] =	vst v63  }
0x35c: {  	s1 =	rddreg [dreg:$0x12]  }
0x35d: {  	[hbm4b:s1+s2] =	stream.linear.scatter [tilespmem:s7], [sflag:$0x5], $0x8000, $0x38;
	[tilespmem:$0x10800] =	vst v63  }
0x35e: {  	_ =	swait.ge [sflag:s16], $0x400  }
0x35f: {  	[sflag:s16] =	ssyncset.done $0x0  }
0x360: {  	[sflag:s16] =	ssyncadd.s32 $0xFFFFFC00  }
0x361: {  	_ =	swait.ge [sflag:s8], $0x8000  }
0x362: {  	[sflag:s8] =	ssyncset.done $0x0  }
0x363: {  	[sflag:s8] =	ssyncadd.s32 $0xFFFF8000  }
0x364: {  	[tilespmem:s7], [sflag:$0x3] =	stream.indirect.gather [hbm4b:s3+s9], $0x20, s2, s9, $0xb8;
	[tilespmem:$0x10800] =	vst v63  }
0x365: {  	_ =	swait.ge [sflag:s17], $0x8000  }
0x366: {  	[sflag:s17] =	ssyncset.done $0x0  }
0x367: {  	s0 =	rddreg [dreg:$0x13];
	[sflag:s17] =	ssyncadd.s32 $0xFFFF8000  }
0x368: {  	[tilespmem:s9], [sflag:$0x2] =	stream.linear.gather [hbm4b:s0+s2], $0x400, $0x38;
	[tilespmem:$0x10800] =	vst v63  }
0x369: {  	s1 =	rddreg [dreg:$0x14]  }
0x36a: {  	[hbm4b:s1+s2] =	stream.linear.scatter [tilespmem:s15], [sflag:$0x6], $0x8000, $0x38;
	[tilespmem:$0x10800] =	vst v63  }
0x36b: {  	_ =	swait.ge [sflag:s23], $0x400  }
0x36c: {  	[sflag:s23] =	ssyncset.done $0x0  }
0x36d: {  	[sflag:s23] =	ssyncadd.s32 $0xFFFFFC00  }
0x36e: {  	_ =	swait.ge [sflag:s10], $0x8000  }
0x36f: {  	[sflag:s10] =	ssyncset.done $0x0  }
0x370: {  	[sflag:s10] =	ssyncadd.s32 $0xFFFF8000  }
0x371: {  	[tilespmem:s15], [sflag:$0x4] =	stream.indirect.gather [hbm4b:s3+s9], $0x20, s9, s9, $0xb8;
	[tilespmem:$0x10800] =	vst v63  }
0x372: {  	_ =	swait.ge [sflag:s11], $0x8000  }
0x373: {  	[sflag:s11] =	ssyncset.done $0x0  }
0x374: {  	s0 =	rddreg [dreg:$0x15];
	[sflag:s11] =	ssyncadd.s32 $0xFFFF8000  }
0x375: {  	[tilespmem:s2], [sflag:$0x1] =	stream.linear.gather [hbm4b:s0+s2], $0x400, $0x38;
	[tilespmem:$0x10800] =	vst v63  }
0x376: {  	s1 =	rddreg [dreg:$0x16]  }
0x377: {  	[hbm4b:s1+s2] =	stream.linear.scatter [tilespmem:s7], [sflag:$0x5], $0x8000, $0x38;
	[tilespmem:$0x10800] =	vst v63  }
0x378: {  	_ =	swait.ge [sflag:s16], $0x400  }
0x379: {  	[sflag:s16] =	ssyncset.done $0x0  }
0x37a: {  	[sflag:s16] =	ssyncadd.s32 $0xFFFFFC00  }
0x37b: {  	_ =	swait.ge [sflag:s8], $0x8000  }
0x37c: {  	[sflag:s8] =	ssyncset.done $0x0  }
0x37d: {  	[sflag:s8] =	ssyncadd.s32 $0xFFFF8000  }
0x37e: {  	[tilespmem:s7], [sflag:$0x3] =	stream.indirect.gather [hbm4b:s3+s9], $0x20, s2, s9, $0xb8;
	[tilespmem:$0x10800] =	vst v63  }
0x37f: {  	_ =	swait.ge [sflag:s17], $0x8000  }
0x380: {  	[sflag:s17] =	ssyncset.done $0x0  }
0x381: {  	s0 =	rddreg [dreg:$0x17];
	[sflag:s17] =	ssyncadd.s32 $0xFFFF8000  }
0x382: {  	[tilespmem:s9], [sflag:$0x2] =	stream.linear.gather [hbm4b:s0+s2], $0x400, $0x38;
	[tilespmem:$0x10800] =	vst v63  }
0x383: {  	s1 =	rddreg [dreg:$0x18]  }
0x384: {  	[hbm4b:s1+s2] =	stream.linear.scatter [tilespmem:s15], [sflag:$0x6], $0x8000, $0x38;
	[tilespmem:$0x10800] =	vst v63  }
0x385: {  	_ =	swait.ge [sflag:s23], $0x400  }
0x386: {  	[sflag:s23] =	ssyncset.done $0x0  }
0x387: {  	[sflag:s23] =	ssyncadd.s32 $0xFFFFFC00  }
0x388: {  	_ =	swait.ge [sflag:s10], $0x8000  }
0x389: {  	[sflag:s10] =	ssyncset.done $0x0  }
0x38a: {  	[sflag:s10] =	ssyncadd.s32 $0xFFFF8000  }
0x38b: {  	[tilespmem:s15], [sflag:$0x4] =	stream.indirect.gather [hbm4b:s3+s9], $0x20, s9, s9, $0xb8;
	[tilespmem:$0x10800] =	vst v63  }
0x38c: {  	_ =	swait.ge [sflag:s11], $0x8000  }
0x38d: {  	[sflag:s11] =	ssyncset.done $0x0  }
0x38e: {  	s0 =	rddreg [dreg:$0x19];
	[sflag:s11] =	ssyncadd.s32 $0xFFFF8000  }
0x38f: {  	[tilespmem:s2], [sflag:$0x1] =	stream.linear.gather [hbm4b:s0+s2], $0x400, $0x38;
	[tilespmem:$0x10800] =	vst v63  }
0x390: {  	s1 =	rddreg [dreg:$0x1a]  }
0x391: {  	[hbm4b:s1+s2] =	stream.linear.scatter [tilespmem:s7], [sflag:$0x5], $0x8000, $0x38;
	[tilespmem:$0x10800] =	vst v63  }
0x392: {  	_ =	swait.ge [sflag:s16], $0x400  }
0x393: {  	[sflag:s16] =	ssyncset.done $0x0  }
0x394: {  	[sflag:s16] =	ssyncadd.s32 $0xFFFFFC00  }
0x395: {  	_ =	swait.ge [sflag:s8], $0x8000  }
0x396: {  	[sflag:s8] =	ssyncset.done $0x0  }
0x397: {  	[sflag:s8] =	ssyncadd.s32 $0xFFFF8000  }
0x398: {  	[tilespmem:s7], [sflag:$0x3] =	stream.indirect.gather [hbm4b:s3+s9], $0x20, s2, s9, $0xb8;
	[tilespmem:$0x10800] =	vst v63  }
0x399: {  	_ =	swait.ge [sflag:s17], $0x8000  }
0x39a: {  	[sflag:s17] =	ssyncset.done $0x0  }
0x39b: {  	s0 =	rddreg [dreg:$0x1b];
	[sflag:s17] =	ssyncadd.s32 $0xFFFF8000  }
0x39c: {  	[tilespmem:s9], [sflag:$0x2] =	stream.linear.gather [hbm4b:s0+s2], $0x400, $0x38;
	[tilespmem:$0x10800] =	vst v63  }
0x39d: {  	s1 =	rddreg [dreg:$0x1c]  }
0x39e: {  	[hbm4b:s1+s2] =	stream.linear.scatter [tilespmem:s15], [sflag:$0x6], $0x8000, $0x38;
	[tilespmem:$0x10800] =	vst v63  }
0x39f: {  	_ =	swait.ge [sflag:s23], $0x400  }
0x3a0: {  	[sflag:s23] =	ssyncset.done $0x0  }
0x3a1: {  	[sflag:s23] =	ssyncadd.s32 $0xFFFFFC00  }
0x3a2: {  	_ =	swait.ge [sflag:s10], $0x8000  }
0x3a3: {  	[sflag:s10] =	ssyncset.done $0x0  }
0x3a4: {  	[sflag:s10] =	ssyncadd.s32 $0xFFFF8000  }
0x3a5: {  	[tilespmem:s15], [sflag:$0x4] =	stream.indirect.gather [hbm4b:s3+s9], $0x20, s9, s9, $0xb8;
	[tilespmem:$0x10800] =	vst v63  }
0x3a6: {  	_ =	swait.ge [sflag:s11], $0x8000  }
0x3a7: {  	[sflag:s11] =	ssyncset.done $0x0  }
0x3a8: {  	s0 =	rddreg [dreg:$0x1d];
	[sflag:s11] =	ssyncadd.s32 $0xFFFF8000  }
0x3a9: {  	[tilespmem:s2], [sflag:$0x1] =	stream.linear.gather [hbm4b:s0+s2], $0x400, $0x38;
	[tilespmem:$0x10800] =	vst v63  }
0x3aa: {  	s1 =	rddreg [dreg:$0x1e]  }
0x3ab: {  	[hbm4b:s1+s2] =	stream.linear.scatter [tilespmem:s7], [sflag:$0x5], $0x8000, $0x38;
	[tilespmem:$0x10800] =	vst v63  }
0x3ac: {  	_ =	swait.ge [sflag:s16], $0x400  }
0x3ad: {  	[sflag:s16] =	ssyncset.done $0x0  }
0x3ae: {  	[sflag:s16] =	ssyncadd.s32 $0xFFFFFC00  }
0x3af: {  	_ =	swait.ge [sflag:s8], $0x8000  }
0x3b0: {  	[sflag:s8] =	ssyncset.done $0x0  }
0x3b1: {  	[sflag:s8] =	ssyncadd.s32 $0xFFFF8000  }
0x3b2: {  	[tilespmem:s7], [sflag:$0x3] =	stream.indirect.gather [hbm4b:s3+s9], $0x20, s2, s9, $0xb8;
	[tilespmem:$0x10800] =	vst v63  }
0x3b3: {  	_ =	swait.ge [sflag:s17], $0x8000  }
0x3b4: {  	s0 =	rddreg [dreg:$0x1f];
	[sflag:s17] =	ssyncset.done $0x0  }
0x3b5: {  	s1 =	sld [smem:$0x7F8];
	[sflag:s17] =	ssyncadd.s32 $0xFFFF8000  }
0x3b6: {  	[tilespmem:s9], [sflag:$0x2] =	stream.linear.gather [hbm4b:s0+s2], $0x400, $0x38;
	[tilespmem:$0x10800] =	vst v63  }
0x3b7: {  	_ = 	snop  }
0x3b8: {  	[hbm4b:s1+s2] =	stream.linear.scatter [tilespmem:s15], [sflag:$0x6], $0x8000, $0x38;
	[tilespmem:$0x10800] =	vst v63  }
0x3b9: {  	_ =	swait.ge [sflag:s23], $0x400  }
0x3ba: {  	[sflag:s23] =	ssyncset.done $0x0  }
0x3bb: {  	[sflag:s23] =	ssyncadd.s32 $0xFFFFFC00  }
0x3bc: {  	_ =	swait.ge [sflag:s10], $0x8000  }
0x3bd: {  	[sflag:s10] =	ssyncset.done $0x0  }
0x3be: {  	[sflag:s10] =	ssyncadd.s32 $0xFFFF8000  }
0x3bf: {  	[tilespmem:s15], [sflag:$0x4] =	stream.indirect.gather [hbm4b:s3+s9], $0x20, s9, s9, $0xb8;
	[tilespmem:$0x10800] =	vst v63  }
0x3c0: {  	_ =	swait.ge [sflag:s11], $0x8000  }
0x3c1: {  	s0 =	sld [smem:$0x7F9]  }
0x3c2: {  	[sflag:s11] =	ssyncset.done $0x0  }
0x3c3: {  	s1 =	sld [smem:$0x7FA];
	[sflag:s11] =	ssyncadd.s32 $0xFFFF8000  }
0x3c4: {  	[tilespmem:s2], [sflag:$0x1] =	stream.linear.gather [hbm4b:s0+s2], $0x400, $0x38;
	[tilespmem:$0x10800] =	vst v63  }
0x3c5: {  	_ = 	snop  }
0x3c6: {  	[hbm4b:s1+s2] =	stream.linear.scatter [tilespmem:s7], [sflag:$0x5], $0x8000, $0x38;
	[tilespmem:$0x10800] =	vst v63  }
0x3c7: {  	_ =	swait.ge [sflag:s16], $0x400  }
0x3c8: {  	[sflag:s16] =	ssyncset.done $0x0  }
0x3c9: {  	[sflag:s16] =	ssyncadd.s32 $0xFFFFFC00  }
0x3ca: {  	_ =	swait.ge [sflag:s8], $0x8000  }
0x3cb: {  	[sflag:s8] =	ssyncset.done $0x0  }
0x3cc: {  	[sflag:s8] =	ssyncadd.s32 $0xFFFF8000  }
0x3cd: {  	[tilespmem:s7], [sflag:$0x3] =	stream.indirect.gather [hbm4b:s3+s9], $0x20, s2, s9, $0xb8;
	[tilespmem:$0x10800] =	vst v63  }
0x3ce: {  	_ =	swait.ge [sflag:s17], $0x8000  }
0x3cf: {  	[sflag:s17] =	ssyncset.done $0x0  }
0x3d0: {  	[sflag:s17] =	ssyncadd.s32 $0xFFFF8000  }
0x3d1: {  	[tilespmem:s9], [sflag:$0x2] =	stream.linear.gather [hbm4b:s30+s2], $0x400, $0x38;
	[tilespmem:$0x10800] =	vst v63  }
0x3d2: {  	_ = 	snop  }
0x3d3: {  	[hbm4b:s31+s2] =	stream.linear.scatter [tilespmem:s15], [sflag:$0x6], $0x8000, $0x38;
	[tilespmem:$0x10800] =	vst v63  }
0x3d4: {  	_ =	swait.ge [sflag:s23], $0x400  }
0x3d5: {  	[sflag:s23] =	ssyncset.done $0x0  }
0x3d6: {  	[sflag:s23] =	ssyncadd.s32 $0xFFFFFC00  }
0x3d7: {  	_ =	swait.ge [sflag:s10], $0x8000  }
0x3d8: {  	[sflag:s10] =	ssyncset.done $0x0  }
0x3d9: {  	[sflag:s10] =	ssyncadd.s32 $0xFFFF8000  }
0x3da: {  	[tilespmem:s15], [sflag:$0x4] =	stream.indirect.gather [hbm4b:s3+s9], $0x20, s9, s9, $0xb8;
	[tilespmem:$0x10800] =	vst v63  }
0x3db: {  	_ =	swait.ge [sflag:s11], $0x8000  }
0x3dc: {  	[sflag:s11] =	ssyncset.done $0x0  }
0x3dd: {  	[sflag:s11] =	ssyncadd.s32 $0xFFFF8000  }
0x3de: {  	[tilespmem:s2], [sflag:$0x1] =	stream.linear.gather [hbm4b:s28+s2], $0x400, $0x38;
	[tilespmem:$0x10800] =	vst v63  }
0x3df: {  	_ = 	snop  }
0x3e0: {  	[hbm4b:s29+s2] =	stream.linear.scatter [tilespmem:s7], [sflag:$0x5], $0x8000, $0x38;
	[tilespmem:$0x10800] =	vst v63  }
0x3e1: {  	_ =	swait.ge [sflag:s16], $0x400  }
0x3e2: {  	[sflag:s16] =	ssyncset.done $0x0  }
0x3e3: {  	[sflag:s16] =	ssyncadd.s32 $0xFFFFFC00  }
0x3e4: {  	_ =	swait.ge [sflag:s8], $0x8000  }
0x3e5: {  	[sflag:s8] =	ssyncset.done $0x0  }
0x3e6: {  	[sflag:s8] =	ssyncadd.s32 $0xFFFF8000  }
0x3e7: {  	[tilespmem:s7], [sflag:$0x3] =	stream.indirect.gather [hbm4b:s3+s9], $0x20, s2, s9, $0xb8;
	[tilespmem:$0x10800] =	vst v63  }
0x3e8: {  	_ =	swait.ge [sflag:s17], $0x8000  }
0x3e9: {  	[sflag:s17] =	ssyncset.done $0x0  }
0x3ea: {  	[sflag:s17] =	ssyncadd.s32 $0xFFFF8000  }
0x3eb: {  	[tilespmem:s9], [sflag:$0x2] =	stream.linear.gather [hbm4b:s25+s2], $0x400, $0x38;
	[tilespmem:$0x10800] =	vst v63  }
0x3ec: {  	_ = 	snop  }
0x3ed: {  	[hbm4b:s26+s2] =	stream.linear.scatter [tilespmem:s15], [sflag:$0x6], $0x8000, $0x38;
	[tilespmem:$0x10800] =	vst v63  }
0x3ee: {  	_ =	swait.ge [sflag:s23], $0x400  }
0x3ef: {  	[sflag:s23] =	ssyncset.done $0x0  }
0x3f0: {  	[sflag:s23] =	ssyncadd.s32 $0xFFFFFC00  }
0x3f1: {  	_ =	swait.ge [sflag:s10], $0x8000  }
0x3f2: {  	[sflag:s10] =	ssyncset.done $0x0  }
0x3f3: {  	[sflag:s10] =	ssyncadd.s32 $0xFFFF8000  }
0x3f4: {  	[tilespmem:s15], [sflag:$0x4] =	stream.indirect.gather [hbm4b:s3+s9], $0x20, s9, s9, $0xb8;
	[tilespmem:$0x10800] =	vst v63  }
0x3f5: {  	_ =	swait.ge [sflag:s11], $0x8000  }
0x3f6: {  	[sflag:s11] =	ssyncset.done $0x0  }
0x3f7: {  	[sflag:s11] =	ssyncadd.s32 $0xFFFF8000  }
0x3f8: {  	[tilespmem:s2], [sflag:$0x1] =	stream.linear.gather [hbm4b:s22+s2], $0x400, $0x38;
	[tilespmem:$0x10800] =	vst v63  }
0x3f9: {  	_ = 	snop  }
0x3fa: {  	[hbm4b:s24+s2] =	stream.linear.scatter [tilespmem:s7], [sflag:$0x5], $0x8000, $0x38;
	[tilespmem:$0x10800] =	vst v63  }
0x3fb: {  	_ =	swait.ge [sflag:s16], $0x400  }
0x3fc: {  	[sflag:s16] =	ssyncset.done $0x0  }
0x3fd: {  	[sflag:s16] =	ssyncadd.s32 $0xFFFFFC00  }
0x3fe: {  	_ =	swait.ge [sflag:s8], $0x8000  }
0x3ff: {  	[sflag:s8] =	ssyncset.done $0x0  }
0x400: {  	[sflag:s8] =	ssyncadd.s32 $0xFFFF8000  }
0x401: {  	[tilespmem:s7], [sflag:$0x3] =	stream.indirect.gather [hbm4b:s3+s9], $0x20, s2, s9, $0xb8;
	[tilespmem:$0x10800] =	vst v63  }
0x402: {  	_ =	swait.ge [sflag:s17], $0x8000  }
0x403: {  	[sflag:s17] =	ssyncset.done $0x0  }
0x404: {  	[sflag:s17] =	ssyncadd.s32 $0xFFFF8000  }
0x405: {  	[tilespmem:s9], [sflag:$0x2] =	stream.linear.gather [hbm4b:s20+s2], $0x400, $0x38;
	[tilespmem:$0x10800] =	vst v63  }
0x406: {  	_ = 	snop  }
0x407: {  	[hbm4b:s21+s2] =	stream.linear.scatter [tilespmem:s15], [sflag:$0x6], $0x8000, $0x38;
	[tilespmem:$0x10800] =	vst v63  }
0x408: {  	_ =	swait.ge [sflag:s23], $0x400  }
0x409: {  	[sflag:s23] =	ssyncset.done $0x0  }
0x40a: {  	[sflag:s23] =	ssyncadd.s32 $0xFFFFFC00  }
0x40b: {  	_ =	swait.ge [sflag:s10], $0x8000  }
0x40c: {  	[sflag:s10] =	ssyncset.done $0x0  }
0x40d: {  	[sflag:s10] =	ssyncadd.s32 $0xFFFF8000  }
0x40e: {  	[tilespmem:s15], [sflag:$0x4] =	stream.indirect.gather [hbm4b:s3+s9], $0x20, s9, s9, $0xb8;
	[tilespmem:$0x10800] =	vst v63  }
0x40f: {  	_ =	swait.ge [sflag:s11], $0x8000  }
0x410: {  	[sflag:s11] =	ssyncset.done $0x0  }
0x411: {  	[sflag:s11] =	ssyncadd.s32 $0xFFFF8000  }
0x412: {  	[tilespmem:s2], [sflag:$0x1] =	stream.linear.gather [hbm4b:s18+s2], $0x400, $0x38;
	[tilespmem:$0x10800] =	vst v63  }
0x413: {  	_ = 	snop  }
0x414: {  	[hbm4b:s19+s2] =	stream.linear.scatter [tilespmem:s7], [sflag:$0x5], $0x8000, $0x38;
	[tilespmem:$0x10800] =	vst v63  }
0x415: {  	_ =	swait.ge [sflag:s16], $0x400  }
0x416: {  	[sflag:s16] =	ssyncset.done $0x0  }
0x417: {  	[sflag:s16] =	ssyncadd.s32 $0xFFFFFC00  }
0x418: {  	_ =	swait.ge [sflag:s8], $0x8000  }
0x419: {  	[sflag:s8] =	ssyncset.done $0x0  }
0x41a: {  	[sflag:s8] =	ssyncadd.s32 $0xFFFF8000  }
0x41b: {  	[tilespmem:s7], [sflag:$0x3] =	stream.indirect.gather [hbm4b:s3+s9], $0x20, s2, s9, $0xb8;
	[tilespmem:$0x10800] =	vst v63  }
0x41c: {  	_ =	swait.ge [sflag:s17], $0x8000  }
0x41d: {  	[sflag:s17] =	ssyncset.done $0x0  }
0x41e: {  	[sflag:s17] =	ssyncadd.s32 $0xFFFF8000  }
0x41f: {  	[tilespmem:s9], [sflag:$0x2] =	stream.linear.gather [hbm4b:s13+s2], $0x400, $0x38;
	[tilespmem:$0x10800] =	vst v63  }
0x420: {  	_ = 	snop  }
0x421: {  	[hbm4b:s14+s2] =	stream.linear.scatter [tilespmem:s15], [sflag:$0x6], $0x8000, $0x38;
	[tilespmem:$0x10800] =	vst v63  }
0x422: {  	_ =	swait.ge [sflag:s23], $0x400  }
0x423: {  	[sflag:s23] =	ssyncset.done $0x0  }
0x424: {  	[sflag:s23] =	ssyncadd.s32 $0xFFFFFC00  }
0x425: {  	_ =	swait.ge [sflag:s10], $0x8000  }
0x426: {  	[sflag:s10] =	ssyncset.done $0x0  }
0x427: {  	[sflag:s10] =	ssyncadd.s32 $0xFFFF8000  }
0x428: {  	[tilespmem:s15], [sflag:$0x4] =	stream.indirect.gather [hbm4b:s3+s9], $0x20, s9, s9, $0xb8;
	[tilespmem:$0x10800] =	vst v63  }
0x429: {  	_ =	swait.ge [sflag:s11], $0x8000  }
0x42a: {  	[sflag:s11] =	ssyncset.done $0x0  }
0x42b: {  	[sflag:s11] =	ssyncadd.s32 $0xFFFF8000  }
0x42c: {  	[tilespmem:s2], [sflag:$0x1] =	stream.linear.gather [hbm4b:s6+s2], $0x400, $0x38;
	[tilespmem:$0x10800] =	vst v63  }
0x42d: {  	_ = 	snop  }
0x42e: {  	[hbm4b:s12+s2] =	stream.linear.scatter [tilespmem:s7], [sflag:$0x5], $0x8000, $0x38;
	[tilespmem:$0x10800] =	vst v63  }
0x42f: {  	_ =	swait.ge [sflag:s16], $0x400  }
0x430: {  	[sflag:s16] =	ssyncset.done $0x0  }
0x431: {  	[sflag:s16] =	ssyncadd.s32 $0xFFFFFC00  }
0x432: {  	_ =	swait.ge [sflag:s8], $0x8000  }
0x433: {  	[sflag:s8] =	ssyncset.done $0x0  }
0x434: {  	[sflag:s8] =	ssyncadd.s32 $0xFFFF8000  }
0x435: {  	[tilespmem:s7], [sflag:$0x3] =	stream.indirect.gather [hbm4b:s3+s9], $0x20, s2, s9, $0xb8;
	[tilespmem:$0x10800] =	vst v63  }
0x436: {  	_ =	swait.ge [sflag:s17], $0x8000  }
0x437: {  	[sflag:s17] =	ssyncset.done $0x0  }
0x438: {  	[sflag:s17] =	ssyncadd.s32 $0xFFFF8000  }
0x439: {  	[hbm4b:s5+s2] =	stream.linear.scatter [tilespmem:s15], [sflag:$0x6], $0x8000, $0x38;
	[tilespmem:$0x10800] =	vst v63  }
0x43a: {  	_ =	swait.ge [sflag:s11], $0x8000  }
0x43b: {  	[sflag:s11] =	ssyncset.done $0x0  }
0x43c: {  	[sflag:s11] =	ssyncadd.s32 $0xFFFF8000  }
0x43d: {  	[hbm4b:s4+s2] =	stream.linear.scatter [tilespmem:s7], [sflag:$0x5], $0x8000, $0x38;
	[tilespmem:$0x10800] =	vst v63  }
0x43e: {  	_ =	swait.ge [sflag:s10], $0x8000  }
0x43f: {  	[sflag:s10] =	ssyncset.done $0x0  }
0x440: {  	[sflag:s10] =	ssyncadd.s32 $0xFFFF8000  }
0x441: {  	_ =	swait.ge [sflag:s8], $0x8000  }
0x442: {  	[sflag:s8] =	ssyncset.done $0x0  }
0x443: {  	[sflag:s8] =	ssyncadd.s32 $0xFFFF8000  }
0x444: {  	_ =	sfence.sel $0x180000  }
0x445: {  	[bflag:$0x0] =	sbarrier.arrive $0xFFFF  }
0x446: {  	_ =	strace $0x90000047  }
0x447: {  	s31 =	stileid.u32;
	[bflag:$0x2] =	sbarrier.arrive $0xFFFF  }
0x448: {  	p0 =	sne.s32 s31, $0x0;
	s0 =	rddreg [dreg:$0x2]  }
0x449: {  	s0 =	sadd.s32 @!p0 $0x100000, s0  }
0x44a: {  	[sflag:s0] =	ssyncadd.tile.s32 @!p0 $0x1;
	_ =	shalt  }
.Lfunc_end2:
_tile_overlayer_lowered:
.L_overlay_start_2:
0x44b: {  	(tag) =	ssettag $0x2  }
0x44c: {  	s0 =	rddreg [dreg:$0x0];
	s2 =	stileid.u32  }
0x44d: {  	s1 =	rddreg [dreg:$0x1];
	p0 =	sne.s32 s2, $0x0  }
0x44e: {  	s3 =	rddreg [dreg:$0x2];
	[bflag:$0x3] =	sbarrier.arrive $0xFFFF;
	s2 =	simm.s32 @!p0 $0x1C07  }
0x44f: {  	[timem:s3], [sflag:s2] =	dma.local @!p0 [hbm:s0], s1  }
0x450: {  	s0 =	simm.s32 @!p0 $0x7  }
0x451: {  	_ =	swait.ge @!p0 [sflag:s0], s1  }
0x452: {  	s1 =	ssub.s32 @!p0 $0x0, s1;
	[sflag:s0] =	ssyncset.done @!p0 $0x0  }
0x453: {  	[sflag:s0] =	ssyncadd.s32 @!p0 s1  }
0x454: {  	[bflag:$0x3] =	sbarrier.arrive $0xFFFF  }
0x455: {  	_ =	shalt  }

// kernel: sparse-core-data-format-call.cloned.1.call-start
scs
called_computation_lowered:
.L_overlay_start_0:
0x0: {  	s2 =	sld [smem:$0x3FD9]  }
0x1: {  	s3 =	sld [smem:$0x3FFE];
	_ =	sdelay $0x1  }
0x2: {  	s1 =	srdreg.scid  }
0x3: {  	s0 =	sand.u32 $0x1, s1  }
0x4: {  	s18 =	sshll.u32 s0, $0xA;
	s2 =	sadd.s32 s3, s2  }
0x5: {  	s2 =	sadd.s32 s2, s18  }
0x6: {  	[smem:$0x3FC6] =	sst s2  }
0x7: {  	_ = 	snop  }
0x8: {  	s2 =	sld [smem:$0x3FD0];
	(tm) =	ssettm $0x1  }
0x9: {  	s19 =	sld [smem:$0x3FFB];
	_ =	sdelay $0x3  }
0xa: {  	_ =	strace s19  }
0xb: {  	s3 =	sld [smem:$0x3FFC];
	_ =	sdelay $0x3  }
0xc: {  	_ =	strace s3  }
0xd: {  	s3 =	sld [smem:$0x3FFD];
	_ =	sdelay $0x3  }
0xe: {  	_ =	strace s3  }
0xf: {  	_ =	strace $0x8FFFFFFF  }
0x10: {  	s20 =	sld [smem:$0x3FDB];
	_ =	sdelay $0x1  }
0x11: {  	s4 =	simm.s32 $_scs_section_size  }
0x12: {  	s5 =	simm.s32 $_size__tile_overlayer_lowered;
	s6 =	simm.s32 $_tile_overlayer_lowered  }
0x13: {  	s23 =	simm.s32 $0x1BFF;
	s22 =	sshll.u32 s6, $0x1;
	s3 =	sadd.s32 s4, s20  }
0x14: {  	s7 =	simm.s32 $0x0;
	s21 =	sshll.u32 s5, $0x1;
	s5 =	sadd.s32 s22, s3  }
0x15: {  	[timem:s7], [sflag:s23] =	dma.local [hbm:s5], s21  }
0x16: {  	_ =	swait.ge [sflag:s23], s21  }
0x17: {  	s4 =	ssub.s32 $0x0, s21;
	[sflag:s23] =	ssyncset.done $0x0  }
0x18: {  	[sflag:s23] =	ssyncadd.s32 s4;
	_ =	sdelay $0x1  }
0x19: {  	s24 =	simm.s32 $0x1B8B  }
0x1a: {  	_ =	swait.ge [sflag:s24], $0x1  }
0x1b: {  	[sflag:s24] =	ssyncset.done $0x0  }
0x1c: {  	s26 =	simm.s32 $0x1B8E;
	s25 =	sld [smem:$0x3FFE];
	[sflag:s24] =	ssyncadd.s32 $0xFFFFFFFF  }
0x1d: {  	s27 =	simm.s32 $execute0_lowered;
	[smem:$0x3FD2] =	sst s26  }
0x1e: {  	s5 =	sshll.u32 s27, $0x1;
	_ =	strace $0x80000049;
	[dreg:$0x1] =	wrdreg $0xFFFFFFFF  }
0x1f: {  	s28 =	simm.s32 $_size_execute0_lowered;
	s3 =	sadd.s32 s3, s5;
	[dreg:$0x0] =	wrdreg $0x0  }
0x20: {  	s5 =	sshll.u32 s28, $0x1;
	[dreg:$0x2] =	wrdreg s3  }
0x21: {  	[dreg:$0x3] =	wrdreg s5  }
0x22: {  	[dreg:$0x4] =	wrdreg $0xC0  }
0x23: {  	_ =	task [dreg:s7], $0x5FFFF  }
0x24: {  	[dreg:$0x1] =	wrdreg $0xFFFFFFFF  }
0x25: {  	[dreg:$0x0] =	wrdreg $0x60  }
0x26: {  	[dreg:$0x2] =	wrdreg s25  }
0x27: {  	[dreg:$0x3] =	wrdreg s2  }
0x28: {  	[dreg:$0x4] =	wrdreg $0x9  }
0x29: {  	_ =	task.clear_ibuf [dreg:s7], $0x5FFFF;
	_ =	strace $0x90000049  }
0x2a: {  	s29 =	simm.s32 $0x9;
	_ =	strace $0x8000004B  }
0x2b: {  	_ =	swait.ge [sflag:s29], $0x1  }
0x2c: {  	[sflag:s29] =	ssyncadd.s32 $0xFFFFFFFF  }
0x2d: {  	_ =	strace $0x9000004B  }
0x2e: {  	_ =	sfence  }
0x2f: {  	s30 =	sld [smem:$0x0];
	_ =	sdelay $0x2  }
0x30: {  	s31 =	sshll.u32 s1, $0xD;
	s1 =	sshrl.u32 s1, $0x2  }
0x31: {  	s3 =	sand.u32 $0x4000, s31;
	s1 =	sadd.s32 s1, s30  }
0x32: {  	s0 =	sor.u32 s3, s0;
	s1 =	sshll.u32 s1, $0x11  }
0x33: {  	s0 =	sor.u32 s1, s0  }
0x34: {  	s0 =	sadd.s32 $0x8F2B, s0  }
0x35: {  	[sflag:s0] =	ssyncadd.remote.s32 $0x1  }
0x36: {  	_ =	sfence.sel $0xFFFF  }
0x37: {  	[dreg:$0x0] =	wrdreg $0xFFFFFFFF;
	(pc) =	sbr.abs _section_cstart, $3  }
0x38: {  	[dreg:$0x1] =	wrdreg $0xFFFFFFFF  }
0x39: {  	_ =	task.clear_ibuf [dreg:s7], $0x2FFFF;
	_ =	strace $0x9FFFFFFF  }
0x3a: {  	(tm) =	ssettm $0x7FFFFFFF  }
0x3b: {  	_ =	shalt  }
tec
execute0_lowered:
.L_overlay_start_1:
0x0: {  	(tag) =	ssettag $0x1  }
0x1: {  	s0 =	srdreg.scid;
	s5 =	rddreg [dreg:$0x0]  }
0x2: {  	s2 =	rddreg [dreg:$0x1];
	s1 =	sshll.u32 s0, $0x4  }
0x3: {  	s9 =	simm.s32 $0x2;
	s0 =	stileid.u32;
	s1 =	sand.u32 $0x10, s1  }
0x4: {  	s15 =	simm.s32 $0x0;
	s11 =	simm.s32 $0x400;
	s4 =	sor.u32 s0, s1  }
0x5: {  	s12 =	simm.s32 $0x8000;
	s16 =	simm.s32 $0x0;
	s3 =	sshll.u32 s4, $0x7  }
0x6: {  	s13 =	simm.s32 $0x0;
	s1 =	rddreg [dreg:$0x2];
	s6 =	ssub.s32 $0x1000, s3  }
0x7: {  	_ =	strace $0x8000004A;
	s8 =	sshll.u32 s4, $0xB;
	s7 =	sand.u32 $0xF80, s6  }
0x8: {  	s4 =	simm.s32 $0x1;
	p0 =	sne.s32 s7, $0x0;
	s7 =	simm.s32 $0x1  }
.Ltmp0:
0x9: {  	s6 =	sshrl.u32 s6, $0xC;
	s7 =	simm.s32 @!p0 $0x0;
	(pc) =	sbr.rel .LBB1_1-.Ltmp0, $4  }
0xa: {  	s14 =	simm.s32 $0x0;
	[sflag:s4] =	ssyncpa.u1 $0x0;
	s6 =	sadd.s32 s7, s6  }
0xb: {  	s10 =	sadd.s32 s8, s5;
	[sflag:s9] =	ssyncpa.u1 $0x0;
	s5 =	smul.u32 $0x32, s6  }
0xc: {  	s8 =	sadd.s32 $0x20A00, s10;
	s9 =	sadd.s32 $0x30A00, s10;
	p0 =	por $0x0, $0x0  }
0xd: {  	s7 =	sadd.s32 $0x10A00, s10;
	s6 =	sadd.s32 $0xA00, s10;
	s10 =	sor.u32 $0x1, s5  }
.LBB1_7:
0xe: {  	s17 =	sadd.s32 $0x4, s13  }
0xf: {  	p2 =	sgt.s32 s17, $0xC7  }
0x10: {  	s17 =	simm.s32 @p2 $0x0;
	p2 =	sne.s32 s14, s10  }
.Ltmp1:
0x11: {  	p1 =	slt.u32 s14, $0x2;
	(pc) =	sbr.rel @!p2 .LBB1_8-.Ltmp1, $4  }
0x12: {  	s15 =	simm.s32 @!p1 $0x2  }
0x13: {  	s18 =	sadd.s32 $0x1, s14;
	s16 =	smov.u32 s13;
	_ =	swait.ge @!p1 [sflag:s15], $0x4000  }
0x14: {  	p0 =	por !p0, !p0;
	s14 =	smov.u32 s18;
	[sflag:s15] =	ssyncset.done @!p1 $0x0  }
0x15: {  	s13 =	smov.u32 s17;
	[sflag:s15] =	ssyncadd.s32 @!p1 $0xFFFFC000;
	s15 =	smov.u32 s3  }
.LBB1_1:
0x16: {  	p1 =	sge.u32 s14, s5  }
0x17: {  	s17 =	sxor.u32 @!p1 $0xFFFFFFFF, s14  }
0x18: {  	s18 =	sshll.u32 @!p1 s13, $0x10;
	s20 =	simm.s32 @!p1 $0x20;
	s17 =	sshll.u32 @!p1 s17, $0xE  }
0x19: {  	s21 =	simm.s32 @!p1 $0x80;
	s19 =	sadd.s32 @!p1 s18, s6;
	s17 =	sand.u32 @!p1 $0x4000, s17  }
0x1a: {  	[tilespmem:s17], [sflag:$0x1] =	stream.strided.gather @!p1 [hbm4b:s19+s20], $0x1000, s21, s20, $0x38;
	[tilespmem:$0x10100] =	vst v63  }
0x1b: {  	s19 =	sadd.s32 @!p1 s18, s7;
	s22 =	sor.u32 @!p1 $0x1000, s17  }
0x1c: {  	[tilespmem:s22], [sflag:$0x1] =	stream.strided.gather @!p1 [hbm4b:s19+s20], $0x1000, s21, s20, $0x38;
	[tilespmem:$0x10100] =	vst v63  }
0x1d: {  	s19 =	sadd.s32 @!p1 s18, s8;
	s22 =	sor.u32 @!p1 $0x2000, s17  }
0x1e: {  	[tilespmem:s22], [sflag:$0x1] =	stream.strided.gather @!p1 [hbm4b:s19+s20], $0x1000, s21, s20, $0x38;
	[tilespmem:$0x10100] =	vst v63  }
0x1f: {  	s31 =	sadd.s32 $0xFFFFFFFF, s14;
	s18 =	sadd.s32 @!p1 s18, s9;
	s17 =	sor.u32 @!p1 $0x3000, s17  }
0x20: {  	[tilespmem:s17], [sflag:$0x1] =	stream.strided.gather @!p1 [hbm4b:s18+s20], $0x1000, s21, s20, $0x38;
	[tilespmem:$0x10100] =	vst v63  }
0x21: {  	p1 =	sge.u32 s31, s5  }
.Ltmp2:
0x22: {  	_ = 	snop;
	(pc) =	sbr.rel @p1 .LBB1_7-.Ltmp2, $1  }
0x23: {  	_ =	sdelay $0x3  }
0x24: {  	s18 =	simm.s32 $0x1;
	s19 =	sand.u32 $0x1, s14  }
0x25: {  	_ =	swait.ge [sflag:s4], $0x4000;
	s18 =	simm.s32 @!p0 $0x0;
	s20 =	smul.u32 $0x10200, s19  }
0x26: {  	[sflag:s4] =	ssyncset.done $0x0;
	s17 =	smul.u32 $0x10200, s18  }
0x27: {  	s18 =	sshll.u32 s18, $0xE;
	[sflag:s4] =	ssyncadd.s32 $0xFFFFC000  }
0x28: {  	s19 =	sor.u32 $0x10, s18;
	s31 =	sshrl.u32 s20, $0x2;
	s17 =	sshrl.u32 s17, $0x2  }
0x29: {  	s20 =	simm.s32 $0x0;
	s18 =	sor.u32 $0x8000, s31;
	s17 =	sor.u32 $0x8000, s17  }
.LBB1_3:
0x2a: {  	v1 =	vld [tilespmem:s19+$0x0]  }
0x2b: {  	v0 =	vld [tilespmem:s19+$0xFFFFFFF0];
	_ =	sdelay $0x2  }
0x2c: {  	s23 =	sadd.s32 $0x0, s17  }
0x2d: {  	s21 =	simm.s32 $0x4;
	s22 =	sadd.s32 $0x20, s19;
	[tilespmem:s23+$0x810 ss:$0x81] =	vst.msk $0xffff, v1  }
.LBB1_4:
0x2e: {  	v1 =	vld [tilespmem:s22+$0x0];
	p1 =	sne.s32 s21, $0x1FC;
	[tilespmem:s23+$0x0 ss:$0x81] =	vst.msk $0xffff, v0;
	s23 =	smov.u32 s21;
	s21 =	sadd.s32 $0x4, s21  }
.Ltmp3:
0x2f: {  	v0 =	vld [tilespmem:s22+$0xFFFFFFF0];
	(pc) =	sbr.rel @p1 .LBB1_4-.Ltmp3, $4  }
0x30: {  	_ = 	snop  }
0x31: {  	s23 =	sshra.s32 s23, $0x2  }
0x32: {  	s23 =	sadd.s32 s23, s17  }
0x33: {  	s22 =	sadd.s32 $0x20, s22;
	[tilespmem:s23+$0x810 ss:$0x81] =	vst.msk $0xffff, v1  }
0x34: {  	s20 =	sadd.s32 $0x1, s20  }
0x35: {  	p1 =	sne.s32 s20, $0x4  }
.Ltmp4:
0x36: {  	_ = 	snop;
	(pc) =	sbr.rel @p1 .LBB1_3-.Ltmp4, $2  }
0x37: {  	_ =	sdelay $0x2  }
0x38: {  	[tilespmem:s23+$0x0 ss:$0x81] =	vst.msk $0xffff, v0;
	s17 =	sadd.s32 $0x1020, s17;
	s19 =	sadd.s32 $0x1000, s19  }
.Ltmp5:
0x39: {  	(pc) =	sbr.rel .LBB1_7-.Ltmp5, $4  }
0x3a: {  	s16 =	sshll.u32 s16, $0xE  }
0x3b: {  	s16 =	sadd.s32 s2, s16  }
0x3c: {  	s15 =	sadd.s32 s15, s16  }
0x3d: {  	[hbm4b:s15+s11] =	stream.strided.scatter [tilespmem:s18], [sflag:$0x2], $0x4000, s12, s11, $0x20;
	[tilespmem:$0x10100] =	vst v63  }
.LBB1_8:
0x3e: {  	_ =	sfence.sel $0x180000  }
0x3f: {  	s2 =	simm.s32 $0x1;
	[bflag:$0x0] =	sbarrier.arrive $0xFFFF  }
0x40: {  	s31 =	simm.s32 $0x2;
	[sflag:s2] =	ssyncpa.u1 $0x1  }
0x41: {  	[sflag:s31] =	ssyncpa.u1 $0x1  }
0x42: {  	p0 =	sne.s32 s0, $0x0;
	_ =	strace $0x9000004A  }
0x43: {  	s0 =	sadd.s32 @!p0 $0x100000, s1;
	[bflag:$0x2] =	sbarrier.arrive $0xFFFF  }
0x44: {  	[sflag:s0] =	ssyncadd.tile.s32 @!p0 $0x1;
	_ =	shalt  }
.Lfunc_end1:
_tile_overlayer_lowered:
.L_overlay_start_2:
0x45: {  	(tag) =	ssettag $0x2  }
0x46: {  	s0 =	rddreg [dreg:$0x0];
	s2 =	stileid.u32  }
0x47: {  	s1 =	rddreg [dreg:$0x1];
	p0 =	sne.s32 s2, $0x0  }
0x48: {  	s3 =	rddreg [dreg:$0x2];
	[bflag:$0x3] =	sbarrier.arrive $0xFFFF;
	s2 =	simm.s32 @!p0 $0x1C01  }
0x49: {  	[timem:s3], [sflag:s2] =	dma.local @!p0 [hbm:s0], s1  }
0x4a: {  	s0 =	simm.s32 @!p0 $0x1  }
0x4b: {  	_ =	swait.ge @!p0 [sflag:s0], s1  }
0x4c: {  	s1 =	ssub.s32 @!p0 $0x0, s1;
	[sflag:s0] =	ssyncset.done @!p0 $0x0  }
0x4d: {  	[sflag:s0] =	ssyncadd.s32 @!p0 s1  }
0x4e: {  	[bflag:$0x3] =	sbarrier.arrive $0xFFFF  }
0x4f: {  	_ =	shalt  }

</sc_bundles>
